<compile_context>
chip_gen: v7x
topology: tpu7x:2x2x1
jax: 0.10.2.dev20260603
libtpu: 0.0.44.dev20260713+nightly
codegen_flags: <defaults>
</compile_context>

<pallas_src>
import functools

import jax
import jax.numpy as jnp
from jax import lax
from jax.experimental import pallas as pl
from jax.experimental.pallas import tpu as pltpu
from jax.experimental.pallas import tpu_sc as plsc

_INT_MIN = -2147483648
_N = 32768
_NBKT = 4096


def _sc_thresholds_kernel(w_hbm, ks_hbm, out_hbm, rowbuf, hista, sufa, tableb,
                          histb, ksbuf, thbuf):
    nc = 2
    wid = lax.axis_index("s") * nc + lax.axis_index("c")
    ones16 = jnp.ones((16,), jnp.int32)
    zeros16 = jnp.zeros((16,), jnp.int32)

    pltpu.sync_copy(ks_hbm.at[pl.ds(wid * 8, 16)], ksbuf)
    kvec = ksbuf[...]
    lane0 = lax.broadcasted_iota(jnp.int32, (16,), 0) == 0

    for ri in range(1):
        row = wid
        pltpu.sync_copy(w_hbm.at[pl.ds(row * _N, _N)], rowbuf)

        def _clra(j, c):
            hista[pl.ds(j * 16, 16)] = zeros16
            return c
        lax.fori_loop(0, _NBKT // 16, _clra, 0, unroll=8)

        def _passa(i, c):
            v = rowbuf[pl.ds(i * 16, 16)]
            b = lax.bitcast_convert_type(v, jnp.int32)
            ik = jnp.where(b < 0, jnp.int32(_INT_MIN) - b, b)
            d = lax.shift_right_arithmetic(ik, 20) + 2048
            plsc.addupdate_scatter(hista, [d], ones16)
            return c
        lax.fori_loop(0, _N // 16, _passa, 0, unroll=8)

        sufa[pl.ds(_NBKT, 16)] = zeros16

        def _suf(j, c):
            jj = (_NBKT // 16 - 1) - j
            v = hista[pl.ds(jj * 16, 16)]
            cs = plsc.cumsum(lax.rev(v, (0,))) + c
            sufa[pl.ds(jj * 16, 16)] = lax.rev(cs, (0,))
            return jnp.max(cs)
        lax.fori_loop(0, _NBKT // 16, _suf, jnp.int32(0), unroll=4)

        bs_list, rem_list = [], []
        for s in range(8):
            k = kvec[ri * 8 + s]

            def _cnta(j, acc, k=k):
                v = sufa[pl.ds(j * 16, 16)]
                return acc + plsc.all_reduce_population_count(v >= k)
            acc = lax.fori_loop(0, _NBKT // 16, _cnta, zeros16, unroll=4)
            bs = jnp.max(acc) - 1
            gv = plsc.load_gather(sufa, [lax.broadcast(bs + 1, (16,))])
            rem = k - jnp.max(gv)
            bs_list.append(bs)
            rem_list.append(rem)

        def _clrt(j, c):
            tableb[pl.ds(j * 16, 16)] = jnp.full((16,), -1, jnp.int32)
            return c
        lax.fori_loop(0, _NBKT // 16, _clrt, 0, unroll=8)
        for s in range(8):
            plsc.store_scatter(tableb, [lax.broadcast(bs_list[s], (16,))],
                               jnp.full((16,), s, jnp.int32), mask=lane0)

        def _clrb(j, c):
            histb[pl.ds(j * 16, 16)] = zeros16
            return c
        lax.fori_loop(0, 8 * _NBKT // 16, _clrb, 0, unroll=8)

        def _passb(i, c):
            v = rowbuf[pl.ds(i * 16, 16)]
            b = lax.bitcast_convert_type(v, jnp.int32)
            ik = jnp.where(b < 0, jnp.int32(_INT_MIN) - b, b)
            d = lax.shift_right_arithmetic(ik, 20) + 2048
            slot = plsc.load_gather(tableb, [d])
            valid = slot >= 0
            d2 = jnp.bitwise_and(lax.shift_right_arithmetic(ik, 8), 4095)
            idx = jnp.where(valid, slot * _NBKT + d2, 0)
            plsc.addupdate_scatter(histb, [idx], ones16, mask=valid)
            return c
        lax.fori_loop(0, _N // 16, _passb, 0, unroll=8)

        for s in range(8):
            slotv = plsc.load_gather(tableb, [lax.broadcast(bs_list[s], (16,))])
            base = jnp.max(slotv) * _NBKT
            rem = rem_list[s]

            def _sufb(j, carry, base=base, rem=rem):
                c, acc = carry
                jj = (_NBKT // 16 - 1) - j
                v = histb[pl.ds(base + jj * 16, 16)]
                cs = plsc.cumsum(lax.rev(v, (0,))) + c
                acc = acc + plsc.all_reduce_population_count(cs >= rem)
                return jnp.max(cs), acc
            _, acc = lax.fori_loop(0, _NBKT // 16, _sufb,
                                   (jnp.int32(0), zeros16), unroll=4)
            ds_ = jnp.max(acc) - 1
            thr_ik = jnp.bitwise_or(lax.shift_left(bs_list[s] - 2048, 20),
                                    lax.shift_left(ds_, 8))
            thr_bits = jnp.where(thr_ik < 0, jnp.int32(_INT_MIN) - thr_ik,
                                 thr_ik)
            plsc.store_scatter(thbuf,
                               [jnp.full((16,), ri * 8 + s, jnp.int32)],
                               lax.broadcast(thr_bits, (16,)), mask=lane0)

    pltpu.sync_copy(thbuf.at[pl.ds(0, 8)], out_hbm.at[pl.ds(wid * 8, 8)])


def _sc_thresholds(weights, ks_t):
    mesh = plsc.VectorSubcoreMesh(core_axis_name="c", subcore_axis_name="s")
    kfn = functools.partial(
        pl.kernel,
        out_type=jax.ShapeDtypeStruct((256,), jnp.int32),
        mesh=mesh,
        compiler_params=pltpu.CompilerParams(needs_layout_passes=False),
        scratch_types=[
            pltpu.VMEM((_N,), jnp.float32),
            pltpu.VMEM((_NBKT,), jnp.int32),
            pltpu.VMEM((_NBKT + 16,), jnp.int32),
            pltpu.VMEM((_NBKT,), jnp.int32),
            pltpu.VMEM((8 * _NBKT,), jnp.int32),
            pltpu.VMEM((16,), jnp.int32),
            pltpu.VMEM((16,), jnp.int32),
        ],
    )(_sc_thresholds_kernel)
    thr_bits = kfn(weights.reshape(-1), ks_t.reshape(-1))
    return lax.bitcast_convert_type(thr_bits, jnp.float32).reshape(32, 8)


def _ikey_to_f32(ik):
    bits = jnp.where(ik < 0, jnp.int32(_INT_MIN) - ik, ik)
    return lax.bitcast_convert_type(bits, jnp.float32)


def _tc_thr_body(w_ref, ks_ref, out_ref, *, n_svals):
    w = w_ref[...]
    ks = ks_ref[...]
    r_rows = w.shape[0]

    jstar = jnp.zeros((r_rows, n_svals), jnp.int32)
    for j in range(1, 16):
        bj = _ikey_to_f32(jnp.full((1, 1), (j - 8) << 28, jnp.int32))
        cj = jnp.sum((w >= bj).astype(jnp.int32), axis=1, keepdims=True)
        jstar = jstar + (cj >= ks).astype(jnp.int32)
    acc = lax.shift_left(jstar - 8, 28)

    def bit_body(i, acc):
        bitv = lax.shift_left(jnp.int32(1), jnp.int32(27) - i)
        cand = jnp.bitwise_or(acc, bitv)
        candf = _ikey_to_f32(cand)
        cols = []
        for s in range(n_svals):
            ge = w >= candf[:, s:s + 1]
            cols.append(jnp.sum(ge.astype(jnp.int32), axis=1, keepdims=True))
        cnt = jnp.concatenate(cols, axis=1)
        return jnp.where(cnt >= ks, cand, acc)

    acc = lax.fori_loop(0, 18, bit_body, acc)
    out_ref[...] = _ikey_to_f32(acc)


def _tc_thresholds(weights, ks_t, n_svals):
    b_rows, n = weights.shape
    r = 8
    body = functools.partial(_tc_thr_body, n_svals=n_svals)
    return pl.pallas_call(
        body,
        grid=(b_rows // r,),
        in_specs=[
            pl.BlockSpec((r, n), lambda g: (g, 0)),
            pl.BlockSpec((r, n_svals), lambda g: (g, 0)),
        ],
        out_specs=pl.BlockSpec((r, n_svals), lambda g: (g, 0)),
        out_shape=jax.ShapeDtypeStruct((b_rows, n_svals), jnp.float32),
    )(weights, ks_t)


def _mask_body(w_ref, th_ref, out_ref, *, n_svals):
    w = w_ref[...]
    th = th_ref[...]
    for s in range(n_svals):
        out_ref[s, :, :] = w >= th[:, s:s + 1]


def _tc_masks(weights, thresholds, n_svals):
    b_rows, n = weights.shape
    r = 8
    body = functools.partial(_mask_body, n_svals=n_svals)
    return pl.pallas_call(
        body,
        grid=(b_rows // r,),
        in_specs=[
            pl.BlockSpec((r, n), lambda g: (g, 0)),
            pl.BlockSpec((r, n_svals), lambda g: (g, 0)),
        ],
        out_specs=pl.BlockSpec((n_svals, r, n), lambda g: (0, g, 0)),
        out_shape=jax.ShapeDtypeStruct((n_svals, b_rows, n), jnp.bool_),
    )(weights, thresholds)


def kernel(weights, t):
    s_steps = t.shape[0]
    n = weights.shape[-1]
    t_sorted = jnp.sort(t, axis=0)
    ks = ((1.0 - jnp.cos(jnp.pi * t_sorted / 2.0)) * n).astype(jnp.int32)
    ws = 0.5 * jnp.pi * jnp.sin(jnp.pi * t_sorted / 2.0)
    ks_t = jnp.transpose(ks[..., 0])
    thr_sc = _sc_thresholds(weights, ks_t)
    thr_tc = _tc_thresholds(weights[32:], ks_t[32:], s_steps)
    thresholds = jnp.concatenate([thr_sc, thr_tc], axis=0)
    masks = _tc_masks(weights, thresholds, s_steps)
    return masks, ws

# --- scband reference (transcript-rebuilt; emitter-appended) ---
"""Pipeline reference for scband-any-order-rin-3049426780228 (READ-ONLY COPY).

The authoritative reference and input builder live on the scoring server;
editing this copy changes nothing except your own understanding.
"""

import jax, jax.numpy as jnp
import numpy as np


def cosine_schedule(t):
    return 1.0 - jnp.cos(jnp.pi * t / 2.0)


def cosine_dt(t):
    return 0.5 * jnp.pi * jnp.sin(jnp.pi * t / 2.0)


def binary_topk(weights, ks):
    # Faithful to torch: idx = argsort(weights, descending=True); rank = arange(N);
    # mask.scatter_(-1, idx, ks > rank)  <=>  element is True iff its descending rank < k.
    order = jnp.argsort(-weights, axis=-1)          # descending argsort
    ranks = jnp.argsort(order, axis=-1)             # inverse permutation = per-element rank
    mask = ranks < ks                               # broadcast ks [..., 1] against [..., N]
    return mask


def setup_inputs(seed: int = 0) -> dict:
    key = jax.random.key(seed)
    k1, k2 = jax.random.split(key)
    S, B, N = 8, 64, 32768
    # 'weights' stands in for the gumbel-perturbed prior permutation scores (G + W)
    weights = jax.random.normal(k1, (B, N), dtype=jnp.float32)
    # random times, one per (step, batch)
    t = jax.random.uniform(k2, (S, B, 1), dtype=jnp.float32)
    return {"weights": weights, "t": t}


def reference(weights, t):
    # sample_masks with schedule='cosine'
    S = t.shape[0]
    N = weights.shape[-1]
    t_sorted = jnp.sort(t, axis=0)                                  # t.sort(dim=0).values
    ks = (cosine_schedule(t_sorted) * N).astype(jnp.int32)          # rate_to_k, [S, B, 1]
    ws = cosine_dt(t_sorted)                                        # [S, B, 1]
    prior = jnp.broadcast_to(weights[None], (S,) + weights.shape)   # repeat 'b n -> s b n'
    masks = binary_topk(prior, ks)                                  # bool [S, B, N]
    return masks, ws

if __name__ == "__main__":
    import jax
    _d = setup_inputs()
    print(jax.jit(kernel)(*tuple(_d.values())))

</pallas_src>

<mosaic_0001>
#map = affine_map<(d0, d1) -> (0)>
module attributes {stable_mosaic.version = 14 : i64} {
  func.func @_sc_thresholds_kernel(%arg0: i32, %arg1: i32, %arg2: memref<2097152xf32, #tpu.memory_space<hbm>>, %arg3: memref<512xi32, #tpu.memory_space<hbm>>, %arg4: memref<256xi32, #tpu.memory_space<hbm>>, %arg5: memref<32768xf32, #tpu.memory_space<vmem>>, %arg6: memref<4096xi32, #tpu.memory_space<vmem>>, %arg7: memref<4112xi32, #tpu.memory_space<vmem>>, %arg8: memref<4096xi32, #tpu.memory_space<vmem>>, %arg9: memref<32768xi32, #tpu.memory_space<vmem>>, %arg10: memref<16xi32, #tpu.memory_space<vmem>>, %arg11: memref<16xi32, #tpu.memory_space<vmem>>) attributes {dimension_semantics = [#tpu.dimension_semantics<core_parallel>, #tpu.dimension_semantics<subcore_parallel>], iteration_bounds = array<i64: 2, 16>, scalar_prefetch = 0 : i64, scratch_operands = 7 : i64, tpu.core_type = #tpu.core_type<sc_vector_subcore>, window_params = [{transform_indices = #map}, {transform_indices = #map}, {transform_indices = #map}]} {
    %mul3A = arith.constant 2 : i32
    %mul3A_0 = arith.muli %arg1, %mul3A : i32
    %add3A = arith.addi %mul3A_0, %arg0 : i32
    %broadcast_in_dim3A = arith.constant 1 : i32
    %broadcast_in_dim3A_1 = vector.broadcast %broadcast_in_dim3A : i32 to vector<16xi32>
    %broadcast_in_dim3A_2 = arith.constant 0 : i32
    %broadcast_in_dim3A_3 = vector.broadcast %broadcast_in_dim3A_2 : i32 to vector<16xi32>
    %mul3A_4 = arith.constant 8 : i32
    %mul3A_5 = arith.muli %add3A, %mul3A_4 : i32
    "tpu.region"() ({
      %run_scoped3A = tpu.sem_alloc : memref<!tpu.dma_semaphore, #tpu.memory_space<semaphore_mem>>
      %dma_start3A = tpu.memref_slice %arg3[%mul3A_5] : memref<512xi32, #tpu.memory_space<hbm>> -> memref<16xi32, #tpu.memory_space<hbm>>
      %dma_start3A_665 = tpu.memref_slice %arg3[%mul3A_5] : memref<512xi32, #tpu.memory_space<hbm>> -> memref<16xi32, #tpu.memory_space<hbm>>
      tpu.enqueue_dma source(%dma_start3A_665 : memref<16xi32, #tpu.memory_space<hbm>>) target(%arg10 : memref<16xi32, #tpu.memory_space<vmem>>) target_semaphore(%run_scoped3A : memref<!tpu.dma_semaphore, #tpu.memory_space<semaphore_mem>>)
      %dma_wait3A = tpu.memref_slice %arg3[%mul3A_5] : memref<512xi32, #tpu.memory_space<hbm>> -> memref<16xi32, #tpu.memory_space<hbm>>
      %dma_wait3A_666 = tpu.memref_slice %arg3[%mul3A_5] : memref<512xi32, #tpu.memory_space<hbm>> -> memref<16xi32, #tpu.memory_space<hbm>>
      tpu.wait_dma2 semaphore(%run_scoped3A : memref<!tpu.dma_semaphore, #tpu.memory_space<semaphore_mem>>) src(%dma_wait3A_666 : memref<16xi32, #tpu.memory_space<hbm>>) dst(%arg10 : memref<16xi32, #tpu.memory_space<vmem>>)
      tpu.yield
    }) : () -> ()
    %get3A = arith.constant 0 : index
    %get3A_6 = tpu.vector_load %arg10[%get3A] {strides = array<i32>} : memref<16xi32, #tpu.memory_space<vmem>>, vector<16xi32>,
    %iota3A = tpu.iota {dimensions = array<i32: 0>} : vector<16xi32>
    %eq3A = arith.constant 0 : i32
    %eq3A_7 = vector.broadcast %eq3A : i32 to vector<16xi32>
    %eq3A_8 = arith.cmpi eq, %iota3A, %eq3A_7 : vector<16xi32>
    %mul3A_9 = arith.constant 32768 : i32
    %mul3A_10 = arith.muli %add3A, %mul3A_9 : i32
    "tpu.region"() ({
      %run_scoped3A = tpu.sem_alloc : memref<!tpu.dma_semaphore, #tpu.memory_space<semaphore_mem>>
      %dma_start3A = tpu.memref_slice %arg2[%mul3A_10] : memref<2097152xf32, #tpu.memory_space<hbm>> -> memref<32768xf32, #tpu.memory_space<hbm>>
      %dma_start3A_665 = tpu.memref_slice %arg2[%mul3A_10] : memref<2097152xf32, #tpu.memory_space<hbm>> -> memref<32768xf32, #tpu.memory_space<hbm>>
      tpu.enqueue_dma source(%dma_start3A_665 : memref<32768xf32, #tpu.memory_space<hbm>>) target(%arg5 : memref<32768xf32, #tpu.memory_space<vmem>>) target_semaphore(%run_scoped3A : memref<!tpu.dma_semaphore, #tpu.memory_space<semaphore_mem>>)
      %dma_wait3A = tpu.memref_slice %arg2[%mul3A_10] : memref<2097152xf32, #tpu.memory_space<hbm>> -> memref<32768xf32, #tpu.memory_space<hbm>>
      %dma_wait3A_666 = tpu.memref_slice %arg2[%mul3A_10] : memref<2097152xf32, #tpu.memory_space<hbm>> -> memref<32768xf32, #tpu.memory_space<hbm>>
      tpu.wait_dma2 semaphore(%run_scoped3A : memref<!tpu.dma_semaphore, #tpu.memory_space<semaphore_mem>>) src(%dma_wait3A_666 : memref<32768xf32, #tpu.memory_space<hbm>>) dst(%arg5 : memref<32768xf32, #tpu.memory_space<vmem>>)
      tpu.yield
    }) : () -> ()
    %scan3A = arith.constant 0 : i32
    %scan3A_11 = arith.constant 0 : i32
    %scan3A_12 = arith.constant 256 : i32
    %scan3A_13 = arith.addi %scan3A_11, %scan3A_12 : i32
    %scan3A_14 = arith.constant 8 : i32
    scf.for %scan3A_665 = %scan3A_11 to %scan3A_13 step %scan3A_14  : i32 {
      %mul3A_666 = arith.constant 16 : i32
      %mul3A_667 = arith.muli %scan3A_665, %mul3A_666 : i32
      %swap3A_668 = arith.index_cast %mul3A_667 : i32 to index
      %swap3A_669 = tpu.vector_load %arg6[%swap3A_668] {strides = array<i32>} : memref<4096xi32, #tpu.memory_space<vmem>>, vector<16xi32>,
      tpu.vector_store %arg6[%swap3A_668], %broadcast_in_dim3A_3 {strides = array<i32>} : memref<4096xi32, #tpu.memory_space<vmem>>, vector<16xi32>,
      %scan3A_670 = arith.constant 1 : i32
      %scan3A_671 = arith.addi %scan3A_665, %scan3A_670 : i32
      %mul3A_672 = arith.constant 16 : i32
      %mul3A_673 = arith.muli %scan3A_671, %mul3A_672 : i32
      %swap3A_674 = arith.index_cast %mul3A_673 : i32 to index
      %swap3A_675 = tpu.vector_load %arg6[%swap3A_674] {strides = array<i32>} : memref<4096xi32, #tpu.memory_space<vmem>>, vector<16xi32>,
      tpu.vector_store %arg6[%swap3A_674], %broadcast_in_dim3A_3 {strides = array<i32>} : memref<4096xi32, #tpu.memory_space<vmem>>, vector<16xi32>,
      %scan3A_676 = arith.constant 2 : i32
      %scan3A_677 = arith.addi %scan3A_665, %scan3A_676 : i32
      %mul3A_678 = arith.constant 16 : i32
      %mul3A_679 = arith.muli %scan3A_677, %mul3A_678 : i32
      %swap3A_680 = arith.index_cast %mul3A_679 : i32 to index
      %swap3A_681 = tpu.vector_load %arg6[%swap3A_680] {strides = array<i32>} : memref<4096xi32, #tpu.memory_space<vmem>>, vector<16xi32>,
      tpu.vector_store %arg6[%swap3A_680], %broadcast_in_dim3A_3 {strides = array<i32>} : memref<4096xi32, #tpu.memory_space<vmem>>, vector<16xi32>,
      %scan3A_682 = arith.constant 3 : i32
      %scan3A_683 = arith.addi %scan3A_665, %scan3A_682 : i32
      %mul3A_684 = arith.constant 16 : i32
      %mul3A_685 = arith.muli %scan3A_683, %mul3A_684 : i32
      %swap3A_686 = arith.index_cast %mul3A_685 : i32 to index
      %swap3A_687 = tpu.vector_load %arg6[%swap3A_686] {strides = array<i32>} : memref<4096xi32, #tpu.memory_space<vmem>>, vector<16xi32>,
      tpu.vector_store %arg6[%swap3A_686], %broadcast_in_dim3A_3 {strides = array<i32>} : memref<4096xi32, #tpu.memory_space<vmem>>, vector<16xi32>,
      %scan3A_688 = arith.constant 4 : i32
      %scan3A_689 = arith.addi %scan3A_665, %scan3A_688 : i32
      %mul3A_690 = arith.constant 16 : i32
      %mul3A_691 = arith.muli %scan3A_689, %mul3A_690 : i32
      %swap3A_692 = arith.index_cast %mul3A_691 : i32 to index
      %swap3A_693 = tpu.vector_load %arg6[%swap3A_692] {strides = array<i32>} : memref<4096xi32, #tpu.memory_space<vmem>>, vector<16xi32>,
      tpu.vector_store %arg6[%swap3A_692], %broadcast_in_dim3A_3 {strides = array<i32>} : memref<4096xi32, #tpu.memory_space<vmem>>, vector<16xi32>,
      %scan3A_694 = arith.constant 5 : i32
      %scan3A_695 = arith.addi %scan3A_665, %scan3A_694 : i32
      %mul3A_696 = arith.constant 16 : i32
      %mul3A_697 = arith.muli %scan3A_695, %mul3A_696 : i32
      %swap3A_698 = arith.index_cast %mul3A_697 : i32 to index
      %swap3A_699 = tpu.vector_load %arg6[%swap3A_698] {strides = array<i32>} : memref<4096xi32, #tpu.memory_space<vmem>>, vector<16xi32>,
      tpu.vector_store %arg6[%swap3A_698], %broadcast_in_dim3A_3 {strides = array<i32>} : memref<4096xi32, #tpu.memory_space<vmem>>, vector<16xi32>,
      %scan3A_700 = arith.constant 6 : i32
      %scan3A_701 = arith.addi %scan3A_665, %scan3A_700 : i32
      %mul3A_702 = arith.constant 16 : i32
      %mul3A_703 = arith.muli %scan3A_701, %mul3A_702 : i32
      %swap3A_704 = arith.index_cast %mul3A_703 : i32 to index
      %swap3A_705 = tpu.vector_load %arg6[%swap3A_704] {strides = array<i32>} : memref<4096xi32, #tpu.memory_space<vmem>>, vector<16xi32>,
      tpu.vector_store %arg6[%swap3A_704], %broadcast_in_dim3A_3 {strides = array<i32>} : memref<4096xi32, #tpu.memory_space<vmem>>, vector<16xi32>,
      %scan3A_706 = arith.constant 7 : i32
      %scan3A_707 = arith.addi %scan3A_665, %scan3A_706 : i32
      %mul3A_708 = arith.constant 16 : i32
      %mul3A_709 = arith.muli %scan3A_707, %mul3A_708 : i32
      %swap3A_710 = arith.index_cast %mul3A_709 : i32 to index
      %swap3A_711 = tpu.vector_load %arg6[%swap3A_710] {strides = array<i32>} : memref<4096xi32, #tpu.memory_space<vmem>>, vector<16xi32>,
      tpu.vector_store %arg6[%swap3A_710], %broadcast_in_dim3A_3 {strides = array<i32>} : memref<4096xi32, #tpu.memory_space<vmem>>, vector<16xi32>,
    }
    %scan3A_15 = arith.constant 256 : i32
    %scan3A_16 = arith.constant 0 : i32
    %scan3A_17 = arith.constant 0 : i32
    %scan3A_18 = arith.constant 2048 : i32
    %scan3A_19 = arith.addi %scan3A_17, %scan3A_18 : i32
    %scan3A_20 = arith.constant 8 : i32
    scf.for %scan3A_665 = %scan3A_17 to %scan3A_19 step %scan3A_20  : i32 {
      %mul3A_666 = arith.constant 16 : i32
      %mul3A_667 = arith.muli %scan3A_665, %mul3A_666 : i32
      %get3A_668 = arith.index_cast %mul3A_667 : i32 to index
      %get3A_669 = tpu.vector_load %arg5[%get3A_668] {strides = array<i32>} : memref<32768xf32, #tpu.memory_space<vmem>>, vector<16xf32>,
      %bitcast_convert_type3A = tpu.bitcast %get3A_669 : vector<16xf32> -> vector<16xi32>
      %lt3A_670 = arith.constant 0 : i32
      %lt3A_671 = vector.broadcast %lt3A_670 : i32 to vector<16xi32>
      %lt3A_672 = arith.cmpi slt, %bitcast_convert_type3A, %lt3A_671 : vector<16xi32>
      %sub3A_673 = arith.constant -2147483648 : i32
      %sub3A_674 = vector.broadcast %sub3A_673 : i32 to vector<16xi32>
      %sub3A_675 = arith.subi %sub3A_674, %bitcast_convert_type3A : vector<16xi32>
      %select_n3A_676 = arith.select %lt3A_672, %sub3A_675, %bitcast_convert_type3A : vector<16xi1>, vector<16xi32>
      %shift_right_arithmetic3A = arith.constant 20 : i32
      %shift_right_arithmetic3A_677 = vector.broadcast %shift_right_arithmetic3A : i32 to vector<16xi32>
      %shift_right_arithmetic3A_678 = arith.shrsi %select_n3A_676, %shift_right_arithmetic3A_677 : vector<16xi32>
      %add3A_679 = arith.constant 2048 : i32
      %add3A_680 = vector.broadcast %add3A_679 : i32 to vector<16xi32>
      %add3A_681 = arith.addi %shift_right_arithmetic3A_678, %add3A_680 : vector<16xi32>
      tpu.vector_store_idx %arg6[%add3A_681], %broadcast_in_dim3A_1 {add = true} : memref<4096xi32, #tpu.memory_space<vmem>>[vector<16xi32>], vector<16xi32>,
      %scan3A_682 = arith.constant 1 : i32
      %scan3A_683 = arith.addi %scan3A_665, %scan3A_682 : i32
      %mul3A_684 = arith.constant 16 : i32
      %mul3A_685 = arith.muli %scan3A_683, %mul3A_684 : i32
      %get3A_686 = arith.index_cast %mul3A_685 : i32 to index
      %get3A_687 = tpu.vector_load %arg5[%get3A_686] {strides = array<i32>} : memref<32768xf32, #tpu.memory_space<vmem>>, vector<16xf32>,
      %bitcast_convert_type3A_688 = tpu.bitcast %get3A_687 : vector<16xf32> -> vector<16xi32>
      %lt3A_689 = arith.constant 0 : i32
      %lt3A_690 = vector.broadcast %lt3A_689 : i32 to vector<16xi32>
      %lt3A_691 = arith.cmpi slt, %bitcast_convert_type3A_688, %lt3A_690 : vector<16xi32>
      %sub3A_692 = arith.constant -2147483648 : i32
      %sub3A_693 = vector.broadcast %sub3A_692 : i32 to vector<16xi32>
      %sub3A_694 = arith.subi %sub3A_693, %bitcast_convert_type3A_688 : vector<16xi32>
      %select_n3A_695 = arith.select %lt3A_691, %sub3A_694, %bitcast_convert_type3A_688 : vector<16xi1>, vector<16xi32>
      %shift_right_arithmetic3A_696 = arith.constant 20 : i32
      %shift_right_arithmetic3A_697 = vector.broadcast %shift_right_arithmetic3A_696 : i32 to vector<16xi32>
      %shift_right_arithmetic3A_698 = arith.shrsi %select_n3A_695, %shift_right_arithmetic3A_697 : vector<16xi32>
      %add3A_699 = arith.constant 2048 : i32
      %add3A_700 = vector.broadcast %add3A_699 : i32 to vector<16xi32>
      %add3A_701 = arith.addi %shift_right_arithmetic3A_698, %add3A_700 : vector<16xi32>
      tpu.vector_store_idx %arg6[%add3A_701], %broadcast_in_dim3A_1 {add = true} : memref<4096xi32, #tpu.memory_space<vmem>>[vector<16xi32>], vector<16xi32>,
      %scan3A_702 = arith.constant 2 : i32
      %scan3A_703 = arith.addi %scan3A_665, %scan3A_702 : i32
      %mul3A_704 = arith.constant 16 : i32
      %mul3A_705 = arith.muli %scan3A_703, %mul3A_704 : i32
      %get3A_706 = arith.index_cast %mul3A_705 : i32 to index
      %get3A_707 = tpu.vector_load %arg5[%get3A_706] {strides = array<i32>} : memref<32768xf32, #tpu.memory_space<vmem>>, vector<16xf32>,
      %bitcast_convert_type3A_708 = tpu.bitcast %get3A_707 : vector<16xf32> -> vector<16xi32>
      %lt3A_709 = arith.constant 0 : i32
      %lt3A_710 = vector.broadcast %lt3A_709 : i32 to vector<16xi32>
      %lt3A_711 = arith.cmpi slt, %bitcast_convert_type3A_708, %lt3A_710 : vector<16xi32>
      %sub3A_712 = arith.constant -2147483648 : i32
      %sub3A_713 = vector.broadcast %sub3A_712 : i32 to vector<16xi32>
      %sub3A_714 = arith.subi %sub3A_713, %bitcast_convert_type3A_708 : vector<16xi32>
      %select_n3A_715 = arith.select %lt3A_711, %sub3A_714, %bitcast_convert_type3A_708 : vector<16xi1>, vector<16xi32>
      %shift_right_arithmetic3A_716 = arith.constant 20 : i32
      %shift_right_arithmetic3A_717 = vector.broadcast %shift_right_arithmetic3A_716 : i32 to vector<16xi32>
      %shift_right_arithmetic3A_718 = arith.shrsi %select_n3A_715, %shift_right_arithmetic3A_717 : vector<16xi32>
      %add3A_719 = arith.constant 2048 : i32
      %add3A_720 = vector.broadcast %add3A_719 : i32 to vector<16xi32>
      %add3A_721 = arith.addi %shift_right_arithmetic3A_718, %add3A_720 : vector<16xi32>
      tpu.vector_store_idx %arg6[%add3A_721], %broadcast_in_dim3A_1 {add = true} : memref<4096xi32, #tpu.memory_space<vmem>>[vector<16xi32>], vector<16xi32>,
      %scan3A_722 = arith.constant 3 : i32
      %scan3A_723 = arith.addi %scan3A_665, %scan3A_722 : i32
      %mul3A_724 = arith.constant 16 : i32
      %mul3A_725 = arith.muli %scan3A_723, %mul3A_724 : i32
      %get3A_726 = arith.index_cast %mul3A_725 : i32 to index
      %get3A_727 = tpu.vector_load %arg5[%get3A_726] {strides = array<i32>} : memref<32768xf32, #tpu.memory_space<vmem>>, vector<16xf32>,
      %bitcast_convert_type3A_728 = tpu.bitcast %get3A_727 : vector<16xf32> -> vector<16xi32>
      %lt3A_729 = arith.constant 0 : i32
      %lt3A_730 = vector.broadcast %lt3A_729 : i32 to vector<16xi32>
      %lt3A_731 = arith.cmpi slt, %bitcast_convert_type3A_728, %lt3A_730 : vector<16xi32>
      %sub3A_732 = arith.constant -2147483648 : i32
      %sub3A_733 = vector.broadcast %sub3A_732 : i32 to vector<16xi32>
      %sub3A_734 = arith.subi %sub3A_733, %bitcast_convert_type3A_728 : vector<16xi32>
      %select_n3A_735 = arith.select %lt3A_731, %sub3A_734, %bitcast_convert_type3A_728 : vector<16xi1>, vector<16xi32>
      %shift_right_arithmetic3A_736 = arith.constant 20 : i32
      %shift_right_arithmetic3A_737 = vector.broadcast %shift_right_arithmetic3A_736 : i32 to vector<16xi32>
      %shift_right_arithmetic3A_738 = arith.shrsi %select_n3A_735, %shift_right_arithmetic3A_737 : vector<16xi32>
      %add3A_739 = arith.constant 2048 : i32
      %add3A_740 = vector.broadcast %add3A_739 : i32 to vector<16xi32>
      %add3A_741 = arith.addi %shift_right_arithmetic3A_738, %add3A_740 : vector<16xi32>
      tpu.vector_store_idx %arg6[%add3A_741], %broadcast_in_dim3A_1 {add = true} : memref<4096xi32, #tpu.memory_space<vmem>>[vector<16xi32>], vector<16xi32>,
      %scan3A_742 = arith.constant 4 : i32
      %scan3A_743 = arith.addi %scan3A_665, %scan3A_742 : i32
      %mul3A_744 = arith.constant 16 : i32
      %mul3A_745 = arith.muli %scan3A_743, %mul3A_744 : i32
      %get3A_746 = arith.index_cast %mul3A_745 : i32 to index
      %get3A_747 = tpu.vector_load %arg5[%get3A_746] {strides = array<i32>} : memref<32768xf32, #tpu.memory_space<vmem>>, vector<16xf32>,
      %bitcast_convert_type3A_748 = tpu.bitcast %get3A_747 : vector<16xf32> -> vector<16xi32>
      %lt3A_749 = arith.constant 0 : i32
      %lt3A_750 = vector.broadcast %lt3A_749 : i32 to vector<16xi32>
      %lt3A_751 = arith.cmpi slt, %bitcast_convert_type3A_748, %lt3A_750 : vector<16xi32>
      %sub3A_752 = arith.constant -2147483648 : i32
      %sub3A_753 = vector.broadcast %sub3A_752 : i32 to vector<16xi32>
      %sub3A_754 = arith.subi %sub3A_753, %bitcast_convert_type3A_748 : vector<16xi32>
      %select_n3A_755 = arith.select %lt3A_751, %sub3A_754, %bitcast_convert_type3A_748 : vector<16xi1>, vector<16xi32>
      %shift_right_arithmetic3A_756 = arith.constant 20 : i32
      %shift_right_arithmetic3A_757 = vector.broadcast %shift_right_arithmetic3A_756 : i32 to vector<16xi32>
      %shift_right_arithmetic3A_758 = arith.shrsi %select_n3A_755, %shift_right_arithmetic3A_757 : vector<16xi32>
      %add3A_759 = arith.constant 2048 : i32
      %add3A_760 = vector.broadcast %add3A_759 : i32 to vector<16xi32>
      %add3A_761 = arith.addi %shift_right_arithmetic3A_758, %add3A_760 : vector<16xi32>
      tpu.vector_store_idx %arg6[%add3A_761], %broadcast_in_dim3A_1 {add = true} : memref<4096xi32, #tpu.memory_space<vmem>>[vector<16xi32>], vector<16xi32>,
      %scan3A_762 = arith.constant 5 : i32
      %scan3A_763 = arith.addi %scan3A_665, %scan3A_762 : i32
      %mul3A_764 = arith.constant 16 : i32
      %mul3A_765 = arith.muli %scan3A_763, %mul3A_764 : i32
      %get3A_766 = arith.index_cast %mul3A_765 : i32 to index
      %get3A_767 = tpu.vector_load %arg5[%get3A_766] {strides = array<i32>} : memref<32768xf32, #tpu.memory_space<vmem>>, vector<16xf32>,
      %bitcast_convert_type3A_768 = tpu.bitcast %get3A_767 : vector<16xf32> -> vector<16xi32>
      %lt3A_769 = arith.constant 0 : i32
      %lt3A_770 = vector.broadcast %lt3A_769 : i32 to vector<16xi32>
      %lt3A_771 = arith.cmpi slt, %bitcast_convert_type3A_768, %lt3A_770 : vector<16xi32>
      %sub3A_772 = arith.constant -2147483648 : i32
      %sub3A_773 = vector.broadcast %sub3A_772 : i32 to vector<16xi32>
      %sub3A_774 = arith.subi %sub3A_773, %bitcast_convert_type3A_768 : vector<16xi32>
      %select_n3A_775 = arith.select %lt3A_771, %sub3A_774, %bitcast_convert_type3A_768 : vector<16xi1>, vector<16xi32>
      %shift_right_arithmetic3A_776 = arith.constant 20 : i32
      %shift_right_arithmetic3A_777 = vector.broadcast %shift_right_arithmetic3A_776 : i32 to vector<16xi32>
      %shift_right_arithmetic3A_778 = arith.shrsi %select_n3A_775, %shift_right_arithmetic3A_777 : vector<16xi32>
      %add3A_779 = arith.constant 2048 : i32
      %add3A_780 = vector.broadcast %add3A_779 : i32 to vector<16xi32>
      %add3A_781 = arith.addi %shift_right_arithmetic3A_778, %add3A_780 : vector<16xi32>
      tpu.vector_store_idx %arg6[%add3A_781], %broadcast_in_dim3A_1 {add = true} : memref<4096xi32, #tpu.memory_space<vmem>>[vector<16xi32>], vector<16xi32>,
      %scan3A_782 = arith.constant 6 : i32
      %scan3A_783 = arith.addi %scan3A_665, %scan3A_782 : i32
      %mul3A_784 = arith.constant 16 : i32
      %mul3A_785 = arith.muli %scan3A_783, %mul3A_784 : i32
      %get3A_786 = arith.index_cast %mul3A_785 : i32 to index
      %get3A_787 = tpu.vector_load %arg5[%get3A_786] {strides = array<i32>} : memref<32768xf32, #tpu.memory_space<vmem>>, vector<16xf32>,
      %bitcast_convert_type3A_788 = tpu.bitcast %get3A_787 : vector<16xf32> -> vector<16xi32>
      %lt3A_789 = arith.constant 0 : i32
      %lt3A_790 = vector.broadcast %lt3A_789 : i32 to vector<16xi32>
      %lt3A_791 = arith.cmpi slt, %bitcast_convert_type3A_788, %lt3A_790 : vector<16xi32>
      %sub3A_792 = arith.constant -2147483648 : i32
      %sub3A_793 = vector.broadcast %sub3A_792 : i32 to vector<16xi32>
      %sub3A_794 = arith.subi %sub3A_793, %bitcast_convert_type3A_788 : vector<16xi32>
      %select_n3A_795 = arith.select %lt3A_791, %sub3A_794, %bitcast_convert_type3A_788 : vector<16xi1>, vector<16xi32>
      %shift_right_arithmetic3A_796 = arith.constant 20 : i32
      %shift_right_arithmetic3A_797 = vector.broadcast %shift_right_arithmetic3A_796 : i32 to vector<16xi32>
      %shift_right_arithmetic3A_798 = arith.shrsi %select_n3A_795, %shift_right_arithmetic3A_797 : vector<16xi32>
      %add3A_799 = arith.constant 2048 : i32
      %add3A_800 = vector.broadcast %add3A_799 : i32 to vector<16xi32>
      %add3A_801 = arith.addi %shift_right_arithmetic3A_798, %add3A_800 : vector<16xi32>
      tpu.vector_store_idx %arg6[%add3A_801], %broadcast_in_dim3A_1 {add = true} : memref<4096xi32, #tpu.memory_space<vmem>>[vector<16xi32>], vector<16xi32>,
      %scan3A_802 = arith.constant 7 : i32
      %scan3A_803 = arith.addi %scan3A_665, %scan3A_802 : i32
      %mul3A_804 = arith.constant 16 : i32
      %mul3A_805 = arith.muli %scan3A_803, %mul3A_804 : i32
      %get3A_806 = arith.index_cast %mul3A_805 : i32 to index
      %get3A_807 = tpu.vector_load %arg5[%get3A_806] {strides = array<i32>} : memref<32768xf32, #tpu.memory_space<vmem>>, vector<16xf32>,
      %bitcast_convert_type3A_808 = tpu.bitcast %get3A_807 : vector<16xf32> -> vector<16xi32>
      %lt3A_809 = arith.constant 0 : i32
      %lt3A_810 = vector.broadcast %lt3A_809 : i32 to vector<16xi32>
      %lt3A_811 = arith.cmpi slt, %bitcast_convert_type3A_808, %lt3A_810 : vector<16xi32>
      %sub3A_812 = arith.constant -2147483648 : i32
      %sub3A_813 = vector.broadcast %sub3A_812 : i32 to vector<16xi32>
      %sub3A_814 = arith.subi %sub3A_813, %bitcast_convert_type3A_808 : vector<16xi32>
      %select_n3A_815 = arith.select %lt3A_811, %sub3A_814, %bitcast_convert_type3A_808 : vector<16xi1>, vector<16xi32>
      %shift_right_arithmetic3A_816 = arith.constant 20 : i32
      %shift_right_arithmetic3A_817 = vector.broadcast %shift_right_arithmetic3A_816 : i32 to vector<16xi32>
      %shift_right_arithmetic3A_818 = arith.shrsi %select_n3A_815, %shift_right_arithmetic3A_817 : vector<16xi32>
      %add3A_819 = arith.constant 2048 : i32
      %add3A_820 = vector.broadcast %add3A_819 : i32 to vector<16xi32>
      %add3A_821 = arith.addi %shift_right_arithmetic3A_818, %add3A_820 : vector<16xi32>
      tpu.vector_store_idx %arg6[%add3A_821], %broadcast_in_dim3A_1 {add = true} : memref<4096xi32, #tpu.memory_space<vmem>>[vector<16xi32>], vector<16xi32>,
    }
    %scan3A_21 = arith.constant 2048 : i32
    %swap3A = arith.constant 4096 : index
    %swap3A_22 = tpu.vector_load %arg7[%swap3A] {strides = array<i32>} : memref<4112xi32, #tpu.memory_space<vmem>>, vector<16xi32>,
    tpu.vector_store %arg7[%swap3A], %broadcast_in_dim3A_3 {strides = array<i32>} : memref<4112xi32, #tpu.memory_space<vmem>>, vector<16xi32>,
    %scan3A_23 = arith.constant 0 : i32
    %scan3A_24 = arith.constant 0 : i32
    %scan3A_25 = arith.constant 256 : i32
    %scan3A_26 = arith.addi %scan3A_24, %scan3A_25 : i32
    %scan3A_27 = arith.constant 4 : i32
    %scan3A_28 = scf.for %scan3A_665 = %scan3A_24 to %scan3A_26 step %scan3A_27 iter_args(%scan3A_666 = %scan3A_23) -> (i32)  : i32 {
      %sub3A_667 = arith.constant 255 : i32
      %sub3A_668 = arith.subi %sub3A_667, %scan3A_665 : i32
      %mul3A_669 = arith.constant 16 : i32
      %mul3A_670 = arith.muli %sub3A_668, %mul3A_669 : i32
      %get3A_671 = arith.index_cast %mul3A_670 : i32 to index
      %get3A_672 = tpu.vector_load %arg6[%get3A_671] {strides = array<i32>} : memref<4096xi32, #tpu.memory_space<vmem>>, vector<16xi32>,
      %rev3A = arith.constant 15 : i32
      %rev3A_673 = vector.broadcast %rev3A : i32 to vector<16xi32>
      %rev3A_674 = tpu.iota {dimensions = array<i32: 0>} : vector<16xi32>
      %rev3A_675 = arith.subi %rev3A_673, %rev3A_674 : vector<16xi32>
      %rev3A_676 = tpu.dynamic_gather %get3A_672[%rev3A_675] in [0] : vector<16xi32>, vector<16xi32> -> vector<16xi32>
      %broadcast_in_dim3A_677 = arith.constant true
      %broadcast_in_dim3A_678 = vector.broadcast %broadcast_in_dim3A_677 : i1 to vector<16xi1>
      %masked_cumsum3A = tpu.scan <sum>, %rev3A_676 masked %broadcast_in_dim3A_678 : vector<16xi32>, vector<16xi1> -> vector<16xi32>
      %add3A_679 = vector.broadcast %scan3A_666 : i32 to vector<16xi32>
      %add3A_680 = arith.addi %masked_cumsum3A, %add3A_679 : vector<16xi32>
      %rev3A_681 = arith.constant 15 : i32
      %rev3A_682 = vector.broadcast %rev3A_681 : i32 to vector<16xi32>
      %rev3A_683 = tpu.iota {dimensions = array<i32: 0>} : vector<16xi32>
      %rev3A_684 = arith.subi %rev3A_682, %rev3A_683 : vector<16xi32>
      %rev3A_685 = tpu.dynamic_gather %add3A_680[%rev3A_684] in [0] : vector<16xi32>, vector<16xi32> -> vector<16xi32>
      %mul3A_686 = arith.constant 16 : i32
      %mul3A_687 = arith.muli %sub3A_668, %mul3A_686 : i32
      %swap3A_688 = arith.index_cast %mul3A_687 : i32 to index
      %swap3A_689 = tpu.vector_load %arg7[%swap3A_688] {strides = array<i32>} : memref<4112xi32, #tpu.memory_space<vmem>>, vector<16xi32>,
      tpu.vector_store %arg7[%swap3A_688], %rev3A_685 {strides = array<i32>} : memref<4112xi32, #tpu.memory_space<vmem>>, vector<16xi32>,
      %reduce_max3A_690 = arith.constant true
      %reduce_max3A_691 = vector.broadcast %reduce_max3A_690 : i1 to vector<16xi1>
      %reduce_max3A_692 = arith.constant -2147483648 : i32
      %reduce_max3A_693 = vector.broadcast %reduce_max3A_692 : i32 to vector<16xi32>
      %reduce_max3A_694 = arith.xori %add3A_680, %reduce_max3A_693 : vector<16xi32>
      %reduce_max3A_695 = tpu.scan <max>, %reduce_max3A_694 masked %reduce_max3A_691 : vector<16xi32>, vector<16xi1> -> vector<16xi32>
      %reduce_max3A_696 = arith.xori %reduce_max3A_695, %reduce_max3A_693 : vector<16xi32>
      %reduce_max3A_697 = vector.extract %reduce_max3A_696[15] : i32 from vector<16xi32>
      %scan3A_698 = arith.constant 1 : i32
      %scan3A_699 = arith.addi %scan3A_665, %scan3A_698 : i32
      %sub3A_700 = arith.constant 255 : i32
      %sub3A_701 = arith.subi %sub3A_700, %scan3A_699 : i32
      %mul3A_702 = arith.constant 16 : i32
      %mul3A_703 = arith.muli %sub3A_701, %mul3A_702 : i32
      %get3A_704 = arith.index_cast %mul3A_703 : i32 to index
      %get3A_705 = tpu.vector_load %arg6[%get3A_704] {strides = array<i32>} : memref<4096xi32, #tpu.memory_space<vmem>>, vector<16xi32>,
      %rev3A_706 = arith.constant 15 : i32
      %rev3A_707 = vector.broadcast %rev3A_706 : i32 to vector<16xi32>
      %rev3A_708 = tpu.iota {dimensions = array<i32: 0>} : vector<16xi32>
      %rev3A_709 = arith.subi %rev3A_707, %rev3A_708 : vector<16xi32>
      %rev3A_710 = tpu.dynamic_gather %get3A_705[%rev3A_709] in [0] : vector<16xi32>, vector<16xi32> -> vector<16xi32>
      %broadcast_in_dim3A_711 = arith.constant true
      %broadcast_in_dim3A_712 = vector.broadcast %broadcast_in_dim3A_711 : i1 to vector<16xi1>
      %masked_cumsum3A_713 = tpu.scan <sum>, %rev3A_710 masked %broadcast_in_dim3A_712 : vector<16xi32>, vector<16xi1> -> vector<16xi32>
      %add3A_714 = vector.broadcast %reduce_max3A_697 : i32 to vector<16xi32>
      %add3A_715 = arith.addi %masked_cumsum3A_713, %add3A_714 : vector<16xi32>
      %rev3A_716 = arith.constant 15 : i32
      %rev3A_717 = vector.broadcast %rev3A_716 : i32 to vector<16xi32>
      %rev3A_718 = tpu.iota {dimensions = array<i32: 0>} : vector<16xi32>
      %rev3A_719 = arith.subi %rev3A_717, %rev3A_718 : vector<16xi32>
      %rev3A_720 = tpu.dynamic_gather %add3A_715[%rev3A_719] in [0] : vector<16xi32>, vector<16xi32> -> vector<16xi32>
      %mul3A_721 = arith.constant 16 : i32
      %mul3A_722 = arith.muli %sub3A_701, %mul3A_721 : i32
      %swap3A_723 = arith.index_cast %mul3A_722 : i32 to index
      %swap3A_724 = tpu.vector_load %arg7[%swap3A_723] {strides = array<i32>} : memref<4112xi32, #tpu.memory_space<vmem>>, vector<16xi32>,
      tpu.vector_store %arg7[%swap3A_723], %rev3A_720 {strides = array<i32>} : memref<4112xi32, #tpu.memory_space<vmem>>, vector<16xi32>,
      %reduce_max3A_725 = arith.constant true
      %reduce_max3A_726 = vector.broadcast %reduce_max3A_725 : i1 to vector<16xi1>
      %reduce_max3A_727 = arith.constant -2147483648 : i32
      %reduce_max3A_728 = vector.broadcast %reduce_max3A_727 : i32 to vector<16xi32>
      %reduce_max3A_729 = arith.xori %add3A_715, %reduce_max3A_728 : vector<16xi32>
      %reduce_max3A_730 = tpu.scan <max>, %reduce_max3A_729 masked %reduce_max3A_726 : vector<16xi32>, vector<16xi1> -> vector<16xi32>
      %reduce_max3A_731 = arith.xori %reduce_max3A_730, %reduce_max3A_728 : vector<16xi32>
      %reduce_max3A_732 = vector.extract %reduce_max3A_731[15] : i32 from vector<16xi32>
      %scan3A_733 = arith.constant 2 : i32
      %scan3A_734 = arith.addi %scan3A_665, %scan3A_733 : i32
      %sub3A_735 = arith.constant 255 : i32
      %sub3A_736 = arith.subi %sub3A_735, %scan3A_734 : i32
      %mul3A_737 = arith.constant 16 : i32
      %mul3A_738 = arith.muli %sub3A_736, %mul3A_737 : i32
      %get3A_739 = arith.index_cast %mul3A_738 : i32 to index
      %get3A_740 = tpu.vector_load %arg6[%get3A_739] {strides = array<i32>} : memref<4096xi32, #tpu.memory_space<vmem>>, vector<16xi32>,
      %rev3A_741 = arith.constant 15 : i32
      %rev3A_742 = vector.broadcast %rev3A_741 : i32 to vector<16xi32>
      %rev3A_743 = tpu.iota {dimensions = array<i32: 0>} : vector<16xi32>
      %rev3A_744 = arith.subi %rev3A_742, %rev3A_743 : vector<16xi32>
      %rev3A_745 = tpu.dynamic_gather %get3A_740[%rev3A_744] in [0] : vector<16xi32>, vector<16xi32> -> vector<16xi32>
      %broadcast_in_dim3A_746 = arith.constant true
      %broadcast_in_dim3A_747 = vector.broadcast %broadcast_in_dim3A_746 : i1 to vector<16xi1>
      %masked_cumsum3A_748 = tpu.scan <sum>, %rev3A_745 masked %broadcast_in_dim3A_747 : vector<16xi32>, vector<16xi1> -> vector<16xi32>
      %add3A_749 = vector.broadcast %reduce_max3A_732 : i32 to vector<16xi32>
      %add3A_750 = arith.addi %masked_cumsum3A_748, %add3A_749 : vector<16xi32>
      %rev3A_751 = arith.constant 15 : i32
      %rev3A_752 = vector.broadcast %rev3A_751 : i32 to vector<16xi32>
      %rev3A_753 = tpu.iota {dimensions = array<i32: 0>} : vector<16xi32>
      %rev3A_754 = arith.subi %rev3A_752, %rev3A_753 : vector<16xi32>
      %rev3A_755 = tpu.dynamic_gather %add3A_750[%rev3A_754] in [0] : vector<16xi32>, vector<16xi32> -> vector<16xi32>
      %mul3A_756 = arith.constant 16 : i32
      %mul3A_757 = arith.muli %sub3A_736, %mul3A_756 : i32
      %swap3A_758 = arith.index_cast %mul3A_757 : i32 to index
      %swap3A_759 = tpu.vector_load %arg7[%swap3A_758] {strides = array<i32>} : memref<4112xi32, #tpu.memory_space<vmem>>, vector<16xi32>,
      tpu.vector_store %arg7[%swap3A_758], %rev3A_755 {strides = array<i32>} : memref<4112xi32, #tpu.memory_space<vmem>>, vector<16xi32>,
      %reduce_max3A_760 = arith.constant true
      %reduce_max3A_761 = vector.broadcast %reduce_max3A_760 : i1 to vector<16xi1>
      %reduce_max3A_762 = arith.constant -2147483648 : i32
      %reduce_max3A_763 = vector.broadcast %reduce_max3A_762 : i32 to vector<16xi32>
      %reduce_max3A_764 = arith.xori %add3A_750, %reduce_max3A_763 : vector<16xi32>
      %reduce_max3A_765 = tpu.scan <max>, %reduce_max3A_764 masked %reduce_max3A_761 : vector<16xi32>, vector<16xi1> -> vector<16xi32>
      %reduce_max3A_766 = arith.xori %reduce_max3A_765, %reduce_max3A_763 : vector<16xi32>
      %reduce_max3A_767 = vector.extract %reduce_max3A_766[15] : i32 from vector<16xi32>
      %scan3A_768 = arith.constant 3 : i32
      %scan3A_769 = arith.addi %scan3A_665, %scan3A_768 : i32
      %sub3A_770 = arith.constant 255 : i32
      %sub3A_771 = arith.subi %sub3A_770, %scan3A_769 : i32
      %mul3A_772 = arith.constant 16 : i32
      %mul3A_773 = arith.muli %sub3A_771, %mul3A_772 : i32
      %get3A_774 = arith.index_cast %mul3A_773 : i32 to index
      %get3A_775 = tpu.vector_load %arg6[%get3A_774] {strides = array<i32>} : memref<4096xi32, #tpu.memory_space<vmem>>, vector<16xi32>,
      %rev3A_776 = arith.constant 15 : i32
      %rev3A_777 = vector.broadcast %rev3A_776 : i32 to vector<16xi32>
      %rev3A_778 = tpu.iota {dimensions = array<i32: 0>} : vector<16xi32>
      %rev3A_779 = arith.subi %rev3A_777, %rev3A_778 : vector<16xi32>
      %rev3A_780 = tpu.dynamic_gather %get3A_775[%rev3A_779] in [0] : vector<16xi32>, vector<16xi32> -> vector<16xi32>
      %broadcast_in_dim3A_781 = arith.constant true
      %broadcast_in_dim3A_782 = vector.broadcast %broadcast_in_dim3A_781 : i1 to vector<16xi1>
      %masked_cumsum3A_783 = tpu.scan <sum>, %rev3A_780 masked %broadcast_in_dim3A_782 : vector<16xi32>, vector<16xi1> -> vector<16xi32>
      %add3A_784 = vector.broadcast %reduce_max3A_767 : i32 to vector<16xi32>
      %add3A_785 = arith.addi %masked_cumsum3A_783, %add3A_784 : vector<16xi32>
      %rev3A_786 = arith.constant 15 : i32
      %rev3A_787 = vector.broadcast %rev3A_786 : i32 to vector<16xi32>
      %rev3A_788 = tpu.iota {dimensions = array<i32: 0>} : vector<16xi32>
      %rev3A_789 = arith.subi %rev3A_787, %rev3A_788 : vector<16xi32>
      %rev3A_790 = tpu.dynamic_gather %add3A_785[%rev3A_789] in [0] : vector<16xi32>, vector<16xi32> -> vector<16xi32>
      %mul3A_791 = arith.constant 16 : i32
      %mul3A_792 = arith.muli %sub3A_771, %mul3A_791 : i32
      %swap3A_793 = arith.index_cast %mul3A_792 : i32 to index
      %swap3A_794 = tpu.vector_load %arg7[%swap3A_793] {strides = array<i32>} : memref<4112xi32, #tpu.memory_space<vmem>>, vector<16xi32>,
      tpu.vector_store %arg7[%swap3A_793], %rev3A_790 {strides = array<i32>} : memref<4112xi32, #tpu.memory_space<vmem>>, vector<16xi32>,
      %reduce_max3A_795 = arith.constant true
      %reduce_max3A_796 = vector.broadcast %reduce_max3A_795 : i1 to vector<16xi1>
      %reduce_max3A_797 = arith.constant -2147483648 : i32
      %reduce_max3A_798 = vector.broadcast %reduce_max3A_797 : i32 to vector<16xi32>
      %reduce_max3A_799 = arith.xori %add3A_785, %reduce_max3A_798 : vector<16xi32>
      %reduce_max3A_800 = tpu.scan <max>, %reduce_max3A_799 masked %reduce_max3A_796 : vector<16xi32>, vector<16xi1> -> vector<16xi32>
      %reduce_max3A_801 = arith.xori %reduce_max3A_800, %reduce_max3A_798 : vector<16xi32>
      %reduce_max3A_802 = vector.extract %reduce_max3A_801[15] : i32 from vector<16xi32>
      scf.yield %reduce_max3A_802 : i32
    }
    %scan3A_29 = arith.constant 256 : i32
    %slice3A = vector.extract_strided_slice %get3A_6 {offsets = [0], sizes = [1], strides = [1]} : vector<16xi32> to vector<1xi32>
    %squeeze3A = vector.extract %slice3A[0] : i32 from vector<1xi32>
    %scan3A_30 = arith.constant 0 : i32
    %scan3A_31 = arith.constant 256 : i32
    %scan3A_32 = arith.addi %scan3A_30, %scan3A_31 : i32
    %scan3A_33 = arith.constant 4 : i32
    %scan3A_34 = scf.for %scan3A_665 = %scan3A_30 to %scan3A_32 step %scan3A_33 iter_args(%scan3A_666 = %broadcast_in_dim3A_3) -> (vector<16xi32>)  : i32 {
      %mul3A_667 = arith.constant 16 : i32
      %mul3A_668 = arith.muli %scan3A_665, %mul3A_667 : i32
      %get3A_669 = arith.index_cast %mul3A_668 : i32 to index
      %get3A_670 = tpu.vector_load %arg7[%get3A_669] {strides = array<i32>} : memref<4112xi32, #tpu.memory_space<vmem>>, vector<16xi32>,
      %ge3A = vector.broadcast %squeeze3A : i32 to vector<16xi32>
      %ge3A_671 = arith.cmpi sge, %get3A_670, %ge3A : vector<16xi32>
      %all_reduce_population_count3A = tpu.all_reduce %ge3A_671 {dim = 0 : i64, kind = #tpu.reduction_kind<sum>} : vector<16xi1> -> vector<16xi32>
      %add3A_672 = arith.addi %scan3A_666, %all_reduce_population_count3A : vector<16xi32>
      %scan3A_673 = arith.constant 1 : i32
      %scan3A_674 = arith.addi %scan3A_665, %scan3A_673 : i32
      %mul3A_675 = arith.constant 16 : i32
      %mul3A_676 = arith.muli %scan3A_674, %mul3A_675 : i32
      %get3A_677 = arith.index_cast %mul3A_676 : i32 to index
      %get3A_678 = tpu.vector_load %arg7[%get3A_677] {strides = array<i32>} : memref<4112xi32, #tpu.memory_space<vmem>>, vector<16xi32>,
      %ge3A_679 = vector.broadcast %squeeze3A : i32 to vector<16xi32>
      %ge3A_680 = arith.cmpi sge, %get3A_678, %ge3A_679 : vector<16xi32>
      %all_reduce_population_count3A_681 = tpu.all_reduce %ge3A_680 {dim = 0 : i64, kind = #tpu.reduction_kind<sum>} : vector<16xi1> -> vector<16xi32>
      %add3A_682 = arith.addi %add3A_672, %all_reduce_population_count3A_681 : vector<16xi32>
      %scan3A_683 = arith.constant 2 : i32
      %scan3A_684 = arith.addi %scan3A_665, %scan3A_683 : i32
      %mul3A_685 = arith.constant 16 : i32
      %mul3A_686 = arith.muli %scan3A_684, %mul3A_685 : i32
      %get3A_687 = arith.index_cast %mul3A_686 : i32 to index
      %get3A_688 = tpu.vector_load %arg7[%get3A_687] {strides = array<i32>} : memref<4112xi32, #tpu.memory_space<vmem>>, vector<16xi32>,
      %ge3A_689 = vector.broadcast %squeeze3A : i32 to vector<16xi32>
      %ge3A_690 = arith.cmpi sge, %get3A_688, %ge3A_689 : vector<16xi32>
      %all_reduce_population_count3A_691 = tpu.all_reduce %ge3A_690 {dim = 0 : i64, kind = #tpu.reduction_kind<sum>} : vector<16xi1> -> vector<16xi32>
      %add3A_692 = arith.addi %add3A_682, %all_reduce_population_count3A_691 : vector<16xi32>
      %scan3A_693 = arith.constant 3 : i32
      %scan3A_694 = arith.addi %scan3A_665, %scan3A_693 : i32
      %mul3A_695 = arith.constant 16 : i32
      %mul3A_696 = arith.muli %scan3A_694, %mul3A_695 : i32
      %get3A_697 = arith.index_cast %mul3A_696 : i32 to index
      %get3A_698 = tpu.vector_load %arg7[%get3A_697] {strides = array<i32>} : memref<4112xi32, #tpu.memory_space<vmem>>, vector<16xi32>,
      %ge3A_699 = vector.broadcast %squeeze3A : i32 to vector<16xi32>
      %ge3A_700 = arith.cmpi sge, %get3A_698, %ge3A_699 : vector<16xi32>
      %all_reduce_population_count3A_701 = tpu.all_reduce %ge3A_700 {dim = 0 : i64, kind = #tpu.reduction_kind<sum>} : vector<16xi1> -> vector<16xi32>
      %add3A_702 = arith.addi %add3A_692, %all_reduce_population_count3A_701 : vector<16xi32>
      scf.yield %add3A_702 : vector<16xi32>
    }
    %scan3A_35 = arith.constant 256 : i32
    %reduce_max3A = arith.constant true
    %reduce_max3A_36 = vector.broadcast %reduce_max3A : i1 to vector<16xi1>
    %reduce_max3A_37 = arith.constant -2147483648 : i32
    %reduce_max3A_38 = vector.broadcast %reduce_max3A_37 : i32 to vector<16xi32>
    %reduce_max3A_39 = arith.xori %scan3A_34, %reduce_max3A_38 : vector<16xi32>
    %reduce_max3A_40 = tpu.scan <max>, %reduce_max3A_39 masked %reduce_max3A_36 : vector<16xi32>, vector<16xi1> -> vector<16xi32>
    %reduce_max3A_41 = arith.xori %reduce_max3A_40, %reduce_max3A_38 : vector<16xi32>
    %reduce_max3A_42 = vector.extract %reduce_max3A_41[15] : i32 from vector<16xi32>
    %sub3A = arith.constant 1 : i32
    %sub3A_43 = arith.subi %reduce_max3A_42, %sub3A : i32
    %add3A_44 = arith.constant 1 : i32
    %add3A_45 = arith.addi %sub3A_43, %add3A_44 : i32
    %broadcast_in_dim3A_46 = vector.broadcast %add3A_45 : i32 to vector<16xi32>
    %gather3A = tpu.vector_load_idx %arg7[%broadcast_in_dim3A_46] : memref<4112xi32, #tpu.memory_space<vmem>>[vector<16xi32>], vector<16xi32>,
    %reduce_max3A_47 = arith.constant true
    %reduce_max3A_48 = vector.broadcast %reduce_max3A_47 : i1 to vector<16xi1>
    %reduce_max3A_49 = arith.constant -2147483648 : i32
    %reduce_max3A_50 = vector.broadcast %reduce_max3A_49 : i32 to vector<16xi32>
    %reduce_max3A_51 = arith.xori %gather3A, %reduce_max3A_50 : vector<16xi32>
    %reduce_max3A_52 = tpu.scan <max>, %reduce_max3A_51 masked %reduce_max3A_48 : vector<16xi32>, vector<16xi1> -> vector<16xi32>
    %reduce_max3A_53 = arith.xori %reduce_max3A_52, %reduce_max3A_50 : vector<16xi32>
    %reduce_max3A_54 = vector.extract %reduce_max3A_53[15] : i32 from vector<16xi32>
    %sub3A_55 = arith.subi %squeeze3A, %reduce_max3A_54 : i32
    %slice3A_56 = vector.extract_strided_slice %get3A_6 {offsets = [1], sizes = [1], strides = [1]} : vector<16xi32> to vector<1xi32>
    %squeeze3A_57 = vector.extract %slice3A_56[0] : i32 from vector<1xi32>
    %scan3A_58 = arith.constant 0 : i32
    %scan3A_59 = arith.constant 256 : i32
    %scan3A_60 = arith.addi %scan3A_58, %scan3A_59 : i32
    %scan3A_61 = arith.constant 4 : i32
    %scan3A_62 = scf.for %scan3A_665 = %scan3A_58 to %scan3A_60 step %scan3A_61 iter_args(%scan3A_666 = %broadcast_in_dim3A_3) -> (vector<16xi32>)  : i32 {
      %mul3A_667 = arith.constant 16 : i32
      %mul3A_668 = arith.muli %scan3A_665, %mul3A_667 : i32
      %get3A_669 = arith.index_cast %mul3A_668 : i32 to index
      %get3A_670 = tpu.vector_load %arg7[%get3A_669] {strides = array<i32>} : memref<4112xi32, #tpu.memory_space<vmem>>, vector<16xi32>,
      %ge3A = vector.broadcast %squeeze3A_57 : i32 to vector<16xi32>
      %ge3A_671 = arith.cmpi sge, %get3A_670, %ge3A : vector<16xi32>
      %all_reduce_population_count3A = tpu.all_reduce %ge3A_671 {dim = 0 : i64, kind = #tpu.reduction_kind<sum>} : vector<16xi1> -> vector<16xi32>
      %add3A_672 = arith.addi %scan3A_666, %all_reduce_population_count3A : vector<16xi32>
      %scan3A_673 = arith.constant 1 : i32
      %scan3A_674 = arith.addi %scan3A_665, %scan3A_673 : i32
      %mul3A_675 = arith.constant 16 : i32
      %mul3A_676 = arith.muli %scan3A_674, %mul3A_675 : i32
      %get3A_677 = arith.index_cast %mul3A_676 : i32 to index
      %get3A_678 = tpu.vector_load %arg7[%get3A_677] {strides = array<i32>} : memref<4112xi32, #tpu.memory_space<vmem>>, vector<16xi32>,
      %ge3A_679 = vector.broadcast %squeeze3A_57 : i32 to vector<16xi32>
      %ge3A_680 = arith.cmpi sge, %get3A_678, %ge3A_679 : vector<16xi32>
      %all_reduce_population_count3A_681 = tpu.all_reduce %ge3A_680 {dim = 0 : i64, kind = #tpu.reduction_kind<sum>} : vector<16xi1> -> vector<16xi32>
      %add3A_682 = arith.addi %add3A_672, %all_reduce_population_count3A_681 : vector<16xi32>
      %scan3A_683 = arith.constant 2 : i32
      %scan3A_684 = arith.addi %scan3A_665, %scan3A_683 : i32
      %mul3A_685 = arith.constant 16 : i32
      %mul3A_686 = arith.muli %scan3A_684, %mul3A_685 : i32
      %get3A_687 = arith.index_cast %mul3A_686 : i32 to index
      %get3A_688 = tpu.vector_load %arg7[%get3A_687] {strides = array<i32>} : memref<4112xi32, #tpu.memory_space<vmem>>, vector<16xi32>,
      %ge3A_689 = vector.broadcast %squeeze3A_57 : i32 to vector<16xi32>
      %ge3A_690 = arith.cmpi sge, %get3A_688, %ge3A_689 : vector<16xi32>
      %all_reduce_population_count3A_691 = tpu.all_reduce %ge3A_690 {dim = 0 : i64, kind = #tpu.reduction_kind<sum>} : vector<16xi1> -> vector<16xi32>
      %add3A_692 = arith.addi %add3A_682, %all_reduce_population_count3A_691 : vector<16xi32>
      %scan3A_693 = arith.constant 3 : i32
      %scan3A_694 = arith.addi %scan3A_665, %scan3A_693 : i32
      %mul3A_695 = arith.constant 16 : i32
      %mul3A_696 = arith.muli %scan3A_694, %mul3A_695 : i32
      %get3A_697 = arith.index_cast %mul3A_696 : i32 to index
      %get3A_698 = tpu.vector_load %arg7[%get3A_697] {strides = array<i32>} : memref<4112xi32, #tpu.memory_space<vmem>>, vector<16xi32>,
      %ge3A_699 = vector.broadcast %squeeze3A_57 : i32 to vector<16xi32>
      %ge3A_700 = arith.cmpi sge, %get3A_698, %ge3A_699 : vector<16xi32>
      %all_reduce_population_count3A_701 = tpu.all_reduce %ge3A_700 {dim = 0 : i64, kind = #tpu.reduction_kind<sum>} : vector<16xi1> -> vector<16xi32>
      %add3A_702 = arith.addi %add3A_692, %all_reduce_population_count3A_701 : vector<16xi32>
      scf.yield %add3A_702 : vector<16xi32>
    }
    %scan3A_63 = arith.constant 256 : i32
    %reduce_max3A_64 = arith.constant true
    %reduce_max3A_65 = vector.broadcast %reduce_max3A_64 : i1 to vector<16xi1>
    %reduce_max3A_66 = arith.constant -2147483648 : i32
    %reduce_max3A_67 = vector.broadcast %reduce_max3A_66 : i32 to vector<16xi32>
    %reduce_max3A_68 = arith.xori %scan3A_62, %reduce_max3A_67 : vector<16xi32>
    %reduce_max3A_69 = tpu.scan <max>, %reduce_max3A_68 masked %reduce_max3A_65 : vector<16xi32>, vector<16xi1> -> vector<16xi32>
    %reduce_max3A_70 = arith.xori %reduce_max3A_69, %reduce_max3A_67 : vector<16xi32>
    %reduce_max3A_71 = vector.extract %reduce_max3A_70[15] : i32 from vector<16xi32>
    %sub3A_72 = arith.constant 1 : i32
    %sub3A_73 = arith.subi %reduce_max3A_71, %sub3A_72 : i32
    %add3A_74 = arith.constant 1 : i32
    %add3A_75 = arith.addi %sub3A_73, %add3A_74 : i32
    %broadcast_in_dim3A_76 = vector.broadcast %add3A_75 : i32 to vector<16xi32>
    %gather3A_77 = tpu.vector_load_idx %arg7[%broadcast_in_dim3A_76] : memref<4112xi32, #tpu.memory_space<vmem>>[vector<16xi32>], vector<16xi32>,
    %reduce_max3A_78 = arith.constant true
    %reduce_max3A_79 = vector.broadcast %reduce_max3A_78 : i1 to vector<16xi1>
    %reduce_max3A_80 = arith.constant -2147483648 : i32
    %reduce_max3A_81 = vector.broadcast %reduce_max3A_80 : i32 to vector<16xi32>
    %reduce_max3A_82 = arith.xori %gather3A_77, %reduce_max3A_81 : vector<16xi32>
    %reduce_max3A_83 = tpu.scan <max>, %reduce_max3A_82 masked %reduce_max3A_79 : vector<16xi32>, vector<16xi1> -> vector<16xi32>
    %reduce_max3A_84 = arith.xori %reduce_max3A_83, %reduce_max3A_81 : vector<16xi32>
    %reduce_max3A_85 = vector.extract %reduce_max3A_84[15] : i32 from vector<16xi32>
    %sub3A_86 = arith.subi %squeeze3A_57, %reduce_max3A_85 : i32
    %slice3A_87 = vector.extract_strided_slice %get3A_6 {offsets = [2], sizes = [1], strides = [1]} : vector<16xi32> to vector<1xi32>
    %squeeze3A_88 = vector.extract %slice3A_87[0] : i32 from vector<1xi32>
    %scan3A_89 = arith.constant 0 : i32
    %scan3A_90 = arith.constant 256 : i32
    %scan3A_91 = arith.addi %scan3A_89, %scan3A_90 : i32
    %scan3A_92 = arith.constant 4 : i32
    %scan3A_93 = scf.for %scan3A_665 = %scan3A_89 to %scan3A_91 step %scan3A_92 iter_args(%scan3A_666 = %broadcast_in_dim3A_3) -> (vector<16xi32>)  : i32 {
      %mul3A_667 = arith.constant 16 : i32
      %mul3A_668 = arith.muli %scan3A_665, %mul3A_667 : i32
      %get3A_669 = arith.index_cast %mul3A_668 : i32 to index
      %get3A_670 = tpu.vector_load %arg7[%get3A_669] {strides = array<i32>} : memref<4112xi32, #tpu.memory_space<vmem>>, vector<16xi32>,
      %ge3A = vector.broadcast %squeeze3A_88 : i32 to vector<16xi32>
      %ge3A_671 = arith.cmpi sge, %get3A_670, %ge3A : vector<16xi32>
      %all_reduce_population_count3A = tpu.all_reduce %ge3A_671 {dim = 0 : i64, kind = #tpu.reduction_kind<sum>} : vector<16xi1> -> vector<16xi32>
      %add3A_672 = arith.addi %scan3A_666, %all_reduce_population_count3A : vector<16xi32>
      %scan3A_673 = arith.constant 1 : i32
      %scan3A_674 = arith.addi %scan3A_665, %scan3A_673 : i32
      %mul3A_675 = arith.constant 16 : i32
      %mul3A_676 = arith.muli %scan3A_674, %mul3A_675 : i32
      %get3A_677 = arith.index_cast %mul3A_676 : i32 to index
      %get3A_678 = tpu.vector_load %arg7[%get3A_677] {strides = array<i32>} : memref<4112xi32, #tpu.memory_space<vmem>>, vector<16xi32>,
      %ge3A_679 = vector.broadcast %squeeze3A_88 : i32 to vector<16xi32>
      %ge3A_680 = arith.cmpi sge, %get3A_678, %ge3A_679 : vector<16xi32>
      %all_reduce_population_count3A_681 = tpu.all_reduce %ge3A_680 {dim = 0 : i64, kind = #tpu.reduction_kind<sum>} : vector<16xi1> -> vector<16xi32>
      %add3A_682 = arith.addi %add3A_672, %all_reduce_population_count3A_681 : vector<16xi32>
      %scan3A_683 = arith.constant 2 : i32
      %scan3A_684 = arith.addi %scan3A_665, %scan3A_683 : i32
      %mul3A_685 = arith.constant 16 : i32
      %mul3A_686 = arith.muli %scan3A_684, %mul3A_685 : i32
      %get3A_687 = arith.index_cast %mul3A_686 : i32 to index
      %get3A_688 = tpu.vector_load %arg7[%get3A_687] {strides = array<i32>} : memref<4112xi32, #tpu.memory_space<vmem>>, vector<16xi32>,
      %ge3A_689 = vector.broadcast %squeeze3A_88 : i32 to vector<16xi32>
      %ge3A_690 = arith.cmpi sge, %get3A_688, %ge3A_689 : vector<16xi32>
      %all_reduce_population_count3A_691 = tpu.all_reduce %ge3A_690 {dim = 0 : i64, kind = #tpu.reduction_kind<sum>} : vector<16xi1> -> vector<16xi32>
      %add3A_692 = arith.addi %add3A_682, %all_reduce_population_count3A_691 : vector<16xi32>
      %scan3A_693 = arith.constant 3 : i32
      %scan3A_694 = arith.addi %scan3A_665, %scan3A_693 : i32
      %mul3A_695 = arith.constant 16 : i32
      %mul3A_696 = arith.muli %scan3A_694, %mul3A_695 : i32
      %get3A_697 = arith.index_cast %mul3A_696 : i32 to index
      %get3A_698 = tpu.vector_load %arg7[%get3A_697] {strides = array<i32>} : memref<4112xi32, #tpu.memory_space<vmem>>, vector<16xi32>,
      %ge3A_699 = vector.broadcast %squeeze3A_88 : i32 to vector<16xi32>
      %ge3A_700 = arith.cmpi sge, %get3A_698, %ge3A_699 : vector<16xi32>
      %all_reduce_population_count3A_701 = tpu.all_reduce %ge3A_700 {dim = 0 : i64, kind = #tpu.reduction_kind<sum>} : vector<16xi1> -> vector<16xi32>
      %add3A_702 = arith.addi %add3A_692, %all_reduce_population_count3A_701 : vector<16xi32>
      scf.yield %add3A_702 : vector<16xi32>
    }
    %scan3A_94 = arith.constant 256 : i32
    %reduce_max3A_95 = arith.constant true
    %reduce_max3A_96 = vector.broadcast %reduce_max3A_95 : i1 to vector<16xi1>
    %reduce_max3A_97 = arith.constant -2147483648 : i32
    %reduce_max3A_98 = vector.broadcast %reduce_max3A_97 : i32 to vector<16xi32>
    %reduce_max3A_99 = arith.xori %scan3A_93, %reduce_max3A_98 : vector<16xi32>
    %reduce_max3A_100 = tpu.scan <max>, %reduce_max3A_99 masked %reduce_max3A_96 : vector<16xi32>, vector<16xi1> -> vector<16xi32>
    %reduce_max3A_101 = arith.xori %reduce_max3A_100, %reduce_max3A_98 : vector<16xi32>
    %reduce_max3A_102 = vector.extract %reduce_max3A_101[15] : i32 from vector<16xi32>
    %sub3A_103 = arith.constant 1 : i32
    %sub3A_104 = arith.subi %reduce_max3A_102, %sub3A_103 : i32
    %add3A_105 = arith.constant 1 : i32
    %add3A_106 = arith.addi %sub3A_104, %add3A_105 : i32
    %broadcast_in_dim3A_107 = vector.broadcast %add3A_106 : i32 to vector<16xi32>
    %gather3A_108 = tpu.vector_load_idx %arg7[%broadcast_in_dim3A_107] : memref<4112xi32, #tpu.memory_space<vmem>>[vector<16xi32>], vector<16xi32>,
    %reduce_max3A_109 = arith.constant true
    %reduce_max3A_110 = vector.broadcast %reduce_max3A_109 : i1 to vector<16xi1>
    %reduce_max3A_111 = arith.constant -2147483648 : i32
    %reduce_max3A_112 = vector.broadcast %reduce_max3A_111 : i32 to vector<16xi32>
    %reduce_max3A_113 = arith.xori %gather3A_108, %reduce_max3A_112 : vector<16xi32>
    %reduce_max3A_114 = tpu.scan <max>, %reduce_max3A_113 masked %reduce_max3A_110 : vector<16xi32>, vector<16xi1> -> vector<16xi32>
    %reduce_max3A_115 = arith.xori %reduce_max3A_114, %reduce_max3A_112 : vector<16xi32>
    %reduce_max3A_116 = vector.extract %reduce_max3A_115[15] : i32 from vector<16xi32>
    %sub3A_117 = arith.subi %squeeze3A_88, %reduce_max3A_116 : i32
    %slice3A_118 = vector.extract_strided_slice %get3A_6 {offsets = [3], sizes = [1], strides = [1]} : vector<16xi32> to vector<1xi32>
    %squeeze3A_119 = vector.extract %slice3A_118[0] : i32 from vector<1xi32>
    %scan3A_120 = arith.constant 0 : i32
    %scan3A_121 = arith.constant 256 : i32
    %scan3A_122 = arith.addi %scan3A_120, %scan3A_121 : i32
    %scan3A_123 = arith.constant 4 : i32
    %scan3A_124 = scf.for %scan3A_665 = %scan3A_120 to %scan3A_122 step %scan3A_123 iter_args(%scan3A_666 = %broadcast_in_dim3A_3) -> (vector<16xi32>)  : i32 {
      %mul3A_667 = arith.constant 16 : i32
      %mul3A_668 = arith.muli %scan3A_665, %mul3A_667 : i32
      %get3A_669 = arith.index_cast %mul3A_668 : i32 to index
      %get3A_670 = tpu.vector_load %arg7[%get3A_669] {strides = array<i32>} : memref<4112xi32, #tpu.memory_space<vmem>>, vector<16xi32>,
      %ge3A = vector.broadcast %squeeze3A_119 : i32 to vector<16xi32>
      %ge3A_671 = arith.cmpi sge, %get3A_670, %ge3A : vector<16xi32>
      %all_reduce_population_count3A = tpu.all_reduce %ge3A_671 {dim = 0 : i64, kind = #tpu.reduction_kind<sum>} : vector<16xi1> -> vector<16xi32>
      %add3A_672 = arith.addi %scan3A_666, %all_reduce_population_count3A : vector<16xi32>
      %scan3A_673 = arith.constant 1 : i32
      %scan3A_674 = arith.addi %scan3A_665, %scan3A_673 : i32
      %mul3A_675 = arith.constant 16 : i32
      %mul3A_676 = arith.muli %scan3A_674, %mul3A_675 : i32
      %get3A_677 = arith.index_cast %mul3A_676 : i32 to index
      %get3A_678 = tpu.vector_load %arg7[%get3A_677] {strides = array<i32>} : memref<4112xi32, #tpu.memory_space<vmem>>, vector<16xi32>,
      %ge3A_679 = vector.broadcast %squeeze3A_119 : i32 to vector<16xi32>
      %ge3A_680 = arith.cmpi sge, %get3A_678, %ge3A_679 : vector<16xi32>
      %all_reduce_population_count3A_681 = tpu.all_reduce %ge3A_680 {dim = 0 : i64, kind = #tpu.reduction_kind<sum>} : vector<16xi1> -> vector<16xi32>
      %add3A_682 = arith.addi %add3A_672, %all_reduce_population_count3A_681 : vector<16xi32>
      %scan3A_683 = arith.constant 2 : i32
      %scan3A_684 = arith.addi %scan3A_665, %scan3A_683 : i32
      %mul3A_685 = arith.constant 16 : i32
      %mul3A_686 = arith.muli %scan3A_684, %mul3A_685 : i32
      %get3A_687 = arith.index_cast %mul3A_686 : i32 to index
      %get3A_688 = tpu.vector_load %arg7[%get3A_687] {strides = array<i32>} : memref<4112xi32, #tpu.memory_space<vmem>>, vector<16xi32>,
      %ge3A_689 = vector.broadcast %squeeze3A_119 : i32 to vector<16xi32>
      %ge3A_690 = arith.cmpi sge, %get3A_688, %ge3A_689 : vector<16xi32>
      %all_reduce_population_count3A_691 = tpu.all_reduce %ge3A_690 {dim = 0 : i64, kind = #tpu.reduction_kind<sum>} : vector<16xi1> -> vector<16xi32>
      %add3A_692 = arith.addi %add3A_682, %all_reduce_population_count3A_691 : vector<16xi32>
      %scan3A_693 = arith.constant 3 : i32
      %scan3A_694 = arith.addi %scan3A_665, %scan3A_693 : i32
      %mul3A_695 = arith.constant 16 : i32
      %mul3A_696 = arith.muli %scan3A_694, %mul3A_695 : i32
      %get3A_697 = arith.index_cast %mul3A_696 : i32 to index
      %get3A_698 = tpu.vector_load %arg7[%get3A_697] {strides = array<i32>} : memref<4112xi32, #tpu.memory_space<vmem>>, vector<16xi32>,
      %ge3A_699 = vector.broadcast %squeeze3A_119 : i32 to vector<16xi32>
      %ge3A_700 = arith.cmpi sge, %get3A_698, %ge3A_699 : vector<16xi32>
      %all_reduce_population_count3A_701 = tpu.all_reduce %ge3A_700 {dim = 0 : i64, kind = #tpu.reduction_kind<sum>} : vector<16xi1> -> vector<16xi32>
      %add3A_702 = arith.addi %add3A_692, %all_reduce_population_count3A_701 : vector<16xi32>
      scf.yield %add3A_702 : vector<16xi32>
    }
    %scan3A_125 = arith.constant 256 : i32
    %reduce_max3A_126 = arith.constant true
    %reduce_max3A_127 = vector.broadcast %reduce_max3A_126 : i1 to vector<16xi1>
    %reduce_max3A_128 = arith.constant -2147483648 : i32
    %reduce_max3A_129 = vector.broadcast %reduce_max3A_128 : i32 to vector<16xi32>
    %reduce_max3A_130 = arith.xori %scan3A_124, %reduce_max3A_129 : vector<16xi32>
    %reduce_max3A_131 = tpu.scan <max>, %reduce_max3A_130 masked %reduce_max3A_127 : vector<16xi32>, vector<16xi1> -> vector<16xi32>
    %reduce_max3A_132 = arith.xori %reduce_max3A_131, %reduce_max3A_129 : vector<16xi32>
    %reduce_max3A_133 = vector.extract %reduce_max3A_132[15] : i32 from vector<16xi32>
    %sub3A_134 = arith.constant 1 : i32
    %sub3A_135 = arith.subi %reduce_max3A_133, %sub3A_134 : i32
    %add3A_136 = arith.constant 1 : i32
    %add3A_137 = arith.addi %sub3A_135, %add3A_136 : i32
    %broadcast_in_dim3A_138 = vector.broadcast %add3A_137 : i32 to vector<16xi32>
    %gather3A_139 = tpu.vector_load_idx %arg7[%broadcast_in_dim3A_138] : memref<4112xi32, #tpu.memory_space<vmem>>[vector<16xi32>], vector<16xi32>,
    %reduce_max3A_140 = arith.constant true
    %reduce_max3A_141 = vector.broadcast %reduce_max3A_140 : i1 to vector<16xi1>
    %reduce_max3A_142 = arith.constant -2147483648 : i32
    %reduce_max3A_143 = vector.broadcast %reduce_max3A_142 : i32 to vector<16xi32>
    %reduce_max3A_144 = arith.xori %gather3A_139, %reduce_max3A_143 : vector<16xi32>
    %reduce_max3A_145 = tpu.scan <max>, %reduce_max3A_144 masked %reduce_max3A_141 : vector<16xi32>, vector<16xi1> -> vector<16xi32>
    %reduce_max3A_146 = arith.xori %reduce_max3A_145, %reduce_max3A_143 : vector<16xi32>
    %reduce_max3A_147 = vector.extract %reduce_max3A_146[15] : i32 from vector<16xi32>
    %sub3A_148 = arith.subi %squeeze3A_119, %reduce_max3A_147 : i32
    %slice3A_149 = vector.extract_strided_slice %get3A_6 {offsets = [4], sizes = [1], strides = [1]} : vector<16xi32> to vector<1xi32>
    %squeeze3A_150 = vector.extract %slice3A_149[0] : i32 from vector<1xi32>
    %scan3A_151 = arith.constant 0 : i32
    %scan3A_152 = arith.constant 256 : i32
    %scan3A_153 = arith.addi %scan3A_151, %scan3A_152 : i32
    %scan3A_154 = arith.constant 4 : i32
    %scan3A_155 = scf.for %scan3A_665 = %scan3A_151 to %scan3A_153 step %scan3A_154 iter_args(%scan3A_666 = %broadcast_in_dim3A_3) -> (vector<16xi32>)  : i32 {
      %mul3A_667 = arith.constant 16 : i32
      %mul3A_668 = arith.muli %scan3A_665, %mul3A_667 : i32
      %get3A_669 = arith.index_cast %mul3A_668 : i32 to index
      %get3A_670 = tpu.vector_load %arg7[%get3A_669] {strides = array<i32>} : memref<4112xi32, #tpu.memory_space<vmem>>, vector<16xi32>,
      %ge3A = vector.broadcast %squeeze3A_150 : i32 to vector<16xi32>
      %ge3A_671 = arith.cmpi sge, %get3A_670, %ge3A : vector<16xi32>
      %all_reduce_population_count3A = tpu.all_reduce %ge3A_671 {dim = 0 : i64, kind = #tpu.reduction_kind<sum>} : vector<16xi1> -> vector<16xi32>
      %add3A_672 = arith.addi %scan3A_666, %all_reduce_population_count3A : vector<16xi32>
      %scan3A_673 = arith.constant 1 : i32
      %scan3A_674 = arith.addi %scan3A_665, %scan3A_673 : i32
      %mul3A_675 = arith.constant 16 : i32
      %mul3A_676 = arith.muli %scan3A_674, %mul3A_675 : i32
      %get3A_677 = arith.index_cast %mul3A_676 : i32 to index
      %get3A_678 = tpu.vector_load %arg7[%get3A_677] {strides = array<i32>} : memref<4112xi32, #tpu.memory_space<vmem>>, vector<16xi32>,
      %ge3A_679 = vector.broadcast %squeeze3A_150 : i32 to vector<16xi32>
      %ge3A_680 = arith.cmpi sge, %get3A_678, %ge3A_679 : vector<16xi32>
      %all_reduce_population_count3A_681 = tpu.all_reduce %ge3A_680 {dim = 0 : i64, kind = #tpu.reduction_kind<sum>} : vector<16xi1> -> vector<16xi32>
      %add3A_682 = arith.addi %add3A_672, %all_reduce_population_count3A_681 : vector<16xi32>
      %scan3A_683 = arith.constant 2 : i32
      %scan3A_684 = arith.addi %scan3A_665, %scan3A_683 : i32
      %mul3A_685 = arith.constant 16 : i32
      %mul3A_686 = arith.muli %scan3A_684, %mul3A_685 : i32
      %get3A_687 = arith.index_cast %mul3A_686 : i32 to index
      %get3A_688 = tpu.vector_load %arg7[%get3A_687] {strides = array<i32>} : memref<4112xi32, #tpu.memory_space<vmem>>, vector<16xi32>,
      %ge3A_689 = vector.broadcast %squeeze3A_150 : i32 to vector<16xi32>
      %ge3A_690 = arith.cmpi sge, %get3A_688, %ge3A_689 : vector<16xi32>
      %all_reduce_population_count3A_691 = tpu.all_reduce %ge3A_690 {dim = 0 : i64, kind = #tpu.reduction_kind<sum>} : vector<16xi1> -> vector<16xi32>
      %add3A_692 = arith.addi %add3A_682, %all_reduce_population_count3A_691 : vector<16xi32>
      %scan3A_693 = arith.constant 3 : i32
      %scan3A_694 = arith.addi %scan3A_665, %scan3A_693 : i32
      %mul3A_695 = arith.constant 16 : i32
      %mul3A_696 = arith.muli %scan3A_694, %mul3A_695 : i32
      %get3A_697 = arith.index_cast %mul3A_696 : i32 to index
      %get3A_698 = tpu.vector_load %arg7[%get3A_697] {strides = array<i32>} : memref<4112xi32, #tpu.memory_space<vmem>>, vector<16xi32>,
      %ge3A_699 = vector.broadcast %squeeze3A_150 : i32 to vector<16xi32>
      %ge3A_700 = arith.cmpi sge, %get3A_698, %ge3A_699 : vector<16xi32>
      %all_reduce_population_count3A_701 = tpu.all_reduce %ge3A_700 {dim = 0 : i64, kind = #tpu.reduction_kind<sum>} : vector<16xi1> -> vector<16xi32>
      %add3A_702 = arith.addi %add3A_692, %all_reduce_population_count3A_701 : vector<16xi32>
      scf.yield %add3A_702 : vector<16xi32>
    }
    %scan3A_156 = arith.constant 256 : i32
    %reduce_max3A_157 = arith.constant true
    %reduce_max3A_158 = vector.broadcast %reduce_max3A_157 : i1 to vector<16xi1>
    %reduce_max3A_159 = arith.constant -2147483648 : i32
    %reduce_max3A_160 = vector.broadcast %reduce_max3A_159 : i32 to vector<16xi32>
    %reduce_max3A_161 = arith.xori %scan3A_155, %reduce_max3A_160 : vector<16xi32>
    %reduce_max3A_162 = tpu.scan <max>, %reduce_max3A_161 masked %reduce_max3A_158 : vector<16xi32>, vector<16xi1> -> vector<16xi32>
    %reduce_max3A_163 = arith.xori %reduce_max3A_162, %reduce_max3A_160 : vector<16xi32>
    %reduce_max3A_164 = vector.extract %reduce_max3A_163[15] : i32 from vector<16xi32>
    %sub3A_165 = arith.constant 1 : i32
    %sub3A_166 = arith.subi %reduce_max3A_164, %sub3A_165 : i32
    %add3A_167 = arith.constant 1 : i32
    %add3A_168 = arith.addi %sub3A_166, %add3A_167 : i32
    %broadcast_in_dim3A_169 = vector.broadcast %add3A_168 : i32 to vector<16xi32>
    %gather3A_170 = tpu.vector_load_idx %arg7[%broadcast_in_dim3A_169] : memref<4112xi32, #tpu.memory_space<vmem>>[vector<16xi32>], vector<16xi32>,
    %reduce_max3A_171 = arith.constant true
    %reduce_max3A_172 = vector.broadcast %reduce_max3A_171 : i1 to vector<16xi1>
    %reduce_max3A_173 = arith.constant -2147483648 : i32
    %reduce_max3A_174 = vector.broadcast %reduce_max3A_173 : i32 to vector<16xi32>
    %reduce_max3A_175 = arith.xori %gather3A_170, %reduce_max3A_174 : vector<16xi32>
    %reduce_max3A_176 = tpu.scan <max>, %reduce_max3A_175 masked %reduce_max3A_172 : vector<16xi32>, vector<16xi1> -> vector<16xi32>
    %reduce_max3A_177 = arith.xori %reduce_max3A_176, %reduce_max3A_174 : vector<16xi32>
    %reduce_max3A_178 = vector.extract %reduce_max3A_177[15] : i32 from vector<16xi32>
    %sub3A_179 = arith.subi %squeeze3A_150, %reduce_max3A_178 : i32
    %slice3A_180 = vector.extract_strided_slice %get3A_6 {offsets = [5], sizes = [1], strides = [1]} : vector<16xi32> to vector<1xi32>
    %squeeze3A_181 = vector.extract %slice3A_180[0] : i32 from vector<1xi32>
    %scan3A_182 = arith.constant 0 : i32
    %scan3A_183 = arith.constant 256 : i32
    %scan3A_184 = arith.addi %scan3A_182, %scan3A_183 : i32
    %scan3A_185 = arith.constant 4 : i32
    %scan3A_186 = scf.for %scan3A_665 = %scan3A_182 to %scan3A_184 step %scan3A_185 iter_args(%scan3A_666 = %broadcast_in_dim3A_3) -> (vector<16xi32>)  : i32 {
      %mul3A_667 = arith.constant 16 : i32
      %mul3A_668 = arith.muli %scan3A_665, %mul3A_667 : i32
      %get3A_669 = arith.index_cast %mul3A_668 : i32 to index
      %get3A_670 = tpu.vector_load %arg7[%get3A_669] {strides = array<i32>} : memref<4112xi32, #tpu.memory_space<vmem>>, vector<16xi32>,
      %ge3A = vector.broadcast %squeeze3A_181 : i32 to vector<16xi32>
      %ge3A_671 = arith.cmpi sge, %get3A_670, %ge3A : vector<16xi32>
      %all_reduce_population_count3A = tpu.all_reduce %ge3A_671 {dim = 0 : i64, kind = #tpu.reduction_kind<sum>} : vector<16xi1> -> vector<16xi32>
      %add3A_672 = arith.addi %scan3A_666, %all_reduce_population_count3A : vector<16xi32>
      %scan3A_673 = arith.constant 1 : i32
      %scan3A_674 = arith.addi %scan3A_665, %scan3A_673 : i32
      %mul3A_675 = arith.constant 16 : i32
      %mul3A_676 = arith.muli %scan3A_674, %mul3A_675 : i32
      %get3A_677 = arith.index_cast %mul3A_676 : i32 to index
      %get3A_678 = tpu.vector_load %arg7[%get3A_677] {strides = array<i32>} : memref<4112xi32, #tpu.memory_space<vmem>>, vector<16xi32>,
      %ge3A_679 = vector.broadcast %squeeze3A_181 : i32 to vector<16xi32>
      %ge3A_680 = arith.cmpi sge, %get3A_678, %ge3A_679 : vector<16xi32>
      %all_reduce_population_count3A_681 = tpu.all_reduce %ge3A_680 {dim = 0 : i64, kind = #tpu.reduction_kind<sum>} : vector<16xi1> -> vector<16xi32>
      %add3A_682 = arith.addi %add3A_672, %all_reduce_population_count3A_681 : vector<16xi32>
      %scan3A_683 = arith.constant 2 : i32
      %scan3A_684 = arith.addi %scan3A_665, %scan3A_683 : i32
      %mul3A_685 = arith.constant 16 : i32
      %mul3A_686 = arith.muli %scan3A_684, %mul3A_685 : i32
      %get3A_687 = arith.index_cast %mul3A_686 : i32 to index
      %get3A_688 = tpu.vector_load %arg7[%get3A_687] {strides = array<i32>} : memref<4112xi32, #tpu.memory_space<vmem>>, vector<16xi32>,
      %ge3A_689 = vector.broadcast %squeeze3A_181 : i32 to vector<16xi32>
      %ge3A_690 = arith.cmpi sge, %get3A_688, %ge3A_689 : vector<16xi32>
      %all_reduce_population_count3A_691 = tpu.all_reduce %ge3A_690 {dim = 0 : i64, kind = #tpu.reduction_kind<sum>} : vector<16xi1> -> vector<16xi32>
      %add3A_692 = arith.addi %add3A_682, %all_reduce_population_count3A_691 : vector<16xi32>
      %scan3A_693 = arith.constant 3 : i32
      %scan3A_694 = arith.addi %scan3A_665, %scan3A_693 : i32
      %mul3A_695 = arith.constant 16 : i32
      %mul3A_696 = arith.muli %scan3A_694, %mul3A_695 : i32
      %get3A_697 = arith.index_cast %mul3A_696 : i32 to index
      %get3A_698 = tpu.vector_load %arg7[%get3A_697] {strides = array<i32>} : memref<4112xi32, #tpu.memory_space<vmem>>, vector<16xi32>,
      %ge3A_699 = vector.broadcast %squeeze3A_181 : i32 to vector<16xi32>
      %ge3A_700 = arith.cmpi sge, %get3A_698, %ge3A_699 : vector<16xi32>
      %all_reduce_population_count3A_701 = tpu.all_reduce %ge3A_700 {dim = 0 : i64, kind = #tpu.reduction_kind<sum>} : vector<16xi1> -> vector<16xi32>
      %add3A_702 = arith.addi %add3A_692, %all_reduce_population_count3A_701 : vector<16xi32>
      scf.yield %add3A_702 : vector<16xi32>
    }
    %scan3A_187 = arith.constant 256 : i32
    %reduce_max3A_188 = arith.constant true
    %reduce_max3A_189 = vector.broadcast %reduce_max3A_188 : i1 to vector<16xi1>
    %reduce_max3A_190 = arith.constant -2147483648 : i32
    %reduce_max3A_191 = vector.broadcast %reduce_max3A_190 : i32 to vector<16xi32>
    %reduce_max3A_192 = arith.xori %scan3A_186, %reduce_max3A_191 : vector<16xi32>
    %reduce_max3A_193 = tpu.scan <max>, %reduce_max3A_192 masked %reduce_max3A_189 : vector<16xi32>, vector<16xi1> -> vector<16xi32>
    %reduce_max3A_194 = arith.xori %reduce_max3A_193, %reduce_max3A_191 : vector<16xi32>
    %reduce_max3A_195 = vector.extract %reduce_max3A_194[15] : i32 from vector<16xi32>
    %sub3A_196 = arith.constant 1 : i32
    %sub3A_197 = arith.subi %reduce_max3A_195, %sub3A_196 : i32
    %add3A_198 = arith.constant 1 : i32
    %add3A_199 = arith.addi %sub3A_197, %add3A_198 : i32
    %broadcast_in_dim3A_200 = vector.broadcast %add3A_199 : i32 to vector<16xi32>
    %gather3A_201 = tpu.vector_load_idx %arg7[%broadcast_in_dim3A_200] : memref<4112xi32, #tpu.memory_space<vmem>>[vector<16xi32>], vector<16xi32>,
    %reduce_max3A_202 = arith.constant true
    %reduce_max3A_203 = vector.broadcast %reduce_max3A_202 : i1 to vector<16xi1>
    %reduce_max3A_204 = arith.constant -2147483648 : i32
    %reduce_max3A_205 = vector.broadcast %reduce_max3A_204 : i32 to vector<16xi32>
    %reduce_max3A_206 = arith.xori %gather3A_201, %reduce_max3A_205 : vector<16xi32>
    %reduce_max3A_207 = tpu.scan <max>, %reduce_max3A_206 masked %reduce_max3A_203 : vector<16xi32>, vector<16xi1> -> vector<16xi32>
    %reduce_max3A_208 = arith.xori %reduce_max3A_207, %reduce_max3A_205 : vector<16xi32>
    %reduce_max3A_209 = vector.extract %reduce_max3A_208[15] : i32 from vector<16xi32>
    %sub3A_210 = arith.subi %squeeze3A_181, %reduce_max3A_209 : i32
    %slice3A_211 = vector.extract_strided_slice %get3A_6 {offsets = [6], sizes = [1], strides = [1]} : vector<16xi32> to vector<1xi32>
    %squeeze3A_212 = vector.extract %slice3A_211[0] : i32 from vector<1xi32>
    %scan3A_213 = arith.constant 0 : i32
    %scan3A_214 = arith.constant 256 : i32
    %scan3A_215 = arith.addi %scan3A_213, %scan3A_214 : i32
    %scan3A_216 = arith.constant 4 : i32
    %scan3A_217 = scf.for %scan3A_665 = %scan3A_213 to %scan3A_215 step %scan3A_216 iter_args(%scan3A_666 = %broadcast_in_dim3A_3) -> (vector<16xi32>)  : i32 {
      %mul3A_667 = arith.constant 16 : i32
      %mul3A_668 = arith.muli %scan3A_665, %mul3A_667 : i32
      %get3A_669 = arith.index_cast %mul3A_668 : i32 to index
      %get3A_670 = tpu.vector_load %arg7[%get3A_669] {strides = array<i32>} : memref<4112xi32, #tpu.memory_space<vmem>>, vector<16xi32>,
      %ge3A = vector.broadcast %squeeze3A_212 : i32 to vector<16xi32>
      %ge3A_671 = arith.cmpi sge, %get3A_670, %ge3A : vector<16xi32>
      %all_reduce_population_count3A = tpu.all_reduce %ge3A_671 {dim = 0 : i64, kind = #tpu.reduction_kind<sum>} : vector<16xi1> -> vector<16xi32>
      %add3A_672 = arith.addi %scan3A_666, %all_reduce_population_count3A : vector<16xi32>
      %scan3A_673 = arith.constant 1 : i32
      %scan3A_674 = arith.addi %scan3A_665, %scan3A_673 : i32
      %mul3A_675 = arith.constant 16 : i32
      %mul3A_676 = arith.muli %scan3A_674, %mul3A_675 : i32
      %get3A_677 = arith.index_cast %mul3A_676 : i32 to index
      %get3A_678 = tpu.vector_load %arg7[%get3A_677] {strides = array<i32>} : memref<4112xi32, #tpu.memory_space<vmem>>, vector<16xi32>,
      %ge3A_679 = vector.broadcast %squeeze3A_212 : i32 to vector<16xi32>
      %ge3A_680 = arith.cmpi sge, %get3A_678, %ge3A_679 : vector<16xi32>
      %all_reduce_population_count3A_681 = tpu.all_reduce %ge3A_680 {dim = 0 : i64, kind = #tpu.reduction_kind<sum>} : vector<16xi1> -> vector<16xi32>
      %add3A_682 = arith.addi %add3A_672, %all_reduce_population_count3A_681 : vector<16xi32>
      %scan3A_683 = arith.constant 2 : i32
      %scan3A_684 = arith.addi %scan3A_665, %scan3A_683 : i32
      %mul3A_685 = arith.constant 16 : i32
      %mul3A_686 = arith.muli %scan3A_684, %mul3A_685 : i32
      %get3A_687 = arith.index_cast %mul3A_686 : i32 to index
      %get3A_688 = tpu.vector_load %arg7[%get3A_687] {strides = array<i32>} : memref<4112xi32, #tpu.memory_space<vmem>>, vector<16xi32>,
      %ge3A_689 = vector.broadcast %squeeze3A_212 : i32 to vector<16xi32>
      %ge3A_690 = arith.cmpi sge, %get3A_688, %ge3A_689 : vector<16xi32>
      %all_reduce_population_count3A_691 = tpu.all_reduce %ge3A_690 {dim = 0 : i64, kind = #tpu.reduction_kind<sum>} : vector<16xi1> -> vector<16xi32>
      %add3A_692 = arith.addi %add3A_682, %all_reduce_population_count3A_691 : vector<16xi32>
      %scan3A_693 = arith.constant 3 : i32
      %scan3A_694 = arith.addi %scan3A_665, %scan3A_693 : i32
      %mul3A_695 = arith.constant 16 : i32
      %mul3A_696 = arith.muli %scan3A_694, %mul3A_695 : i32
      %get3A_697 = arith.index_cast %mul3A_696 : i32 to index
      %get3A_698 = tpu.vector_load %arg7[%get3A_697] {strides = array<i32>} : memref<4112xi32, #tpu.memory_space<vmem>>, vector<16xi32>,
      %ge3A_699 = vector.broadcast %squeeze3A_212 : i32 to vector<16xi32>
      %ge3A_700 = arith.cmpi sge, %get3A_698, %ge3A_699 : vector<16xi32>
      %all_reduce_population_count3A_701 = tpu.all_reduce %ge3A_700 {dim = 0 : i64, kind = #tpu.reduction_kind<sum>} : vector<16xi1> -> vector<16xi32>
      %add3A_702 = arith.addi %add3A_692, %all_reduce_population_count3A_701 : vector<16xi32>
      scf.yield %add3A_702 : vector<16xi32>
    }
    %scan3A_218 = arith.constant 256 : i32
    %reduce_max3A_219 = arith.constant true
    %reduce_max3A_220 = vector.broadcast %reduce_max3A_219 : i1 to vector<16xi1>
    %reduce_max3A_221 = arith.constant -2147483648 : i32
    %reduce_max3A_222 = vector.broadcast %reduce_max3A_221 : i32 to vector<16xi32>
    %reduce_max3A_223 = arith.xori %scan3A_217, %reduce_max3A_222 : vector<16xi32>
    %reduce_max3A_224 = tpu.scan <max>, %reduce_max3A_223 masked %reduce_max3A_220 : vector<16xi32>, vector<16xi1> -> vector<16xi32>
    %reduce_max3A_225 = arith.xori %reduce_max3A_224, %reduce_max3A_222 : vector<16xi32>
    %reduce_max3A_226 = vector.extract %reduce_max3A_225[15] : i32 from vector<16xi32>
    %sub3A_227 = arith.constant 1 : i32
    %sub3A_228 = arith.subi %reduce_max3A_226, %sub3A_227 : i32
    %add3A_229 = arith.constant 1 : i32
    %add3A_230 = arith.addi %sub3A_228, %add3A_229 : i32
    %broadcast_in_dim3A_231 = vector.broadcast %add3A_230 : i32 to vector<16xi32>
    %gather3A_232 = tpu.vector_load_idx %arg7[%broadcast_in_dim3A_231] : memref<4112xi32, #tpu.memory_space<vmem>>[vector<16xi32>], vector<16xi32>,
    %reduce_max3A_233 = arith.constant true
    %reduce_max3A_234 = vector.broadcast %reduce_max3A_233 : i1 to vector<16xi1>
    %reduce_max3A_235 = arith.constant -2147483648 : i32
    %reduce_max3A_236 = vector.broadcast %reduce_max3A_235 : i32 to vector<16xi32>
    %reduce_max3A_237 = arith.xori %gather3A_232, %reduce_max3A_236 : vector<16xi32>
    %reduce_max3A_238 = tpu.scan <max>, %reduce_max3A_237 masked %reduce_max3A_234 : vector<16xi32>, vector<16xi1> -> vector<16xi32>
    %reduce_max3A_239 = arith.xori %reduce_max3A_238, %reduce_max3A_236 : vector<16xi32>
    %reduce_max3A_240 = vector.extract %reduce_max3A_239[15] : i32 from vector<16xi32>
    %sub3A_241 = arith.subi %squeeze3A_212, %reduce_max3A_240 : i32
    %slice3A_242 = vector.extract_strided_slice %get3A_6 {offsets = [7], sizes = [1], strides = [1]} : vector<16xi32> to vector<1xi32>
    %squeeze3A_243 = vector.extract %slice3A_242[0] : i32 from vector<1xi32>
    %scan3A_244 = arith.constant 0 : i32
    %scan3A_245 = arith.constant 256 : i32
    %scan3A_246 = arith.addi %scan3A_244, %scan3A_245 : i32
    %scan3A_247 = arith.constant 4 : i32
    %scan3A_248 = scf.for %scan3A_665 = %scan3A_244 to %scan3A_246 step %scan3A_247 iter_args(%scan3A_666 = %broadcast_in_dim3A_3) -> (vector<16xi32>)  : i32 {
      %mul3A_667 = arith.constant 16 : i32
      %mul3A_668 = arith.muli %scan3A_665, %mul3A_667 : i32
      %get3A_669 = arith.index_cast %mul3A_668 : i32 to index
      %get3A_670 = tpu.vector_load %arg7[%get3A_669] {strides = array<i32>} : memref<4112xi32, #tpu.memory_space<vmem>>, vector<16xi32>,
      %ge3A = vector.broadcast %squeeze3A_243 : i32 to vector<16xi32>
      %ge3A_671 = arith.cmpi sge, %get3A_670, %ge3A : vector<16xi32>
      %all_reduce_population_count3A = tpu.all_reduce %ge3A_671 {dim = 0 : i64, kind = #tpu.reduction_kind<sum>} : vector<16xi1> -> vector<16xi32>
      %add3A_672 = arith.addi %scan3A_666, %all_reduce_population_count3A : vector<16xi32>
      %scan3A_673 = arith.constant 1 : i32
      %scan3A_674 = arith.addi %scan3A_665, %scan3A_673 : i32
      %mul3A_675 = arith.constant 16 : i32
      %mul3A_676 = arith.muli %scan3A_674, %mul3A_675 : i32
      %get3A_677 = arith.index_cast %mul3A_676 : i32 to index
      %get3A_678 = tpu.vector_load %arg7[%get3A_677] {strides = array<i32>} : memref<4112xi32, #tpu.memory_space<vmem>>, vector<16xi32>,
      %ge3A_679 = vector.broadcast %squeeze3A_243 : i32 to vector<16xi32>
      %ge3A_680 = arith.cmpi sge, %get3A_678, %ge3A_679 : vector<16xi32>
      %all_reduce_population_count3A_681 = tpu.all_reduce %ge3A_680 {dim = 0 : i64, kind = #tpu.reduction_kind<sum>} : vector<16xi1> -> vector<16xi32>
      %add3A_682 = arith.addi %add3A_672, %all_reduce_population_count3A_681 : vector<16xi32>
      %scan3A_683 = arith.constant 2 : i32
      %scan3A_684 = arith.addi %scan3A_665, %scan3A_683 : i32
      %mul3A_685 = arith.constant 16 : i32
      %mul3A_686 = arith.muli %scan3A_684, %mul3A_685 : i32
      %get3A_687 = arith.index_cast %mul3A_686 : i32 to index
      %get3A_688 = tpu.vector_load %arg7[%get3A_687] {strides = array<i32>} : memref<4112xi32, #tpu.memory_space<vmem>>, vector<16xi32>,
      %ge3A_689 = vector.broadcast %squeeze3A_243 : i32 to vector<16xi32>
      %ge3A_690 = arith.cmpi sge, %get3A_688, %ge3A_689 : vector<16xi32>
      %all_reduce_population_count3A_691 = tpu.all_reduce %ge3A_690 {dim = 0 : i64, kind = #tpu.reduction_kind<sum>} : vector<16xi1> -> vector<16xi32>
      %add3A_692 = arith.addi %add3A_682, %all_reduce_population_count3A_691 : vector<16xi32>
      %scan3A_693 = arith.constant 3 : i32
      %scan3A_694 = arith.addi %scan3A_665, %scan3A_693 : i32
      %mul3A_695 = arith.constant 16 : i32
      %mul3A_696 = arith.muli %scan3A_694, %mul3A_695 : i32
      %get3A_697 = arith.index_cast %mul3A_696 : i32 to index
      %get3A_698 = tpu.vector_load %arg7[%get3A_697] {strides = array<i32>} : memref<4112xi32, #tpu.memory_space<vmem>>, vector<16xi32>,
      %ge3A_699 = vector.broadcast %squeeze3A_243 : i32 to vector<16xi32>
      %ge3A_700 = arith.cmpi sge, %get3A_698, %ge3A_699 : vector<16xi32>
      %all_reduce_population_count3A_701 = tpu.all_reduce %ge3A_700 {dim = 0 : i64, kind = #tpu.reduction_kind<sum>} : vector<16xi1> -> vector<16xi32>
      %add3A_702 = arith.addi %add3A_692, %all_reduce_population_count3A_701 : vector<16xi32>
      scf.yield %add3A_702 : vector<16xi32>
    }
    %scan3A_249 = arith.constant 256 : i32
    %reduce_max3A_250 = arith.constant true
    %reduce_max3A_251 = vector.broadcast %reduce_max3A_250 : i1 to vector<16xi1>
    %reduce_max3A_252 = arith.constant -2147483648 : i32
    %reduce_max3A_253 = vector.broadcast %reduce_max3A_252 : i32 to vector<16xi32>
    %reduce_max3A_254 = arith.xori %scan3A_248, %reduce_max3A_253 : vector<16xi32>
    %reduce_max3A_255 = tpu.scan <max>, %reduce_max3A_254 masked %reduce_max3A_251 : vector<16xi32>, vector<16xi1> -> vector<16xi32>
    %reduce_max3A_256 = arith.xori %reduce_max3A_255, %reduce_max3A_253 : vector<16xi32>
    %reduce_max3A_257 = vector.extract %reduce_max3A_256[15] : i32 from vector<16xi32>
    %sub3A_258 = arith.constant 1 : i32
    %sub3A_259 = arith.subi %reduce_max3A_257, %sub3A_258 : i32
    %add3A_260 = arith.constant 1 : i32
    %add3A_261 = arith.addi %sub3A_259, %add3A_260 : i32
    %broadcast_in_dim3A_262 = vector.broadcast %add3A_261 : i32 to vector<16xi32>
    %gather3A_263 = tpu.vector_load_idx %arg7[%broadcast_in_dim3A_262] : memref<4112xi32, #tpu.memory_space<vmem>>[vector<16xi32>], vector<16xi32>,
    %reduce_max3A_264 = arith.constant true
    %reduce_max3A_265 = vector.broadcast %reduce_max3A_264 : i1 to vector<16xi1>
    %reduce_max3A_266 = arith.constant -2147483648 : i32
    %reduce_max3A_267 = vector.broadcast %reduce_max3A_266 : i32 to vector<16xi32>
    %reduce_max3A_268 = arith.xori %gather3A_263, %reduce_max3A_267 : vector<16xi32>
    %reduce_max3A_269 = tpu.scan <max>, %reduce_max3A_268 masked %reduce_max3A_265 : vector<16xi32>, vector<16xi1> -> vector<16xi32>
    %reduce_max3A_270 = arith.xori %reduce_max3A_269, %reduce_max3A_267 : vector<16xi32>
    %reduce_max3A_271 = vector.extract %reduce_max3A_270[15] : i32 from vector<16xi32>
    %sub3A_272 = arith.subi %squeeze3A_243, %reduce_max3A_271 : i32
    %scan3A_273 = arith.constant 0 : i32
    %scan3A_274 = arith.constant 0 : i32
    %scan3A_275 = arith.constant 256 : i32
    %scan3A_276 = arith.addi %scan3A_274, %scan3A_275 : i32
    %scan3A_277 = arith.constant 8 : i32
    scf.for %scan3A_665 = %scan3A_274 to %scan3A_276 step %scan3A_277  : i32 {
      %broadcast_in_dim3A_666 = arith.constant -1 : i32
      %broadcast_in_dim3A_667 = vector.broadcast %broadcast_in_dim3A_666 : i32 to vector<16xi32>
      %mul3A_668 = arith.constant 16 : i32
      %mul3A_669 = arith.muli %scan3A_665, %mul3A_668 : i32
      %swap3A_670 = arith.index_cast %mul3A_669 : i32 to index
      %swap3A_671 = tpu.vector_load %arg8[%swap3A_670] {strides = array<i32>} : memref<4096xi32, #tpu.memory_space<vmem>>, vector<16xi32>,
      tpu.vector_store %arg8[%swap3A_670], %broadcast_in_dim3A_667 {strides = array<i32>} : memref<4096xi32, #tpu.memory_space<vmem>>, vector<16xi32>,
      %scan3A_672 = arith.constant 1 : i32
      %scan3A_673 = arith.addi %scan3A_665, %scan3A_672 : i32
      %broadcast_in_dim3A_674 = arith.constant -1 : i32
      %broadcast_in_dim3A_675 = vector.broadcast %broadcast_in_dim3A_674 : i32 to vector<16xi32>
      %mul3A_676 = arith.constant 16 : i32
      %mul3A_677 = arith.muli %scan3A_673, %mul3A_676 : i32
      %swap3A_678 = arith.index_cast %mul3A_677 : i32 to index
      %swap3A_679 = tpu.vector_load %arg8[%swap3A_678] {strides = array<i32>} : memref<4096xi32, #tpu.memory_space<vmem>>, vector<16xi32>,
      tpu.vector_store %arg8[%swap3A_678], %broadcast_in_dim3A_675 {strides = array<i32>} : memref<4096xi32, #tpu.memory_space<vmem>>, vector<16xi32>,
      %scan3A_680 = arith.constant 2 : i32
      %scan3A_681 = arith.addi %scan3A_665, %scan3A_680 : i32
      %broadcast_in_dim3A_682 = arith.constant -1 : i32
      %broadcast_in_dim3A_683 = vector.broadcast %broadcast_in_dim3A_682 : i32 to vector<16xi32>
      %mul3A_684 = arith.constant 16 : i32
      %mul3A_685 = arith.muli %scan3A_681, %mul3A_684 : i32
      %swap3A_686 = arith.index_cast %mul3A_685 : i32 to index
      %swap3A_687 = tpu.vector_load %arg8[%swap3A_686] {strides = array<i32>} : memref<4096xi32, #tpu.memory_space<vmem>>, vector<16xi32>,
      tpu.vector_store %arg8[%swap3A_686], %broadcast_in_dim3A_683 {strides = array<i32>} : memref<4096xi32, #tpu.memory_space<vmem>>, vector<16xi32>,
      %scan3A_688 = arith.constant 3 : i32
      %scan3A_689 = arith.addi %scan3A_665, %scan3A_688 : i32
      %broadcast_in_dim3A_690 = arith.constant -1 : i32
      %broadcast_in_dim3A_691 = vector.broadcast %broadcast_in_dim3A_690 : i32 to vector<16xi32>
      %mul3A_692 = arith.constant 16 : i32
      %mul3A_693 = arith.muli %scan3A_689, %mul3A_692 : i32
      %swap3A_694 = arith.index_cast %mul3A_693 : i32 to index
      %swap3A_695 = tpu.vector_load %arg8[%swap3A_694] {strides = array<i32>} : memref<4096xi32, #tpu.memory_space<vmem>>, vector<16xi32>,
      tpu.vector_store %arg8[%swap3A_694], %broadcast_in_dim3A_691 {strides = array<i32>} : memref<4096xi32, #tpu.memory_space<vmem>>, vector<16xi32>,
      %scan3A_696 = arith.constant 4 : i32
      %scan3A_697 = arith.addi %scan3A_665, %scan3A_696 : i32
      %broadcast_in_dim3A_698 = arith.constant -1 : i32
      %broadcast_in_dim3A_699 = vector.broadcast %broadcast_in_dim3A_698 : i32 to vector<16xi32>
      %mul3A_700 = arith.constant 16 : i32
      %mul3A_701 = arith.muli %scan3A_697, %mul3A_700 : i32
      %swap3A_702 = arith.index_cast %mul3A_701 : i32 to index
      %swap3A_703 = tpu.vector_load %arg8[%swap3A_702] {strides = array<i32>} : memref<4096xi32, #tpu.memory_space<vmem>>, vector<16xi32>,
      tpu.vector_store %arg8[%swap3A_702], %broadcast_in_dim3A_699 {strides = array<i32>} : memref<4096xi32, #tpu.memory_space<vmem>>, vector<16xi32>,
      %scan3A_704 = arith.constant 5 : i32
      %scan3A_705 = arith.addi %scan3A_665, %scan3A_704 : i32
      %broadcast_in_dim3A_706 = arith.constant -1 : i32
      %broadcast_in_dim3A_707 = vector.broadcast %broadcast_in_dim3A_706 : i32 to vector<16xi32>
      %mul3A_708 = arith.constant 16 : i32
      %mul3A_709 = arith.muli %scan3A_705, %mul3A_708 : i32
      %swap3A_710 = arith.index_cast %mul3A_709 : i32 to index
      %swap3A_711 = tpu.vector_load %arg8[%swap3A_710] {strides = array<i32>} : memref<4096xi32, #tpu.memory_space<vmem>>, vector<16xi32>,
      tpu.vector_store %arg8[%swap3A_710], %broadcast_in_dim3A_707 {strides = array<i32>} : memref<4096xi32, #tpu.memory_space<vmem>>, vector<16xi32>,
      %scan3A_712 = arith.constant 6 : i32
      %scan3A_713 = arith.addi %scan3A_665, %scan3A_712 : i32
      %broadcast_in_dim3A_714 = arith.constant -1 : i32
      %broadcast_in_dim3A_715 = vector.broadcast %broadcast_in_dim3A_714 : i32 to vector<16xi32>
      %mul3A_716 = arith.constant 16 : i32
      %mul3A_717 = arith.muli %scan3A_713, %mul3A_716 : i32
      %swap3A_718 = arith.index_cast %mul3A_717 : i32 to index
      %swap3A_719 = tpu.vector_load %arg8[%swap3A_718] {strides = array<i32>} : memref<4096xi32, #tpu.memory_space<vmem>>, vector<16xi32>,
      tpu.vector_store %arg8[%swap3A_718], %broadcast_in_dim3A_715 {strides = array<i32>} : memref<4096xi32, #tpu.memory_space<vmem>>, vector<16xi32>,
      %scan3A_720 = arith.constant 7 : i32
      %scan3A_721 = arith.addi %scan3A_665, %scan3A_720 : i32
      %broadcast_in_dim3A_722 = arith.constant -1 : i32
      %broadcast_in_dim3A_723 = vector.broadcast %broadcast_in_dim3A_722 : i32 to vector<16xi32>
      %mul3A_724 = arith.constant 16 : i32
      %mul3A_725 = arith.muli %scan3A_721, %mul3A_724 : i32
      %swap3A_726 = arith.index_cast %mul3A_725 : i32 to index
      %swap3A_727 = tpu.vector_load %arg8[%swap3A_726] {strides = array<i32>} : memref<4096xi32, #tpu.memory_space<vmem>>, vector<16xi32>,
      tpu.vector_store %arg8[%swap3A_726], %broadcast_in_dim3A_723 {strides = array<i32>} : memref<4096xi32, #tpu.memory_space<vmem>>, vector<16xi32>,
    }
    %scan3A_278 = arith.constant 256 : i32
    %broadcast_in_dim3A_279 = vector.broadcast %sub3A_43 : i32 to vector<16xi32>
    %broadcast_in_dim3A_280 = arith.constant 0 : i32
    %broadcast_in_dim3A_281 = vector.broadcast %broadcast_in_dim3A_280 : i32 to vector<16xi32>
    tpu.vector_store_idx %arg8[%broadcast_in_dim3A_279], %broadcast_in_dim3A_281 masked %eq3A_8 : memref<4096xi32, #tpu.memory_space<vmem>>[vector<16xi32>], vector<16xi32>, vector<16xi1>
    %broadcast_in_dim3A_282 = vector.broadcast %sub3A_73 : i32 to vector<16xi32>
    %broadcast_in_dim3A_283 = arith.constant 1 : i32
    %broadcast_in_dim3A_284 = vector.broadcast %broadcast_in_dim3A_283 : i32 to vector<16xi32>
    tpu.vector_store_idx %arg8[%broadcast_in_dim3A_282], %broadcast_in_dim3A_284 masked %eq3A_8 : memref<4096xi32, #tpu.memory_space<vmem>>[vector<16xi32>], vector<16xi32>, vector<16xi1>
    %broadcast_in_dim3A_285 = vector.broadcast %sub3A_104 : i32 to vector<16xi32>
    %broadcast_in_dim3A_286 = arith.constant 2 : i32
    %broadcast_in_dim3A_287 = vector.broadcast %broadcast_in_dim3A_286 : i32 to vector<16xi32>
    tpu.vector_store_idx %arg8[%broadcast_in_dim3A_285], %broadcast_in_dim3A_287 masked %eq3A_8 : memref<4096xi32, #tpu.memory_space<vmem>>[vector<16xi32>], vector<16xi32>, vector<16xi1>
    %broadcast_in_dim3A_288 = vector.broadcast %sub3A_135 : i32 to vector<16xi32>
    %broadcast_in_dim3A_289 = arith.constant 3 : i32
    %broadcast_in_dim3A_290 = vector.broadcast %broadcast_in_dim3A_289 : i32 to vector<16xi32>
    tpu.vector_store_idx %arg8[%broadcast_in_dim3A_288], %broadcast_in_dim3A_290 masked %eq3A_8 : memref<4096xi32, #tpu.memory_space<vmem>>[vector<16xi32>], vector<16xi32>, vector<16xi1>
    %broadcast_in_dim3A_291 = vector.broadcast %sub3A_166 : i32 to vector<16xi32>
    %broadcast_in_dim3A_292 = arith.constant 4 : i32
    %broadcast_in_dim3A_293 = vector.broadcast %broadcast_in_dim3A_292 : i32 to vector<16xi32>
    tpu.vector_store_idx %arg8[%broadcast_in_dim3A_291], %broadcast_in_dim3A_293 masked %eq3A_8 : memref<4096xi32, #tpu.memory_space<vmem>>[vector<16xi32>], vector<16xi32>, vector<16xi1>
    %broadcast_in_dim3A_294 = vector.broadcast %sub3A_197 : i32 to vector<16xi32>
    %broadcast_in_dim3A_295 = arith.constant 5 : i32
    %broadcast_in_dim3A_296 = vector.broadcast %broadcast_in_dim3A_295 : i32 to vector<16xi32>
    tpu.vector_store_idx %arg8[%broadcast_in_dim3A_294], %broadcast_in_dim3A_296 masked %eq3A_8 : memref<4096xi32, #tpu.memory_space<vmem>>[vector<16xi32>], vector<16xi32>, vector<16xi1>
    %broadcast_in_dim3A_297 = vector.broadcast %sub3A_228 : i32 to vector<16xi32>
    %broadcast_in_dim3A_298 = arith.constant 6 : i32
    %broadcast_in_dim3A_299 = vector.broadcast %broadcast_in_dim3A_298 : i32 to vector<16xi32>
    tpu.vector_store_idx %arg8[%broadcast_in_dim3A_297], %broadcast_in_dim3A_299 masked %eq3A_8 : memref<4096xi32, #tpu.memory_space<vmem>>[vector<16xi32>], vector<16xi32>, vector<16xi1>
    %broadcast_in_dim3A_300 = vector.broadcast %sub3A_259 : i32 to vector<16xi32>
    %broadcast_in_dim3A_301 = arith.constant 7 : i32
    %broadcast_in_dim3A_302 = vector.broadcast %broadcast_in_dim3A_301 : i32 to vector<16xi32>
    tpu.vector_store_idx %arg8[%broadcast_in_dim3A_300], %broadcast_in_dim3A_302 masked %eq3A_8 : memref<4096xi32, #tpu.memory_space<vmem>>[vector<16xi32>], vector<16xi32>, vector<16xi1>
    %scan3A_303 = arith.constant 0 : i32
    %scan3A_304 = arith.constant 0 : i32
    %scan3A_305 = arith.constant 2048 : i32
    %scan3A_306 = arith.addi %scan3A_304, %scan3A_305 : i32
    %scan3A_307 = arith.constant 8 : i32
    scf.for %scan3A_665 = %scan3A_304 to %scan3A_306 step %scan3A_307  : i32 {
      %mul3A_666 = arith.constant 16 : i32
      %mul3A_667 = arith.muli %scan3A_665, %mul3A_666 : i32
      %swap3A_668 = arith.index_cast %mul3A_667 : i32 to index
      %swap3A_669 = tpu.vector_load %arg9[%swap3A_668] {strides = array<i32>} : memref<32768xi32, #tpu.memory_space<vmem>>, vector<16xi32>,
      tpu.vector_store %arg9[%swap3A_668], %broadcast_in_dim3A_3 {strides = array<i32>} : memref<32768xi32, #tpu.memory_space<vmem>>, vector<16xi32>,
      %scan3A_670 = arith.constant 1 : i32
      %scan3A_671 = arith.addi %scan3A_665, %scan3A_670 : i32
      %mul3A_672 = arith.constant 16 : i32
      %mul3A_673 = arith.muli %scan3A_671, %mul3A_672 : i32
      %swap3A_674 = arith.index_cast %mul3A_673 : i32 to index
      %swap3A_675 = tpu.vector_load %arg9[%swap3A_674] {strides = array<i32>} : memref<32768xi32, #tpu.memory_space<vmem>>, vector<16xi32>,
      tpu.vector_store %arg9[%swap3A_674], %broadcast_in_dim3A_3 {strides = array<i32>} : memref<32768xi32, #tpu.memory_space<vmem>>, vector<16xi32>,
      %scan3A_676 = arith.constant 2 : i32
      %scan3A_677 = arith.addi %scan3A_665, %scan3A_676 : i32
      %mul3A_678 = arith.constant 16 : i32
      %mul3A_679 = arith.muli %scan3A_677, %mul3A_678 : i32
      %swap3A_680 = arith.index_cast %mul3A_679 : i32 to index
      %swap3A_681 = tpu.vector_load %arg9[%swap3A_680] {strides = array<i32>} : memref<32768xi32, #tpu.memory_space<vmem>>, vector<16xi32>,
      tpu.vector_store %arg9[%swap3A_680], %broadcast_in_dim3A_3 {strides = array<i32>} : memref<32768xi32, #tpu.memory_space<vmem>>, vector<16xi32>,
      %scan3A_682 = arith.constant 3 : i32
      %scan3A_683 = arith.addi %scan3A_665, %scan3A_682 : i32
      %mul3A_684 = arith.constant 16 : i32
      %mul3A_685 = arith.muli %scan3A_683, %mul3A_684 : i32
      %swap3A_686 = arith.index_cast %mul3A_685 : i32 to index
      %swap3A_687 = tpu.vector_load %arg9[%swap3A_686] {strides = array<i32>} : memref<32768xi32, #tpu.memory_space<vmem>>, vector<16xi32>,
      tpu.vector_store %arg9[%swap3A_686], %broadcast_in_dim3A_3 {strides = array<i32>} : memref<32768xi32, #tpu.memory_space<vmem>>, vector<16xi32>,
      %scan3A_688 = arith.constant 4 : i32
      %scan3A_689 = arith.addi %scan3A_665, %scan3A_688 : i32
      %mul3A_690 = arith.constant 16 : i32
      %mul3A_691 = arith.muli %scan3A_689, %mul3A_690 : i32
      %swap3A_692 = arith.index_cast %mul3A_691 : i32 to index
      %swap3A_693 = tpu.vector_load %arg9[%swap3A_692] {strides = array<i32>} : memref<32768xi32, #tpu.memory_space<vmem>>, vector<16xi32>,
      tpu.vector_store %arg9[%swap3A_692], %broadcast_in_dim3A_3 {strides = array<i32>} : memref<32768xi32, #tpu.memory_space<vmem>>, vector<16xi32>,
      %scan3A_694 = arith.constant 5 : i32
      %scan3A_695 = arith.addi %scan3A_665, %scan3A_694 : i32
      %mul3A_696 = arith.constant 16 : i32
      %mul3A_697 = arith.muli %scan3A_695, %mul3A_696 : i32
      %swap3A_698 = arith.index_cast %mul3A_697 : i32 to index
      %swap3A_699 = tpu.vector_load %arg9[%swap3A_698] {strides = array<i32>} : memref<32768xi32, #tpu.memory_space<vmem>>, vector<16xi32>,
      tpu.vector_store %arg9[%swap3A_698], %broadcast_in_dim3A_3 {strides = array<i32>} : memref<32768xi32, #tpu.memory_space<vmem>>, vector<16xi32>,
      %scan3A_700 = arith.constant 6 : i32
      %scan3A_701 = arith.addi %scan3A_665, %scan3A_700 : i32
      %mul3A_702 = arith.constant 16 : i32
      %mul3A_703 = arith.muli %scan3A_701, %mul3A_702 : i32
      %swap3A_704 = arith.index_cast %mul3A_703 : i32 to index
      %swap3A_705 = tpu.vector_load %arg9[%swap3A_704] {strides = array<i32>} : memref<32768xi32, #tpu.memory_space<vmem>>, vector<16xi32>,
      tpu.vector_store %arg9[%swap3A_704], %broadcast_in_dim3A_3 {strides = array<i32>} : memref<32768xi32, #tpu.memory_space<vmem>>, vector<16xi32>,
      %scan3A_706 = arith.constant 7 : i32
      %scan3A_707 = arith.addi %scan3A_665, %scan3A_706 : i32
      %mul3A_708 = arith.constant 16 : i32
      %mul3A_709 = arith.muli %scan3A_707, %mul3A_708 : i32
      %swap3A_710 = arith.index_cast %mul3A_709 : i32 to index
      %swap3A_711 = tpu.vector_load %arg9[%swap3A_710] {strides = array<i32>} : memref<32768xi32, #tpu.memory_space<vmem>>, vector<16xi32>,
      tpu.vector_store %arg9[%swap3A_710], %broadcast_in_dim3A_3 {strides = array<i32>} : memref<32768xi32, #tpu.memory_space<vmem>>, vector<16xi32>,
    }
    %scan3A_308 = arith.constant 2048 : i32
    %scan3A_309 = arith.constant 0 : i32
    %scan3A_310 = arith.constant 0 : i32
    %scan3A_311 = arith.constant 2048 : i32
    %scan3A_312 = arith.addi %scan3A_310, %scan3A_311 : i32
    %scan3A_313 = arith.constant 8 : i32
    scf.for %scan3A_665 = %scan3A_310 to %scan3A_312 step %scan3A_313  : i32 {
      %mul3A_666 = arith.constant 16 : i32
      %mul3A_667 = arith.muli %scan3A_665, %mul3A_666 : i32
      %get3A_668 = arith.index_cast %mul3A_667 : i32 to index
      %get3A_669 = tpu.vector_load %arg5[%get3A_668] {strides = array<i32>} : memref<32768xf32, #tpu.memory_space<vmem>>, vector<16xf32>,
      %bitcast_convert_type3A = tpu.bitcast %get3A_669 : vector<16xf32> -> vector<16xi32>
      %lt3A_670 = arith.constant 0 : i32
      %lt3A_671 = vector.broadcast %lt3A_670 : i32 to vector<16xi32>
      %lt3A_672 = arith.cmpi slt, %bitcast_convert_type3A, %lt3A_671 : vector<16xi32>
      %sub3A_673 = arith.constant -2147483648 : i32
      %sub3A_674 = vector.broadcast %sub3A_673 : i32 to vector<16xi32>
      %sub3A_675 = arith.subi %sub3A_674, %bitcast_convert_type3A : vector<16xi32>
      %select_n3A_676 = arith.select %lt3A_672, %sub3A_675, %bitcast_convert_type3A : vector<16xi1>, vector<16xi32>
      %shift_right_arithmetic3A = arith.constant 20 : i32
      %shift_right_arithmetic3A_677 = vector.broadcast %shift_right_arithmetic3A : i32 to vector<16xi32>
      %shift_right_arithmetic3A_678 = arith.shrsi %select_n3A_676, %shift_right_arithmetic3A_677 : vector<16xi32>
      %add3A_679 = arith.constant 2048 : i32
      %add3A_680 = vector.broadcast %add3A_679 : i32 to vector<16xi32>
      %add3A_681 = arith.addi %shift_right_arithmetic3A_678, %add3A_680 : vector<16xi32>
      %gather3A_682 = tpu.vector_load_idx %arg8[%add3A_681] : memref<4096xi32, #tpu.memory_space<vmem>>[vector<16xi32>], vector<16xi32>,
      %ge3A = arith.constant 0 : i32
      %ge3A_683 = vector.broadcast %ge3A : i32 to vector<16xi32>
      %ge3A_684 = arith.cmpi sge, %gather3A_682, %ge3A_683 : vector<16xi32>
      %shift_right_arithmetic3A_685 = arith.constant 8 : i32
      %shift_right_arithmetic3A_686 = vector.broadcast %shift_right_arithmetic3A_685 : i32 to vector<16xi32>
      %shift_right_arithmetic3A_687 = arith.shrsi %select_n3A_676, %shift_right_arithmetic3A_686 : vector<16xi32>
      %and3A = arith.constant 4095 : i32
      %and3A_688 = vector.broadcast %and3A : i32 to vector<16xi32>
      %and3A_689 = arith.andi %shift_right_arithmetic3A_687, %and3A_688 : vector<16xi32>
      %mul3A_690 = arith.constant 4096 : i32
      %mul3A_691 = vector.broadcast %mul3A_690 : i32 to vector<16xi32>
      %mul3A_692 = arith.muli %gather3A_682, %mul3A_691 : vector<16xi32>
      %add3A_693 = arith.addi %mul3A_692, %and3A_689 : vector<16xi32>
      %jit3A = arith.constant 0 : i32
      %broadcast_in_dim3A_694 = vector.broadcast %jit3A : i32 to vector<16xi32>
      %select_n3A_695 = arith.select %ge3A_684, %add3A_693, %broadcast_in_dim3A_694 : vector<16xi1>, vector<16xi32>
      tpu.vector_store_idx %arg9[%select_n3A_695], %broadcast_in_dim3A_1 masked %ge3A_684 {add = true} : memref<32768xi32, #tpu.memory_space<vmem>>[vector<16xi32>], vector<16xi32>, vector<16xi1>
      %scan3A_696 = arith.constant 1 : i32
      %scan3A_697 = arith.addi %scan3A_665, %scan3A_696 : i32
      %mul3A_698 = arith.constant 16 : i32
      %mul3A_699 = arith.muli %scan3A_697, %mul3A_698 : i32
      %get3A_700 = arith.index_cast %mul3A_699 : i32 to index
      %get3A_701 = tpu.vector_load %arg5[%get3A_700] {strides = array<i32>} : memref<32768xf32, #tpu.memory_space<vmem>>, vector<16xf32>,
      %bitcast_convert_type3A_702 = tpu.bitcast %get3A_701 : vector<16xf32> -> vector<16xi32>
      %lt3A_703 = arith.constant 0 : i32
      %lt3A_704 = vector.broadcast %lt3A_703 : i32 to vector<16xi32>
      %lt3A_705 = arith.cmpi slt, %bitcast_convert_type3A_702, %lt3A_704 : vector<16xi32>
      %sub3A_706 = arith.constant -2147483648 : i32
      %sub3A_707 = vector.broadcast %sub3A_706 : i32 to vector<16xi32>
      %sub3A_708 = arith.subi %sub3A_707, %bitcast_convert_type3A_702 : vector<16xi32>
      %select_n3A_709 = arith.select %lt3A_705, %sub3A_708, %bitcast_convert_type3A_702 : vector<16xi1>, vector<16xi32>
      %shift_right_arithmetic3A_710 = arith.constant 20 : i32
      %shift_right_arithmetic3A_711 = vector.broadcast %shift_right_arithmetic3A_710 : i32 to vector<16xi32>
      %shift_right_arithmetic3A_712 = arith.shrsi %select_n3A_709, %shift_right_arithmetic3A_711 : vector<16xi32>
      %add3A_713 = arith.constant 2048 : i32
      %add3A_714 = vector.broadcast %add3A_713 : i32 to vector<16xi32>
      %add3A_715 = arith.addi %shift_right_arithmetic3A_712, %add3A_714 : vector<16xi32>
      %gather3A_716 = tpu.vector_load_idx %arg8[%add3A_715] : memref<4096xi32, #tpu.memory_space<vmem>>[vector<16xi32>], vector<16xi32>,
      %ge3A_717 = arith.constant 0 : i32
      %ge3A_718 = vector.broadcast %ge3A_717 : i32 to vector<16xi32>
      %ge3A_719 = arith.cmpi sge, %gather3A_716, %ge3A_718 : vector<16xi32>
      %shift_right_arithmetic3A_720 = arith.constant 8 : i32
      %shift_right_arithmetic3A_721 = vector.broadcast %shift_right_arithmetic3A_720 : i32 to vector<16xi32>
      %shift_right_arithmetic3A_722 = arith.shrsi %select_n3A_709, %shift_right_arithmetic3A_721 : vector<16xi32>
      %and3A_723 = arith.constant 4095 : i32
      %and3A_724 = vector.broadcast %and3A_723 : i32 to vector<16xi32>
      %and3A_725 = arith.andi %shift_right_arithmetic3A_722, %and3A_724 : vector<16xi32>
      %mul3A_726 = arith.constant 4096 : i32
      %mul3A_727 = vector.broadcast %mul3A_726 : i32 to vector<16xi32>
      %mul3A_728 = arith.muli %gather3A_716, %mul3A_727 : vector<16xi32>
      %add3A_729 = arith.addi %mul3A_728, %and3A_725 : vector<16xi32>
      %jit3A_730 = arith.constant 0 : i32
      %broadcast_in_dim3A_731 = vector.broadcast %jit3A_730 : i32 to vector<16xi32>
      %select_n3A_732 = arith.select %ge3A_719, %add3A_729, %broadcast_in_dim3A_731 : vector<16xi1>, vector<16xi32>
      tpu.vector_store_idx %arg9[%select_n3A_732], %broadcast_in_dim3A_1 masked %ge3A_719 {add = true} : memref<32768xi32, #tpu.memory_space<vmem>>[vector<16xi32>], vector<16xi32>, vector<16xi1>
      %scan3A_733 = arith.constant 2 : i32
      %scan3A_734 = arith.addi %scan3A_665, %scan3A_733 : i32
      %mul3A_735 = arith.constant 16 : i32
      %mul3A_736 = arith.muli %scan3A_734, %mul3A_735 : i32
      %get3A_737 = arith.index_cast %mul3A_736 : i32 to index
      %get3A_738 = tpu.vector_load %arg5[%get3A_737] {strides = array<i32>} : memref<32768xf32, #tpu.memory_space<vmem>>, vector<16xf32>,
      %bitcast_convert_type3A_739 = tpu.bitcast %get3A_738 : vector<16xf32> -> vector<16xi32>
      %lt3A_740 = arith.constant 0 : i32
      %lt3A_741 = vector.broadcast %lt3A_740 : i32 to vector<16xi32>
      %lt3A_742 = arith.cmpi slt, %bitcast_convert_type3A_739, %lt3A_741 : vector<16xi32>
      %sub3A_743 = arith.constant -2147483648 : i32
      %sub3A_744 = vector.broadcast %sub3A_743 : i32 to vector<16xi32>
      %sub3A_745 = arith.subi %sub3A_744, %bitcast_convert_type3A_739 : vector<16xi32>
      %select_n3A_746 = arith.select %lt3A_742, %sub3A_745, %bitcast_convert_type3A_739 : vector<16xi1>, vector<16xi32>
      %shift_right_arithmetic3A_747 = arith.constant 20 : i32
      %shift_right_arithmetic3A_748 = vector.broadcast %shift_right_arithmetic3A_747 : i32 to vector<16xi32>
      %shift_right_arithmetic3A_749 = arith.shrsi %select_n3A_746, %shift_right_arithmetic3A_748 : vector<16xi32>
      %add3A_750 = arith.constant 2048 : i32
      %add3A_751 = vector.broadcast %add3A_750 : i32 to vector<16xi32>
      %add3A_752 = arith.addi %shift_right_arithmetic3A_749, %add3A_751 : vector<16xi32>
      %gather3A_753 = tpu.vector_load_idx %arg8[%add3A_752] : memref<4096xi32, #tpu.memory_space<vmem>>[vector<16xi32>], vector<16xi32>,
      %ge3A_754 = arith.constant 0 : i32
      %ge3A_755 = vector.broadcast %ge3A_754 : i32 to vector<16xi32>
      %ge3A_756 = arith.cmpi sge, %gather3A_753, %ge3A_755 : vector<16xi32>
      %shift_right_arithmetic3A_757 = arith.constant 8 : i32
      %shift_right_arithmetic3A_758 = vector.broadcast %shift_right_arithmetic3A_757 : i32 to vector<16xi32>
      %shift_right_arithmetic3A_759 = arith.shrsi %select_n3A_746, %shift_right_arithmetic3A_758 : vector<16xi32>
      %and3A_760 = arith.constant 4095 : i32
      %and3A_761 = vector.broadcast %and3A_760 : i32 to vector<16xi32>
      %and3A_762 = arith.andi %shift_right_arithmetic3A_759, %and3A_761 : vector<16xi32>
      %mul3A_763 = arith.constant 4096 : i32
      %mul3A_764 = vector.broadcast %mul3A_763 : i32 to vector<16xi32>
      %mul3A_765 = arith.muli %gather3A_753, %mul3A_764 : vector<16xi32>
      %add3A_766 = arith.addi %mul3A_765, %and3A_762 : vector<16xi32>
      %jit3A_767 = arith.constant 0 : i32
      %broadcast_in_dim3A_768 = vector.broadcast %jit3A_767 : i32 to vector<16xi32>
      %select_n3A_769 = arith.select %ge3A_756, %add3A_766, %broadcast_in_dim3A_768 : vector<16xi1>, vector<16xi32>
      tpu.vector_store_idx %arg9[%select_n3A_769], %broadcast_in_dim3A_1 masked %ge3A_756 {add = true} : memref<32768xi32, #tpu.memory_space<vmem>>[vector<16xi32>], vector<16xi32>, vector<16xi1>
      %scan3A_770 = arith.constant 3 : i32
      %scan3A_771 = arith.addi %scan3A_665, %scan3A_770 : i32
      %mul3A_772 = arith.constant 16 : i32
      %mul3A_773 = arith.muli %scan3A_771, %mul3A_772 : i32
      %get3A_774 = arith.index_cast %mul3A_773 : i32 to index
      %get3A_775 = tpu.vector_load %arg5[%get3A_774] {strides = array<i32>} : memref<32768xf32, #tpu.memory_space<vmem>>, vector<16xf32>,
      %bitcast_convert_type3A_776 = tpu.bitcast %get3A_775 : vector<16xf32> -> vector<16xi32>
      %lt3A_777 = arith.constant 0 : i32
      %lt3A_778 = vector.broadcast %lt3A_777 : i32 to vector<16xi32>
      %lt3A_779 = arith.cmpi slt, %bitcast_convert_type3A_776, %lt3A_778 : vector<16xi32>
      %sub3A_780 = arith.constant -2147483648 : i32
      %sub3A_781 = vector.broadcast %sub3A_780 : i32 to vector<16xi32>
      %sub3A_782 = arith.subi %sub3A_781, %bitcast_convert_type3A_776 : vector<16xi32>
      %select_n3A_783 = arith.select %lt3A_779, %sub3A_782, %bitcast_convert_type3A_776 : vector<16xi1>, vector<16xi32>
      %shift_right_arithmetic3A_784 = arith.constant 20 : i32
      %shift_right_arithmetic3A_785 = vector.broadcast %shift_right_arithmetic3A_784 : i32 to vector<16xi32>
      %shift_right_arithmetic3A_786 = arith.shrsi %select_n3A_783, %shift_right_arithmetic3A_785 : vector<16xi32>
      %add3A_787 = arith.constant 2048 : i32
      %add3A_788 = vector.broadcast %add3A_787 : i32 to vector<16xi32>
      %add3A_789 = arith.addi %shift_right_arithmetic3A_786, %add3A_788 : vector<16xi32>
      %gather3A_790 = tpu.vector_load_idx %arg8[%add3A_789] : memref<4096xi32, #tpu.memory_space<vmem>>[vector<16xi32>], vector<16xi32>,
      %ge3A_791 = arith.constant 0 : i32
      %ge3A_792 = vector.broadcast %ge3A_791 : i32 to vector<16xi32>
      %ge3A_793 = arith.cmpi sge, %gather3A_790, %ge3A_792 : vector<16xi32>
      %shift_right_arithmetic3A_794 = arith.constant 8 : i32
      %shift_right_arithmetic3A_795 = vector.broadcast %shift_right_arithmetic3A_794 : i32 to vector<16xi32>
      %shift_right_arithmetic3A_796 = arith.shrsi %select_n3A_783, %shift_right_arithmetic3A_795 : vector<16xi32>
      %and3A_797 = arith.constant 4095 : i32
      %and3A_798 = vector.broadcast %and3A_797 : i32 to vector<16xi32>
      %and3A_799 = arith.andi %shift_right_arithmetic3A_796, %and3A_798 : vector<16xi32>
      %mul3A_800 = arith.constant 4096 : i32
      %mul3A_801 = vector.broadcast %mul3A_800 : i32 to vector<16xi32>
      %mul3A_802 = arith.muli %gather3A_790, %mul3A_801 : vector<16xi32>
      %add3A_803 = arith.addi %mul3A_802, %and3A_799 : vector<16xi32>
      %jit3A_804 = arith.constant 0 : i32
      %broadcast_in_dim3A_805 = vector.broadcast %jit3A_804 : i32 to vector<16xi32>
      %select_n3A_806 = arith.select %ge3A_793, %add3A_803, %broadcast_in_dim3A_805 : vector<16xi1>, vector<16xi32>
      tpu.vector_store_idx %arg9[%select_n3A_806], %broadcast_in_dim3A_1 masked %ge3A_793 {add = true} : memref<32768xi32, #tpu.memory_space<vmem>>[vector<16xi32>], vector<16xi32>, vector<16xi1>
      %scan3A_807 = arith.constant 4 : i32
      %scan3A_808 = arith.addi %scan3A_665, %scan3A_807 : i32
      %mul3A_809 = arith.constant 16 : i32
      %mul3A_810 = arith.muli %scan3A_808, %mul3A_809 : i32
      %get3A_811 = arith.index_cast %mul3A_810 : i32 to index
      %get3A_812 = tpu.vector_load %arg5[%get3A_811] {strides = array<i32>} : memref<32768xf32, #tpu.memory_space<vmem>>, vector<16xf32>,
      %bitcast_convert_type3A_813 = tpu.bitcast %get3A_812 : vector<16xf32> -> vector<16xi32>
      %lt3A_814 = arith.constant 0 : i32
      %lt3A_815 = vector.broadcast %lt3A_814 : i32 to vector<16xi32>
      %lt3A_816 = arith.cmpi slt, %bitcast_convert_type3A_813, %lt3A_815 : vector<16xi32>
      %sub3A_817 = arith.constant -2147483648 : i32
      %sub3A_818 = vector.broadcast %sub3A_817 : i32 to vector<16xi32>
      %sub3A_819 = arith.subi %sub3A_818, %bitcast_convert_type3A_813 : vector<16xi32>
      %select_n3A_820 = arith.select %lt3A_816, %sub3A_819, %bitcast_convert_type3A_813 : vector<16xi1>, vector<16xi32>
      %shift_right_arithmetic3A_821 = arith.constant 20 : i32
      %shift_right_arithmetic3A_822 = vector.broadcast %shift_right_arithmetic3A_821 : i32 to vector<16xi32>
      %shift_right_arithmetic3A_823 = arith.shrsi %select_n3A_820, %shift_right_arithmetic3A_822 : vector<16xi32>
      %add3A_824 = arith.constant 2048 : i32
      %add3A_825 = vector.broadcast %add3A_824 : i32 to vector<16xi32>
      %add3A_826 = arith.addi %shift_right_arithmetic3A_823, %add3A_825 : vector<16xi32>
      %gather3A_827 = tpu.vector_load_idx %arg8[%add3A_826] : memref<4096xi32, #tpu.memory_space<vmem>>[vector<16xi32>], vector<16xi32>,
      %ge3A_828 = arith.constant 0 : i32
      %ge3A_829 = vector.broadcast %ge3A_828 : i32 to vector<16xi32>
      %ge3A_830 = arith.cmpi sge, %gather3A_827, %ge3A_829 : vector<16xi32>
      %shift_right_arithmetic3A_831 = arith.constant 8 : i32
      %shift_right_arithmetic3A_832 = vector.broadcast %shift_right_arithmetic3A_831 : i32 to vector<16xi32>
      %shift_right_arithmetic3A_833 = arith.shrsi %select_n3A_820, %shift_right_arithmetic3A_832 : vector<16xi32>
      %and3A_834 = arith.constant 4095 : i32
      %and3A_835 = vector.broadcast %and3A_834 : i32 to vector<16xi32>
      %and3A_836 = arith.andi %shift_right_arithmetic3A_833, %and3A_835 : vector<16xi32>
      %mul3A_837 = arith.constant 4096 : i32
      %mul3A_838 = vector.broadcast %mul3A_837 : i32 to vector<16xi32>
      %mul3A_839 = arith.muli %gather3A_827, %mul3A_838 : vector<16xi32>
      %add3A_840 = arith.addi %mul3A_839, %and3A_836 : vector<16xi32>
      %jit3A_841 = arith.constant 0 : i32
      %broadcast_in_dim3A_842 = vector.broadcast %jit3A_841 : i32 to vector<16xi32>
      %select_n3A_843 = arith.select %ge3A_830, %add3A_840, %broadcast_in_dim3A_842 : vector<16xi1>, vector<16xi32>
      tpu.vector_store_idx %arg9[%select_n3A_843], %broadcast_in_dim3A_1 masked %ge3A_830 {add = true} : memref<32768xi32, #tpu.memory_space<vmem>>[vector<16xi32>], vector<16xi32>, vector<16xi1>
      %scan3A_844 = arith.constant 5 : i32
      %scan3A_845 = arith.addi %scan3A_665, %scan3A_844 : i32
      %mul3A_846 = arith.constant 16 : i32
      %mul3A_847 = arith.muli %scan3A_845, %mul3A_846 : i32
      %get3A_848 = arith.index_cast %mul3A_847 : i32 to index
      %get3A_849 = tpu.vector_load %arg5[%get3A_848] {strides = array<i32>} : memref<32768xf32, #tpu.memory_space<vmem>>, vector<16xf32>,
      %bitcast_convert_type3A_850 = tpu.bitcast %get3A_849 : vector<16xf32> -> vector<16xi32>
      %lt3A_851 = arith.constant 0 : i32
      %lt3A_852 = vector.broadcast %lt3A_851 : i32 to vector<16xi32>
      %lt3A_853 = arith.cmpi slt, %bitcast_convert_type3A_850, %lt3A_852 : vector<16xi32>
      %sub3A_854 = arith.constant -2147483648 : i32
      %sub3A_855 = vector.broadcast %sub3A_854 : i32 to vector<16xi32>
      %sub3A_856 = arith.subi %sub3A_855, %bitcast_convert_type3A_850 : vector<16xi32>
      %select_n3A_857 = arith.select %lt3A_853, %sub3A_856, %bitcast_convert_type3A_850 : vector<16xi1>, vector<16xi32>
      %shift_right_arithmetic3A_858 = arith.constant 20 : i32
      %shift_right_arithmetic3A_859 = vector.broadcast %shift_right_arithmetic3A_858 : i32 to vector<16xi32>
      %shift_right_arithmetic3A_860 = arith.shrsi %select_n3A_857, %shift_right_arithmetic3A_859 : vector<16xi32>
      %add3A_861 = arith.constant 2048 : i32
      %add3A_862 = vector.broadcast %add3A_861 : i32 to vector<16xi32>
      %add3A_863 = arith.addi %shift_right_arithmetic3A_860, %add3A_862 : vector<16xi32>
      %gather3A_864 = tpu.vector_load_idx %arg8[%add3A_863] : memref<4096xi32, #tpu.memory_space<vmem>>[vector<16xi32>], vector<16xi32>,
      %ge3A_865 = arith.constant 0 : i32
      %ge3A_866 = vector.broadcast %ge3A_865 : i32 to vector<16xi32>
      %ge3A_867 = arith.cmpi sge, %gather3A_864, %ge3A_866 : vector<16xi32>
      %shift_right_arithmetic3A_868 = arith.constant 8 : i32
      %shift_right_arithmetic3A_869 = vector.broadcast %shift_right_arithmetic3A_868 : i32 to vector<16xi32>
      %shift_right_arithmetic3A_870 = arith.shrsi %select_n3A_857, %shift_right_arithmetic3A_869 : vector<16xi32>
      %and3A_871 = arith.constant 4095 : i32
      %and3A_872 = vector.broadcast %and3A_871 : i32 to vector<16xi32>
      %and3A_873 = arith.andi %shift_right_arithmetic3A_870, %and3A_872 : vector<16xi32>
      %mul3A_874 = arith.constant 4096 : i32
      %mul3A_875 = vector.broadcast %mul3A_874 : i32 to vector<16xi32>
      %mul3A_876 = arith.muli %gather3A_864, %mul3A_875 : vector<16xi32>
      %add3A_877 = arith.addi %mul3A_876, %and3A_873 : vector<16xi32>
      %jit3A_878 = arith.constant 0 : i32
      %broadcast_in_dim3A_879 = vector.broadcast %jit3A_878 : i32 to vector<16xi32>
      %select_n3A_880 = arith.select %ge3A_867, %add3A_877, %broadcast_in_dim3A_879 : vector<16xi1>, vector<16xi32>
      tpu.vector_store_idx %arg9[%select_n3A_880], %broadcast_in_dim3A_1 masked %ge3A_867 {add = true} : memref<32768xi32, #tpu.memory_space<vmem>>[vector<16xi32>], vector<16xi32>, vector<16xi1>
      %scan3A_881 = arith.constant 6 : i32
      %scan3A_882 = arith.addi %scan3A_665, %scan3A_881 : i32
      %mul3A_883 = arith.constant 16 : i32
      %mul3A_884 = arith.muli %scan3A_882, %mul3A_883 : i32
      %get3A_885 = arith.index_cast %mul3A_884 : i32 to index
      %get3A_886 = tpu.vector_load %arg5[%get3A_885] {strides = array<i32>} : memref<32768xf32, #tpu.memory_space<vmem>>, vector<16xf32>,
      %bitcast_convert_type3A_887 = tpu.bitcast %get3A_886 : vector<16xf32> -> vector<16xi32>
      %lt3A_888 = arith.constant 0 : i32
      %lt3A_889 = vector.broadcast %lt3A_888 : i32 to vector<16xi32>
      %lt3A_890 = arith.cmpi slt, %bitcast_convert_type3A_887, %lt3A_889 : vector<16xi32>
      %sub3A_891 = arith.constant -2147483648 : i32
      %sub3A_892 = vector.broadcast %sub3A_891 : i32 to vector<16xi32>
      %sub3A_893 = arith.subi %sub3A_892, %bitcast_convert_type3A_887 : vector<16xi32>
      %select_n3A_894 = arith.select %lt3A_890, %sub3A_893, %bitcast_convert_type3A_887 : vector<16xi1>, vector<16xi32>
      %shift_right_arithmetic3A_895 = arith.constant 20 : i32
      %shift_right_arithmetic3A_896 = vector.broadcast %shift_right_arithmetic3A_895 : i32 to vector<16xi32>
      %shift_right_arithmetic3A_897 = arith.shrsi %select_n3A_894, %shift_right_arithmetic3A_896 : vector<16xi32>
      %add3A_898 = arith.constant 2048 : i32
      %add3A_899 = vector.broadcast %add3A_898 : i32 to vector<16xi32>
      %add3A_900 = arith.addi %shift_right_arithmetic3A_897, %add3A_899 : vector<16xi32>
      %gather3A_901 = tpu.vector_load_idx %arg8[%add3A_900] : memref<4096xi32, #tpu.memory_space<vmem>>[vector<16xi32>], vector<16xi32>,
      %ge3A_902 = arith.constant 0 : i32
      %ge3A_903 = vector.broadcast %ge3A_902 : i32 to vector<16xi32>
      %ge3A_904 = arith.cmpi sge, %gather3A_901, %ge3A_903 : vector<16xi32>
      %shift_right_arithmetic3A_905 = arith.constant 8 : i32
      %shift_right_arithmetic3A_906 = vector.broadcast %shift_right_arithmetic3A_905 : i32 to vector<16xi32>
      %shift_right_arithmetic3A_907 = arith.shrsi %select_n3A_894, %shift_right_arithmetic3A_906 : vector<16xi32>
      %and3A_908 = arith.constant 4095 : i32
      %and3A_909 = vector.broadcast %and3A_908 : i32 to vector<16xi32>
      %and3A_910 = arith.andi %shift_right_arithmetic3A_907, %and3A_909 : vector<16xi32>
      %mul3A_911 = arith.constant 4096 : i32
      %mul3A_912 = vector.broadcast %mul3A_911 : i32 to vector<16xi32>
      %mul3A_913 = arith.muli %gather3A_901, %mul3A_912 : vector<16xi32>
      %add3A_914 = arith.addi %mul3A_913, %and3A_910 : vector<16xi32>
      %jit3A_915 = arith.constant 0 : i32
      %broadcast_in_dim3A_916 = vector.broadcast %jit3A_915 : i32 to vector<16xi32>
      %select_n3A_917 = arith.select %ge3A_904, %add3A_914, %broadcast_in_dim3A_916 : vector<16xi1>, vector<16xi32>
      tpu.vector_store_idx %arg9[%select_n3A_917], %broadcast_in_dim3A_1 masked %ge3A_904 {add = true} : memref<32768xi32, #tpu.memory_space<vmem>>[vector<16xi32>], vector<16xi32>, vector<16xi1>
      %scan3A_918 = arith.constant 7 : i32
      %scan3A_919 = arith.addi %scan3A_665, %scan3A_918 : i32
      %mul3A_920 = arith.constant 16 : i32
      %mul3A_921 = arith.muli %scan3A_919, %mul3A_920 : i32
      %get3A_922 = arith.index_cast %mul3A_921 : i32 to index
      %get3A_923 = tpu.vector_load %arg5[%get3A_922] {strides = array<i32>} : memref<32768xf32, #tpu.memory_space<vmem>>, vector<16xf32>,
      %bitcast_convert_type3A_924 = tpu.bitcast %get3A_923 : vector<16xf32> -> vector<16xi32>
      %lt3A_925 = arith.constant 0 : i32
      %lt3A_926 = vector.broadcast %lt3A_925 : i32 to vector<16xi32>
      %lt3A_927 = arith.cmpi slt, %bitcast_convert_type3A_924, %lt3A_926 : vector<16xi32>
      %sub3A_928 = arith.constant -2147483648 : i32
      %sub3A_929 = vector.broadcast %sub3A_928 : i32 to vector<16xi32>
      %sub3A_930 = arith.subi %sub3A_929, %bitcast_convert_type3A_924 : vector<16xi32>
      %select_n3A_931 = arith.select %lt3A_927, %sub3A_930, %bitcast_convert_type3A_924 : vector<16xi1>, vector<16xi32>
      %shift_right_arithmetic3A_932 = arith.constant 20 : i32
      %shift_right_arithmetic3A_933 = vector.broadcast %shift_right_arithmetic3A_932 : i32 to vector<16xi32>
      %shift_right_arithmetic3A_934 = arith.shrsi %select_n3A_931, %shift_right_arithmetic3A_933 : vector<16xi32>
      %add3A_935 = arith.constant 2048 : i32
      %add3A_936 = vector.broadcast %add3A_935 : i32 to vector<16xi32>
      %add3A_937 = arith.addi %shift_right_arithmetic3A_934, %add3A_936 : vector<16xi32>
      %gather3A_938 = tpu.vector_load_idx %arg8[%add3A_937] : memref<4096xi32, #tpu.memory_space<vmem>>[vector<16xi32>], vector<16xi32>,
      %ge3A_939 = arith.constant 0 : i32
      %ge3A_940 = vector.broadcast %ge3A_939 : i32 to vector<16xi32>
      %ge3A_941 = arith.cmpi sge, %gather3A_938, %ge3A_940 : vector<16xi32>
      %shift_right_arithmetic3A_942 = arith.constant 8 : i32
      %shift_right_arithmetic3A_943 = vector.broadcast %shift_right_arithmetic3A_942 : i32 to vector<16xi32>
      %shift_right_arithmetic3A_944 = arith.shrsi %select_n3A_931, %shift_right_arithmetic3A_943 : vector<16xi32>
      %and3A_945 = arith.constant 4095 : i32
      %and3A_946 = vector.broadcast %and3A_945 : i32 to vector<16xi32>
      %and3A_947 = arith.andi %shift_right_arithmetic3A_944, %and3A_946 : vector<16xi32>
      %mul3A_948 = arith.constant 4096 : i32
      %mul3A_949 = vector.broadcast %mul3A_948 : i32 to vector<16xi32>
      %mul3A_950 = arith.muli %gather3A_938, %mul3A_949 : vector<16xi32>
      %add3A_951 = arith.addi %mul3A_950, %and3A_947 : vector<16xi32>
      %jit3A_952 = arith.constant 0 : i32
      %broadcast_in_dim3A_953 = vector.broadcast %jit3A_952 : i32 to vector<16xi32>
      %select_n3A_954 = arith.select %ge3A_941, %add3A_951, %broadcast_in_dim3A_953 : vector<16xi1>, vector<16xi32>
      tpu.vector_store_idx %arg9[%select_n3A_954], %broadcast_in_dim3A_1 masked %ge3A_941 {add = true} : memref<32768xi32, #tpu.memory_space<vmem>>[vector<16xi32>], vector<16xi32>, vector<16xi1>
    }
    %scan3A_314 = arith.constant 2048 : i32
    %broadcast_in_dim3A_315 = vector.broadcast %sub3A_43 : i32 to vector<16xi32>
    %gather3A_316 = tpu.vector_load_idx %arg8[%broadcast_in_dim3A_315] : memref<4096xi32, #tpu.memory_space<vmem>>[vector<16xi32>], vector<16xi32>,
    %reduce_max3A_317 = arith.constant true
    %reduce_max3A_318 = vector.broadcast %reduce_max3A_317 : i1 to vector<16xi1>
    %reduce_max3A_319 = arith.constant -2147483648 : i32
    %reduce_max3A_320 = vector.broadcast %reduce_max3A_319 : i32 to vector<16xi32>
    %reduce_max3A_321 = arith.xori %gather3A_316, %reduce_max3A_320 : vector<16xi32>
    %reduce_max3A_322 = tpu.scan <max>, %reduce_max3A_321 masked %reduce_max3A_318 : vector<16xi32>, vector<16xi1> -> vector<16xi32>
    %reduce_max3A_323 = arith.xori %reduce_max3A_322, %reduce_max3A_320 : vector<16xi32>
    %reduce_max3A_324 = vector.extract %reduce_max3A_323[15] : i32 from vector<16xi32>
    %mul3A_325 = arith.constant 4096 : i32
    %mul3A_326 = arith.muli %reduce_max3A_324, %mul3A_325 : i32
    %scan3A_327 = arith.constant 0 : i32
    %scan3A_328 = arith.constant 0 : i32
    %scan3A_329 = arith.constant 256 : i32
    %scan3A_330 = arith.addi %scan3A_328, %scan3A_329 : i32
    %scan3A_331 = arith.constant 4 : i32
    %scan3A_332:2 = scf.for %scan3A_665 = %scan3A_328 to %scan3A_330 step %scan3A_331 iter_args(%scan3A_666 = %scan3A_327, %scan3A_667 = %broadcast_in_dim3A_3) -> (i32, vector<16xi32>)  : i32 {
      %sub3A_668 = arith.constant 255 : i32
      %sub3A_669 = arith.subi %sub3A_668, %scan3A_665 : i32
      %mul3A_670 = arith.constant 16 : i32
      %mul3A_671 = arith.muli %sub3A_669, %mul3A_670 : i32
      %add3A_672 = arith.addi %mul3A_326, %mul3A_671 : i32
      %get3A_673 = arith.index_cast %add3A_672 : i32 to index
      %get3A_674 = tpu.vector_load %arg9[%get3A_673] {strides = array<i32>} : memref<32768xi32, #tpu.memory_space<vmem>>, vector<16xi32>,
      %rev3A = arith.constant 15 : i32
      %rev3A_675 = vector.broadcast %rev3A : i32 to vector<16xi32>
      %rev3A_676 = tpu.iota {dimensions = array<i32: 0>} : vector<16xi32>
      %rev3A_677 = arith.subi %rev3A_675, %rev3A_676 : vector<16xi32>
      %rev3A_678 = tpu.dynamic_gather %get3A_674[%rev3A_677] in [0] : vector<16xi32>, vector<16xi32> -> vector<16xi32>
      %broadcast_in_dim3A_679 = arith.constant true
      %broadcast_in_dim3A_680 = vector.broadcast %broadcast_in_dim3A_679 : i1 to vector<16xi1>
      %masked_cumsum3A = tpu.scan <sum>, %rev3A_678 masked %broadcast_in_dim3A_680 : vector<16xi32>, vector<16xi1> -> vector<16xi32>
      %add3A_681 = vector.broadcast %scan3A_666 : i32 to vector<16xi32>
      %add3A_682 = arith.addi %masked_cumsum3A, %add3A_681 : vector<16xi32>
      %ge3A = vector.broadcast %sub3A_55 : i32 to vector<16xi32>
      %ge3A_683 = arith.cmpi sge, %add3A_682, %ge3A : vector<16xi32>
      %all_reduce_population_count3A = tpu.all_reduce %ge3A_683 {dim = 0 : i64, kind = #tpu.reduction_kind<sum>} : vector<16xi1> -> vector<16xi32>
      %add3A_684 = arith.addi %scan3A_667, %all_reduce_population_count3A : vector<16xi32>
      %reduce_max3A_685 = arith.constant true
      %reduce_max3A_686 = vector.broadcast %reduce_max3A_685 : i1 to vector<16xi1>
      %reduce_max3A_687 = arith.constant -2147483648 : i32
      %reduce_max3A_688 = vector.broadcast %reduce_max3A_687 : i32 to vector<16xi32>
      %reduce_max3A_689 = arith.xori %add3A_682, %reduce_max3A_688 : vector<16xi32>
      %reduce_max3A_690 = tpu.scan <max>, %reduce_max3A_689 masked %reduce_max3A_686 : vector<16xi32>, vector<16xi1> -> vector<16xi32>
      %reduce_max3A_691 = arith.xori %reduce_max3A_690, %reduce_max3A_688 : vector<16xi32>
      %reduce_max3A_692 = vector.extract %reduce_max3A_691[15] : i32 from vector<16xi32>
      %scan3A_693 = arith.constant 1 : i32
      %scan3A_694 = arith.addi %scan3A_665, %scan3A_693 : i32
      %sub3A_695 = arith.constant 255 : i32
      %sub3A_696 = arith.subi %sub3A_695, %scan3A_694 : i32
      %mul3A_697 = arith.constant 16 : i32
      %mul3A_698 = arith.muli %sub3A_696, %mul3A_697 : i32
      %add3A_699 = arith.addi %mul3A_326, %mul3A_698 : i32
      %get3A_700 = arith.index_cast %add3A_699 : i32 to index
      %get3A_701 = tpu.vector_load %arg9[%get3A_700] {strides = array<i32>} : memref<32768xi32, #tpu.memory_space<vmem>>, vector<16xi32>,
      %rev3A_702 = arith.constant 15 : i32
      %rev3A_703 = vector.broadcast %rev3A_702 : i32 to vector<16xi32>
      %rev3A_704 = tpu.iota {dimensions = array<i32: 0>} : vector<16xi32>
      %rev3A_705 = arith.subi %rev3A_703, %rev3A_704 : vector<16xi32>
      %rev3A_706 = tpu.dynamic_gather %get3A_701[%rev3A_705] in [0] : vector<16xi32>, vector<16xi32> -> vector<16xi32>
      %broadcast_in_dim3A_707 = arith.constant true
      %broadcast_in_dim3A_708 = vector.broadcast %broadcast_in_dim3A_707 : i1 to vector<16xi1>
      %masked_cumsum3A_709 = tpu.scan <sum>, %rev3A_706 masked %broadcast_in_dim3A_708 : vector<16xi32>, vector<16xi1> -> vector<16xi32>
      %add3A_710 = vector.broadcast %reduce_max3A_692 : i32 to vector<16xi32>
      %add3A_711 = arith.addi %masked_cumsum3A_709, %add3A_710 : vector<16xi32>
      %ge3A_712 = vector.broadcast %sub3A_55 : i32 to vector<16xi32>
      %ge3A_713 = arith.cmpi sge, %add3A_711, %ge3A_712 : vector<16xi32>
      %all_reduce_population_count3A_714 = tpu.all_reduce %ge3A_713 {dim = 0 : i64, kind = #tpu.reduction_kind<sum>} : vector<16xi1> -> vector<16xi32>
      %add3A_715 = arith.addi %add3A_684, %all_reduce_population_count3A_714 : vector<16xi32>
      %reduce_max3A_716 = arith.constant true
      %reduce_max3A_717 = vector.broadcast %reduce_max3A_716 : i1 to vector<16xi1>
      %reduce_max3A_718 = arith.constant -2147483648 : i32
      %reduce_max3A_719 = vector.broadcast %reduce_max3A_718 : i32 to vector<16xi32>
      %reduce_max3A_720 = arith.xori %add3A_711, %reduce_max3A_719 : vector<16xi32>
      %reduce_max3A_721 = tpu.scan <max>, %reduce_max3A_720 masked %reduce_max3A_717 : vector<16xi32>, vector<16xi1> -> vector<16xi32>
      %reduce_max3A_722 = arith.xori %reduce_max3A_721, %reduce_max3A_719 : vector<16xi32>
      %reduce_max3A_723 = vector.extract %reduce_max3A_722[15] : i32 from vector<16xi32>
      %scan3A_724 = arith.constant 2 : i32
      %scan3A_725 = arith.addi %scan3A_665, %scan3A_724 : i32
      %sub3A_726 = arith.constant 255 : i32
      %sub3A_727 = arith.subi %sub3A_726, %scan3A_725 : i32
      %mul3A_728 = arith.constant 16 : i32
      %mul3A_729 = arith.muli %sub3A_727, %mul3A_728 : i32
      %add3A_730 = arith.addi %mul3A_326, %mul3A_729 : i32
      %get3A_731 = arith.index_cast %add3A_730 : i32 to index
      %get3A_732 = tpu.vector_load %arg9[%get3A_731] {strides = array<i32>} : memref<32768xi32, #tpu.memory_space<vmem>>, vector<16xi32>,
      %rev3A_733 = arith.constant 15 : i32
      %rev3A_734 = vector.broadcast %rev3A_733 : i32 to vector<16xi32>
      %rev3A_735 = tpu.iota {dimensions = array<i32: 0>} : vector<16xi32>
      %rev3A_736 = arith.subi %rev3A_734, %rev3A_735 : vector<16xi32>
      %rev3A_737 = tpu.dynamic_gather %get3A_732[%rev3A_736] in [0] : vector<16xi32>, vector<16xi32> -> vector<16xi32>
      %broadcast_in_dim3A_738 = arith.constant true
      %broadcast_in_dim3A_739 = vector.broadcast %broadcast_in_dim3A_738 : i1 to vector<16xi1>
      %masked_cumsum3A_740 = tpu.scan <sum>, %rev3A_737 masked %broadcast_in_dim3A_739 : vector<16xi32>, vector<16xi1> -> vector<16xi32>
      %add3A_741 = vector.broadcast %reduce_max3A_723 : i32 to vector<16xi32>
      %add3A_742 = arith.addi %masked_cumsum3A_740, %add3A_741 : vector<16xi32>
      %ge3A_743 = vector.broadcast %sub3A_55 : i32 to vector<16xi32>
      %ge3A_744 = arith.cmpi sge, %add3A_742, %ge3A_743 : vector<16xi32>
      %all_reduce_population_count3A_745 = tpu.all_reduce %ge3A_744 {dim = 0 : i64, kind = #tpu.reduction_kind<sum>} : vector<16xi1> -> vector<16xi32>
      %add3A_746 = arith.addi %add3A_715, %all_reduce_population_count3A_745 : vector<16xi32>
      %reduce_max3A_747 = arith.constant true
      %reduce_max3A_748 = vector.broadcast %reduce_max3A_747 : i1 to vector<16xi1>
      %reduce_max3A_749 = arith.constant -2147483648 : i32
      %reduce_max3A_750 = vector.broadcast %reduce_max3A_749 : i32 to vector<16xi32>
      %reduce_max3A_751 = arith.xori %add3A_742, %reduce_max3A_750 : vector<16xi32>
      %reduce_max3A_752 = tpu.scan <max>, %reduce_max3A_751 masked %reduce_max3A_748 : vector<16xi32>, vector<16xi1> -> vector<16xi32>
      %reduce_max3A_753 = arith.xori %reduce_max3A_752, %reduce_max3A_750 : vector<16xi32>
      %reduce_max3A_754 = vector.extract %reduce_max3A_753[15] : i32 from vector<16xi32>
      %scan3A_755 = arith.constant 3 : i32
      %scan3A_756 = arith.addi %scan3A_665, %scan3A_755 : i32
      %sub3A_757 = arith.constant 255 : i32
      %sub3A_758 = arith.subi %sub3A_757, %scan3A_756 : i32
      %mul3A_759 = arith.constant 16 : i32
      %mul3A_760 = arith.muli %sub3A_758, %mul3A_759 : i32
      %add3A_761 = arith.addi %mul3A_326, %mul3A_760 : i32
      %get3A_762 = arith.index_cast %add3A_761 : i32 to index
      %get3A_763 = tpu.vector_load %arg9[%get3A_762] {strides = array<i32>} : memref<32768xi32, #tpu.memory_space<vmem>>, vector<16xi32>,
      %rev3A_764 = arith.constant 15 : i32
      %rev3A_765 = vector.broadcast %rev3A_764 : i32 to vector<16xi32>
      %rev3A_766 = tpu.iota {dimensions = array<i32: 0>} : vector<16xi32>
      %rev3A_767 = arith.subi %rev3A_765, %rev3A_766 : vector<16xi32>
      %rev3A_768 = tpu.dynamic_gather %get3A_763[%rev3A_767] in [0] : vector<16xi32>, vector<16xi32> -> vector<16xi32>
      %broadcast_in_dim3A_769 = arith.constant true
      %broadcast_in_dim3A_770 = vector.broadcast %broadcast_in_dim3A_769 : i1 to vector<16xi1>
      %masked_cumsum3A_771 = tpu.scan <sum>, %rev3A_768 masked %broadcast_in_dim3A_770 : vector<16xi32>, vector<16xi1> -> vector<16xi32>
      %add3A_772 = vector.broadcast %reduce_max3A_754 : i32 to vector<16xi32>
      %add3A_773 = arith.addi %masked_cumsum3A_771, %add3A_772 : vector<16xi32>
      %ge3A_774 = vector.broadcast %sub3A_55 : i32 to vector<16xi32>
      %ge3A_775 = arith.cmpi sge, %add3A_773, %ge3A_774 : vector<16xi32>
      %all_reduce_population_count3A_776 = tpu.all_reduce %ge3A_775 {dim = 0 : i64, kind = #tpu.reduction_kind<sum>} : vector<16xi1> -> vector<16xi32>
      %add3A_777 = arith.addi %add3A_746, %all_reduce_population_count3A_776 : vector<16xi32>
      %reduce_max3A_778 = arith.constant true
      %reduce_max3A_779 = vector.broadcast %reduce_max3A_778 : i1 to vector<16xi1>
      %reduce_max3A_780 = arith.constant -2147483648 : i32
      %reduce_max3A_781 = vector.broadcast %reduce_max3A_780 : i32 to vector<16xi32>
      %reduce_max3A_782 = arith.xori %add3A_773, %reduce_max3A_781 : vector<16xi32>
      %reduce_max3A_783 = tpu.scan <max>, %reduce_max3A_782 masked %reduce_max3A_779 : vector<16xi32>, vector<16xi1> -> vector<16xi32>
      %reduce_max3A_784 = arith.xori %reduce_max3A_783, %reduce_max3A_781 : vector<16xi32>
      %reduce_max3A_785 = vector.extract %reduce_max3A_784[15] : i32 from vector<16xi32>
      scf.yield %reduce_max3A_785, %add3A_777 : i32, vector<16xi32>
    }
    %scan3A_333 = arith.constant 256 : i32
    %reduce_max3A_334 = arith.constant true
    %reduce_max3A_335 = vector.broadcast %reduce_max3A_334 : i1 to vector<16xi1>
    %reduce_max3A_336 = arith.constant -2147483648 : i32
    %reduce_max3A_337 = vector.broadcast %reduce_max3A_336 : i32 to vector<16xi32>
    %reduce_max3A_338 = arith.xori %scan3A_332#1, %reduce_max3A_337 : vector<16xi32>
    %reduce_max3A_339 = tpu.scan <max>, %reduce_max3A_338 masked %reduce_max3A_335 : vector<16xi32>, vector<16xi1> -> vector<16xi32>
    %reduce_max3A_340 = arith.xori %reduce_max3A_339, %reduce_max3A_337 : vector<16xi32>
    %reduce_max3A_341 = vector.extract %reduce_max3A_340[15] : i32 from vector<16xi32>
    %sub3A_342 = arith.constant 1 : i32
    %sub3A_343 = arith.subi %reduce_max3A_341, %sub3A_342 : i32
    %sub3A_344 = arith.constant 2048 : i32
    %sub3A_345 = arith.subi %sub3A_43, %sub3A_344 : i32
    %shift_left3A = arith.constant 20 : i32
    %shift_left3A_346 = arith.shli %sub3A_345, %shift_left3A : i32
    %shift_left3A_347 = arith.constant 8 : i32
    %shift_left3A_348 = arith.shli %sub3A_343, %shift_left3A_347 : i32
    %or3A = arith.ori %shift_left3A_346, %shift_left3A_348 : i32
    %lt3A = arith.constant 0 : i32
    %lt3A_349 = arith.cmpi slt, %or3A, %lt3A : i32
    %sub3A_350 = arith.constant -2147483648 : i32
    %sub3A_351 = arith.subi %sub3A_350, %or3A : i32
    %select_n3A = arith.select %lt3A_349, %sub3A_351, %or3A : i32
    %broadcast_in_dim3A_352 = arith.constant 0 : i32
    %broadcast_in_dim3A_353 = vector.broadcast %broadcast_in_dim3A_352 : i32 to vector<16xi32>
    %broadcast_in_dim3A_354 = vector.broadcast %select_n3A : i32 to vector<16xi32>
    tpu.vector_store_idx %arg11[%broadcast_in_dim3A_353], %broadcast_in_dim3A_354 masked %eq3A_8 : memref<16xi32, #tpu.memory_space<vmem>>[vector<16xi32>], vector<16xi32>, vector<16xi1>
    %broadcast_in_dim3A_355 = vector.broadcast %sub3A_73 : i32 to vector<16xi32>
    %gather3A_356 = tpu.vector_load_idx %arg8[%broadcast_in_dim3A_355] : memref<4096xi32, #tpu.memory_space<vmem>>[vector<16xi32>], vector<16xi32>,
    %reduce_max3A_357 = arith.constant true
    %reduce_max3A_358 = vector.broadcast %reduce_max3A_357 : i1 to vector<16xi1>
    %reduce_max3A_359 = arith.constant -2147483648 : i32
    %reduce_max3A_360 = vector.broadcast %reduce_max3A_359 : i32 to vector<16xi32>
    %reduce_max3A_361 = arith.xori %gather3A_356, %reduce_max3A_360 : vector<16xi32>
    %reduce_max3A_362 = tpu.scan <max>, %reduce_max3A_361 masked %reduce_max3A_358 : vector<16xi32>, vector<16xi1> -> vector<16xi32>
    %reduce_max3A_363 = arith.xori %reduce_max3A_362, %reduce_max3A_360 : vector<16xi32>
    %reduce_max3A_364 = vector.extract %reduce_max3A_363[15] : i32 from vector<16xi32>
    %mul3A_365 = arith.constant 4096 : i32
    %mul3A_366 = arith.muli %reduce_max3A_364, %mul3A_365 : i32
    %scan3A_367 = arith.constant 0 : i32
    %scan3A_368 = arith.constant 0 : i32
    %scan3A_369 = arith.constant 256 : i32
    %scan3A_370 = arith.addi %scan3A_368, %scan3A_369 : i32
    %scan3A_371 = arith.constant 4 : i32
    %scan3A_372:2 = scf.for %scan3A_665 = %scan3A_368 to %scan3A_370 step %scan3A_371 iter_args(%scan3A_666 = %scan3A_367, %scan3A_667 = %broadcast_in_dim3A_3) -> (i32, vector<16xi32>)  : i32 {
      %sub3A_668 = arith.constant 255 : i32
      %sub3A_669 = arith.subi %sub3A_668, %scan3A_665 : i32
      %mul3A_670 = arith.constant 16 : i32
      %mul3A_671 = arith.muli %sub3A_669, %mul3A_670 : i32
      %add3A_672 = arith.addi %mul3A_366, %mul3A_671 : i32
      %get3A_673 = arith.index_cast %add3A_672 : i32 to index
      %get3A_674 = tpu.vector_load %arg9[%get3A_673] {strides = array<i32>} : memref<32768xi32, #tpu.memory_space<vmem>>, vector<16xi32>,
      %rev3A = arith.constant 15 : i32
      %rev3A_675 = vector.broadcast %rev3A : i32 to vector<16xi32>
      %rev3A_676 = tpu.iota {dimensions = array<i32: 0>} : vector<16xi32>
      %rev3A_677 = arith.subi %rev3A_675, %rev3A_676 : vector<16xi32>
      %rev3A_678 = tpu.dynamic_gather %get3A_674[%rev3A_677] in [0] : vector<16xi32>, vector<16xi32> -> vector<16xi32>
      %broadcast_in_dim3A_679 = arith.constant true
      %broadcast_in_dim3A_680 = vector.broadcast %broadcast_in_dim3A_679 : i1 to vector<16xi1>
      %masked_cumsum3A = tpu.scan <sum>, %rev3A_678 masked %broadcast_in_dim3A_680 : vector<16xi32>, vector<16xi1> -> vector<16xi32>
      %add3A_681 = vector.broadcast %scan3A_666 : i32 to vector<16xi32>
      %add3A_682 = arith.addi %masked_cumsum3A, %add3A_681 : vector<16xi32>
      %ge3A = vector.broadcast %sub3A_86 : i32 to vector<16xi32>
      %ge3A_683 = arith.cmpi sge, %add3A_682, %ge3A : vector<16xi32>
      %all_reduce_population_count3A = tpu.all_reduce %ge3A_683 {dim = 0 : i64, kind = #tpu.reduction_kind<sum>} : vector<16xi1> -> vector<16xi32>
      %add3A_684 = arith.addi %scan3A_667, %all_reduce_population_count3A : vector<16xi32>
      %reduce_max3A_685 = arith.constant true
      %reduce_max3A_686 = vector.broadcast %reduce_max3A_685 : i1 to vector<16xi1>
      %reduce_max3A_687 = arith.constant -2147483648 : i32
      %reduce_max3A_688 = vector.broadcast %reduce_max3A_687 : i32 to vector<16xi32>
      %reduce_max3A_689 = arith.xori %add3A_682, %reduce_max3A_688 : vector<16xi32>
      %reduce_max3A_690 = tpu.scan <max>, %reduce_max3A_689 masked %reduce_max3A_686 : vector<16xi32>, vector<16xi1> -> vector<16xi32>
      %reduce_max3A_691 = arith.xori %reduce_max3A_690, %reduce_max3A_688 : vector<16xi32>
      %reduce_max3A_692 = vector.extract %reduce_max3A_691[15] : i32 from vector<16xi32>
      %scan3A_693 = arith.constant 1 : i32
      %scan3A_694 = arith.addi %scan3A_665, %scan3A_693 : i32
      %sub3A_695 = arith.constant 255 : i32
      %sub3A_696 = arith.subi %sub3A_695, %scan3A_694 : i32
      %mul3A_697 = arith.constant 16 : i32
      %mul3A_698 = arith.muli %sub3A_696, %mul3A_697 : i32
      %add3A_699 = arith.addi %mul3A_366, %mul3A_698 : i32
      %get3A_700 = arith.index_cast %add3A_699 : i32 to index
      %get3A_701 = tpu.vector_load %arg9[%get3A_700] {strides = array<i32>} : memref<32768xi32, #tpu.memory_space<vmem>>, vector<16xi32>,
      %rev3A_702 = arith.constant 15 : i32
      %rev3A_703 = vector.broadcast %rev3A_702 : i32 to vector<16xi32>
      %rev3A_704 = tpu.iota {dimensions = array<i32: 0>} : vector<16xi32>
      %rev3A_705 = arith.subi %rev3A_703, %rev3A_704 : vector<16xi32>
      %rev3A_706 = tpu.dynamic_gather %get3A_701[%rev3A_705] in [0] : vector<16xi32>, vector<16xi32> -> vector<16xi32>
      %broadcast_in_dim3A_707 = arith.constant true
      %broadcast_in_dim3A_708 = vector.broadcast %broadcast_in_dim3A_707 : i1 to vector<16xi1>
      %masked_cumsum3A_709 = tpu.scan <sum>, %rev3A_706 masked %broadcast_in_dim3A_708 : vector<16xi32>, vector<16xi1> -> vector<16xi32>
      %add3A_710 = vector.broadcast %reduce_max3A_692 : i32 to vector<16xi32>
      %add3A_711 = arith.addi %masked_cumsum3A_709, %add3A_710 : vector<16xi32>
      %ge3A_712 = vector.broadcast %sub3A_86 : i32 to vector<16xi32>
      %ge3A_713 = arith.cmpi sge, %add3A_711, %ge3A_712 : vector<16xi32>
      %all_reduce_population_count3A_714 = tpu.all_reduce %ge3A_713 {dim = 0 : i64, kind = #tpu.reduction_kind<sum>} : vector<16xi1> -> vector<16xi32>
      %add3A_715 = arith.addi %add3A_684, %all_reduce_population_count3A_714 : vector<16xi32>
      %reduce_max3A_716 = arith.constant true
      %reduce_max3A_717 = vector.broadcast %reduce_max3A_716 : i1 to vector<16xi1>
      %reduce_max3A_718 = arith.constant -2147483648 : i32
      %reduce_max3A_719 = vector.broadcast %reduce_max3A_718 : i32 to vector<16xi32>
      %reduce_max3A_720 = arith.xori %add3A_711, %reduce_max3A_719 : vector<16xi32>
      %reduce_max3A_721 = tpu.scan <max>, %reduce_max3A_720 masked %reduce_max3A_717 : vector<16xi32>, vector<16xi1> -> vector<16xi32>
      %reduce_max3A_722 = arith.xori %reduce_max3A_721, %reduce_max3A_719 : vector<16xi32>
      %reduce_max3A_723 = vector.extract %reduce_max3A_722[15] : i32 from vector<16xi32>
      %scan3A_724 = arith.constant 2 : i32
      %scan3A_725 = arith.addi %scan3A_665, %scan3A_724 : i32
      %sub3A_726 = arith.constant 255 : i32
      %sub3A_727 = arith.subi %sub3A_726, %scan3A_725 : i32
      %mul3A_728 = arith.constant 16 : i32
      %mul3A_729 = arith.muli %sub3A_727, %mul3A_728 : i32
      %add3A_730 = arith.addi %mul3A_366, %mul3A_729 : i32
      %get3A_731 = arith.index_cast %add3A_730 : i32 to index
      %get3A_732 = tpu.vector_load %arg9[%get3A_731] {strides = array<i32>} : memref<32768xi32, #tpu.memory_space<vmem>>, vector<16xi32>,
      %rev3A_733 = arith.constant 15 : i32
      %rev3A_734 = vector.broadcast %rev3A_733 : i32 to vector<16xi32>
      %rev3A_735 = tpu.iota {dimensions = array<i32: 0>} : vector<16xi32>
      %rev3A_736 = arith.subi %rev3A_734, %rev3A_735 : vector<16xi32>
      %rev3A_737 = tpu.dynamic_gather %get3A_732[%rev3A_736] in [0] : vector<16xi32>, vector<16xi32> -> vector<16xi32>
      %broadcast_in_dim3A_738 = arith.constant true
      %broadcast_in_dim3A_739 = vector.broadcast %broadcast_in_dim3A_738 : i1 to vector<16xi1>
      %masked_cumsum3A_740 = tpu.scan <sum>, %rev3A_737 masked %broadcast_in_dim3A_739 : vector<16xi32>, vector<16xi1> -> vector<16xi32>
      %add3A_741 = vector.broadcast %reduce_max3A_723 : i32 to vector<16xi32>
      %add3A_742 = arith.addi %masked_cumsum3A_740, %add3A_741 : vector<16xi32>
      %ge3A_743 = vector.broadcast %sub3A_86 : i32 to vector<16xi32>
      %ge3A_744 = arith.cmpi sge, %add3A_742, %ge3A_743 : vector<16xi32>
      %all_reduce_population_count3A_745 = tpu.all_reduce %ge3A_744 {dim = 0 : i64, kind = #tpu.reduction_kind<sum>} : vector<16xi1> -> vector<16xi32>
      %add3A_746 = arith.addi %add3A_715, %all_reduce_population_count3A_745 : vector<16xi32>
      %reduce_max3A_747 = arith.constant true
      %reduce_max3A_748 = vector.broadcast %reduce_max3A_747 : i1 to vector<16xi1>
      %reduce_max3A_749 = arith.constant -2147483648 : i32
      %reduce_max3A_750 = vector.broadcast %reduce_max3A_749 : i32 to vector<16xi32>
      %reduce_max3A_751 = arith.xori %add3A_742, %reduce_max3A_750 : vector<16xi32>
      %reduce_max3A_752 = tpu.scan <max>, %reduce_max3A_751 masked %reduce_max3A_748 : vector<16xi32>, vector<16xi1> -> vector<16xi32>
      %reduce_max3A_753 = arith.xori %reduce_max3A_752, %reduce_max3A_750 : vector<16xi32>
      %reduce_max3A_754 = vector.extract %reduce_max3A_753[15] : i32 from vector<16xi32>
      %scan3A_755 = arith.constant 3 : i32
      %scan3A_756 = arith.addi %scan3A_665, %scan3A_755 : i32
      %sub3A_757 = arith.constant 255 : i32
      %sub3A_758 = arith.subi %sub3A_757, %scan3A_756 : i32
      %mul3A_759 = arith.constant 16 : i32
      %mul3A_760 = arith.muli %sub3A_758, %mul3A_759 : i32
      %add3A_761 = arith.addi %mul3A_366, %mul3A_760 : i32
      %get3A_762 = arith.index_cast %add3A_761 : i32 to index
      %get3A_763 = tpu.vector_load %arg9[%get3A_762] {strides = array<i32>} : memref<32768xi32, #tpu.memory_space<vmem>>, vector<16xi32>,
      %rev3A_764 = arith.constant 15 : i32
      %rev3A_765 = vector.broadcast %rev3A_764 : i32 to vector<16xi32>
      %rev3A_766 = tpu.iota {dimensions = array<i32: 0>} : vector<16xi32>
      %rev3A_767 = arith.subi %rev3A_765, %rev3A_766 : vector<16xi32>
      %rev3A_768 = tpu.dynamic_gather %get3A_763[%rev3A_767] in [0] : vector<16xi32>, vector<16xi32> -> vector<16xi32>
      %broadcast_in_dim3A_769 = arith.constant true
      %broadcast_in_dim3A_770 = vector.broadcast %broadcast_in_dim3A_769 : i1 to vector<16xi1>
      %masked_cumsum3A_771 = tpu.scan <sum>, %rev3A_768 masked %broadcast_in_dim3A_770 : vector<16xi32>, vector<16xi1> -> vector<16xi32>
      %add3A_772 = vector.broadcast %reduce_max3A_754 : i32 to vector<16xi32>
      %add3A_773 = arith.addi %masked_cumsum3A_771, %add3A_772 : vector<16xi32>
      %ge3A_774 = vector.broadcast %sub3A_86 : i32 to vector<16xi32>
      %ge3A_775 = arith.cmpi sge, %add3A_773, %ge3A_774 : vector<16xi32>
      %all_reduce_population_count3A_776 = tpu.all_reduce %ge3A_775 {dim = 0 : i64, kind = #tpu.reduction_kind<sum>} : vector<16xi1> -> vector<16xi32>
      %add3A_777 = arith.addi %add3A_746, %all_reduce_population_count3A_776 : vector<16xi32>
      %reduce_max3A_778 = arith.constant true
      %reduce_max3A_779 = vector.broadcast %reduce_max3A_778 : i1 to vector<16xi1>
      %reduce_max3A_780 = arith.constant -2147483648 : i32
      %reduce_max3A_781 = vector.broadcast %reduce_max3A_780 : i32 to vector<16xi32>
      %reduce_max3A_782 = arith.xori %add3A_773, %reduce_max3A_781 : vector<16xi32>
      %reduce_max3A_783 = tpu.scan <max>, %reduce_max3A_782 masked %reduce_max3A_779 : vector<16xi32>, vector<16xi1> -> vector<16xi32>
      %reduce_max3A_784 = arith.xori %reduce_max3A_783, %reduce_max3A_781 : vector<16xi32>
      %reduce_max3A_785 = vector.extract %reduce_max3A_784[15] : i32 from vector<16xi32>
      scf.yield %reduce_max3A_785, %add3A_777 : i32, vector<16xi32>
    }
    %scan3A_373 = arith.constant 256 : i32
    %reduce_max3A_374 = arith.constant true
    %reduce_max3A_375 = vector.broadcast %reduce_max3A_374 : i1 to vector<16xi1>
    %reduce_max3A_376 = arith.constant -2147483648 : i32
    %reduce_max3A_377 = vector.broadcast %reduce_max3A_376 : i32 to vector<16xi32>
    %reduce_max3A_378 = arith.xori %scan3A_372#1, %reduce_max3A_377 : vector<16xi32>
    %reduce_max3A_379 = tpu.scan <max>, %reduce_max3A_378 masked %reduce_max3A_375 : vector<16xi32>, vector<16xi1> -> vector<16xi32>
    %reduce_max3A_380 = arith.xori %reduce_max3A_379, %reduce_max3A_377 : vector<16xi32>
    %reduce_max3A_381 = vector.extract %reduce_max3A_380[15] : i32 from vector<16xi32>
    %sub3A_382 = arith.constant 1 : i32
    %sub3A_383 = arith.subi %reduce_max3A_381, %sub3A_382 : i32
    %sub3A_384 = arith.constant 2048 : i32
    %sub3A_385 = arith.subi %sub3A_73, %sub3A_384 : i32
    %shift_left3A_386 = arith.constant 20 : i32
    %shift_left3A_387 = arith.shli %sub3A_385, %shift_left3A_386 : i32
    %shift_left3A_388 = arith.constant 8 : i32
    %shift_left3A_389 = arith.shli %sub3A_383, %shift_left3A_388 : i32
    %or3A_390 = arith.ori %shift_left3A_387, %shift_left3A_389 : i32
    %lt3A_391 = arith.constant 0 : i32
    %lt3A_392 = arith.cmpi slt, %or3A_390, %lt3A_391 : i32
    %sub3A_393 = arith.constant -2147483648 : i32
    %sub3A_394 = arith.subi %sub3A_393, %or3A_390 : i32
    %select_n3A_395 = arith.select %lt3A_392, %sub3A_394, %or3A_390 : i32
    %broadcast_in_dim3A_396 = arith.constant 1 : i32
    %broadcast_in_dim3A_397 = vector.broadcast %broadcast_in_dim3A_396 : i32 to vector<16xi32>
    %broadcast_in_dim3A_398 = vector.broadcast %select_n3A_395 : i32 to vector<16xi32>
    tpu.vector_store_idx %arg11[%broadcast_in_dim3A_397], %broadcast_in_dim3A_398 masked %eq3A_8 : memref<16xi32, #tpu.memory_space<vmem>>[vector<16xi32>], vector<16xi32>, vector<16xi1>
    %broadcast_in_dim3A_399 = vector.broadcast %sub3A_104 : i32 to vector<16xi32>
    %gather3A_400 = tpu.vector_load_idx %arg8[%broadcast_in_dim3A_399] : memref<4096xi32, #tpu.memory_space<vmem>>[vector<16xi32>], vector<16xi32>,
    %reduce_max3A_401 = arith.constant true
    %reduce_max3A_402 = vector.broadcast %reduce_max3A_401 : i1 to vector<16xi1>
    %reduce_max3A_403 = arith.constant -2147483648 : i32
    %reduce_max3A_404 = vector.broadcast %reduce_max3A_403 : i32 to vector<16xi32>
    %reduce_max3A_405 = arith.xori %gather3A_400, %reduce_max3A_404 : vector<16xi32>
    %reduce_max3A_406 = tpu.scan <max>, %reduce_max3A_405 masked %reduce_max3A_402 : vector<16xi32>, vector<16xi1> -> vector<16xi32>
    %reduce_max3A_407 = arith.xori %reduce_max3A_406, %reduce_max3A_404 : vector<16xi32>
    %reduce_max3A_408 = vector.extract %reduce_max3A_407[15] : i32 from vector<16xi32>
    %mul3A_409 = arith.constant 4096 : i32
    %mul3A_410 = arith.muli %reduce_max3A_408, %mul3A_409 : i32
    %scan3A_411 = arith.constant 0 : i32
    %scan3A_412 = arith.constant 0 : i32
    %scan3A_413 = arith.constant 256 : i32
    %scan3A_414 = arith.addi %scan3A_412, %scan3A_413 : i32
    %scan3A_415 = arith.constant 4 : i32
    %scan3A_416:2 = scf.for %scan3A_665 = %scan3A_412 to %scan3A_414 step %scan3A_415 iter_args(%scan3A_666 = %scan3A_411, %scan3A_667 = %broadcast_in_dim3A_3) -> (i32, vector<16xi32>)  : i32 {
      %sub3A_668 = arith.constant 255 : i32
      %sub3A_669 = arith.subi %sub3A_668, %scan3A_665 : i32
      %mul3A_670 = arith.constant 16 : i32
      %mul3A_671 = arith.muli %sub3A_669, %mul3A_670 : i32
      %add3A_672 = arith.addi %mul3A_410, %mul3A_671 : i32
      %get3A_673 = arith.index_cast %add3A_672 : i32 to index
      %get3A_674 = tpu.vector_load %arg9[%get3A_673] {strides = array<i32>} : memref<32768xi32, #tpu.memory_space<vmem>>, vector<16xi32>,
      %rev3A = arith.constant 15 : i32
      %rev3A_675 = vector.broadcast %rev3A : i32 to vector<16xi32>
      %rev3A_676 = tpu.iota {dimensions = array<i32: 0>} : vector<16xi32>
      %rev3A_677 = arith.subi %rev3A_675, %rev3A_676 : vector<16xi32>
      %rev3A_678 = tpu.dynamic_gather %get3A_674[%rev3A_677] in [0] : vector<16xi32>, vector<16xi32> -> vector<16xi32>
      %broadcast_in_dim3A_679 = arith.constant true
      %broadcast_in_dim3A_680 = vector.broadcast %broadcast_in_dim3A_679 : i1 to vector<16xi1>
      %masked_cumsum3A = tpu.scan <sum>, %rev3A_678 masked %broadcast_in_dim3A_680 : vector<16xi32>, vector<16xi1> -> vector<16xi32>
      %add3A_681 = vector.broadcast %scan3A_666 : i32 to vector<16xi32>
      %add3A_682 = arith.addi %masked_cumsum3A, %add3A_681 : vector<16xi32>
      %ge3A = vector.broadcast %sub3A_117 : i32 to vector<16xi32>
      %ge3A_683 = arith.cmpi sge, %add3A_682, %ge3A : vector<16xi32>
      %all_reduce_population_count3A = tpu.all_reduce %ge3A_683 {dim = 0 : i64, kind = #tpu.reduction_kind<sum>} : vector<16xi1> -> vector<16xi32>
      %add3A_684 = arith.addi %scan3A_667, %all_reduce_population_count3A : vector<16xi32>
      %reduce_max3A_685 = arith.constant true
      %reduce_max3A_686 = vector.broadcast %reduce_max3A_685 : i1 to vector<16xi1>
      %reduce_max3A_687 = arith.constant -2147483648 : i32
      %reduce_max3A_688 = vector.broadcast %reduce_max3A_687 : i32 to vector<16xi32>
      %reduce_max3A_689 = arith.xori %add3A_682, %reduce_max3A_688 : vector<16xi32>
      %reduce_max3A_690 = tpu.scan <max>, %reduce_max3A_689 masked %reduce_max3A_686 : vector<16xi32>, vector<16xi1> -> vector<16xi32>
      %reduce_max3A_691 = arith.xori %reduce_max3A_690, %reduce_max3A_688 : vector<16xi32>
      %reduce_max3A_692 = vector.extract %reduce_max3A_691[15] : i32 from vector<16xi32>
      %scan3A_693 = arith.constant 1 : i32
      %scan3A_694 = arith.addi %scan3A_665, %scan3A_693 : i32
      %sub3A_695 = arith.constant 255 : i32
      %sub3A_696 = arith.subi %sub3A_695, %scan3A_694 : i32
      %mul3A_697 = arith.constant 16 : i32
      %mul3A_698 = arith.muli %sub3A_696, %mul3A_697 : i32
      %add3A_699 = arith.addi %mul3A_410, %mul3A_698 : i32
      %get3A_700 = arith.index_cast %add3A_699 : i32 to index
      %get3A_701 = tpu.vector_load %arg9[%get3A_700] {strides = array<i32>} : memref<32768xi32, #tpu.memory_space<vmem>>, vector<16xi32>,
      %rev3A_702 = arith.constant 15 : i32
      %rev3A_703 = vector.broadcast %rev3A_702 : i32 to vector<16xi32>
      %rev3A_704 = tpu.iota {dimensions = array<i32: 0>} : vector<16xi32>
      %rev3A_705 = arith.subi %rev3A_703, %rev3A_704 : vector<16xi32>
      %rev3A_706 = tpu.dynamic_gather %get3A_701[%rev3A_705] in [0] : vector<16xi32>, vector<16xi32> -> vector<16xi32>
      %broadcast_in_dim3A_707 = arith.constant true
      %broadcast_in_dim3A_708 = vector.broadcast %broadcast_in_dim3A_707 : i1 to vector<16xi1>
      %masked_cumsum3A_709 = tpu.scan <sum>, %rev3A_706 masked %broadcast_in_dim3A_708 : vector<16xi32>, vector<16xi1> -> vector<16xi32>
      %add3A_710 = vector.broadcast %reduce_max3A_692 : i32 to vector<16xi32>
      %add3A_711 = arith.addi %masked_cumsum3A_709, %add3A_710 : vector<16xi32>
      %ge3A_712 = vector.broadcast %sub3A_117 : i32 to vector<16xi32>
      %ge3A_713 = arith.cmpi sge, %add3A_711, %ge3A_712 : vector<16xi32>
      %all_reduce_population_count3A_714 = tpu.all_reduce %ge3A_713 {dim = 0 : i64, kind = #tpu.reduction_kind<sum>} : vector<16xi1> -> vector<16xi32>
      %add3A_715 = arith.addi %add3A_684, %all_reduce_population_count3A_714 : vector<16xi32>
      %reduce_max3A_716 = arith.constant true
      %reduce_max3A_717 = vector.broadcast %reduce_max3A_716 : i1 to vector<16xi1>
      %reduce_max3A_718 = arith.constant -2147483648 : i32
      %reduce_max3A_719 = vector.broadcast %reduce_max3A_718 : i32 to vector<16xi32>
      %reduce_max3A_720 = arith.xori %add3A_711, %reduce_max3A_719 : vector<16xi32>
      %reduce_max3A_721 = tpu.scan <max>, %reduce_max3A_720 masked %reduce_max3A_717 : vector<16xi32>, vector<16xi1> -> vector<16xi32>
      %reduce_max3A_722 = arith.xori %reduce_max3A_721, %reduce_max3A_719 : vector<16xi32>
      %reduce_max3A_723 = vector.extract %reduce_max3A_722[15] : i32 from vector<16xi32>
      %scan3A_724 = arith.constant 2 : i32
      %scan3A_725 = arith.addi %scan3A_665, %scan3A_724 : i32
      %sub3A_726 = arith.constant 255 : i32
      %sub3A_727 = arith.subi %sub3A_726, %scan3A_725 : i32
      %mul3A_728 = arith.constant 16 : i32
      %mul3A_729 = arith.muli %sub3A_727, %mul3A_728 : i32
      %add3A_730 = arith.addi %mul3A_410, %mul3A_729 : i32
      %get3A_731 = arith.index_cast %add3A_730 : i32 to index
      %get3A_732 = tpu.vector_load %arg9[%get3A_731] {strides = array<i32>} : memref<32768xi32, #tpu.memory_space<vmem>>, vector<16xi32>,
      %rev3A_733 = arith.constant 15 : i32
      %rev3A_734 = vector.broadcast %rev3A_733 : i32 to vector<16xi32>
      %rev3A_735 = tpu.iota {dimensions = array<i32: 0>} : vector<16xi32>
      %rev3A_736 = arith.subi %rev3A_734, %rev3A_735 : vector<16xi32>
      %rev3A_737 = tpu.dynamic_gather %get3A_732[%rev3A_736] in [0] : vector<16xi32>, vector<16xi32> -> vector<16xi32>
      %broadcast_in_dim3A_738 = arith.constant true
      %broadcast_in_dim3A_739 = vector.broadcast %broadcast_in_dim3A_738 : i1 to vector<16xi1>
      %masked_cumsum3A_740 = tpu.scan <sum>, %rev3A_737 masked %broadcast_in_dim3A_739 : vector<16xi32>, vector<16xi1> -> vector<16xi32>
      %add3A_741 = vector.broadcast %reduce_max3A_723 : i32 to vector<16xi32>
      %add3A_742 = arith.addi %masked_cumsum3A_740, %add3A_741 : vector<16xi32>
      %ge3A_743 = vector.broadcast %sub3A_117 : i32 to vector<16xi32>
      %ge3A_744 = arith.cmpi sge, %add3A_742, %ge3A_743 : vector<16xi32>
      %all_reduce_population_count3A_745 = tpu.all_reduce %ge3A_744 {dim = 0 : i64, kind = #tpu.reduction_kind<sum>} : vector<16xi1> -> vector<16xi32>
      %add3A_746 = arith.addi %add3A_715, %all_reduce_population_count3A_745 : vector<16xi32>
      %reduce_max3A_747 = arith.constant true
      %reduce_max3A_748 = vector.broadcast %reduce_max3A_747 : i1 to vector<16xi1>
      %reduce_max3A_749 = arith.constant -2147483648 : i32
      %reduce_max3A_750 = vector.broadcast %reduce_max3A_749 : i32 to vector<16xi32>
      %reduce_max3A_751 = arith.xori %add3A_742, %reduce_max3A_750 : vector<16xi32>
      %reduce_max3A_752 = tpu.scan <max>, %reduce_max3A_751 masked %reduce_max3A_748 : vector<16xi32>, vector<16xi1> -> vector<16xi32>
      %reduce_max3A_753 = arith.xori %reduce_max3A_752, %reduce_max3A_750 : vector<16xi32>
      %reduce_max3A_754 = vector.extract %reduce_max3A_753[15] : i32 from vector<16xi32>
      %scan3A_755 = arith.constant 3 : i32
      %scan3A_756 = arith.addi %scan3A_665, %scan3A_755 : i32
      %sub3A_757 = arith.constant 255 : i32
      %sub3A_758 = arith.subi %sub3A_757, %scan3A_756 : i32
      %mul3A_759 = arith.constant 16 : i32
      %mul3A_760 = arith.muli %sub3A_758, %mul3A_759 : i32
      %add3A_761 = arith.addi %mul3A_410, %mul3A_760 : i32
      %get3A_762 = arith.index_cast %add3A_761 : i32 to index
      %get3A_763 = tpu.vector_load %arg9[%get3A_762] {strides = array<i32>} : memref<32768xi32, #tpu.memory_space<vmem>>, vector<16xi32>,
      %rev3A_764 = arith.constant 15 : i32
      %rev3A_765 = vector.broadcast %rev3A_764 : i32 to vector<16xi32>
      %rev3A_766 = tpu.iota {dimensions = array<i32: 0>} : vector<16xi32>
      %rev3A_767 = arith.subi %rev3A_765, %rev3A_766 : vector<16xi32>
      %rev3A_768 = tpu.dynamic_gather %get3A_763[%rev3A_767] in [0] : vector<16xi32>, vector<16xi32> -> vector<16xi32>
      %broadcast_in_dim3A_769 = arith.constant true
      %broadcast_in_dim3A_770 = vector.broadcast %broadcast_in_dim3A_769 : i1 to vector<16xi1>
      %masked_cumsum3A_771 = tpu.scan <sum>, %rev3A_768 masked %broadcast_in_dim3A_770 : vector<16xi32>, vector<16xi1> -> vector<16xi32>
      %add3A_772 = vector.broadcast %reduce_max3A_754 : i32 to vector<16xi32>
      %add3A_773 = arith.addi %masked_cumsum3A_771, %add3A_772 : vector<16xi32>
      %ge3A_774 = vector.broadcast %sub3A_117 : i32 to vector<16xi32>
      %ge3A_775 = arith.cmpi sge, %add3A_773, %ge3A_774 : vector<16xi32>
      %all_reduce_population_count3A_776 = tpu.all_reduce %ge3A_775 {dim = 0 : i64, kind = #tpu.reduction_kind<sum>} : vector<16xi1> -> vector<16xi32>
      %add3A_777 = arith.addi %add3A_746, %all_reduce_population_count3A_776 : vector<16xi32>
      %reduce_max3A_778 = arith.constant true
      %reduce_max3A_779 = vector.broadcast %reduce_max3A_778 : i1 to vector<16xi1>
      %reduce_max3A_780 = arith.constant -2147483648 : i32
      %reduce_max3A_781 = vector.broadcast %reduce_max3A_780 : i32 to vector<16xi32>
      %reduce_max3A_782 = arith.xori %add3A_773, %reduce_max3A_781 : vector<16xi32>
      %reduce_max3A_783 = tpu.scan <max>, %reduce_max3A_782 masked %reduce_max3A_779 : vector<16xi32>, vector<16xi1> -> vector<16xi32>
      %reduce_max3A_784 = arith.xori %reduce_max3A_783, %reduce_max3A_781 : vector<16xi32>
      %reduce_max3A_785 = vector.extract %reduce_max3A_784[15] : i32 from vector<16xi32>
      scf.yield %reduce_max3A_785, %add3A_777 : i32, vector<16xi32>
    }
    %scan3A_417 = arith.constant 256 : i32
    %reduce_max3A_418 = arith.constant true
    %reduce_max3A_419 = vector.broadcast %reduce_max3A_418 : i1 to vector<16xi1>
    %reduce_max3A_420 = arith.constant -2147483648 : i32
    %reduce_max3A_421 = vector.broadcast %reduce_max3A_420 : i32 to vector<16xi32>
    %reduce_max3A_422 = arith.xori %scan3A_416#1, %reduce_max3A_421 : vector<16xi32>
    %reduce_max3A_423 = tpu.scan <max>, %reduce_max3A_422 masked %reduce_max3A_419 : vector<16xi32>, vector<16xi1> -> vector<16xi32>
    %reduce_max3A_424 = arith.xori %reduce_max3A_423, %reduce_max3A_421 : vector<16xi32>
    %reduce_max3A_425 = vector.extract %reduce_max3A_424[15] : i32 from vector<16xi32>
    %sub3A_426 = arith.constant 1 : i32
    %sub3A_427 = arith.subi %reduce_max3A_425, %sub3A_426 : i32
    %sub3A_428 = arith.constant 2048 : i32
    %sub3A_429 = arith.subi %sub3A_104, %sub3A_428 : i32
    %shift_left3A_430 = arith.constant 20 : i32
    %shift_left3A_431 = arith.shli %sub3A_429, %shift_left3A_430 : i32
    %shift_left3A_432 = arith.constant 8 : i32
    %shift_left3A_433 = arith.shli %sub3A_427, %shift_left3A_432 : i32
    %or3A_434 = arith.ori %shift_left3A_431, %shift_left3A_433 : i32
    %lt3A_435 = arith.constant 0 : i32
    %lt3A_436 = arith.cmpi slt, %or3A_434, %lt3A_435 : i32
    %sub3A_437 = arith.constant -2147483648 : i32
    %sub3A_438 = arith.subi %sub3A_437, %or3A_434 : i32
    %select_n3A_439 = arith.select %lt3A_436, %sub3A_438, %or3A_434 : i32
    %broadcast_in_dim3A_440 = arith.constant 2 : i32
    %broadcast_in_dim3A_441 = vector.broadcast %broadcast_in_dim3A_440 : i32 to vector<16xi32>
    %broadcast_in_dim3A_442 = vector.broadcast %select_n3A_439 : i32 to vector<16xi32>
    tpu.vector_store_idx %arg11[%broadcast_in_dim3A_441], %broadcast_in_dim3A_442 masked %eq3A_8 : memref<16xi32, #tpu.memory_space<vmem>>[vector<16xi32>], vector<16xi32>, vector<16xi1>
    %broadcast_in_dim3A_443 = vector.broadcast %sub3A_135 : i32 to vector<16xi32>
    %gather3A_444 = tpu.vector_load_idx %arg8[%broadcast_in_dim3A_443] : memref<4096xi32, #tpu.memory_space<vmem>>[vector<16xi32>], vector<16xi32>,
    %reduce_max3A_445 = arith.constant true
    %reduce_max3A_446 = vector.broadcast %reduce_max3A_445 : i1 to vector<16xi1>
    %reduce_max3A_447 = arith.constant -2147483648 : i32
    %reduce_max3A_448 = vector.broadcast %reduce_max3A_447 : i32 to vector<16xi32>
    %reduce_max3A_449 = arith.xori %gather3A_444, %reduce_max3A_448 : vector<16xi32>
    %reduce_max3A_450 = tpu.scan <max>, %reduce_max3A_449 masked %reduce_max3A_446 : vector<16xi32>, vector<16xi1> -> vector<16xi32>
    %reduce_max3A_451 = arith.xori %reduce_max3A_450, %reduce_max3A_448 : vector<16xi32>
    %reduce_max3A_452 = vector.extract %reduce_max3A_451[15] : i32 from vector<16xi32>
    %mul3A_453 = arith.constant 4096 : i32
    %mul3A_454 = arith.muli %reduce_max3A_452, %mul3A_453 : i32
    %scan3A_455 = arith.constant 0 : i32
    %scan3A_456 = arith.constant 0 : i32
    %scan3A_457 = arith.constant 256 : i32
    %scan3A_458 = arith.addi %scan3A_456, %scan3A_457 : i32
    %scan3A_459 = arith.constant 4 : i32
    %scan3A_460:2 = scf.for %scan3A_665 = %scan3A_456 to %scan3A_458 step %scan3A_459 iter_args(%scan3A_666 = %scan3A_455, %scan3A_667 = %broadcast_in_dim3A_3) -> (i32, vector<16xi32>)  : i32 {
      %sub3A_668 = arith.constant 255 : i32
      %sub3A_669 = arith.subi %sub3A_668, %scan3A_665 : i32
      %mul3A_670 = arith.constant 16 : i32
      %mul3A_671 = arith.muli %sub3A_669, %mul3A_670 : i32
      %add3A_672 = arith.addi %mul3A_454, %mul3A_671 : i32
      %get3A_673 = arith.index_cast %add3A_672 : i32 to index
      %get3A_674 = tpu.vector_load %arg9[%get3A_673] {strides = array<i32>} : memref<32768xi32, #tpu.memory_space<vmem>>, vector<16xi32>,
      %rev3A = arith.constant 15 : i32
      %rev3A_675 = vector.broadcast %rev3A : i32 to vector<16xi32>
      %rev3A_676 = tpu.iota {dimensions = array<i32: 0>} : vector<16xi32>
      %rev3A_677 = arith.subi %rev3A_675, %rev3A_676 : vector<16xi32>
      %rev3A_678 = tpu.dynamic_gather %get3A_674[%rev3A_677] in [0] : vector<16xi32>, vector<16xi32> -> vector<16xi32>
      %broadcast_in_dim3A_679 = arith.constant true
      %broadcast_in_dim3A_680 = vector.broadcast %broadcast_in_dim3A_679 : i1 to vector<16xi1>
      %masked_cumsum3A = tpu.scan <sum>, %rev3A_678 masked %broadcast_in_dim3A_680 : vector<16xi32>, vector<16xi1> -> vector<16xi32>
      %add3A_681 = vector.broadcast %scan3A_666 : i32 to vector<16xi32>
      %add3A_682 = arith.addi %masked_cumsum3A, %add3A_681 : vector<16xi32>
      %ge3A = vector.broadcast %sub3A_148 : i32 to vector<16xi32>
      %ge3A_683 = arith.cmpi sge, %add3A_682, %ge3A : vector<16xi32>
      %all_reduce_population_count3A = tpu.all_reduce %ge3A_683 {dim = 0 : i64, kind = #tpu.reduction_kind<sum>} : vector<16xi1> -> vector<16xi32>
      %add3A_684 = arith.addi %scan3A_667, %all_reduce_population_count3A : vector<16xi32>
      %reduce_max3A_685 = arith.constant true
      %reduce_max3A_686 = vector.broadcast %reduce_max3A_685 : i1 to vector<16xi1>
      %reduce_max3A_687 = arith.constant -2147483648 : i32
      %reduce_max3A_688 = vector.broadcast %reduce_max3A_687 : i32 to vector<16xi32>
      %reduce_max3A_689 = arith.xori %add3A_682, %reduce_max3A_688 : vector<16xi32>
      %reduce_max3A_690 = tpu.scan <max>, %reduce_max3A_689 masked %reduce_max3A_686 : vector<16xi32>, vector<16xi1> -> vector<16xi32>
      %reduce_max3A_691 = arith.xori %reduce_max3A_690, %reduce_max3A_688 : vector<16xi32>
      %reduce_max3A_692 = vector.extract %reduce_max3A_691[15] : i32 from vector<16xi32>
      %scan3A_693 = arith.constant 1 : i32
      %scan3A_694 = arith.addi %scan3A_665, %scan3A_693 : i32
      %sub3A_695 = arith.constant 255 : i32
      %sub3A_696 = arith.subi %sub3A_695, %scan3A_694 : i32
      %mul3A_697 = arith.constant 16 : i32
      %mul3A_698 = arith.muli %sub3A_696, %mul3A_697 : i32
      %add3A_699 = arith.addi %mul3A_454, %mul3A_698 : i32
      %get3A_700 = arith.index_cast %add3A_699 : i32 to index
      %get3A_701 = tpu.vector_load %arg9[%get3A_700] {strides = array<i32>} : memref<32768xi32, #tpu.memory_space<vmem>>, vector<16xi32>,
      %rev3A_702 = arith.constant 15 : i32
      %rev3A_703 = vector.broadcast %rev3A_702 : i32 to vector<16xi32>
      %rev3A_704 = tpu.iota {dimensions = array<i32: 0>} : vector<16xi32>
      %rev3A_705 = arith.subi %rev3A_703, %rev3A_704 : vector<16xi32>
      %rev3A_706 = tpu.dynamic_gather %get3A_701[%rev3A_705] in [0] : vector<16xi32>, vector<16xi32> -> vector<16xi32>
      %broadcast_in_dim3A_707 = arith.constant true
      %broadcast_in_dim3A_708 = vector.broadcast %broadcast_in_dim3A_707 : i1 to vector<16xi1>
      %masked_cumsum3A_709 = tpu.scan <sum>, %rev3A_706 masked %broadcast_in_dim3A_708 : vector<16xi32>, vector<16xi1> -> vector<16xi32>
      %add3A_710 = vector.broadcast %reduce_max3A_692 : i32 to vector<16xi32>
      %add3A_711 = arith.addi %masked_cumsum3A_709, %add3A_710 : vector<16xi32>
      %ge3A_712 = vector.broadcast %sub3A_148 : i32 to vector<16xi32>
      %ge3A_713 = arith.cmpi sge, %add3A_711, %ge3A_712 : vector<16xi32>
      %all_reduce_population_count3A_714 = tpu.all_reduce %ge3A_713 {dim = 0 : i64, kind = #tpu.reduction_kind<sum>} : vector<16xi1> -> vector<16xi32>
      %add3A_715 = arith.addi %add3A_684, %all_reduce_population_count3A_714 : vector<16xi32>
      %reduce_max3A_716 = arith.constant true
      %reduce_max3A_717 = vector.broadcast %reduce_max3A_716 : i1 to vector<16xi1>
      %reduce_max3A_718 = arith.constant -2147483648 : i32
      %reduce_max3A_719 = vector.broadcast %reduce_max3A_718 : i32 to vector<16xi32>
      %reduce_max3A_720 = arith.xori %add3A_711, %reduce_max3A_719 : vector<16xi32>
      %reduce_max3A_721 = tpu.scan <max>, %reduce_max3A_720 masked %reduce_max3A_717 : vector<16xi32>, vector<16xi1> -> vector<16xi32>
      %reduce_max3A_722 = arith.xori %reduce_max3A_721, %reduce_max3A_719 : vector<16xi32>
      %reduce_max3A_723 = vector.extract %reduce_max3A_722[15] : i32 from vector<16xi32>
      %scan3A_724 = arith.constant 2 : i32
      %scan3A_725 = arith.addi %scan3A_665, %scan3A_724 : i32
      %sub3A_726 = arith.constant 255 : i32
      %sub3A_727 = arith.subi %sub3A_726, %scan3A_725 : i32
      %mul3A_728 = arith.constant 16 : i32
      %mul3A_729 = arith.muli %sub3A_727, %mul3A_728 : i32
      %add3A_730 = arith.addi %mul3A_454, %mul3A_729 : i32
      %get3A_731 = arith.index_cast %add3A_730 : i32 to index
      %get3A_732 = tpu.vector_load %arg9[%get3A_731] {strides = array<i32>} : memref<32768xi32, #tpu.memory_space<vmem>>, vector<16xi32>,
      %rev3A_733 = arith.constant 15 : i32
      %rev3A_734 = vector.broadcast %rev3A_733 : i32 to vector<16xi32>
      %rev3A_735 = tpu.iota {dimensions = array<i32: 0>} : vector<16xi32>
      %rev3A_736 = arith.subi %rev3A_734, %rev3A_735 : vector<16xi32>
      %rev3A_737 = tpu.dynamic_gather %get3A_732[%rev3A_736] in [0] : vector<16xi32>, vector<16xi32> -> vector<16xi32>
      %broadcast_in_dim3A_738 = arith.constant true
      %broadcast_in_dim3A_739 = vector.broadcast %broadcast_in_dim3A_738 : i1 to vector<16xi1>
      %masked_cumsum3A_740 = tpu.scan <sum>, %rev3A_737 masked %broadcast_in_dim3A_739 : vector<16xi32>, vector<16xi1> -> vector<16xi32>
      %add3A_741 = vector.broadcast %reduce_max3A_723 : i32 to vector<16xi32>
      %add3A_742 = arith.addi %masked_cumsum3A_740, %add3A_741 : vector<16xi32>
      %ge3A_743 = vector.broadcast %sub3A_148 : i32 to vector<16xi32>
      %ge3A_744 = arith.cmpi sge, %add3A_742, %ge3A_743 : vector<16xi32>
      %all_reduce_population_count3A_745 = tpu.all_reduce %ge3A_744 {dim = 0 : i64, kind = #tpu.reduction_kind<sum>} : vector<16xi1> -> vector<16xi32>
      %add3A_746 = arith.addi %add3A_715, %all_reduce_population_count3A_745 : vector<16xi32>
      %reduce_max3A_747 = arith.constant true
      %reduce_max3A_748 = vector.broadcast %reduce_max3A_747 : i1 to vector<16xi1>
      %reduce_max3A_749 = arith.constant -2147483648 : i32
      %reduce_max3A_750 = vector.broadcast %reduce_max3A_749 : i32 to vector<16xi32>
      %reduce_max3A_751 = arith.xori %add3A_742, %reduce_max3A_750 : vector<16xi32>
      %reduce_max3A_752 = tpu.scan <max>, %reduce_max3A_751 masked %reduce_max3A_748 : vector<16xi32>, vector<16xi1> -> vector<16xi32>
      %reduce_max3A_753 = arith.xori %reduce_max3A_752, %reduce_max3A_750 : vector<16xi32>
      %reduce_max3A_754 = vector.extract %reduce_max3A_753[15] : i32 from vector<16xi32>
      %scan3A_755 = arith.constant 3 : i32
      %scan3A_756 = arith.addi %scan3A_665, %scan3A_755 : i32
      %sub3A_757 = arith.constant 255 : i32
      %sub3A_758 = arith.subi %sub3A_757, %scan3A_756 : i32
      %mul3A_759 = arith.constant 16 : i32
      %mul3A_760 = arith.muli %sub3A_758, %mul3A_759 : i32
      %add3A_761 = arith.addi %mul3A_454, %mul3A_760 : i32
      %get3A_762 = arith.index_cast %add3A_761 : i32 to index
      %get3A_763 = tpu.vector_load %arg9[%get3A_762] {strides = array<i32>} : memref<32768xi32, #tpu.memory_space<vmem>>, vector<16xi32>,
      %rev3A_764 = arith.constant 15 : i32
      %rev3A_765 = vector.broadcast %rev3A_764 : i32 to vector<16xi32>
      %rev3A_766 = tpu.iota {dimensions = array<i32: 0>} : vector<16xi32>
      %rev3A_767 = arith.subi %rev3A_765, %rev3A_766 : vector<16xi32>
      %rev3A_768 = tpu.dynamic_gather %get3A_763[%rev3A_767] in [0] : vector<16xi32>, vector<16xi32> -> vector<16xi32>
      %broadcast_in_dim3A_769 = arith.constant true
      %broadcast_in_dim3A_770 = vector.broadcast %broadcast_in_dim3A_769 : i1 to vector<16xi1>
      %masked_cumsum3A_771 = tpu.scan <sum>, %rev3A_768 masked %broadcast_in_dim3A_770 : vector<16xi32>, vector<16xi1> -> vector<16xi32>
      %add3A_772 = vector.broadcast %reduce_max3A_754 : i32 to vector<16xi32>
      %add3A_773 = arith.addi %masked_cumsum3A_771, %add3A_772 : vector<16xi32>
      %ge3A_774 = vector.broadcast %sub3A_148 : i32 to vector<16xi32>
      %ge3A_775 = arith.cmpi sge, %add3A_773, %ge3A_774 : vector<16xi32>
      %all_reduce_population_count3A_776 = tpu.all_reduce %ge3A_775 {dim = 0 : i64, kind = #tpu.reduction_kind<sum>} : vector<16xi1> -> vector<16xi32>
      %add3A_777 = arith.addi %add3A_746, %all_reduce_population_count3A_776 : vector<16xi32>
      %reduce_max3A_778 = arith.constant true
      %reduce_max3A_779 = vector.broadcast %reduce_max3A_778 : i1 to vector<16xi1>
      %reduce_max3A_780 = arith.constant -2147483648 : i32
      %reduce_max3A_781 = vector.broadcast %reduce_max3A_780 : i32 to vector<16xi32>
      %reduce_max3A_782 = arith.xori %add3A_773, %reduce_max3A_781 : vector<16xi32>
      %reduce_max3A_783 = tpu.scan <max>, %reduce_max3A_782 masked %reduce_max3A_779 : vector<16xi32>, vector<16xi1> -> vector<16xi32>
      %reduce_max3A_784 = arith.xori %reduce_max3A_783, %reduce_max3A_781 : vector<16xi32>
      %reduce_max3A_785 = vector.extract %reduce_max3A_784[15] : i32 from vector<16xi32>
      scf.yield %reduce_max3A_785, %add3A_777 : i32, vector<16xi32>
    }
    %scan3A_461 = arith.constant 256 : i32
    %reduce_max3A_462 = arith.constant true
    %reduce_max3A_463 = vector.broadcast %reduce_max3A_462 : i1 to vector<16xi1>
    %reduce_max3A_464 = arith.constant -2147483648 : i32
    %reduce_max3A_465 = vector.broadcast %reduce_max3A_464 : i32 to vector<16xi32>
    %reduce_max3A_466 = arith.xori %scan3A_460#1, %reduce_max3A_465 : vector<16xi32>
    %reduce_max3A_467 = tpu.scan <max>, %reduce_max3A_466 masked %reduce_max3A_463 : vector<16xi32>, vector<16xi1> -> vector<16xi32>
    %reduce_max3A_468 = arith.xori %reduce_max3A_467, %reduce_max3A_465 : vector<16xi32>
    %reduce_max3A_469 = vector.extract %reduce_max3A_468[15] : i32 from vector<16xi32>
    %sub3A_470 = arith.constant 1 : i32
    %sub3A_471 = arith.subi %reduce_max3A_469, %sub3A_470 : i32
    %sub3A_472 = arith.constant 2048 : i32
    %sub3A_473 = arith.subi %sub3A_135, %sub3A_472 : i32
    %shift_left3A_474 = arith.constant 20 : i32
    %shift_left3A_475 = arith.shli %sub3A_473, %shift_left3A_474 : i32
    %shift_left3A_476 = arith.constant 8 : i32
    %shift_left3A_477 = arith.shli %sub3A_471, %shift_left3A_476 : i32
    %or3A_478 = arith.ori %shift_left3A_475, %shift_left3A_477 : i32
    %lt3A_479 = arith.constant 0 : i32
    %lt3A_480 = arith.cmpi slt, %or3A_478, %lt3A_479 : i32
    %sub3A_481 = arith.constant -2147483648 : i32
    %sub3A_482 = arith.subi %sub3A_481, %or3A_478 : i32
    %select_n3A_483 = arith.select %lt3A_480, %sub3A_482, %or3A_478 : i32
    %broadcast_in_dim3A_484 = arith.constant 3 : i32
    %broadcast_in_dim3A_485 = vector.broadcast %broadcast_in_dim3A_484 : i32 to vector<16xi32>
    %broadcast_in_dim3A_486 = vector.broadcast %select_n3A_483 : i32 to vector<16xi32>
    tpu.vector_store_idx %arg11[%broadcast_in_dim3A_485], %broadcast_in_dim3A_486 masked %eq3A_8 : memref<16xi32, #tpu.memory_space<vmem>>[vector<16xi32>], vector<16xi32>, vector<16xi1>
    %broadcast_in_dim3A_487 = vector.broadcast %sub3A_166 : i32 to vector<16xi32>
    %gather3A_488 = tpu.vector_load_idx %arg8[%broadcast_in_dim3A_487] : memref<4096xi32, #tpu.memory_space<vmem>>[vector<16xi32>], vector<16xi32>,
    %reduce_max3A_489 = arith.constant true
    %reduce_max3A_490 = vector.broadcast %reduce_max3A_489 : i1 to vector<16xi1>
    %reduce_max3A_491 = arith.constant -2147483648 : i32
    %reduce_max3A_492 = vector.broadcast %reduce_max3A_491 : i32 to vector<16xi32>
    %reduce_max3A_493 = arith.xori %gather3A_488, %reduce_max3A_492 : vector<16xi32>
    %reduce_max3A_494 = tpu.scan <max>, %reduce_max3A_493 masked %reduce_max3A_490 : vector<16xi32>, vector<16xi1> -> vector<16xi32>
    %reduce_max3A_495 = arith.xori %reduce_max3A_494, %reduce_max3A_492 : vector<16xi32>
    %reduce_max3A_496 = vector.extract %reduce_max3A_495[15] : i32 from vector<16xi32>
    %mul3A_497 = arith.constant 4096 : i32
    %mul3A_498 = arith.muli %reduce_max3A_496, %mul3A_497 : i32
    %scan3A_499 = arith.constant 0 : i32
    %scan3A_500 = arith.constant 0 : i32
    %scan3A_501 = arith.constant 256 : i32
    %scan3A_502 = arith.addi %scan3A_500, %scan3A_501 : i32
    %scan3A_503 = arith.constant 4 : i32
    %scan3A_504:2 = scf.for %scan3A_665 = %scan3A_500 to %scan3A_502 step %scan3A_503 iter_args(%scan3A_666 = %scan3A_499, %scan3A_667 = %broadcast_in_dim3A_3) -> (i32, vector<16xi32>)  : i32 {
      %sub3A_668 = arith.constant 255 : i32
      %sub3A_669 = arith.subi %sub3A_668, %scan3A_665 : i32
      %mul3A_670 = arith.constant 16 : i32
      %mul3A_671 = arith.muli %sub3A_669, %mul3A_670 : i32
      %add3A_672 = arith.addi %mul3A_498, %mul3A_671 : i32
      %get3A_673 = arith.index_cast %add3A_672 : i32 to index
      %get3A_674 = tpu.vector_load %arg9[%get3A_673] {strides = array<i32>} : memref<32768xi32, #tpu.memory_space<vmem>>, vector<16xi32>,
      %rev3A = arith.constant 15 : i32
      %rev3A_675 = vector.broadcast %rev3A : i32 to vector<16xi32>
      %rev3A_676 = tpu.iota {dimensions = array<i32: 0>} : vector<16xi32>
      %rev3A_677 = arith.subi %rev3A_675, %rev3A_676 : vector<16xi32>
      %rev3A_678 = tpu.dynamic_gather %get3A_674[%rev3A_677] in [0] : vector<16xi32>, vector<16xi32> -> vector<16xi32>
      %broadcast_in_dim3A_679 = arith.constant true
      %broadcast_in_dim3A_680 = vector.broadcast %broadcast_in_dim3A_679 : i1 to vector<16xi1>
      %masked_cumsum3A = tpu.scan <sum>, %rev3A_678 masked %broadcast_in_dim3A_680 : vector<16xi32>, vector<16xi1> -> vector<16xi32>
      %add3A_681 = vector.broadcast %scan3A_666 : i32 to vector<16xi32>
      %add3A_682 = arith.addi %masked_cumsum3A, %add3A_681 : vector<16xi32>
      %ge3A = vector.broadcast %sub3A_179 : i32 to vector<16xi32>
      %ge3A_683 = arith.cmpi sge, %add3A_682, %ge3A : vector<16xi32>
      %all_reduce_population_count3A = tpu.all_reduce %ge3A_683 {dim = 0 : i64, kind = #tpu.reduction_kind<sum>} : vector<16xi1> -> vector<16xi32>
      %add3A_684 = arith.addi %scan3A_667, %all_reduce_population_count3A : vector<16xi32>
      %reduce_max3A_685 = arith.constant true
      %reduce_max3A_686 = vector.broadcast %reduce_max3A_685 : i1 to vector<16xi1>
      %reduce_max3A_687 = arith.constant -2147483648 : i32
      %reduce_max3A_688 = vector.broadcast %reduce_max3A_687 : i32 to vector<16xi32>
      %reduce_max3A_689 = arith.xori %add3A_682, %reduce_max3A_688 : vector<16xi32>
      %reduce_max3A_690 = tpu.scan <max>, %reduce_max3A_689 masked %reduce_max3A_686 : vector<16xi32>, vector<16xi1> -> vector<16xi32>
      %reduce_max3A_691 = arith.xori %reduce_max3A_690, %reduce_max3A_688 : vector<16xi32>
      %reduce_max3A_692 = vector.extract %reduce_max3A_691[15] : i32 from vector<16xi32>
      %scan3A_693 = arith.constant 1 : i32
      %scan3A_694 = arith.addi %scan3A_665, %scan3A_693 : i32
      %sub3A_695 = arith.constant 255 : i32
      %sub3A_696 = arith.subi %sub3A_695, %scan3A_694 : i32
      %mul3A_697 = arith.constant 16 : i32
      %mul3A_698 = arith.muli %sub3A_696, %mul3A_697 : i32
      %add3A_699 = arith.addi %mul3A_498, %mul3A_698 : i32
      %get3A_700 = arith.index_cast %add3A_699 : i32 to index
      %get3A_701 = tpu.vector_load %arg9[%get3A_700] {strides = array<i32>} : memref<32768xi32, #tpu.memory_space<vmem>>, vector<16xi32>,
      %rev3A_702 = arith.constant 15 : i32
      %rev3A_703 = vector.broadcast %rev3A_702 : i32 to vector<16xi32>
      %rev3A_704 = tpu.iota {dimensions = array<i32: 0>} : vector<16xi32>
      %rev3A_705 = arith.subi %rev3A_703, %rev3A_704 : vector<16xi32>
      %rev3A_706 = tpu.dynamic_gather %get3A_701[%rev3A_705] in [0] : vector<16xi32>, vector<16xi32> -> vector<16xi32>
      %broadcast_in_dim3A_707 = arith.constant true
      %broadcast_in_dim3A_708 = vector.broadcast %broadcast_in_dim3A_707 : i1 to vector<16xi1>
      %masked_cumsum3A_709 = tpu.scan <sum>, %rev3A_706 masked %broadcast_in_dim3A_708 : vector<16xi32>, vector<16xi1> -> vector<16xi32>
      %add3A_710 = vector.broadcast %reduce_max3A_692 : i32 to vector<16xi32>
      %add3A_711 = arith.addi %masked_cumsum3A_709, %add3A_710 : vector<16xi32>
      %ge3A_712 = vector.broadcast %sub3A_179 : i32 to vector<16xi32>
      %ge3A_713 = arith.cmpi sge, %add3A_711, %ge3A_712 : vector<16xi32>
      %all_reduce_population_count3A_714 = tpu.all_reduce %ge3A_713 {dim = 0 : i64, kind = #tpu.reduction_kind<sum>} : vector<16xi1> -> vector<16xi32>
      %add3A_715 = arith.addi %add3A_684, %all_reduce_population_count3A_714 : vector<16xi32>
      %reduce_max3A_716 = arith.constant true
      %reduce_max3A_717 = vector.broadcast %reduce_max3A_716 : i1 to vector<16xi1>
      %reduce_max3A_718 = arith.constant -2147483648 : i32
      %reduce_max3A_719 = vector.broadcast %reduce_max3A_718 : i32 to vector<16xi32>
      %reduce_max3A_720 = arith.xori %add3A_711, %reduce_max3A_719 : vector<16xi32>
      %reduce_max3A_721 = tpu.scan <max>, %reduce_max3A_720 masked %reduce_max3A_717 : vector<16xi32>, vector<16xi1> -> vector<16xi32>
      %reduce_max3A_722 = arith.xori %reduce_max3A_721, %reduce_max3A_719 : vector<16xi32>
      %reduce_max3A_723 = vector.extract %reduce_max3A_722[15] : i32 from vector<16xi32>
      %scan3A_724 = arith.constant 2 : i32
      %scan3A_725 = arith.addi %scan3A_665, %scan3A_724 : i32
      %sub3A_726 = arith.constant 255 : i32
      %sub3A_727 = arith.subi %sub3A_726, %scan3A_725 : i32
      %mul3A_728 = arith.constant 16 : i32
      %mul3A_729 = arith.muli %sub3A_727, %mul3A_728 : i32
      %add3A_730 = arith.addi %mul3A_498, %mul3A_729 : i32
      %get3A_731 = arith.index_cast %add3A_730 : i32 to index
      %get3A_732 = tpu.vector_load %arg9[%get3A_731] {strides = array<i32>} : memref<32768xi32, #tpu.memory_space<vmem>>, vector<16xi32>,
      %rev3A_733 = arith.constant 15 : i32
      %rev3A_734 = vector.broadcast %rev3A_733 : i32 to vector<16xi32>
      %rev3A_735 = tpu.iota {dimensions = array<i32: 0>} : vector<16xi32>
      %rev3A_736 = arith.subi %rev3A_734, %rev3A_735 : vector<16xi32>
      %rev3A_737 = tpu.dynamic_gather %get3A_732[%rev3A_736] in [0] : vector<16xi32>, vector<16xi32> -> vector<16xi32>
      %broadcast_in_dim3A_738 = arith.constant true
      %broadcast_in_dim3A_739 = vector.broadcast %broadcast_in_dim3A_738 : i1 to vector<16xi1>
      %masked_cumsum3A_740 = tpu.scan <sum>, %rev3A_737 masked %broadcast_in_dim3A_739 : vector<16xi32>, vector<16xi1> -> vector<16xi32>
      %add3A_741 = vector.broadcast %reduce_max3A_723 : i32 to vector<16xi32>
      %add3A_742 = arith.addi %masked_cumsum3A_740, %add3A_741 : vector<16xi32>
      %ge3A_743 = vector.broadcast %sub3A_179 : i32 to vector<16xi32>
      %ge3A_744 = arith.cmpi sge, %add3A_742, %ge3A_743 : vector<16xi32>
      %all_reduce_population_count3A_745 = tpu.all_reduce %ge3A_744 {dim = 0 : i64, kind = #tpu.reduction_kind<sum>} : vector<16xi1> -> vector<16xi32>
      %add3A_746 = arith.addi %add3A_715, %all_reduce_population_count3A_745 : vector<16xi32>
      %reduce_max3A_747 = arith.constant true
      %reduce_max3A_748 = vector.broadcast %reduce_max3A_747 : i1 to vector<16xi1>
      %reduce_max3A_749 = arith.constant -2147483648 : i32
      %reduce_max3A_750 = vector.broadcast %reduce_max3A_749 : i32 to vector<16xi32>
      %reduce_max3A_751 = arith.xori %add3A_742, %reduce_max3A_750 : vector<16xi32>
      %reduce_max3A_752 = tpu.scan <max>, %reduce_max3A_751 masked %reduce_max3A_748 : vector<16xi32>, vector<16xi1> -> vector<16xi32>
      %reduce_max3A_753 = arith.xori %reduce_max3A_752, %reduce_max3A_750 : vector<16xi32>
      %reduce_max3A_754 = vector.extract %reduce_max3A_753[15] : i32 from vector<16xi32>
      %scan3A_755 = arith.constant 3 : i32
      %scan3A_756 = arith.addi %scan3A_665, %scan3A_755 : i32
      %sub3A_757 = arith.constant 255 : i32
      %sub3A_758 = arith.subi %sub3A_757, %scan3A_756 : i32
      %mul3A_759 = arith.constant 16 : i32
      %mul3A_760 = arith.muli %sub3A_758, %mul3A_759 : i32
      %add3A_761 = arith.addi %mul3A_498, %mul3A_760 : i32
      %get3A_762 = arith.index_cast %add3A_761 : i32 to index
      %get3A_763 = tpu.vector_load %arg9[%get3A_762] {strides = array<i32>} : memref<32768xi32, #tpu.memory_space<vmem>>, vector<16xi32>,
      %rev3A_764 = arith.constant 15 : i32
      %rev3A_765 = vector.broadcast %rev3A_764 : i32 to vector<16xi32>
      %rev3A_766 = tpu.iota {dimensions = array<i32: 0>} : vector<16xi32>
      %rev3A_767 = arith.subi %rev3A_765, %rev3A_766 : vector<16xi32>
      %rev3A_768 = tpu.dynamic_gather %get3A_763[%rev3A_767] in [0] : vector<16xi32>, vector<16xi32> -> vector<16xi32>
      %broadcast_in_dim3A_769 = arith.constant true
      %broadcast_in_dim3A_770 = vector.broadcast %broadcast_in_dim3A_769 : i1 to vector<16xi1>
      %masked_cumsum3A_771 = tpu.scan <sum>, %rev3A_768 masked %broadcast_in_dim3A_770 : vector<16xi32>, vector<16xi1> -> vector<16xi32>
      %add3A_772 = vector.broadcast %reduce_max3A_754 : i32 to vector<16xi32>
      %add3A_773 = arith.addi %masked_cumsum3A_771, %add3A_772 : vector<16xi32>
      %ge3A_774 = vector.broadcast %sub3A_179 : i32 to vector<16xi32>
      %ge3A_775 = arith.cmpi sge, %add3A_773, %ge3A_774 : vector<16xi32>
      %all_reduce_population_count3A_776 = tpu.all_reduce %ge3A_775 {dim = 0 : i64, kind = #tpu.reduction_kind<sum>} : vector<16xi1> -> vector<16xi32>
      %add3A_777 = arith.addi %add3A_746, %all_reduce_population_count3A_776 : vector<16xi32>
      %reduce_max3A_778 = arith.constant true
      %reduce_max3A_779 = vector.broadcast %reduce_max3A_778 : i1 to vector<16xi1>
      %reduce_max3A_780 = arith.constant -2147483648 : i32
      %reduce_max3A_781 = vector.broadcast %reduce_max3A_780 : i32 to vector<16xi32>
      %reduce_max3A_782 = arith.xori %add3A_773, %reduce_max3A_781 : vector<16xi32>
      %reduce_max3A_783 = tpu.scan <max>, %reduce_max3A_782 masked %reduce_max3A_779 : vector<16xi32>, vector<16xi1> -> vector<16xi32>
      %reduce_max3A_784 = arith.xori %reduce_max3A_783, %reduce_max3A_781 : vector<16xi32>
      %reduce_max3A_785 = vector.extract %reduce_max3A_784[15] : i32 from vector<16xi32>
      scf.yield %reduce_max3A_785, %add3A_777 : i32, vector<16xi32>
    }
    %scan3A_505 = arith.constant 256 : i32
    %reduce_max3A_506 = arith.constant true
    %reduce_max3A_507 = vector.broadcast %reduce_max3A_506 : i1 to vector<16xi1>
    %reduce_max3A_508 = arith.constant -2147483648 : i32
    %reduce_max3A_509 = vector.broadcast %reduce_max3A_508 : i32 to vector<16xi32>
    %reduce_max3A_510 = arith.xori %scan3A_504#1, %reduce_max3A_509 : vector<16xi32>
    %reduce_max3A_511 = tpu.scan <max>, %reduce_max3A_510 masked %reduce_max3A_507 : vector<16xi32>, vector<16xi1> -> vector<16xi32>
    %reduce_max3A_512 = arith.xori %reduce_max3A_511, %reduce_max3A_509 : vector<16xi32>
    %reduce_max3A_513 = vector.extract %reduce_max3A_512[15] : i32 from vector<16xi32>
    %sub3A_514 = arith.constant 1 : i32
    %sub3A_515 = arith.subi %reduce_max3A_513, %sub3A_514 : i32
    %sub3A_516 = arith.constant 2048 : i32
    %sub3A_517 = arith.subi %sub3A_166, %sub3A_516 : i32
    %shift_left3A_518 = arith.constant 20 : i32
    %shift_left3A_519 = arith.shli %sub3A_517, %shift_left3A_518 : i32
    %shift_left3A_520 = arith.constant 8 : i32
    %shift_left3A_521 = arith.shli %sub3A_515, %shift_left3A_520 : i32
    %or3A_522 = arith.ori %shift_left3A_519, %shift_left3A_521 : i32
    %lt3A_523 = arith.constant 0 : i32
    %lt3A_524 = arith.cmpi slt, %or3A_522, %lt3A_523 : i32
    %sub3A_525 = arith.constant -2147483648 : i32
    %sub3A_526 = arith.subi %sub3A_525, %or3A_522 : i32
    %select_n3A_527 = arith.select %lt3A_524, %sub3A_526, %or3A_522 : i32
    %broadcast_in_dim3A_528 = arith.constant 4 : i32
    %broadcast_in_dim3A_529 = vector.broadcast %broadcast_in_dim3A_528 : i32 to vector<16xi32>
    %broadcast_in_dim3A_530 = vector.broadcast %select_n3A_527 : i32 to vector<16xi32>
    tpu.vector_store_idx %arg11[%broadcast_in_dim3A_529], %broadcast_in_dim3A_530 masked %eq3A_8 : memref<16xi32, #tpu.memory_space<vmem>>[vector<16xi32>], vector<16xi32>, vector<16xi1>
    %broadcast_in_dim3A_531 = vector.broadcast %sub3A_197 : i32 to vector<16xi32>
    %gather3A_532 = tpu.vector_load_idx %arg8[%broadcast_in_dim3A_531] : memref<4096xi32, #tpu.memory_space<vmem>>[vector<16xi32>], vector<16xi32>,
    %reduce_max3A_533 = arith.constant true
    %reduce_max3A_534 = vector.broadcast %reduce_max3A_533 : i1 to vector<16xi1>
    %reduce_max3A_535 = arith.constant -2147483648 : i32
    %reduce_max3A_536 = vector.broadcast %reduce_max3A_535 : i32 to vector<16xi32>
    %reduce_max3A_537 = arith.xori %gather3A_532, %reduce_max3A_536 : vector<16xi32>
    %reduce_max3A_538 = tpu.scan <max>, %reduce_max3A_537 masked %reduce_max3A_534 : vector<16xi32>, vector<16xi1> -> vector<16xi32>
    %reduce_max3A_539 = arith.xori %reduce_max3A_538, %reduce_max3A_536 : vector<16xi32>
    %reduce_max3A_540 = vector.extract %reduce_max3A_539[15] : i32 from vector<16xi32>
    %mul3A_541 = arith.constant 4096 : i32
    %mul3A_542 = arith.muli %reduce_max3A_540, %mul3A_541 : i32
    %scan3A_543 = arith.constant 0 : i32
    %scan3A_544 = arith.constant 0 : i32
    %scan3A_545 = arith.constant 256 : i32
    %scan3A_546 = arith.addi %scan3A_544, %scan3A_545 : i32
    %scan3A_547 = arith.constant 4 : i32
    %scan3A_548:2 = scf.for %scan3A_665 = %scan3A_544 to %scan3A_546 step %scan3A_547 iter_args(%scan3A_666 = %scan3A_543, %scan3A_667 = %broadcast_in_dim3A_3) -> (i32, vector<16xi32>)  : i32 {
      %sub3A_668 = arith.constant 255 : i32
      %sub3A_669 = arith.subi %sub3A_668, %scan3A_665 : i32
      %mul3A_670 = arith.constant 16 : i32
      %mul3A_671 = arith.muli %sub3A_669, %mul3A_670 : i32
      %add3A_672 = arith.addi %mul3A_542, %mul3A_671 : i32
      %get3A_673 = arith.index_cast %add3A_672 : i32 to index
      %get3A_674 = tpu.vector_load %arg9[%get3A_673] {strides = array<i32>} : memref<32768xi32, #tpu.memory_space<vmem>>, vector<16xi32>,
      %rev3A = arith.constant 15 : i32
      %rev3A_675 = vector.broadcast %rev3A : i32 to vector<16xi32>
      %rev3A_676 = tpu.iota {dimensions = array<i32: 0>} : vector<16xi32>
      %rev3A_677 = arith.subi %rev3A_675, %rev3A_676 : vector<16xi32>
      %rev3A_678 = tpu.dynamic_gather %get3A_674[%rev3A_677] in [0] : vector<16xi32>, vector<16xi32> -> vector<16xi32>
      %broadcast_in_dim3A_679 = arith.constant true
      %broadcast_in_dim3A_680 = vector.broadcast %broadcast_in_dim3A_679 : i1 to vector<16xi1>
      %masked_cumsum3A = tpu.scan <sum>, %rev3A_678 masked %broadcast_in_dim3A_680 : vector<16xi32>, vector<16xi1> -> vector<16xi32>
      %add3A_681 = vector.broadcast %scan3A_666 : i32 to vector<16xi32>
      %add3A_682 = arith.addi %masked_cumsum3A, %add3A_681 : vector<16xi32>
      %ge3A = vector.broadcast %sub3A_210 : i32 to vector<16xi32>
      %ge3A_683 = arith.cmpi sge, %add3A_682, %ge3A : vector<16xi32>
      %all_reduce_population_count3A = tpu.all_reduce %ge3A_683 {dim = 0 : i64, kind = #tpu.reduction_kind<sum>} : vector<16xi1> -> vector<16xi32>
      %add3A_684 = arith.addi %scan3A_667, %all_reduce_population_count3A : vector<16xi32>
      %reduce_max3A_685 = arith.constant true
      %reduce_max3A_686 = vector.broadcast %reduce_max3A_685 : i1 to vector<16xi1>
      %reduce_max3A_687 = arith.constant -2147483648 : i32
      %reduce_max3A_688 = vector.broadcast %reduce_max3A_687 : i32 to vector<16xi32>
      %reduce_max3A_689 = arith.xori %add3A_682, %reduce_max3A_688 : vector<16xi32>
      %reduce_max3A_690 = tpu.scan <max>, %reduce_max3A_689 masked %reduce_max3A_686 : vector<16xi32>, vector<16xi1> -> vector<16xi32>
      %reduce_max3A_691 = arith.xori %reduce_max3A_690, %reduce_max3A_688 : vector<16xi32>
      %reduce_max3A_692 = vector.extract %reduce_max3A_691[15] : i32 from vector<16xi32>
      %scan3A_693 = arith.constant 1 : i32
      %scan3A_694 = arith.addi %scan3A_665, %scan3A_693 : i32
      %sub3A_695 = arith.constant 255 : i32
      %sub3A_696 = arith.subi %sub3A_695, %scan3A_694 : i32
      %mul3A_697 = arith.constant 16 : i32
      %mul3A_698 = arith.muli %sub3A_696, %mul3A_697 : i32
      %add3A_699 = arith.addi %mul3A_542, %mul3A_698 : i32
      %get3A_700 = arith.index_cast %add3A_699 : i32 to index
      %get3A_701 = tpu.vector_load %arg9[%get3A_700] {strides = array<i32>} : memref<32768xi32, #tpu.memory_space<vmem>>, vector<16xi32>,
      %rev3A_702 = arith.constant 15 : i32
      %rev3A_703 = vector.broadcast %rev3A_702 : i32 to vector<16xi32>
      %rev3A_704 = tpu.iota {dimensions = array<i32: 0>} : vector<16xi32>
      %rev3A_705 = arith.subi %rev3A_703, %rev3A_704 : vector<16xi32>
      %rev3A_706 = tpu.dynamic_gather %get3A_701[%rev3A_705] in [0] : vector<16xi32>, vector<16xi32> -> vector<16xi32>
      %broadcast_in_dim3A_707 = arith.constant true
      %broadcast_in_dim3A_708 = vector.broadcast %broadcast_in_dim3A_707 : i1 to vector<16xi1>
      %masked_cumsum3A_709 = tpu.scan <sum>, %rev3A_706 masked %broadcast_in_dim3A_708 : vector<16xi32>, vector<16xi1> -> vector<16xi32>
      %add3A_710 = vector.broadcast %reduce_max3A_692 : i32 to vector<16xi32>
      %add3A_711 = arith.addi %masked_cumsum3A_709, %add3A_710 : vector<16xi32>
      %ge3A_712 = vector.broadcast %sub3A_210 : i32 to vector<16xi32>
      %ge3A_713 = arith.cmpi sge, %add3A_711, %ge3A_712 : vector<16xi32>
      %all_reduce_population_count3A_714 = tpu.all_reduce %ge3A_713 {dim = 0 : i64, kind = #tpu.reduction_kind<sum>} : vector<16xi1> -> vector<16xi32>
      %add3A_715 = arith.addi %add3A_684, %all_reduce_population_count3A_714 : vector<16xi32>
      %reduce_max3A_716 = arith.constant true
      %reduce_max3A_717 = vector.broadcast %reduce_max3A_716 : i1 to vector<16xi1>
      %reduce_max3A_718 = arith.constant -2147483648 : i32
      %reduce_max3A_719 = vector.broadcast %reduce_max3A_718 : i32 to vector<16xi32>
      %reduce_max3A_720 = arith.xori %add3A_711, %reduce_max3A_719 : vector<16xi32>
      %reduce_max3A_721 = tpu.scan <max>, %reduce_max3A_720 masked %reduce_max3A_717 : vector<16xi32>, vector<16xi1> -> vector<16xi32>
      %reduce_max3A_722 = arith.xori %reduce_max3A_721, %reduce_max3A_719 : vector<16xi32>
      %reduce_max3A_723 = vector.extract %reduce_max3A_722[15] : i32 from vector<16xi32>
      %scan3A_724 = arith.constant 2 : i32
      %scan3A_725 = arith.addi %scan3A_665, %scan3A_724 : i32
      %sub3A_726 = arith.constant 255 : i32
      %sub3A_727 = arith.subi %sub3A_726, %scan3A_725 : i32
      %mul3A_728 = arith.constant 16 : i32
      %mul3A_729 = arith.muli %sub3A_727, %mul3A_728 : i32
      %add3A_730 = arith.addi %mul3A_542, %mul3A_729 : i32
      %get3A_731 = arith.index_cast %add3A_730 : i32 to index
      %get3A_732 = tpu.vector_load %arg9[%get3A_731] {strides = array<i32>} : memref<32768xi32, #tpu.memory_space<vmem>>, vector<16xi32>,
      %rev3A_733 = arith.constant 15 : i32
      %rev3A_734 = vector.broadcast %rev3A_733 : i32 to vector<16xi32>
      %rev3A_735 = tpu.iota {dimensions = array<i32: 0>} : vector<16xi32>
      %rev3A_736 = arith.subi %rev3A_734, %rev3A_735 : vector<16xi32>
      %rev3A_737 = tpu.dynamic_gather %get3A_732[%rev3A_736] in [0] : vector<16xi32>, vector<16xi32> -> vector<16xi32>
      %broadcast_in_dim3A_738 = arith.constant true
      %broadcast_in_dim3A_739 = vector.broadcast %broadcast_in_dim3A_738 : i1 to vector<16xi1>
      %masked_cumsum3A_740 = tpu.scan <sum>, %rev3A_737 masked %broadcast_in_dim3A_739 : vector<16xi32>, vector<16xi1> -> vector<16xi32>
      %add3A_741 = vector.broadcast %reduce_max3A_723 : i32 to vector<16xi32>
      %add3A_742 = arith.addi %masked_cumsum3A_740, %add3A_741 : vector<16xi32>
      %ge3A_743 = vector.broadcast %sub3A_210 : i32 to vector<16xi32>
      %ge3A_744 = arith.cmpi sge, %add3A_742, %ge3A_743 : vector<16xi32>
      %all_reduce_population_count3A_745 = tpu.all_reduce %ge3A_744 {dim = 0 : i64, kind = #tpu.reduction_kind<sum>} : vector<16xi1> -> vector<16xi32>
      %add3A_746 = arith.addi %add3A_715, %all_reduce_population_count3A_745 : vector<16xi32>
      %reduce_max3A_747 = arith.constant true
      %reduce_max3A_748 = vector.broadcast %reduce_max3A_747 : i1 to vector<16xi1>
      %reduce_max3A_749 = arith.constant -2147483648 : i32
      %reduce_max3A_750 = vector.broadcast %reduce_max3A_749 : i32 to vector<16xi32>
      %reduce_max3A_751 = arith.xori %add3A_742, %reduce_max3A_750 : vector<16xi32>
      %reduce_max3A_752 = tpu.scan <max>, %reduce_max3A_751 masked %reduce_max3A_748 : vector<16xi32>, vector<16xi1> -> vector<16xi32>
      %reduce_max3A_753 = arith.xori %reduce_max3A_752, %reduce_max3A_750 : vector<16xi32>
      %reduce_max3A_754 = vector.extract %reduce_max3A_753[15] : i32 from vector<16xi32>
      %scan3A_755 = arith.constant 3 : i32
      %scan3A_756 = arith.addi %scan3A_665, %scan3A_755 : i32
      %sub3A_757 = arith.constant 255 : i32
      %sub3A_758 = arith.subi %sub3A_757, %scan3A_756 : i32
      %mul3A_759 = arith.constant 16 : i32
      %mul3A_760 = arith.muli %sub3A_758, %mul3A_759 : i32
      %add3A_761 = arith.addi %mul3A_542, %mul3A_760 : i32
      %get3A_762 = arith.index_cast %add3A_761 : i32 to index
      %get3A_763 = tpu.vector_load %arg9[%get3A_762] {strides = array<i32>} : memref<32768xi32, #tpu.memory_space<vmem>>, vector<16xi32>,
      %rev3A_764 = arith.constant 15 : i32
      %rev3A_765 = vector.broadcast %rev3A_764 : i32 to vector<16xi32>
      %rev3A_766 = tpu.iota {dimensions = array<i32: 0>} : vector<16xi32>
      %rev3A_767 = arith.subi %rev3A_765, %rev3A_766 : vector<16xi32>
      %rev3A_768 = tpu.dynamic_gather %get3A_763[%rev3A_767] in [0] : vector<16xi32>, vector<16xi32> -> vector<16xi32>
      %broadcast_in_dim3A_769 = arith.constant true
      %broadcast_in_dim3A_770 = vector.broadcast %broadcast_in_dim3A_769 : i1 to vector<16xi1>
      %masked_cumsum3A_771 = tpu.scan <sum>, %rev3A_768 masked %broadcast_in_dim3A_770 : vector<16xi32>, vector<16xi1> -> vector<16xi32>
      %add3A_772 = vector.broadcast %reduce_max3A_754 : i32 to vector<16xi32>
      %add3A_773 = arith.addi %masked_cumsum3A_771, %add3A_772 : vector<16xi32>
      %ge3A_774 = vector.broadcast %sub3A_210 : i32 to vector<16xi32>
      %ge3A_775 = arith.cmpi sge, %add3A_773, %ge3A_774 : vector<16xi32>
      %all_reduce_population_count3A_776 = tpu.all_reduce %ge3A_775 {dim = 0 : i64, kind = #tpu.reduction_kind<sum>} : vector<16xi1> -> vector<16xi32>
      %add3A_777 = arith.addi %add3A_746, %all_reduce_population_count3A_776 : vector<16xi32>
      %reduce_max3A_778 = arith.constant true
      %reduce_max3A_779 = vector.broadcast %reduce_max3A_778 : i1 to vector<16xi1>
      %reduce_max3A_780 = arith.constant -2147483648 : i32
      %reduce_max3A_781 = vector.broadcast %reduce_max3A_780 : i32 to vector<16xi32>
      %reduce_max3A_782 = arith.xori %add3A_773, %reduce_max3A_781 : vector<16xi32>
      %reduce_max3A_783 = tpu.scan <max>, %reduce_max3A_782 masked %reduce_max3A_779 : vector<16xi32>, vector<16xi1> -> vector<16xi32>
      %reduce_max3A_784 = arith.xori %reduce_max3A_783, %reduce_max3A_781 : vector<16xi32>
      %reduce_max3A_785 = vector.extract %reduce_max3A_784[15] : i32 from vector<16xi32>
      scf.yield %reduce_max3A_785, %add3A_777 : i32, vector<16xi32>
    }
    %scan3A_549 = arith.constant 256 : i32
    %reduce_max3A_550 = arith.constant true
    %reduce_max3A_551 = vector.broadcast %reduce_max3A_550 : i1 to vector<16xi1>
    %reduce_max3A_552 = arith.constant -2147483648 : i32
    %reduce_max3A_553 = vector.broadcast %reduce_max3A_552 : i32 to vector<16xi32>
    %reduce_max3A_554 = arith.xori %scan3A_548#1, %reduce_max3A_553 : vector<16xi32>
    %reduce_max3A_555 = tpu.scan <max>, %reduce_max3A_554 masked %reduce_max3A_551 : vector<16xi32>, vector<16xi1> -> vector<16xi32>
    %reduce_max3A_556 = arith.xori %reduce_max3A_555, %reduce_max3A_553 : vector<16xi32>
    %reduce_max3A_557 = vector.extract %reduce_max3A_556[15] : i32 from vector<16xi32>
    %sub3A_558 = arith.constant 1 : i32
    %sub3A_559 = arith.subi %reduce_max3A_557, %sub3A_558 : i32
    %sub3A_560 = arith.constant 2048 : i32
    %sub3A_561 = arith.subi %sub3A_197, %sub3A_560 : i32
    %shift_left3A_562 = arith.constant 20 : i32
    %shift_left3A_563 = arith.shli %sub3A_561, %shift_left3A_562 : i32
    %shift_left3A_564 = arith.constant 8 : i32
    %shift_left3A_565 = arith.shli %sub3A_559, %shift_left3A_564 : i32
    %or3A_566 = arith.ori %shift_left3A_563, %shift_left3A_565 : i32
    %lt3A_567 = arith.constant 0 : i32
    %lt3A_568 = arith.cmpi slt, %or3A_566, %lt3A_567 : i32
    %sub3A_569 = arith.constant -2147483648 : i32
    %sub3A_570 = arith.subi %sub3A_569, %or3A_566 : i32
    %select_n3A_571 = arith.select %lt3A_568, %sub3A_570, %or3A_566 : i32
    %broadcast_in_dim3A_572 = arith.constant 5 : i32
    %broadcast_in_dim3A_573 = vector.broadcast %broadcast_in_dim3A_572 : i32 to vector<16xi32>
    %broadcast_in_dim3A_574 = vector.broadcast %select_n3A_571 : i32 to vector<16xi32>
    tpu.vector_store_idx %arg11[%broadcast_in_dim3A_573], %broadcast_in_dim3A_574 masked %eq3A_8 : memref<16xi32, #tpu.memory_space<vmem>>[vector<16xi32>], vector<16xi32>, vector<16xi1>
    %broadcast_in_dim3A_575 = vector.broadcast %sub3A_228 : i32 to vector<16xi32>
    %gather3A_576 = tpu.vector_load_idx %arg8[%broadcast_in_dim3A_575] : memref<4096xi32, #tpu.memory_space<vmem>>[vector<16xi32>], vector<16xi32>,
    %reduce_max3A_577 = arith.constant true
    %reduce_max3A_578 = vector.broadcast %reduce_max3A_577 : i1 to vector<16xi1>
    %reduce_max3A_579 = arith.constant -2147483648 : i32
    %reduce_max3A_580 = vector.broadcast %reduce_max3A_579 : i32 to vector<16xi32>
    %reduce_max3A_581 = arith.xori %gather3A_576, %reduce_max3A_580 : vector<16xi32>
    %reduce_max3A_582 = tpu.scan <max>, %reduce_max3A_581 masked %reduce_max3A_578 : vector<16xi32>, vector<16xi1> -> vector<16xi32>
    %reduce_max3A_583 = arith.xori %reduce_max3A_582, %reduce_max3A_580 : vector<16xi32>
    %reduce_max3A_584 = vector.extract %reduce_max3A_583[15] : i32 from vector<16xi32>
    %mul3A_585 = arith.constant 4096 : i32
    %mul3A_586 = arith.muli %reduce_max3A_584, %mul3A_585 : i32
    %scan3A_587 = arith.constant 0 : i32
    %scan3A_588 = arith.constant 0 : i32
    %scan3A_589 = arith.constant 256 : i32
    %scan3A_590 = arith.addi %scan3A_588, %scan3A_589 : i32
    %scan3A_591 = arith.constant 4 : i32
    %scan3A_592:2 = scf.for %scan3A_665 = %scan3A_588 to %scan3A_590 step %scan3A_591 iter_args(%scan3A_666 = %scan3A_587, %scan3A_667 = %broadcast_in_dim3A_3) -> (i32, vector<16xi32>)  : i32 {
      %sub3A_668 = arith.constant 255 : i32
      %sub3A_669 = arith.subi %sub3A_668, %scan3A_665 : i32
      %mul3A_670 = arith.constant 16 : i32
      %mul3A_671 = arith.muli %sub3A_669, %mul3A_670 : i32
      %add3A_672 = arith.addi %mul3A_586, %mul3A_671 : i32
      %get3A_673 = arith.index_cast %add3A_672 : i32 to index
      %get3A_674 = tpu.vector_load %arg9[%get3A_673] {strides = array<i32>} : memref<32768xi32, #tpu.memory_space<vmem>>, vector<16xi32>,
      %rev3A = arith.constant 15 : i32
      %rev3A_675 = vector.broadcast %rev3A : i32 to vector<16xi32>
      %rev3A_676 = tpu.iota {dimensions = array<i32: 0>} : vector<16xi32>
      %rev3A_677 = arith.subi %rev3A_675, %rev3A_676 : vector<16xi32>
      %rev3A_678 = tpu.dynamic_gather %get3A_674[%rev3A_677] in [0] : vector<16xi32>, vector<16xi32> -> vector<16xi32>
      %broadcast_in_dim3A_679 = arith.constant true
      %broadcast_in_dim3A_680 = vector.broadcast %broadcast_in_dim3A_679 : i1 to vector<16xi1>
      %masked_cumsum3A = tpu.scan <sum>, %rev3A_678 masked %broadcast_in_dim3A_680 : vector<16xi32>, vector<16xi1> -> vector<16xi32>
      %add3A_681 = vector.broadcast %scan3A_666 : i32 to vector<16xi32>
      %add3A_682 = arith.addi %masked_cumsum3A, %add3A_681 : vector<16xi32>
      %ge3A = vector.broadcast %sub3A_241 : i32 to vector<16xi32>
      %ge3A_683 = arith.cmpi sge, %add3A_682, %ge3A : vector<16xi32>
      %all_reduce_population_count3A = tpu.all_reduce %ge3A_683 {dim = 0 : i64, kind = #tpu.reduction_kind<sum>} : vector<16xi1> -> vector<16xi32>
      %add3A_684 = arith.addi %scan3A_667, %all_reduce_population_count3A : vector<16xi32>
      %reduce_max3A_685 = arith.constant true
      %reduce_max3A_686 = vector.broadcast %reduce_max3A_685 : i1 to vector<16xi1>
      %reduce_max3A_687 = arith.constant -2147483648 : i32
      %reduce_max3A_688 = vector.broadcast %reduce_max3A_687 : i32 to vector<16xi32>
      %reduce_max3A_689 = arith.xori %add3A_682, %reduce_max3A_688 : vector<16xi32>
      %reduce_max3A_690 = tpu.scan <max>, %reduce_max3A_689 masked %reduce_max3A_686 : vector<16xi32>, vector<16xi1> -> vector<16xi32>
      %reduce_max3A_691 = arith.xori %reduce_max3A_690, %reduce_max3A_688 : vector<16xi32>
      %reduce_max3A_692 = vector.extract %reduce_max3A_691[15] : i32 from vector<16xi32>
      %scan3A_693 = arith.constant 1 : i32
      %scan3A_694 = arith.addi %scan3A_665, %scan3A_693 : i32
      %sub3A_695 = arith.constant 255 : i32
      %sub3A_696 = arith.subi %sub3A_695, %scan3A_694 : i32
      %mul3A_697 = arith.constant 16 : i32
      %mul3A_698 = arith.muli %sub3A_696, %mul3A_697 : i32
      %add3A_699 = arith.addi %mul3A_586, %mul3A_698 : i32
      %get3A_700 = arith.index_cast %add3A_699 : i32 to index
      %get3A_701 = tpu.vector_load %arg9[%get3A_700] {strides = array<i32>} : memref<32768xi32, #tpu.memory_space<vmem>>, vector<16xi32>,
      %rev3A_702 = arith.constant 15 : i32
      %rev3A_703 = vector.broadcast %rev3A_702 : i32 to vector<16xi32>
      %rev3A_704 = tpu.iota {dimensions = array<i32: 0>} : vector<16xi32>
      %rev3A_705 = arith.subi %rev3A_703, %rev3A_704 : vector<16xi32>
      %rev3A_706 = tpu.dynamic_gather %get3A_701[%rev3A_705] in [0] : vector<16xi32>, vector<16xi32> -> vector<16xi32>
      %broadcast_in_dim3A_707 = arith.constant true
      %broadcast_in_dim3A_708 = vector.broadcast %broadcast_in_dim3A_707 : i1 to vector<16xi1>
      %masked_cumsum3A_709 = tpu.scan <sum>, %rev3A_706 masked %broadcast_in_dim3A_708 : vector<16xi32>, vector<16xi1> -> vector<16xi32>
      %add3A_710 = vector.broadcast %reduce_max3A_692 : i32 to vector<16xi32>
      %add3A_711 = arith.addi %masked_cumsum3A_709, %add3A_710 : vector<16xi32>
      %ge3A_712 = vector.broadcast %sub3A_241 : i32 to vector<16xi32>
      %ge3A_713 = arith.cmpi sge, %add3A_711, %ge3A_712 : vector<16xi32>
      %all_reduce_population_count3A_714 = tpu.all_reduce %ge3A_713 {dim = 0 : i64, kind = #tpu.reduction_kind<sum>} : vector<16xi1> -> vector<16xi32>
      %add3A_715 = arith.addi %add3A_684, %all_reduce_population_count3A_714 : vector<16xi32>
      %reduce_max3A_716 = arith.constant true
      %reduce_max3A_717 = vector.broadcast %reduce_max3A_716 : i1 to vector<16xi1>
      %reduce_max3A_718 = arith.constant -2147483648 : i32
      %reduce_max3A_719 = vector.broadcast %reduce_max3A_718 : i32 to vector<16xi32>
      %reduce_max3A_720 = arith.xori %add3A_711, %reduce_max3A_719 : vector<16xi32>
      %reduce_max3A_721 = tpu.scan <max>, %reduce_max3A_720 masked %reduce_max3A_717 : vector<16xi32>, vector<16xi1> -> vector<16xi32>
      %reduce_max3A_722 = arith.xori %reduce_max3A_721, %reduce_max3A_719 : vector<16xi32>
      %reduce_max3A_723 = vector.extract %reduce_max3A_722[15] : i32 from vector<16xi32>
      %scan3A_724 = arith.constant 2 : i32
      %scan3A_725 = arith.addi %scan3A_665, %scan3A_724 : i32
      %sub3A_726 = arith.constant 255 : i32
      %sub3A_727 = arith.subi %sub3A_726, %scan3A_725 : i32
      %mul3A_728 = arith.constant 16 : i32
      %mul3A_729 = arith.muli %sub3A_727, %mul3A_728 : i32
      %add3A_730 = arith.addi %mul3A_586, %mul3A_729 : i32
      %get3A_731 = arith.index_cast %add3A_730 : i32 to index
      %get3A_732 = tpu.vector_load %arg9[%get3A_731] {strides = array<i32>} : memref<32768xi32, #tpu.memory_space<vmem>>, vector<16xi32>,
      %rev3A_733 = arith.constant 15 : i32
      %rev3A_734 = vector.broadcast %rev3A_733 : i32 to vector<16xi32>
      %rev3A_735 = tpu.iota {dimensions = array<i32: 0>} : vector<16xi32>
      %rev3A_736 = arith.subi %rev3A_734, %rev3A_735 : vector<16xi32>
      %rev3A_737 = tpu.dynamic_gather %get3A_732[%rev3A_736] in [0] : vector<16xi32>, vector<16xi32> -> vector<16xi32>
      %broadcast_in_dim3A_738 = arith.constant true
      %broadcast_in_dim3A_739 = vector.broadcast %broadcast_in_dim3A_738 : i1 to vector<16xi1>
      %masked_cumsum3A_740 = tpu.scan <sum>, %rev3A_737 masked %broadcast_in_dim3A_739 : vector<16xi32>, vector<16xi1> -> vector<16xi32>
      %add3A_741 = vector.broadcast %reduce_max3A_723 : i32 to vector<16xi32>
      %add3A_742 = arith.addi %masked_cumsum3A_740, %add3A_741 : vector<16xi32>
      %ge3A_743 = vector.broadcast %sub3A_241 : i32 to vector<16xi32>
      %ge3A_744 = arith.cmpi sge, %add3A_742, %ge3A_743 : vector<16xi32>
      %all_reduce_population_count3A_745 = tpu.all_reduce %ge3A_744 {dim = 0 : i64, kind = #tpu.reduction_kind<sum>} : vector<16xi1> -> vector<16xi32>
      %add3A_746 = arith.addi %add3A_715, %all_reduce_population_count3A_745 : vector<16xi32>
      %reduce_max3A_747 = arith.constant true
      %reduce_max3A_748 = vector.broadcast %reduce_max3A_747 : i1 to vector<16xi1>
      %reduce_max3A_749 = arith.constant -2147483648 : i32
      %reduce_max3A_750 = vector.broadcast %reduce_max3A_749 : i32 to vector<16xi32>
      %reduce_max3A_751 = arith.xori %add3A_742, %reduce_max3A_750 : vector<16xi32>
      %reduce_max3A_752 = tpu.scan <max>, %reduce_max3A_751 masked %reduce_max3A_748 : vector<16xi32>, vector<16xi1> -> vector<16xi32>
      %reduce_max3A_753 = arith.xori %reduce_max3A_752, %reduce_max3A_750 : vector<16xi32>
      %reduce_max3A_754 = vector.extract %reduce_max3A_753[15] : i32 from vector<16xi32>
      %scan3A_755 = arith.constant 3 : i32
      %scan3A_756 = arith.addi %scan3A_665, %scan3A_755 : i32
      %sub3A_757 = arith.constant 255 : i32
      %sub3A_758 = arith.subi %sub3A_757, %scan3A_756 : i32
      %mul3A_759 = arith.constant 16 : i32
      %mul3A_760 = arith.muli %sub3A_758, %mul3A_759 : i32
      %add3A_761 = arith.addi %mul3A_586, %mul3A_760 : i32
      %get3A_762 = arith.index_cast %add3A_761 : i32 to index
      %get3A_763 = tpu.vector_load %arg9[%get3A_762] {strides = array<i32>} : memref<32768xi32, #tpu.memory_space<vmem>>, vector<16xi32>,
      %rev3A_764 = arith.constant 15 : i32
      %rev3A_765 = vector.broadcast %rev3A_764 : i32 to vector<16xi32>
      %rev3A_766 = tpu.iota {dimensions = array<i32: 0>} : vector<16xi32>
      %rev3A_767 = arith.subi %rev3A_765, %rev3A_766 : vector<16xi32>
      %rev3A_768 = tpu.dynamic_gather %get3A_763[%rev3A_767] in [0] : vector<16xi32>, vector<16xi32> -> vector<16xi32>
      %broadcast_in_dim3A_769 = arith.constant true
      %broadcast_in_dim3A_770 = vector.broadcast %broadcast_in_dim3A_769 : i1 to vector<16xi1>
      %masked_cumsum3A_771 = tpu.scan <sum>, %rev3A_768 masked %broadcast_in_dim3A_770 : vector<16xi32>, vector<16xi1> -> vector<16xi32>
      %add3A_772 = vector.broadcast %reduce_max3A_754 : i32 to vector<16xi32>
      %add3A_773 = arith.addi %masked_cumsum3A_771, %add3A_772 : vector<16xi32>
      %ge3A_774 = vector.broadcast %sub3A_241 : i32 to vector<16xi32>
      %ge3A_775 = arith.cmpi sge, %add3A_773, %ge3A_774 : vector<16xi32>
      %all_reduce_population_count3A_776 = tpu.all_reduce %ge3A_775 {dim = 0 : i64, kind = #tpu.reduction_kind<sum>} : vector<16xi1> -> vector<16xi32>
      %add3A_777 = arith.addi %add3A_746, %all_reduce_population_count3A_776 : vector<16xi32>
      %reduce_max3A_778 = arith.constant true
      %reduce_max3A_779 = vector.broadcast %reduce_max3A_778 : i1 to vector<16xi1>
      %reduce_max3A_780 = arith.constant -2147483648 : i32
      %reduce_max3A_781 = vector.broadcast %reduce_max3A_780 : i32 to vector<16xi32>
      %reduce_max3A_782 = arith.xori %add3A_773, %reduce_max3A_781 : vector<16xi32>
      %reduce_max3A_783 = tpu.scan <max>, %reduce_max3A_782 masked %reduce_max3A_779 : vector<16xi32>, vector<16xi1> -> vector<16xi32>
      %reduce_max3A_784 = arith.xori %reduce_max3A_783, %reduce_max3A_781 : vector<16xi32>
      %reduce_max3A_785 = vector.extract %reduce_max3A_784[15] : i32 from vector<16xi32>
      scf.yield %reduce_max3A_785, %add3A_777 : i32, vector<16xi32>
    }
    %scan3A_593 = arith.constant 256 : i32
    %reduce_max3A_594 = arith.constant true
    %reduce_max3A_595 = vector.broadcast %reduce_max3A_594 : i1 to vector<16xi1>
    %reduce_max3A_596 = arith.constant -2147483648 : i32
    %reduce_max3A_597 = vector.broadcast %reduce_max3A_596 : i32 to vector<16xi32>
    %reduce_max3A_598 = arith.xori %scan3A_592#1, %reduce_max3A_597 : vector<16xi32>
    %reduce_max3A_599 = tpu.scan <max>, %reduce_max3A_598 masked %reduce_max3A_595 : vector<16xi32>, vector<16xi1> -> vector<16xi32>
    %reduce_max3A_600 = arith.xori %reduce_max3A_599, %reduce_max3A_597 : vector<16xi32>
    %reduce_max3A_601 = vector.extract %reduce_max3A_600[15] : i32 from vector<16xi32>
    %sub3A_602 = arith.constant 1 : i32
    %sub3A_603 = arith.subi %reduce_max3A_601, %sub3A_602 : i32
    %sub3A_604 = arith.constant 2048 : i32
    %sub3A_605 = arith.subi %sub3A_228, %sub3A_604 : i32
    %shift_left3A_606 = arith.constant 20 : i32
    %shift_left3A_607 = arith.shli %sub3A_605, %shift_left3A_606 : i32
    %shift_left3A_608 = arith.constant 8 : i32
    %shift_left3A_609 = arith.shli %sub3A_603, %shift_left3A_608 : i32
    %or3A_610 = arith.ori %shift_left3A_607, %shift_left3A_609 : i32
    %lt3A_611 = arith.constant 0 : i32
    %lt3A_612 = arith.cmpi slt, %or3A_610, %lt3A_611 : i32
    %sub3A_613 = arith.constant -2147483648 : i32
    %sub3A_614 = arith.subi %sub3A_613, %or3A_610 : i32
    %select_n3A_615 = arith.select %lt3A_612, %sub3A_614, %or3A_610 : i32
    %broadcast_in_dim3A_616 = arith.constant 6 : i32
    %broadcast_in_dim3A_617 = vector.broadcast %broadcast_in_dim3A_616 : i32 to vector<16xi32>
    %broadcast_in_dim3A_618 = vector.broadcast %select_n3A_615 : i32 to vector<16xi32>
    tpu.vector_store_idx %arg11[%broadcast_in_dim3A_617], %broadcast_in_dim3A_618 masked %eq3A_8 : memref<16xi32, #tpu.memory_space<vmem>>[vector<16xi32>], vector<16xi32>, vector<16xi1>
    %broadcast_in_dim3A_619 = vector.broadcast %sub3A_259 : i32 to vector<16xi32>
    %gather3A_620 = tpu.vector_load_idx %arg8[%broadcast_in_dim3A_619] : memref<4096xi32, #tpu.memory_space<vmem>>[vector<16xi32>], vector<16xi32>,
    %reduce_max3A_621 = arith.constant true
    %reduce_max3A_622 = vector.broadcast %reduce_max3A_621 : i1 to vector<16xi1>
    %reduce_max3A_623 = arith.constant -2147483648 : i32
    %reduce_max3A_624 = vector.broadcast %reduce_max3A_623 : i32 to vector<16xi32>
    %reduce_max3A_625 = arith.xori %gather3A_620, %reduce_max3A_624 : vector<16xi32>
    %reduce_max3A_626 = tpu.scan <max>, %reduce_max3A_625 masked %reduce_max3A_622 : vector<16xi32>, vector<16xi1> -> vector<16xi32>
    %reduce_max3A_627 = arith.xori %reduce_max3A_626, %reduce_max3A_624 : vector<16xi32>
    %reduce_max3A_628 = vector.extract %reduce_max3A_627[15] : i32 from vector<16xi32>
    %mul3A_629 = arith.constant 4096 : i32
    %mul3A_630 = arith.muli %reduce_max3A_628, %mul3A_629 : i32
    %scan3A_631 = arith.constant 0 : i32
    %scan3A_632 = arith.constant 0 : i32
    %scan3A_633 = arith.constant 256 : i32
    %scan3A_634 = arith.addi %scan3A_632, %scan3A_633 : i32
    %scan3A_635 = arith.constant 4 : i32
    %scan3A_636:2 = scf.for %scan3A_665 = %scan3A_632 to %scan3A_634 step %scan3A_635 iter_args(%scan3A_666 = %scan3A_631, %scan3A_667 = %broadcast_in_dim3A_3) -> (i32, vector<16xi32>)  : i32 {
      %sub3A_668 = arith.constant 255 : i32
      %sub3A_669 = arith.subi %sub3A_668, %scan3A_665 : i32
      %mul3A_670 = arith.constant 16 : i32
      %mul3A_671 = arith.muli %sub3A_669, %mul3A_670 : i32
      %add3A_672 = arith.addi %mul3A_630, %mul3A_671 : i32
      %get3A_673 = arith.index_cast %add3A_672 : i32 to index
      %get3A_674 = tpu.vector_load %arg9[%get3A_673] {strides = array<i32>} : memref<32768xi32, #tpu.memory_space<vmem>>, vector<16xi32>,
      %rev3A = arith.constant 15 : i32
      %rev3A_675 = vector.broadcast %rev3A : i32 to vector<16xi32>
      %rev3A_676 = tpu.iota {dimensions = array<i32: 0>} : vector<16xi32>
      %rev3A_677 = arith.subi %rev3A_675, %rev3A_676 : vector<16xi32>
      %rev3A_678 = tpu.dynamic_gather %get3A_674[%rev3A_677] in [0] : vector<16xi32>, vector<16xi32> -> vector<16xi32>
      %broadcast_in_dim3A_679 = arith.constant true
      %broadcast_in_dim3A_680 = vector.broadcast %broadcast_in_dim3A_679 : i1 to vector<16xi1>
      %masked_cumsum3A = tpu.scan <sum>, %rev3A_678 masked %broadcast_in_dim3A_680 : vector<16xi32>, vector<16xi1> -> vector<16xi32>
      %add3A_681 = vector.broadcast %scan3A_666 : i32 to vector<16xi32>
      %add3A_682 = arith.addi %masked_cumsum3A, %add3A_681 : vector<16xi32>
      %ge3A = vector.broadcast %sub3A_272 : i32 to vector<16xi32>
      %ge3A_683 = arith.cmpi sge, %add3A_682, %ge3A : vector<16xi32>
      %all_reduce_population_count3A = tpu.all_reduce %ge3A_683 {dim = 0 : i64, kind = #tpu.reduction_kind<sum>} : vector<16xi1> -> vector<16xi32>
      %add3A_684 = arith.addi %scan3A_667, %all_reduce_population_count3A : vector<16xi32>
      %reduce_max3A_685 = arith.constant true
      %reduce_max3A_686 = vector.broadcast %reduce_max3A_685 : i1 to vector<16xi1>
      %reduce_max3A_687 = arith.constant -2147483648 : i32
      %reduce_max3A_688 = vector.broadcast %reduce_max3A_687 : i32 to vector<16xi32>
      %reduce_max3A_689 = arith.xori %add3A_682, %reduce_max3A_688 : vector<16xi32>
      %reduce_max3A_690 = tpu.scan <max>, %reduce_max3A_689 masked %reduce_max3A_686 : vector<16xi32>, vector<16xi1> -> vector<16xi32>
      %reduce_max3A_691 = arith.xori %reduce_max3A_690, %reduce_max3A_688 : vector<16xi32>
      %reduce_max3A_692 = vector.extract %reduce_max3A_691[15] : i32 from vector<16xi32>
      %scan3A_693 = arith.constant 1 : i32
      %scan3A_694 = arith.addi %scan3A_665, %scan3A_693 : i32
      %sub3A_695 = arith.constant 255 : i32
      %sub3A_696 = arith.subi %sub3A_695, %scan3A_694 : i32
      %mul3A_697 = arith.constant 16 : i32
      %mul3A_698 = arith.muli %sub3A_696, %mul3A_697 : i32
      %add3A_699 = arith.addi %mul3A_630, %mul3A_698 : i32
      %get3A_700 = arith.index_cast %add3A_699 : i32 to index
      %get3A_701 = tpu.vector_load %arg9[%get3A_700] {strides = array<i32>} : memref<32768xi32, #tpu.memory_space<vmem>>, vector<16xi32>,
      %rev3A_702 = arith.constant 15 : i32
      %rev3A_703 = vector.broadcast %rev3A_702 : i32 to vector<16xi32>
      %rev3A_704 = tpu.iota {dimensions = array<i32: 0>} : vector<16xi32>
      %rev3A_705 = arith.subi %rev3A_703, %rev3A_704 : vector<16xi32>
      %rev3A_706 = tpu.dynamic_gather %get3A_701[%rev3A_705] in [0] : vector<16xi32>, vector<16xi32> -> vector<16xi32>
      %broadcast_in_dim3A_707 = arith.constant true
      %broadcast_in_dim3A_708 = vector.broadcast %broadcast_in_dim3A_707 : i1 to vector<16xi1>
      %masked_cumsum3A_709 = tpu.scan <sum>, %rev3A_706 masked %broadcast_in_dim3A_708 : vector<16xi32>, vector<16xi1> -> vector<16xi32>
      %add3A_710 = vector.broadcast %reduce_max3A_692 : i32 to vector<16xi32>
      %add3A_711 = arith.addi %masked_cumsum3A_709, %add3A_710 : vector<16xi32>
      %ge3A_712 = vector.broadcast %sub3A_272 : i32 to vector<16xi32>
      %ge3A_713 = arith.cmpi sge, %add3A_711, %ge3A_712 : vector<16xi32>
      %all_reduce_population_count3A_714 = tpu.all_reduce %ge3A_713 {dim = 0 : i64, kind = #tpu.reduction_kind<sum>} : vector<16xi1> -> vector<16xi32>
      %add3A_715 = arith.addi %add3A_684, %all_reduce_population_count3A_714 : vector<16xi32>
      %reduce_max3A_716 = arith.constant true
      %reduce_max3A_717 = vector.broadcast %reduce_max3A_716 : i1 to vector<16xi1>
      %reduce_max3A_718 = arith.constant -2147483648 : i32
      %reduce_max3A_719 = vector.broadcast %reduce_max3A_718 : i32 to vector<16xi32>
      %reduce_max3A_720 = arith.xori %add3A_711, %reduce_max3A_719 : vector<16xi32>
      %reduce_max3A_721 = tpu.scan <max>, %reduce_max3A_720 masked %reduce_max3A_717 : vector<16xi32>, vector<16xi1> -> vector<16xi32>
      %reduce_max3A_722 = arith.xori %reduce_max3A_721, %reduce_max3A_719 : vector<16xi32>
      %reduce_max3A_723 = vector.extract %reduce_max3A_722[15] : i32 from vector<16xi32>
      %scan3A_724 = arith.constant 2 : i32
      %scan3A_725 = arith.addi %scan3A_665, %scan3A_724 : i32
      %sub3A_726 = arith.constant 255 : i32
      %sub3A_727 = arith.subi %sub3A_726, %scan3A_725 : i32
      %mul3A_728 = arith.constant 16 : i32
      %mul3A_729 = arith.muli %sub3A_727, %mul3A_728 : i32
      %add3A_730 = arith.addi %mul3A_630, %mul3A_729 : i32
      %get3A_731 = arith.index_cast %add3A_730 : i32 to index
      %get3A_732 = tpu.vector_load %arg9[%get3A_731] {strides = array<i32>} : memref<32768xi32, #tpu.memory_space<vmem>>, vector<16xi32>,
      %rev3A_733 = arith.constant 15 : i32
      %rev3A_734 = vector.broadcast %rev3A_733 : i32 to vector<16xi32>
      %rev3A_735 = tpu.iota {dimensions = array<i32: 0>} : vector<16xi32>
      %rev3A_736 = arith.subi %rev3A_734, %rev3A_735 : vector<16xi32>
      %rev3A_737 = tpu.dynamic_gather %get3A_732[%rev3A_736] in [0] : vector<16xi32>, vector<16xi32> -> vector<16xi32>
      %broadcast_in_dim3A_738 = arith.constant true
      %broadcast_in_dim3A_739 = vector.broadcast %broadcast_in_dim3A_738 : i1 to vector<16xi1>
      %masked_cumsum3A_740 = tpu.scan <sum>, %rev3A_737 masked %broadcast_in_dim3A_739 : vector<16xi32>, vector<16xi1> -> vector<16xi32>
      %add3A_741 = vector.broadcast %reduce_max3A_723 : i32 to vector<16xi32>
      %add3A_742 = arith.addi %masked_cumsum3A_740, %add3A_741 : vector<16xi32>
      %ge3A_743 = vector.broadcast %sub3A_272 : i32 to vector<16xi32>
      %ge3A_744 = arith.cmpi sge, %add3A_742, %ge3A_743 : vector<16xi32>
      %all_reduce_population_count3A_745 = tpu.all_reduce %ge3A_744 {dim = 0 : i64, kind = #tpu.reduction_kind<sum>} : vector<16xi1> -> vector<16xi32>
      %add3A_746 = arith.addi %add3A_715, %all_reduce_population_count3A_745 : vector<16xi32>
      %reduce_max3A_747 = arith.constant true
      %reduce_max3A_748 = vector.broadcast %reduce_max3A_747 : i1 to vector<16xi1>
      %reduce_max3A_749 = arith.constant -2147483648 : i32
      %reduce_max3A_750 = vector.broadcast %reduce_max3A_749 : i32 to vector<16xi32>
      %reduce_max3A_751 = arith.xori %add3A_742, %reduce_max3A_750 : vector<16xi32>
      %reduce_max3A_752 = tpu.scan <max>, %reduce_max3A_751 masked %reduce_max3A_748 : vector<16xi32>, vector<16xi1> -> vector<16xi32>
      %reduce_max3A_753 = arith.xori %reduce_max3A_752, %reduce_max3A_750 : vector<16xi32>
      %reduce_max3A_754 = vector.extract %reduce_max3A_753[15] : i32 from vector<16xi32>
      %scan3A_755 = arith.constant 3 : i32
      %scan3A_756 = arith.addi %scan3A_665, %scan3A_755 : i32
      %sub3A_757 = arith.constant 255 : i32
      %sub3A_758 = arith.subi %sub3A_757, %scan3A_756 : i32
      %mul3A_759 = arith.constant 16 : i32
      %mul3A_760 = arith.muli %sub3A_758, %mul3A_759 : i32
      %add3A_761 = arith.addi %mul3A_630, %mul3A_760 : i32
      %get3A_762 = arith.index_cast %add3A_761 : i32 to index
      %get3A_763 = tpu.vector_load %arg9[%get3A_762] {strides = array<i32>} : memref<32768xi32, #tpu.memory_space<vmem>>, vector<16xi32>,
      %rev3A_764 = arith.constant 15 : i32
      %rev3A_765 = vector.broadcast %rev3A_764 : i32 to vector<16xi32>
      %rev3A_766 = tpu.iota {dimensions = array<i32: 0>} : vector<16xi32>
      %rev3A_767 = arith.subi %rev3A_765, %rev3A_766 : vector<16xi32>
      %rev3A_768 = tpu.dynamic_gather %get3A_763[%rev3A_767] in [0] : vector<16xi32>, vector<16xi32> -> vector<16xi32>
      %broadcast_in_dim3A_769 = arith.constant true
      %broadcast_in_dim3A_770 = vector.broadcast %broadcast_in_dim3A_769 : i1 to vector<16xi1>
      %masked_cumsum3A_771 = tpu.scan <sum>, %rev3A_768 masked %broadcast_in_dim3A_770 : vector<16xi32>, vector<16xi1> -> vector<16xi32>
      %add3A_772 = vector.broadcast %reduce_max3A_754 : i32 to vector<16xi32>
      %add3A_773 = arith.addi %masked_cumsum3A_771, %add3A_772 : vector<16xi32>
      %ge3A_774 = vector.broadcast %sub3A_272 : i32 to vector<16xi32>
      %ge3A_775 = arith.cmpi sge, %add3A_773, %ge3A_774 : vector<16xi32>
      %all_reduce_population_count3A_776 = tpu.all_reduce %ge3A_775 {dim = 0 : i64, kind = #tpu.reduction_kind<sum>} : vector<16xi1> -> vector<16xi32>
      %add3A_777 = arith.addi %add3A_746, %all_reduce_population_count3A_776 : vector<16xi32>
      %reduce_max3A_778 = arith.constant true
      %reduce_max3A_779 = vector.broadcast %reduce_max3A_778 : i1 to vector<16xi1>
      %reduce_max3A_780 = arith.constant -2147483648 : i32
      %reduce_max3A_781 = vector.broadcast %reduce_max3A_780 : i32 to vector<16xi32>
      %reduce_max3A_782 = arith.xori %add3A_773, %reduce_max3A_781 : vector<16xi32>
      %reduce_max3A_783 = tpu.scan <max>, %reduce_max3A_782 masked %reduce_max3A_779 : vector<16xi32>, vector<16xi1> -> vector<16xi32>
      %reduce_max3A_784 = arith.xori %reduce_max3A_783, %reduce_max3A_781 : vector<16xi32>
      %reduce_max3A_785 = vector.extract %reduce_max3A_784[15] : i32 from vector<16xi32>
      scf.yield %reduce_max3A_785, %add3A_777 : i32, vector<16xi32>
    }
    %scan3A_637 = arith.constant 256 : i32
    %reduce_max3A_638 = arith.constant true
    %reduce_max3A_639 = vector.broadcast %reduce_max3A_638 : i1 to vector<16xi1>
    %reduce_max3A_640 = arith.constant -2147483648 : i32
    %reduce_max3A_641 = vector.broadcast %reduce_max3A_640 : i32 to vector<16xi32>
    %reduce_max3A_642 = arith.xori %scan3A_636#1, %reduce_max3A_641 : vector<16xi32>
    %reduce_max3A_643 = tpu.scan <max>, %reduce_max3A_642 masked %reduce_max3A_639 : vector<16xi32>, vector<16xi1> -> vector<16xi32>
    %reduce_max3A_644 = arith.xori %reduce_max3A_643, %reduce_max3A_641 : vector<16xi32>
    %reduce_max3A_645 = vector.extract %reduce_max3A_644[15] : i32 from vector<16xi32>
    %sub3A_646 = arith.constant 1 : i32
    %sub3A_647 = arith.subi %reduce_max3A_645, %sub3A_646 : i32
    %sub3A_648 = arith.constant 2048 : i32
    %sub3A_649 = arith.subi %sub3A_259, %sub3A_648 : i32
    %shift_left3A_650 = arith.constant 20 : i32
    %shift_left3A_651 = arith.shli %sub3A_649, %shift_left3A_650 : i32
    %shift_left3A_652 = arith.constant 8 : i32
    %shift_left3A_653 = arith.shli %sub3A_647, %shift_left3A_652 : i32
    %or3A_654 = arith.ori %shift_left3A_651, %shift_left3A_653 : i32
    %lt3A_655 = arith.constant 0 : i32
    %lt3A_656 = arith.cmpi slt, %or3A_654, %lt3A_655 : i32
    %sub3A_657 = arith.constant -2147483648 : i32
    %sub3A_658 = arith.subi %sub3A_657, %or3A_654 : i32
    %select_n3A_659 = arith.select %lt3A_656, %sub3A_658, %or3A_654 : i32
    %broadcast_in_dim3A_660 = arith.constant 7 : i32
    %broadcast_in_dim3A_661 = vector.broadcast %broadcast_in_dim3A_660 : i32 to vector<16xi32>
    %broadcast_in_dim3A_662 = vector.broadcast %select_n3A_659 : i32 to vector<16xi32>
    tpu.vector_store_idx %arg11[%broadcast_in_dim3A_661], %broadcast_in_dim3A_662 masked %eq3A_8 : memref<16xi32, #tpu.memory_space<vmem>>[vector<16xi32>], vector<16xi32>, vector<16xi1>
    %mul3A_663 = arith.constant 8 : i32
    %mul3A_664 = arith.muli %add3A, %mul3A_663 : i32
    "tpu.region"() ({
      %run_scoped3A = tpu.sem_alloc : memref<!tpu.dma_semaphore, #tpu.memory_space<semaphore_mem>>
      %dma_start3A = arith.constant 0 : i32
      %dma_start3A_665 = tpu.memref_slice %arg11[%dma_start3A] : memref<16xi32, #tpu.memory_space<vmem>> -> memref<8xi32, #tpu.memory_space<vmem>>
      %dma_start3A_666 = tpu.memref_slice %arg4[%mul3A_664] : memref<256xi32, #tpu.memory_space<hbm>> -> memref<8xi32, #tpu.memory_space<hbm>>
      %dma_start3A_667 = tpu.memref_slice %arg4[%mul3A_664] : memref<256xi32, #tpu.memory_space<hbm>> -> memref<8xi32, #tpu.memory_space<hbm>>
      %dma_start3A_668 = arith.constant 0 : i32
      %dma_start3A_669 = tpu.memref_slice %arg11[%dma_start3A_668] : memref<16xi32, #tpu.memory_space<vmem>> -> memref<8xi32, #tpu.memory_space<vmem>>
      tpu.enqueue_dma source(%dma_start3A_669 : memref<8xi32, #tpu.memory_space<vmem>>) target(%dma_start3A_667 : memref<8xi32, #tpu.memory_space<hbm>>) target_semaphore(%run_scoped3A : memref<!tpu.dma_semaphore, #tpu.memory_space<semaphore_mem>>)
      %dma_wait3A = arith.constant 0 : i32
      %dma_wait3A_670 = tpu.memref_slice %arg11[%dma_wait3A] : memref<16xi32, #tpu.memory_space<vmem>> -> memref<8xi32, #tpu.memory_space<vmem>>
      %dma_wait3A_671 = tpu.memref_slice %arg4[%mul3A_664] : memref<256xi32, #tpu.memory_space<hbm>> -> memref<8xi32, #tpu.memory_space<hbm>>
      %dma_wait3A_672 = tpu.memref_slice %arg4[%mul3A_664] : memref<256xi32, #tpu.memory_space<hbm>> -> memref<8xi32, #tpu.memory_space<hbm>>
      %dma_wait3A_673 = arith.constant 0 : i32
      %dma_wait3A_674 = tpu.memref_slice %arg11[%dma_wait3A_673] : memref<16xi32, #tpu.memory_space<vmem>> -> memref<8xi32, #tpu.memory_space<vmem>>
      tpu.wait_dma2 semaphore(%run_scoped3A : memref<!tpu.dma_semaphore, #tpu.memory_space<semaphore_mem>>) src(%dma_wait3A_674 : memref<8xi32, #tpu.memory_space<vmem>>) dst(%dma_wait3A_672 : memref<8xi32, #tpu.memory_space<hbm>>)
      tpu.yield
    }) : () -> ()
    return
  }
}

module attributes {stable_mosaic.version = 14 : i64} {
  func.func @_tc_thr_body(%arg0: i32, %arg1: memref<8x32768xf32, #tpu.memory_space<vmem>>, %arg2: memref<8x8xi32, #tpu.memory_space<vmem>>, %arg3: memref<8x8xf32, #tpu.memory_space<vmem>>) attributes {dimension_semantics = [#tpu.dimension_semantics<arbitrary>], iteration_bounds = array<i64: 4>, scalar_prefetch = 0 : i64, scratch_operands = 0 : i64, tpu.core_type = #tpu.core_type<tc>, window_params = [{transform_indices = @transform_0, window_bounds = array<i64: 8, 32768>}, {transform_indices = @transform_1, window_bounds = array<i64: 8, 8>}, {transform_indices = @transform_2, window_bounds = array<i64: 8, 8>}]} {
    %get3A = arith.constant 0 : index
    %get3A_0 = arith.constant 0 : index
    %get3A_1 = vector.load %arg1[%get3A, %get3A_0] : memref<8x32768xf32, #tpu.memory_space<vmem>>, vector<8x32768xf32>
    %get3A_2 = arith.constant 0 : index
    %get3A_3 = arith.constant 0 : index
    %get3A_4 = vector.load %arg2[%get3A_2, %get3A_3] : memref<8x8xi32, #tpu.memory_space<vmem>>, vector<8x8xi32>
    %broadcast_in_dim3A = arith.constant 0 : i32
    %broadcast_in_dim3A_5 = vector.broadcast %broadcast_in_dim3A : i32 to vector<8x8xi32>
    %broadcast_in_dim3A_6 = arith.constant -1879048192 : i32
    %broadcast_in_dim3A_7 = vector.broadcast %broadcast_in_dim3A_6 : i32 to vector<1x1xi32>
    %lt3A = arith.constant 0 : i32
    %lt3A_8 = vector.broadcast %lt3A : i32 to vector<1x1xi32>
    %lt3A_9 = arith.cmpi slt, %broadcast_in_dim3A_7, %lt3A_8 : vector<1x1xi32>
    %sub3A = arith.constant -2147483648 : i32
    %sub3A_10 = vector.broadcast %sub3A : i32 to vector<1x1xi32>
    %sub3A_11 = arith.subi %sub3A_10, %broadcast_in_dim3A_7 : vector<1x1xi32>
    %select_n3A = arith.select %lt3A_9, %sub3A_11, %broadcast_in_dim3A_7 : vector<1x1xi1>, vector<1x1xi32>
    %bitcast_convert_type3A = tpu.bitcast %select_n3A : vector<1x1xi32> -> vector<1x1xf32>
    %ge3A = vector.broadcast %bitcast_convert_type3A : vector<1x1xf32> to vector<8x32768xf32>
    %ge3A_12 = arith.cmpf oge, %get3A_1, %ge3A : vector<8x32768xf32>
    %convert_element_type3A = arith.extui %ge3A_12 : vector<8x32768xi1> to vector<8x32768xi32>
    %reduce_sum3A = arith.constant dense<0> : vector<8xi32>
    %reduce_sum3A_13 = vector.multi_reduction <add>, %convert_element_type3A, %reduce_sum3A [1] : vector<8x32768xi32> to vector<8xi32>
    %broadcast_in_dim3A_14 = vector.shape_cast %reduce_sum3A_13 : vector<8xi32> to vector<8x1xi32>
    %ge3A_15 = vector.broadcast %broadcast_in_dim3A_14 : vector<8x1xi32> to vector<8x8xi32>
    %ge3A_16 = arith.cmpi sge, %ge3A_15, %get3A_4 : vector<8x8xi32>
    %convert_element_type3A_17 = arith.extui %ge3A_16 : vector<8x8xi1> to vector<8x8xi32>
    %add3A = arith.addi %broadcast_in_dim3A_5, %convert_element_type3A_17 : vector<8x8xi32>
    %broadcast_in_dim3A_18 = arith.constant -1610612736 : i32
    %broadcast_in_dim3A_19 = vector.broadcast %broadcast_in_dim3A_18 : i32 to vector<1x1xi32>
    %lt3A_20 = arith.constant 0 : i32
    %lt3A_21 = vector.broadcast %lt3A_20 : i32 to vector<1x1xi32>
    %lt3A_22 = arith.cmpi slt, %broadcast_in_dim3A_19, %lt3A_21 : vector<1x1xi32>
    %sub3A_23 = arith.constant -2147483648 : i32
    %sub3A_24 = vector.broadcast %sub3A_23 : i32 to vector<1x1xi32>
    %sub3A_25 = arith.subi %sub3A_24, %broadcast_in_dim3A_19 : vector<1x1xi32>
    %select_n3A_26 = arith.select %lt3A_22, %sub3A_25, %broadcast_in_dim3A_19 : vector<1x1xi1>, vector<1x1xi32>
    %bitcast_convert_type3A_27 = tpu.bitcast %select_n3A_26 : vector<1x1xi32> -> vector<1x1xf32>
    %ge3A_28 = vector.broadcast %bitcast_convert_type3A_27 : vector<1x1xf32> to vector<8x32768xf32>
    %ge3A_29 = arith.cmpf oge, %get3A_1, %ge3A_28 : vector<8x32768xf32>
    %convert_element_type3A_30 = arith.extui %ge3A_29 : vector<8x32768xi1> to vector<8x32768xi32>
    %reduce_sum3A_31 = arith.constant dense<0> : vector<8xi32>
    %reduce_sum3A_32 = vector.multi_reduction <add>, %convert_element_type3A_30, %reduce_sum3A_31 [1] : vector<8x32768xi32> to vector<8xi32>
    %broadcast_in_dim3A_33 = vector.shape_cast %reduce_sum3A_32 : vector<8xi32> to vector<8x1xi32>
    %ge3A_34 = vector.broadcast %broadcast_in_dim3A_33 : vector<8x1xi32> to vector<8x8xi32>
    %ge3A_35 = arith.cmpi sge, %ge3A_34, %get3A_4 : vector<8x8xi32>
    %convert_element_type3A_36 = arith.extui %ge3A_35 : vector<8x8xi1> to vector<8x8xi32>
    %add3A_37 = arith.addi %add3A, %convert_element_type3A_36 : vector<8x8xi32>
    %broadcast_in_dim3A_38 = arith.constant -1342177280 : i32
    %broadcast_in_dim3A_39 = vector.broadcast %broadcast_in_dim3A_38 : i32 to vector<1x1xi32>
    %lt3A_40 = arith.constant 0 : i32
    %lt3A_41 = vector.broadcast %lt3A_40 : i32 to vector<1x1xi32>
    %lt3A_42 = arith.cmpi slt, %broadcast_in_dim3A_39, %lt3A_41 : vector<1x1xi32>
    %sub3A_43 = arith.constant -2147483648 : i32
    %sub3A_44 = vector.broadcast %sub3A_43 : i32 to vector<1x1xi32>
    %sub3A_45 = arith.subi %sub3A_44, %broadcast_in_dim3A_39 : vector<1x1xi32>
    %select_n3A_46 = arith.select %lt3A_42, %sub3A_45, %broadcast_in_dim3A_39 : vector<1x1xi1>, vector<1x1xi32>
    %bitcast_convert_type3A_47 = tpu.bitcast %select_n3A_46 : vector<1x1xi32> -> vector<1x1xf32>
    %ge3A_48 = vector.broadcast %bitcast_convert_type3A_47 : vector<1x1xf32> to vector<8x32768xf32>
    %ge3A_49 = arith.cmpf oge, %get3A_1, %ge3A_48 : vector<8x32768xf32>
    %convert_element_type3A_50 = arith.extui %ge3A_49 : vector<8x32768xi1> to vector<8x32768xi32>
    %reduce_sum3A_51 = arith.constant dense<0> : vector<8xi32>
    %reduce_sum3A_52 = vector.multi_reduction <add>, %convert_element_type3A_50, %reduce_sum3A_51 [1] : vector<8x32768xi32> to vector<8xi32>
    %broadcast_in_dim3A_53 = vector.shape_cast %reduce_sum3A_52 : vector<8xi32> to vector<8x1xi32>
    %ge3A_54 = vector.broadcast %broadcast_in_dim3A_53 : vector<8x1xi32> to vector<8x8xi32>
    %ge3A_55 = arith.cmpi sge, %ge3A_54, %get3A_4 : vector<8x8xi32>
    %convert_element_type3A_56 = arith.extui %ge3A_55 : vector<8x8xi1> to vector<8x8xi32>
    %add3A_57 = arith.addi %add3A_37, %convert_element_type3A_56 : vector<8x8xi32>
    %broadcast_in_dim3A_58 = arith.constant -1073741824 : i32
    %broadcast_in_dim3A_59 = vector.broadcast %broadcast_in_dim3A_58 : i32 to vector<1x1xi32>
    %lt3A_60 = arith.constant 0 : i32
    %lt3A_61 = vector.broadcast %lt3A_60 : i32 to vector<1x1xi32>
    %lt3A_62 = arith.cmpi slt, %broadcast_in_dim3A_59, %lt3A_61 : vector<1x1xi32>
    %sub3A_63 = arith.constant -2147483648 : i32
    %sub3A_64 = vector.broadcast %sub3A_63 : i32 to vector<1x1xi32>
    %sub3A_65 = arith.subi %sub3A_64, %broadcast_in_dim3A_59 : vector<1x1xi32>
    %select_n3A_66 = arith.select %lt3A_62, %sub3A_65, %broadcast_in_dim3A_59 : vector<1x1xi1>, vector<1x1xi32>
    %bitcast_convert_type3A_67 = tpu.bitcast %select_n3A_66 : vector<1x1xi32> -> vector<1x1xf32>
    %ge3A_68 = vector.broadcast %bitcast_convert_type3A_67 : vector<1x1xf32> to vector<8x32768xf32>
    %ge3A_69 = arith.cmpf oge, %get3A_1, %ge3A_68 : vector<8x32768xf32>
    %convert_element_type3A_70 = arith.extui %ge3A_69 : vector<8x32768xi1> to vector<8x32768xi32>
    %reduce_sum3A_71 = arith.constant dense<0> : vector<8xi32>
    %reduce_sum3A_72 = vector.multi_reduction <add>, %convert_element_type3A_70, %reduce_sum3A_71 [1] : vector<8x32768xi32> to vector<8xi32>
    %broadcast_in_dim3A_73 = vector.shape_cast %reduce_sum3A_72 : vector<8xi32> to vector<8x1xi32>
    %ge3A_74 = vector.broadcast %broadcast_in_dim3A_73 : vector<8x1xi32> to vector<8x8xi32>
    %ge3A_75 = arith.cmpi sge, %ge3A_74, %get3A_4 : vector<8x8xi32>
    %convert_element_type3A_76 = arith.extui %ge3A_75 : vector<8x8xi1> to vector<8x8xi32>
    %add3A_77 = arith.addi %add3A_57, %convert_element_type3A_76 : vector<8x8xi32>
    %broadcast_in_dim3A_78 = arith.constant -805306368 : i32
    %broadcast_in_dim3A_79 = vector.broadcast %broadcast_in_dim3A_78 : i32 to vector<1x1xi32>
    %lt3A_80 = arith.constant 0 : i32
    %lt3A_81 = vector.broadcast %lt3A_80 : i32 to vector<1x1xi32>
    %lt3A_82 = arith.cmpi slt, %broadcast_in_dim3A_79, %lt3A_81 : vector<1x1xi32>
    %sub3A_83 = arith.constant -2147483648 : i32
    %sub3A_84 = vector.broadcast %sub3A_83 : i32 to vector<1x1xi32>
    %sub3A_85 = arith.subi %sub3A_84, %broadcast_in_dim3A_79 : vector<1x1xi32>
    %select_n3A_86 = arith.select %lt3A_82, %sub3A_85, %broadcast_in_dim3A_79 : vector<1x1xi1>, vector<1x1xi32>
    %bitcast_convert_type3A_87 = tpu.bitcast %select_n3A_86 : vector<1x1xi32> -> vector<1x1xf32>
    %ge3A_88 = vector.broadcast %bitcast_convert_type3A_87 : vector<1x1xf32> to vector<8x32768xf32>
    %ge3A_89 = arith.cmpf oge, %get3A_1, %ge3A_88 : vector<8x32768xf32>
    %convert_element_type3A_90 = arith.extui %ge3A_89 : vector<8x32768xi1> to vector<8x32768xi32>
    %reduce_sum3A_91 = arith.constant dense<0> : vector<8xi32>
    %reduce_sum3A_92 = vector.multi_reduction <add>, %convert_element_type3A_90, %reduce_sum3A_91 [1] : vector<8x32768xi32> to vector<8xi32>
    %broadcast_in_dim3A_93 = vector.shape_cast %reduce_sum3A_92 : vector<8xi32> to vector<8x1xi32>
    %ge3A_94 = vector.broadcast %broadcast_in_dim3A_93 : vector<8x1xi32> to vector<8x8xi32>
    %ge3A_95 = arith.cmpi sge, %ge3A_94, %get3A_4 : vector<8x8xi32>
    %convert_element_type3A_96 = arith.extui %ge3A_95 : vector<8x8xi1> to vector<8x8xi32>
    %add3A_97 = arith.addi %add3A_77, %convert_element_type3A_96 : vector<8x8xi32>
    %broadcast_in_dim3A_98 = arith.constant -536870912 : i32
    %broadcast_in_dim3A_99 = vector.broadcast %broadcast_in_dim3A_98 : i32 to vector<1x1xi32>
    %lt3A_100 = arith.constant 0 : i32
    %lt3A_101 = vector.broadcast %lt3A_100 : i32 to vector<1x1xi32>
    %lt3A_102 = arith.cmpi slt, %broadcast_in_dim3A_99, %lt3A_101 : vector<1x1xi32>
    %sub3A_103 = arith.constant -2147483648 : i32
    %sub3A_104 = vector.broadcast %sub3A_103 : i32 to vector<1x1xi32>
    %sub3A_105 = arith.subi %sub3A_104, %broadcast_in_dim3A_99 : vector<1x1xi32>
    %select_n3A_106 = arith.select %lt3A_102, %sub3A_105, %broadcast_in_dim3A_99 : vector<1x1xi1>, vector<1x1xi32>
    %bitcast_convert_type3A_107 = tpu.bitcast %select_n3A_106 : vector<1x1xi32> -> vector<1x1xf32>
    %ge3A_108 = vector.broadcast %bitcast_convert_type3A_107 : vector<1x1xf32> to vector<8x32768xf32>
    %ge3A_109 = arith.cmpf oge, %get3A_1, %ge3A_108 : vector<8x32768xf32>
    %convert_element_type3A_110 = arith.extui %ge3A_109 : vector<8x32768xi1> to vector<8x32768xi32>
    %reduce_sum3A_111 = arith.constant dense<0> : vector<8xi32>
    %reduce_sum3A_112 = vector.multi_reduction <add>, %convert_element_type3A_110, %reduce_sum3A_111 [1] : vector<8x32768xi32> to vector<8xi32>
    %broadcast_in_dim3A_113 = vector.shape_cast %reduce_sum3A_112 : vector<8xi32> to vector<8x1xi32>
    %ge3A_114 = vector.broadcast %broadcast_in_dim3A_113 : vector<8x1xi32> to vector<8x8xi32>
    %ge3A_115 = arith.cmpi sge, %ge3A_114, %get3A_4 : vector<8x8xi32>
    %convert_element_type3A_116 = arith.extui %ge3A_115 : vector<8x8xi1> to vector<8x8xi32>
    %add3A_117 = arith.addi %add3A_97, %convert_element_type3A_116 : vector<8x8xi32>
    %broadcast_in_dim3A_118 = arith.constant -268435456 : i32
    %broadcast_in_dim3A_119 = vector.broadcast %broadcast_in_dim3A_118 : i32 to vector<1x1xi32>
    %lt3A_120 = arith.constant 0 : i32
    %lt3A_121 = vector.broadcast %lt3A_120 : i32 to vector<1x1xi32>
    %lt3A_122 = arith.cmpi slt, %broadcast_in_dim3A_119, %lt3A_121 : vector<1x1xi32>
    %sub3A_123 = arith.constant -2147483648 : i32
    %sub3A_124 = vector.broadcast %sub3A_123 : i32 to vector<1x1xi32>
    %sub3A_125 = arith.subi %sub3A_124, %broadcast_in_dim3A_119 : vector<1x1xi32>
    %select_n3A_126 = arith.select %lt3A_122, %sub3A_125, %broadcast_in_dim3A_119 : vector<1x1xi1>, vector<1x1xi32>
    %bitcast_convert_type3A_127 = tpu.bitcast %select_n3A_126 : vector<1x1xi32> -> vector<1x1xf32>
    %ge3A_128 = vector.broadcast %bitcast_convert_type3A_127 : vector<1x1xf32> to vector<8x32768xf32>
    %ge3A_129 = arith.cmpf oge, %get3A_1, %ge3A_128 : vector<8x32768xf32>
    %convert_element_type3A_130 = arith.extui %ge3A_129 : vector<8x32768xi1> to vector<8x32768xi32>
    %reduce_sum3A_131 = arith.constant dense<0> : vector<8xi32>
    %reduce_sum3A_132 = vector.multi_reduction <add>, %convert_element_type3A_130, %reduce_sum3A_131 [1] : vector<8x32768xi32> to vector<8xi32>
    %broadcast_in_dim3A_133 = vector.shape_cast %reduce_sum3A_132 : vector<8xi32> to vector<8x1xi32>
    %ge3A_134 = vector.broadcast %broadcast_in_dim3A_133 : vector<8x1xi32> to vector<8x8xi32>
    %ge3A_135 = arith.cmpi sge, %ge3A_134, %get3A_4 : vector<8x8xi32>
    %convert_element_type3A_136 = arith.extui %ge3A_135 : vector<8x8xi1> to vector<8x8xi32>
    %add3A_137 = arith.addi %add3A_117, %convert_element_type3A_136 : vector<8x8xi32>
    %broadcast_in_dim3A_138 = arith.constant 0 : i32
    %broadcast_in_dim3A_139 = vector.broadcast %broadcast_in_dim3A_138 : i32 to vector<1x1xi32>
    %lt3A_140 = arith.constant 0 : i32
    %lt3A_141 = vector.broadcast %lt3A_140 : i32 to vector<1x1xi32>
    %lt3A_142 = arith.cmpi slt, %broadcast_in_dim3A_139, %lt3A_141 : vector<1x1xi32>
    %sub3A_143 = arith.constant -2147483648 : i32
    %sub3A_144 = vector.broadcast %sub3A_143 : i32 to vector<1x1xi32>
    %sub3A_145 = arith.subi %sub3A_144, %broadcast_in_dim3A_139 : vector<1x1xi32>
    %select_n3A_146 = arith.select %lt3A_142, %sub3A_145, %broadcast_in_dim3A_139 : vector<1x1xi1>, vector<1x1xi32>
    %bitcast_convert_type3A_147 = tpu.bitcast %select_n3A_146 : vector<1x1xi32> -> vector<1x1xf32>
    %ge3A_148 = vector.broadcast %bitcast_convert_type3A_147 : vector<1x1xf32> to vector<8x32768xf32>
    %ge3A_149 = arith.cmpf oge, %get3A_1, %ge3A_148 : vector<8x32768xf32>
    %convert_element_type3A_150 = arith.extui %ge3A_149 : vector<8x32768xi1> to vector<8x32768xi32>
    %reduce_sum3A_151 = arith.constant dense<0> : vector<8xi32>
    %reduce_sum3A_152 = vector.multi_reduction <add>, %convert_element_type3A_150, %reduce_sum3A_151 [1] : vector<8x32768xi32> to vector<8xi32>
    %broadcast_in_dim3A_153 = vector.shape_cast %reduce_sum3A_152 : vector<8xi32> to vector<8x1xi32>
    %ge3A_154 = vector.broadcast %broadcast_in_dim3A_153 : vector<8x1xi32> to vector<8x8xi32>
    %ge3A_155 = arith.cmpi sge, %ge3A_154, %get3A_4 : vector<8x8xi32>
    %convert_element_type3A_156 = arith.extui %ge3A_155 : vector<8x8xi1> to vector<8x8xi32>
    %add3A_157 = arith.addi %add3A_137, %convert_element_type3A_156 : vector<8x8xi32>
    %broadcast_in_dim3A_158 = arith.constant 268435456 : i32
    %broadcast_in_dim3A_159 = vector.broadcast %broadcast_in_dim3A_158 : i32 to vector<1x1xi32>
    %lt3A_160 = arith.constant 0 : i32
    %lt3A_161 = vector.broadcast %lt3A_160 : i32 to vector<1x1xi32>
    %lt3A_162 = arith.cmpi slt, %broadcast_in_dim3A_159, %lt3A_161 : vector<1x1xi32>
    %sub3A_163 = arith.constant -2147483648 : i32
    %sub3A_164 = vector.broadcast %sub3A_163 : i32 to vector<1x1xi32>
    %sub3A_165 = arith.subi %sub3A_164, %broadcast_in_dim3A_159 : vector<1x1xi32>
    %select_n3A_166 = arith.select %lt3A_162, %sub3A_165, %broadcast_in_dim3A_159 : vector<1x1xi1>, vector<1x1xi32>
    %bitcast_convert_type3A_167 = tpu.bitcast %select_n3A_166 : vector<1x1xi32> -> vector<1x1xf32>
    %ge3A_168 = vector.broadcast %bitcast_convert_type3A_167 : vector<1x1xf32> to vector<8x32768xf32>
    %ge3A_169 = arith.cmpf oge, %get3A_1, %ge3A_168 : vector<8x32768xf32>
    %convert_element_type3A_170 = arith.extui %ge3A_169 : vector<8x32768xi1> to vector<8x32768xi32>
    %reduce_sum3A_171 = arith.constant dense<0> : vector<8xi32>
    %reduce_sum3A_172 = vector.multi_reduction <add>, %convert_element_type3A_170, %reduce_sum3A_171 [1] : vector<8x32768xi32> to vector<8xi32>
    %broadcast_in_dim3A_173 = vector.shape_cast %reduce_sum3A_172 : vector<8xi32> to vector<8x1xi32>
    %ge3A_174 = vector.broadcast %broadcast_in_dim3A_173 : vector<8x1xi32> to vector<8x8xi32>
    %ge3A_175 = arith.cmpi sge, %ge3A_174, %get3A_4 : vector<8x8xi32>
    %convert_element_type3A_176 = arith.extui %ge3A_175 : vector<8x8xi1> to vector<8x8xi32>
    %add3A_177 = arith.addi %add3A_157, %convert_element_type3A_176 : vector<8x8xi32>
    %broadcast_in_dim3A_178 = arith.constant 536870912 : i32
    %broadcast_in_dim3A_179 = vector.broadcast %broadcast_in_dim3A_178 : i32 to vector<1x1xi32>
    %lt3A_180 = arith.constant 0 : i32
    %lt3A_181 = vector.broadcast %lt3A_180 : i32 to vector<1x1xi32>
    %lt3A_182 = arith.cmpi slt, %broadcast_in_dim3A_179, %lt3A_181 : vector<1x1xi32>
    %sub3A_183 = arith.constant -2147483648 : i32
    %sub3A_184 = vector.broadcast %sub3A_183 : i32 to vector<1x1xi32>
    %sub3A_185 = arith.subi %sub3A_184, %broadcast_in_dim3A_179 : vector<1x1xi32>
    %select_n3A_186 = arith.select %lt3A_182, %sub3A_185, %broadcast_in_dim3A_179 : vector<1x1xi1>, vector<1x1xi32>
    %bitcast_convert_type3A_187 = tpu.bitcast %select_n3A_186 : vector<1x1xi32> -> vector<1x1xf32>
    %ge3A_188 = vector.broadcast %bitcast_convert_type3A_187 : vector<1x1xf32> to vector<8x32768xf32>
    %ge3A_189 = arith.cmpf oge, %get3A_1, %ge3A_188 : vector<8x32768xf32>
    %convert_element_type3A_190 = arith.extui %ge3A_189 : vector<8x32768xi1> to vector<8x32768xi32>
    %reduce_sum3A_191 = arith.constant dense<0> : vector<8xi32>
    %reduce_sum3A_192 = vector.multi_reduction <add>, %convert_element_type3A_190, %reduce_sum3A_191 [1] : vector<8x32768xi32> to vector<8xi32>
    %broadcast_in_dim3A_193 = vector.shape_cast %reduce_sum3A_192 : vector<8xi32> to vector<8x1xi32>
    %ge3A_194 = vector.broadcast %broadcast_in_dim3A_193 : vector<8x1xi32> to vector<8x8xi32>
    %ge3A_195 = arith.cmpi sge, %ge3A_194, %get3A_4 : vector<8x8xi32>
    %convert_element_type3A_196 = arith.extui %ge3A_195 : vector<8x8xi1> to vector<8x8xi32>
    %add3A_197 = arith.addi %add3A_177, %convert_element_type3A_196 : vector<8x8xi32>
    %broadcast_in_dim3A_198 = arith.constant 805306368 : i32
    %broadcast_in_dim3A_199 = vector.broadcast %broadcast_in_dim3A_198 : i32 to vector<1x1xi32>
    %lt3A_200 = arith.constant 0 : i32
    %lt3A_201 = vector.broadcast %lt3A_200 : i32 to vector<1x1xi32>
    %lt3A_202 = arith.cmpi slt, %broadcast_in_dim3A_199, %lt3A_201 : vector<1x1xi32>
    %sub3A_203 = arith.constant -2147483648 : i32
    %sub3A_204 = vector.broadcast %sub3A_203 : i32 to vector<1x1xi32>
    %sub3A_205 = arith.subi %sub3A_204, %broadcast_in_dim3A_199 : vector<1x1xi32>
    %select_n3A_206 = arith.select %lt3A_202, %sub3A_205, %broadcast_in_dim3A_199 : vector<1x1xi1>, vector<1x1xi32>
    %bitcast_convert_type3A_207 = tpu.bitcast %select_n3A_206 : vector<1x1xi32> -> vector<1x1xf32>
    %ge3A_208 = vector.broadcast %bitcast_convert_type3A_207 : vector<1x1xf32> to vector<8x32768xf32>
    %ge3A_209 = arith.cmpf oge, %get3A_1, %ge3A_208 : vector<8x32768xf32>
    %convert_element_type3A_210 = arith.extui %ge3A_209 : vector<8x32768xi1> to vector<8x32768xi32>
    %reduce_sum3A_211 = arith.constant dense<0> : vector<8xi32>
    %reduce_sum3A_212 = vector.multi_reduction <add>, %convert_element_type3A_210, %reduce_sum3A_211 [1] : vector<8x32768xi32> to vector<8xi32>
    %broadcast_in_dim3A_213 = vector.shape_cast %reduce_sum3A_212 : vector<8xi32> to vector<8x1xi32>
    %ge3A_214 = vector.broadcast %broadcast_in_dim3A_213 : vector<8x1xi32> to vector<8x8xi32>
    %ge3A_215 = arith.cmpi sge, %ge3A_214, %get3A_4 : vector<8x8xi32>
    %convert_element_type3A_216 = arith.extui %ge3A_215 : vector<8x8xi1> to vector<8x8xi32>
    %add3A_217 = arith.addi %add3A_197, %convert_element_type3A_216 : vector<8x8xi32>
    %broadcast_in_dim3A_218 = arith.constant 1073741824 : i32
    %broadcast_in_dim3A_219 = vector.broadcast %broadcast_in_dim3A_218 : i32 to vector<1x1xi32>
    %lt3A_220 = arith.constant 0 : i32
    %lt3A_221 = vector.broadcast %lt3A_220 : i32 to vector<1x1xi32>
    %lt3A_222 = arith.cmpi slt, %broadcast_in_dim3A_219, %lt3A_221 : vector<1x1xi32>
    %sub3A_223 = arith.constant -2147483648 : i32
    %sub3A_224 = vector.broadcast %sub3A_223 : i32 to vector<1x1xi32>
    %sub3A_225 = arith.subi %sub3A_224, %broadcast_in_dim3A_219 : vector<1x1xi32>
    %select_n3A_226 = arith.select %lt3A_222, %sub3A_225, %broadcast_in_dim3A_219 : vector<1x1xi1>, vector<1x1xi32>
    %bitcast_convert_type3A_227 = tpu.bitcast %select_n3A_226 : vector<1x1xi32> -> vector<1x1xf32>
    %ge3A_228 = vector.broadcast %bitcast_convert_type3A_227 : vector<1x1xf32> to vector<8x32768xf32>
    %ge3A_229 = arith.cmpf oge, %get3A_1, %ge3A_228 : vector<8x32768xf32>
    %convert_element_type3A_230 = arith.extui %ge3A_229 : vector<8x32768xi1> to vector<8x32768xi32>
    %reduce_sum3A_231 = arith.constant dense<0> : vector<8xi32>
    %reduce_sum3A_232 = vector.multi_reduction <add>, %convert_element_type3A_230, %reduce_sum3A_231 [1] : vector<8x32768xi32> to vector<8xi32>
    %broadcast_in_dim3A_233 = vector.shape_cast %reduce_sum3A_232 : vector<8xi32> to vector<8x1xi32>
    %ge3A_234 = vector.broadcast %broadcast_in_dim3A_233 : vector<8x1xi32> to vector<8x8xi32>
    %ge3A_235 = arith.cmpi sge, %ge3A_234, %get3A_4 : vector<8x8xi32>
    %convert_element_type3A_236 = arith.extui %ge3A_235 : vector<8x8xi1> to vector<8x8xi32>
    %add3A_237 = arith.addi %add3A_217, %convert_element_type3A_236 : vector<8x8xi32>
    %broadcast_in_dim3A_238 = arith.constant 1342177280 : i32
    %broadcast_in_dim3A_239 = vector.broadcast %broadcast_in_dim3A_238 : i32 to vector<1x1xi32>
    %lt3A_240 = arith.constant 0 : i32
    %lt3A_241 = vector.broadcast %lt3A_240 : i32 to vector<1x1xi32>
    %lt3A_242 = arith.cmpi slt, %broadcast_in_dim3A_239, %lt3A_241 : vector<1x1xi32>
    %sub3A_243 = arith.constant -2147483648 : i32
    %sub3A_244 = vector.broadcast %sub3A_243 : i32 to vector<1x1xi32>
    %sub3A_245 = arith.subi %sub3A_244, %broadcast_in_dim3A_239 : vector<1x1xi32>
    %select_n3A_246 = arith.select %lt3A_242, %sub3A_245, %broadcast_in_dim3A_239 : vector<1x1xi1>, vector<1x1xi32>
    %bitcast_convert_type3A_247 = tpu.bitcast %select_n3A_246 : vector<1x1xi32> -> vector<1x1xf32>
    %ge3A_248 = vector.broadcast %bitcast_convert_type3A_247 : vector<1x1xf32> to vector<8x32768xf32>
    %ge3A_249 = arith.cmpf oge, %get3A_1, %ge3A_248 : vector<8x32768xf32>
    %convert_element_type3A_250 = arith.extui %ge3A_249 : vector<8x32768xi1> to vector<8x32768xi32>
    %reduce_sum3A_251 = arith.constant dense<0> : vector<8xi32>
    %reduce_sum3A_252 = vector.multi_reduction <add>, %convert_element_type3A_250, %reduce_sum3A_251 [1] : vector<8x32768xi32> to vector<8xi32>
    %broadcast_in_dim3A_253 = vector.shape_cast %reduce_sum3A_252 : vector<8xi32> to vector<8x1xi32>
    %ge3A_254 = vector.broadcast %broadcast_in_dim3A_253 : vector<8x1xi32> to vector<8x8xi32>
    %ge3A_255 = arith.cmpi sge, %ge3A_254, %get3A_4 : vector<8x8xi32>
    %convert_element_type3A_256 = arith.extui %ge3A_255 : vector<8x8xi1> to vector<8x8xi32>
    %add3A_257 = arith.addi %add3A_237, %convert_element_type3A_256 : vector<8x8xi32>
    %broadcast_in_dim3A_258 = arith.constant 1610612736 : i32
    %broadcast_in_dim3A_259 = vector.broadcast %broadcast_in_dim3A_258 : i32 to vector<1x1xi32>
    %lt3A_260 = arith.constant 0 : i32
    %lt3A_261 = vector.broadcast %lt3A_260 : i32 to vector<1x1xi32>
    %lt3A_262 = arith.cmpi slt, %broadcast_in_dim3A_259, %lt3A_261 : vector<1x1xi32>
    %sub3A_263 = arith.constant -2147483648 : i32
    %sub3A_264 = vector.broadcast %sub3A_263 : i32 to vector<1x1xi32>
    %sub3A_265 = arith.subi %sub3A_264, %broadcast_in_dim3A_259 : vector<1x1xi32>
    %select_n3A_266 = arith.select %lt3A_262, %sub3A_265, %broadcast_in_dim3A_259 : vector<1x1xi1>, vector<1x1xi32>
    %bitcast_convert_type3A_267 = tpu.bitcast %select_n3A_266 : vector<1x1xi32> -> vector<1x1xf32>
    %ge3A_268 = vector.broadcast %bitcast_convert_type3A_267 : vector<1x1xf32> to vector<8x32768xf32>
    %ge3A_269 = arith.cmpf oge, %get3A_1, %ge3A_268 : vector<8x32768xf32>
    %convert_element_type3A_270 = arith.extui %ge3A_269 : vector<8x32768xi1> to vector<8x32768xi32>
    %reduce_sum3A_271 = arith.constant dense<0> : vector<8xi32>
    %reduce_sum3A_272 = vector.multi_reduction <add>, %convert_element_type3A_270, %reduce_sum3A_271 [1] : vector<8x32768xi32> to vector<8xi32>
    %broadcast_in_dim3A_273 = vector.shape_cast %reduce_sum3A_272 : vector<8xi32> to vector<8x1xi32>
    %ge3A_274 = vector.broadcast %broadcast_in_dim3A_273 : vector<8x1xi32> to vector<8x8xi32>
    %ge3A_275 = arith.cmpi sge, %ge3A_274, %get3A_4 : vector<8x8xi32>
    %convert_element_type3A_276 = arith.extui %ge3A_275 : vector<8x8xi1> to vector<8x8xi32>
    %add3A_277 = arith.addi %add3A_257, %convert_element_type3A_276 : vector<8x8xi32>
    %broadcast_in_dim3A_278 = arith.constant 1879048192 : i32
    %broadcast_in_dim3A_279 = vector.broadcast %broadcast_in_dim3A_278 : i32 to vector<1x1xi32>
    %lt3A_280 = arith.constant 0 : i32
    %lt3A_281 = vector.broadcast %lt3A_280 : i32 to vector<1x1xi32>
    %lt3A_282 = arith.cmpi slt, %broadcast_in_dim3A_279, %lt3A_281 : vector<1x1xi32>
    %sub3A_283 = arith.constant -2147483648 : i32
    %sub3A_284 = vector.broadcast %sub3A_283 : i32 to vector<1x1xi32>
    %sub3A_285 = arith.subi %sub3A_284, %broadcast_in_dim3A_279 : vector<1x1xi32>
    %select_n3A_286 = arith.select %lt3A_282, %sub3A_285, %broadcast_in_dim3A_279 : vector<1x1xi1>, vector<1x1xi32>
    %bitcast_convert_type3A_287 = tpu.bitcast %select_n3A_286 : vector<1x1xi32> -> vector<1x1xf32>
    %ge3A_288 = vector.broadcast %bitcast_convert_type3A_287 : vector<1x1xf32> to vector<8x32768xf32>
    %ge3A_289 = arith.cmpf oge, %get3A_1, %ge3A_288 : vector<8x32768xf32>
    %convert_element_type3A_290 = arith.extui %ge3A_289 : vector<8x32768xi1> to vector<8x32768xi32>
    %reduce_sum3A_291 = arith.constant dense<0> : vector<8xi32>
    %reduce_sum3A_292 = vector.multi_reduction <add>, %convert_element_type3A_290, %reduce_sum3A_291 [1] : vector<8x32768xi32> to vector<8xi32>
    %broadcast_in_dim3A_293 = vector.shape_cast %reduce_sum3A_292 : vector<8xi32> to vector<8x1xi32>
    %ge3A_294 = vector.broadcast %broadcast_in_dim3A_293 : vector<8x1xi32> to vector<8x8xi32>
    %ge3A_295 = arith.cmpi sge, %ge3A_294, %get3A_4 : vector<8x8xi32>
    %convert_element_type3A_296 = arith.extui %ge3A_295 : vector<8x8xi1> to vector<8x8xi32>
    %add3A_297 = arith.addi %add3A_277, %convert_element_type3A_296 : vector<8x8xi32>
    %sub3A_298 = arith.constant 8 : i32
    %sub3A_299 = vector.broadcast %sub3A_298 : i32 to vector<8x8xi32>
    %sub3A_300 = arith.subi %add3A_297, %sub3A_299 : vector<8x8xi32>
    %shift_left3A = arith.constant 28 : i32
    %shift_left3A_301 = vector.broadcast %shift_left3A : i32 to vector<8x8xi32>
    %shift_left3A_302 = arith.shli %sub3A_300, %shift_left3A_301 : vector<8x8xi32>
    %scan3A = arith.constant 0 : i32
    %scan3A_303 = arith.constant 18 : i32
    %scan3A_304 = arith.addi %scan3A, %scan3A_303 : i32
    %scan3A_305 = arith.constant 1 : i32
    %scan3A_306 = scf.for %scan3A_318 = %scan3A to %scan3A_304 step %scan3A_305 iter_args(%scan3A_319 = %shift_left3A_302) -> (vector<8x8xi32>)  : i32 {
      %sub3A_320 = arith.constant 27 : i32
      %sub3A_321 = arith.subi %sub3A_320, %scan3A_318 : i32
      %shift_left3A_322 = arith.constant 1 : i32
      %shift_left3A_323 = arith.shli %shift_left3A_322, %sub3A_321 : i32
      %or3A = vector.broadcast %shift_left3A_323 : i32 to vector<8x8xi32>
      %or3A_324 = arith.ori %scan3A_319, %or3A : vector<8x8xi32>
      %lt3A_325 = arith.constant 0 : i32
      %lt3A_326 = vector.broadcast %lt3A_325 : i32 to vector<8x8xi32>
      %lt3A_327 = arith.cmpi slt, %or3A_324, %lt3A_326 : vector<8x8xi32>
      %sub3A_328 = arith.constant -2147483648 : i32
      %sub3A_329 = vector.broadcast %sub3A_328 : i32 to vector<8x8xi32>
      %sub3A_330 = arith.subi %sub3A_329, %or3A_324 : vector<8x8xi32>
      %select_n3A_331 = arith.select %lt3A_327, %sub3A_330, %or3A_324 : vector<8x8xi1>, vector<8x8xi32>
      %bitcast_convert_type3A_332 = tpu.bitcast %select_n3A_331 : vector<8x8xi32> -> vector<8x8xf32>
      %slice3A = vector.extract_strided_slice %bitcast_convert_type3A_332 {offsets = [0, 0], sizes = [8, 1], strides = [1, 1]} : vector<8x8xf32> to vector<8x1xf32>
      %ge3A_333 = vector.broadcast %slice3A : vector<8x1xf32> to vector<8x32768xf32>
      %ge3A_334 = arith.cmpf oge, %get3A_1, %ge3A_333 : vector<8x32768xf32>
      %convert_element_type3A_335 = arith.extui %ge3A_334 : vector<8x32768xi1> to vector<8x32768xi32>
      %reduce_sum3A_336 = arith.constant dense<0> : vector<8xi32>
      %reduce_sum3A_337 = vector.multi_reduction <add>, %convert_element_type3A_335, %reduce_sum3A_336 [1] : vector<8x32768xi32> to vector<8xi32>
      %broadcast_in_dim3A_338 = vector.shape_cast %reduce_sum3A_337 : vector<8xi32> to vector<8x1xi32>
      %slice3A_339 = vector.extract_strided_slice %bitcast_convert_type3A_332 {offsets = [0, 1], sizes = [8, 1], strides = [1, 1]} : vector<8x8xf32> to vector<8x1xf32>
      %ge3A_340 = vector.broadcast %slice3A_339 : vector<8x1xf32> to vector<8x32768xf32>
      %ge3A_341 = arith.cmpf oge, %get3A_1, %ge3A_340 : vector<8x32768xf32>
      %convert_element_type3A_342 = arith.extui %ge3A_341 : vector<8x32768xi1> to vector<8x32768xi32>
      %reduce_sum3A_343 = arith.constant dense<0> : vector<8xi32>
      %reduce_sum3A_344 = vector.multi_reduction <add>, %convert_element_type3A_342, %reduce_sum3A_343 [1] : vector<8x32768xi32> to vector<8xi32>
      %broadcast_in_dim3A_345 = vector.shape_cast %reduce_sum3A_344 : vector<8xi32> to vector<8x1xi32>
      %slice3A_346 = vector.extract_strided_slice %bitcast_convert_type3A_332 {offsets = [0, 2], sizes = [8, 1], strides = [1, 1]} : vector<8x8xf32> to vector<8x1xf32>
      %ge3A_347 = vector.broadcast %slice3A_346 : vector<8x1xf32> to vector<8x32768xf32>
      %ge3A_348 = arith.cmpf oge, %get3A_1, %ge3A_347 : vector<8x32768xf32>
      %convert_element_type3A_349 = arith.extui %ge3A_348 : vector<8x32768xi1> to vector<8x32768xi32>
      %reduce_sum3A_350 = arith.constant dense<0> : vector<8xi32>
      %reduce_sum3A_351 = vector.multi_reduction <add>, %convert_element_type3A_349, %reduce_sum3A_350 [1] : vector<8x32768xi32> to vector<8xi32>
      %broadcast_in_dim3A_352 = vector.shape_cast %reduce_sum3A_351 : vector<8xi32> to vector<8x1xi32>
      %slice3A_353 = vector.extract_strided_slice %bitcast_convert_type3A_332 {offsets = [0, 3], sizes = [8, 1], strides = [1, 1]} : vector<8x8xf32> to vector<8x1xf32>
      %ge3A_354 = vector.broadcast %slice3A_353 : vector<8x1xf32> to vector<8x32768xf32>
      %ge3A_355 = arith.cmpf oge, %get3A_1, %ge3A_354 : vector<8x32768xf32>
      %convert_element_type3A_356 = arith.extui %ge3A_355 : vector<8x32768xi1> to vector<8x32768xi32>
      %reduce_sum3A_357 = arith.constant dense<0> : vector<8xi32>
      %reduce_sum3A_358 = vector.multi_reduction <add>, %convert_element_type3A_356, %reduce_sum3A_357 [1] : vector<8x32768xi32> to vector<8xi32>
      %broadcast_in_dim3A_359 = vector.shape_cast %reduce_sum3A_358 : vector<8xi32> to vector<8x1xi32>
      %slice3A_360 = vector.extract_strided_slice %bitcast_convert_type3A_332 {offsets = [0, 4], sizes = [8, 1], strides = [1, 1]} : vector<8x8xf32> to vector<8x1xf32>
      %ge3A_361 = vector.broadcast %slice3A_360 : vector<8x1xf32> to vector<8x32768xf32>
      %ge3A_362 = arith.cmpf oge, %get3A_1, %ge3A_361 : vector<8x32768xf32>
      %convert_element_type3A_363 = arith.extui %ge3A_362 : vector<8x32768xi1> to vector<8x32768xi32>
      %reduce_sum3A_364 = arith.constant dense<0> : vector<8xi32>
      %reduce_sum3A_365 = vector.multi_reduction <add>, %convert_element_type3A_363, %reduce_sum3A_364 [1] : vector<8x32768xi32> to vector<8xi32>
      %broadcast_in_dim3A_366 = vector.shape_cast %reduce_sum3A_365 : vector<8xi32> to vector<8x1xi32>
      %slice3A_367 = vector.extract_strided_slice %bitcast_convert_type3A_332 {offsets = [0, 5], sizes = [8, 1], strides = [1, 1]} : vector<8x8xf32> to vector<8x1xf32>
      %ge3A_368 = vector.broadcast %slice3A_367 : vector<8x1xf32> to vector<8x32768xf32>
      %ge3A_369 = arith.cmpf oge, %get3A_1, %ge3A_368 : vector<8x32768xf32>
      %convert_element_type3A_370 = arith.extui %ge3A_369 : vector<8x32768xi1> to vector<8x32768xi32>
      %reduce_sum3A_371 = arith.constant dense<0> : vector<8xi32>
      %reduce_sum3A_372 = vector.multi_reduction <add>, %convert_element_type3A_370, %reduce_sum3A_371 [1] : vector<8x32768xi32> to vector<8xi32>
      %broadcast_in_dim3A_373 = vector.shape_cast %reduce_sum3A_372 : vector<8xi32> to vector<8x1xi32>
      %slice3A_374 = vector.extract_strided_slice %bitcast_convert_type3A_332 {offsets = [0, 6], sizes = [8, 1], strides = [1, 1]} : vector<8x8xf32> to vector<8x1xf32>
      %ge3A_375 = vector.broadcast %slice3A_374 : vector<8x1xf32> to vector<8x32768xf32>
      %ge3A_376 = arith.cmpf oge, %get3A_1, %ge3A_375 : vector<8x32768xf32>
      %convert_element_type3A_377 = arith.extui %ge3A_376 : vector<8x32768xi1> to vector<8x32768xi32>
      %reduce_sum3A_378 = arith.constant dense<0> : vector<8xi32>
      %reduce_sum3A_379 = vector.multi_reduction <add>, %convert_element_type3A_377, %reduce_sum3A_378 [1] : vector<8x32768xi32> to vector<8xi32>
      %broadcast_in_dim3A_380 = vector.shape_cast %reduce_sum3A_379 : vector<8xi32> to vector<8x1xi32>
      %slice3A_381 = vector.extract_strided_slice %bitcast_convert_type3A_332 {offsets = [0, 7], sizes = [8, 1], strides = [1, 1]} : vector<8x8xf32> to vector<8x1xf32>
      %ge3A_382 = vector.broadcast %slice3A_381 : vector<8x1xf32> to vector<8x32768xf32>
      %ge3A_383 = arith.cmpf oge, %get3A_1, %ge3A_382 : vector<8x32768xf32>
      %convert_element_type3A_384 = arith.extui %ge3A_383 : vector<8x32768xi1> to vector<8x32768xi32>
      %reduce_sum3A_385 = arith.constant dense<0> : vector<8xi32>
      %reduce_sum3A_386 = vector.multi_reduction <add>, %convert_element_type3A_384, %reduce_sum3A_385 [1] : vector<8x32768xi32> to vector<8xi32>
      %broadcast_in_dim3A_387 = vector.shape_cast %reduce_sum3A_386 : vector<8xi32> to vector<8x1xi32>
      %concatenate3A = tpu.concatenate %broadcast_in_dim3A_338, %broadcast_in_dim3A_345, %broadcast_in_dim3A_352, %broadcast_in_dim3A_359, %broadcast_in_dim3A_366, %broadcast_in_dim3A_373, %broadcast_in_dim3A_380, %broadcast_in_dim3A_387 in 1 : vector<8x1xi32>, vector<8x1xi32>, vector<8x1xi32>, vector<8x1xi32>, vector<8x1xi32>, vector<8x1xi32>, vector<8x1xi32>, vector<8x1xi32> -> vector<8x8xi32>
      %ge3A_388 = arith.cmpi sge, %concatenate3A, %get3A_4 : vector<8x8xi32>
      %select_n3A_389 = arith.select %ge3A_388, %or3A_324, %scan3A_319 : vector<8x8xi1>, vector<8x8xi32>
      scf.yield %select_n3A_389 : vector<8x8xi32>
    }
    %scan3A_307 = arith.constant 18 : i32
    %lt3A_308 = arith.constant 0 : i32
    %lt3A_309 = vector.broadcast %lt3A_308 : i32 to vector<8x8xi32>
    %lt3A_310 = arith.cmpi slt, %scan3A_306, %lt3A_309 : vector<8x8xi32>
    %sub3A_311 = arith.constant -2147483648 : i32
    %sub3A_312 = vector.broadcast %sub3A_311 : i32 to vector<8x8xi32>
    %sub3A_313 = arith.subi %sub3A_312, %scan3A_306 : vector<8x8xi32>
    %select_n3A_314 = arith.select %lt3A_310, %sub3A_313, %scan3A_306 : vector<8x8xi1>, vector<8x8xi32>
    %bitcast_convert_type3A_315 = tpu.bitcast %select_n3A_314 : vector<8x8xi32> -> vector<8x8xf32>
    %swap3A = arith.constant 0 : index
    %swap3A_316 = arith.constant 0 : index
    %swap3A_317 = vector.load %arg3[%swap3A, %swap3A_316] : memref<8x8xf32, #tpu.memory_space<vmem>>, vector<8x8xf32>
    tpu.vector_store %arg3[%swap3A, %swap3A_316], %bitcast_convert_type3A_315 {strides = array<i32>} : memref<8x8xf32, #tpu.memory_space<vmem>>, vector<8x8xf32>,
    return
  }
  func.func @transform_0(%arg0: i32) -> (i32, i32) {
    %c0_i32 = arith.constant 0 : i32
    %c0_i32_0 = arith.constant 0 : i32
    return %arg0, %c0_i32 : i32, i32
  }
  func.func @transform_1(%arg0: i32) -> (i32, i32) {
    %c0_i32 = arith.constant 0 : i32
    %c0_i32_0 = arith.constant 0 : i32
    return %arg0, %c0_i32 : i32, i32
  }
  func.func @transform_2(%arg0: i32) -> (i32, i32) {
    %c0_i32 = arith.constant 0 : i32
    %c0_i32_0 = arith.constant 0 : i32
    return %arg0, %c0_i32 : i32, i32
  }
}

module attributes {stable_mosaic.version = 14 : i64} {
  func.func @_mask_body(%arg0: i32, %arg1: memref<8x32768xf32, #tpu.memory_space<vmem>>, %arg2: memref<8x8xf32, #tpu.memory_space<vmem>>, %arg3: memref<8x8x32768xi32, #tpu.memory_space<vmem>>) attributes {dimension_semantics = [#tpu.dimension_semantics<arbitrary>], iteration_bounds = array<i64: 8>, scalar_prefetch = 0 : i64, scratch_operands = 0 : i64, tpu.core_type = #tpu.core_type<tc>, window_params = [{transform_indices = @transform_0, window_bounds = array<i64: 8, 32768>}, {transform_indices = @transform_1, window_bounds = array<i64: 8, 8>}, {transform_indices = @transform_2, window_bounds = array<i64: 8, 8, 32768>}]} {
    %get3A = arith.constant 0 : index
    %get3A_0 = arith.constant 0 : index
    %get3A_1 = vector.load %arg1[%get3A, %get3A_0] : memref<8x32768xf32, #tpu.memory_space<vmem>>, vector<8x32768xf32>
    %get3A_2 = arith.constant 0 : index
    %get3A_3 = arith.constant 0 : index
    %get3A_4 = vector.load %arg2[%get3A_2, %get3A_3] : memref<8x8xf32, #tpu.memory_space<vmem>>, vector<8x8xf32>
    %slice3A = vector.extract_strided_slice %get3A_4 {offsets = [0, 0], sizes = [8, 1], strides = [1, 1]} : vector<8x8xf32> to vector<8x1xf32>
    %ge3A = vector.broadcast %slice3A : vector<8x1xf32> to vector<8x32768xf32>
    %ge3A_5 = arith.cmpf oge, %get3A_1, %ge3A : vector<8x32768xf32>
    %swap3A = arith.constant 0 : index
    %swap3A_6 = arith.constant 0 : index
    %swap3A_7 = arith.constant 0 : index
    %swap3A_8 = vector.load %arg3[%swap3A, %swap3A_6, %swap3A_7] : memref<8x8x32768xi32, #tpu.memory_space<vmem>>, vector<1x8x32768xi32>
    %swap3A_9 = arith.extui %ge3A_5 : vector<8x32768xi1> to vector<8x32768xi32>
    %swap3A_10 = vector.shape_cast %swap3A_8 : vector<1x8x32768xi32> to vector<8x32768xi32>
    %swap3A_11 = vector.shape_cast %swap3A_9 : vector<8x32768xi32> to vector<1x8x32768xi32>
    %swap3A_12 = arith.constant dense<0> : vector<8x32768xi32>
    %swap3A_13 = arith.cmpi ne, %swap3A_10, %swap3A_12 : vector<8x32768xi32>
    tpu.vector_store %arg3[%swap3A, %swap3A_6, %swap3A_7], %swap3A_11 {strides = array<i32>} : memref<8x8x32768xi32, #tpu.memory_space<vmem>>, vector<1x8x32768xi32>,
    %slice3A_14 = vector.extract_strided_slice %get3A_4 {offsets = [0, 1], sizes = [8, 1], strides = [1, 1]} : vector<8x8xf32> to vector<8x1xf32>
    %ge3A_15 = vector.broadcast %slice3A_14 : vector<8x1xf32> to vector<8x32768xf32>
    %ge3A_16 = arith.cmpf oge, %get3A_1, %ge3A_15 : vector<8x32768xf32>
    %swap3A_17 = arith.constant 1 : index
    %swap3A_18 = arith.constant 0 : index
    %swap3A_19 = arith.constant 0 : index
    %swap3A_20 = vector.load %arg3[%swap3A_17, %swap3A_18, %swap3A_19] : memref<8x8x32768xi32, #tpu.memory_space<vmem>>, vector<1x8x32768xi32>
    %swap3A_21 = arith.extui %ge3A_16 : vector<8x32768xi1> to vector<8x32768xi32>
    %swap3A_22 = vector.shape_cast %swap3A_20 : vector<1x8x32768xi32> to vector<8x32768xi32>
    %swap3A_23 = vector.shape_cast %swap3A_21 : vector<8x32768xi32> to vector<1x8x32768xi32>
    %swap3A_24 = arith.constant dense<0> : vector<8x32768xi32>
    %swap3A_25 = arith.cmpi ne, %swap3A_22, %swap3A_24 : vector<8x32768xi32>
    tpu.vector_store %arg3[%swap3A_17, %swap3A_18, %swap3A_19], %swap3A_23 {strides = array<i32>} : memref<8x8x32768xi32, #tpu.memory_space<vmem>>, vector<1x8x32768xi32>,
    %slice3A_26 = vector.extract_strided_slice %get3A_4 {offsets = [0, 2], sizes = [8, 1], strides = [1, 1]} : vector<8x8xf32> to vector<8x1xf32>
    %ge3A_27 = vector.broadcast %slice3A_26 : vector<8x1xf32> to vector<8x32768xf32>
    %ge3A_28 = arith.cmpf oge, %get3A_1, %ge3A_27 : vector<8x32768xf32>
    %swap3A_29 = arith.constant 2 : index
    %swap3A_30 = arith.constant 0 : index
    %swap3A_31 = arith.constant 0 : index
    %swap3A_32 = vector.load %arg3[%swap3A_29, %swap3A_30, %swap3A_31] : memref<8x8x32768xi32, #tpu.memory_space<vmem>>, vector<1x8x32768xi32>
    %swap3A_33 = arith.extui %ge3A_28 : vector<8x32768xi1> to vector<8x32768xi32>
    %swap3A_34 = vector.shape_cast %swap3A_32 : vector<1x8x32768xi32> to vector<8x32768xi32>
    %swap3A_35 = vector.shape_cast %swap3A_33 : vector<8x32768xi32> to vector<1x8x32768xi32>
    %swap3A_36 = arith.constant dense<0> : vector<8x32768xi32>
    %swap3A_37 = arith.cmpi ne, %swap3A_34, %swap3A_36 : vector<8x32768xi32>
    tpu.vector_store %arg3[%swap3A_29, %swap3A_30, %swap3A_31], %swap3A_35 {strides = array<i32>} : memref<8x8x32768xi32, #tpu.memory_space<vmem>>, vector<1x8x32768xi32>,
    %slice3A_38 = vector.extract_strided_slice %get3A_4 {offsets = [0, 3], sizes = [8, 1], strides = [1, 1]} : vector<8x8xf32> to vector<8x1xf32>
    %ge3A_39 = vector.broadcast %slice3A_38 : vector<8x1xf32> to vector<8x32768xf32>
    %ge3A_40 = arith.cmpf oge, %get3A_1, %ge3A_39 : vector<8x32768xf32>
    %swap3A_41 = arith.constant 3 : index
    %swap3A_42 = arith.constant 0 : index
    %swap3A_43 = arith.constant 0 : index
    %swap3A_44 = vector.load %arg3[%swap3A_41, %swap3A_42, %swap3A_43] : memref<8x8x32768xi32, #tpu.memory_space<vmem>>, vector<1x8x32768xi32>
    %swap3A_45 = arith.extui %ge3A_40 : vector<8x32768xi1> to vector<8x32768xi32>
    %swap3A_46 = vector.shape_cast %swap3A_44 : vector<1x8x32768xi32> to vector<8x32768xi32>
    %swap3A_47 = vector.shape_cast %swap3A_45 : vector<8x32768xi32> to vector<1x8x32768xi32>
    %swap3A_48 = arith.constant dense<0> : vector<8x32768xi32>
    %swap3A_49 = arith.cmpi ne, %swap3A_46, %swap3A_48 : vector<8x32768xi32>
    tpu.vector_store %arg3[%swap3A_41, %swap3A_42, %swap3A_43], %swap3A_47 {strides = array<i32>} : memref<8x8x32768xi32, #tpu.memory_space<vmem>>, vector<1x8x32768xi32>,
    %slice3A_50 = vector.extract_strided_slice %get3A_4 {offsets = [0, 4], sizes = [8, 1], strides = [1, 1]} : vector<8x8xf32> to vector<8x1xf32>
    %ge3A_51 = vector.broadcast %slice3A_50 : vector<8x1xf32> to vector<8x32768xf32>
    %ge3A_52 = arith.cmpf oge, %get3A_1, %ge3A_51 : vector<8x32768xf32>
    %swap3A_53 = arith.constant 4 : index
    %swap3A_54 = arith.constant 0 : index
    %swap3A_55 = arith.constant 0 : index
    %swap3A_56 = vector.load %arg3[%swap3A_53, %swap3A_54, %swap3A_55] : memref<8x8x32768xi32, #tpu.memory_space<vmem>>, vector<1x8x32768xi32>
    %swap3A_57 = arith.extui %ge3A_52 : vector<8x32768xi1> to vector<8x32768xi32>
    %swap3A_58 = vector.shape_cast %swap3A_56 : vector<1x8x32768xi32> to vector<8x32768xi32>
    %swap3A_59 = vector.shape_cast %swap3A_57 : vector<8x32768xi32> to vector<1x8x32768xi32>
    %swap3A_60 = arith.constant dense<0> : vector<8x32768xi32>
    %swap3A_61 = arith.cmpi ne, %swap3A_58, %swap3A_60 : vector<8x32768xi32>
    tpu.vector_store %arg3[%swap3A_53, %swap3A_54, %swap3A_55], %swap3A_59 {strides = array<i32>} : memref<8x8x32768xi32, #tpu.memory_space<vmem>>, vector<1x8x32768xi32>,
    %slice3A_62 = vector.extract_strided_slice %get3A_4 {offsets = [0, 5], sizes = [8, 1], strides = [1, 1]} : vector<8x8xf32> to vector<8x1xf32>
    %ge3A_63 = vector.broadcast %slice3A_62 : vector<8x1xf32> to vector<8x32768xf32>
    %ge3A_64 = arith.cmpf oge, %get3A_1, %ge3A_63 : vector<8x32768xf32>
    %swap3A_65 = arith.constant 5 : index
    %swap3A_66 = arith.constant 0 : index
    %swap3A_67 = arith.constant 0 : index
    %swap3A_68 = vector.load %arg3[%swap3A_65, %swap3A_66, %swap3A_67] : memref<8x8x32768xi32, #tpu.memory_space<vmem>>, vector<1x8x32768xi32>
    %swap3A_69 = arith.extui %ge3A_64 : vector<8x32768xi1> to vector<8x32768xi32>
    %swap3A_70 = vector.shape_cast %swap3A_68 : vector<1x8x32768xi32> to vector<8x32768xi32>
    %swap3A_71 = vector.shape_cast %swap3A_69 : vector<8x32768xi32> to vector<1x8x32768xi32>
    %swap3A_72 = arith.constant dense<0> : vector<8x32768xi32>
    %swap3A_73 = arith.cmpi ne, %swap3A_70, %swap3A_72 : vector<8x32768xi32>
    tpu.vector_store %arg3[%swap3A_65, %swap3A_66, %swap3A_67], %swap3A_71 {strides = array<i32>} : memref<8x8x32768xi32, #tpu.memory_space<vmem>>, vector<1x8x32768xi32>,
    %slice3A_74 = vector.extract_strided_slice %get3A_4 {offsets = [0, 6], sizes = [8, 1], strides = [1, 1]} : vector<8x8xf32> to vector<8x1xf32>
    %ge3A_75 = vector.broadcast %slice3A_74 : vector<8x1xf32> to vector<8x32768xf32>
    %ge3A_76 = arith.cmpf oge, %get3A_1, %ge3A_75 : vector<8x32768xf32>
    %swap3A_77 = arith.constant 6 : index
    %swap3A_78 = arith.constant 0 : index
    %swap3A_79 = arith.constant 0 : index
    %swap3A_80 = vector.load %arg3[%swap3A_77, %swap3A_78, %swap3A_79] : memref<8x8x32768xi32, #tpu.memory_space<vmem>>, vector<1x8x32768xi32>
    %swap3A_81 = arith.extui %ge3A_76 : vector<8x32768xi1> to vector<8x32768xi32>
    %swap3A_82 = vector.shape_cast %swap3A_80 : vector<1x8x32768xi32> to vector<8x32768xi32>
    %swap3A_83 = vector.shape_cast %swap3A_81 : vector<8x32768xi32> to vector<1x8x32768xi32>
    %swap3A_84 = arith.constant dense<0> : vector<8x32768xi32>
    %swap3A_85 = arith.cmpi ne, %swap3A_82, %swap3A_84 : vector<8x32768xi32>
    tpu.vector_store %arg3[%swap3A_77, %swap3A_78, %swap3A_79], %swap3A_83 {strides = array<i32>} : memref<8x8x32768xi32, #tpu.memory_space<vmem>>, vector<1x8x32768xi32>,
    %slice3A_86 = vector.extract_strided_slice %get3A_4 {offsets = [0, 7], sizes = [8, 1], strides = [1, 1]} : vector<8x8xf32> to vector<8x1xf32>
    %ge3A_87 = vector.broadcast %slice3A_86 : vector<8x1xf32> to vector<8x32768xf32>
    %ge3A_88 = arith.cmpf oge, %get3A_1, %ge3A_87 : vector<8x32768xf32>
    %swap3A_89 = arith.constant 7 : index
    %swap3A_90 = arith.constant 0 : index
    %swap3A_91 = arith.constant 0 : index
    %swap3A_92 = vector.load %arg3[%swap3A_89, %swap3A_90, %swap3A_91] : memref<8x8x32768xi32, #tpu.memory_space<vmem>>, vector<1x8x32768xi32>
    %swap3A_93 = arith.extui %ge3A_88 : vector<8x32768xi1> to vector<8x32768xi32>
    %swap3A_94 = vector.shape_cast %swap3A_92 : vector<1x8x32768xi32> to vector<8x32768xi32>
    %swap3A_95 = vector.shape_cast %swap3A_93 : vector<8x32768xi32> to vector<1x8x32768xi32>
    %swap3A_96 = arith.constant dense<0> : vector<8x32768xi32>
    %swap3A_97 = arith.cmpi ne, %swap3A_94, %swap3A_96 : vector<8x32768xi32>
    tpu.vector_store %arg3[%swap3A_89, %swap3A_90, %swap3A_91], %swap3A_95 {strides = array<i32>} : memref<8x8x32768xi32, #tpu.memory_space<vmem>>, vector<1x8x32768xi32>,
    return
  }
  func.func @transform_0(%arg0: i32) -> (i32, i32) {
    %c0_i32 = arith.constant 0 : i32
    %c0_i32_0 = arith.constant 0 : i32
    return %arg0, %c0_i32 : i32, i32
  }
  func.func @transform_1(%arg0: i32) -> (i32, i32) {
    %c0_i32 = arith.constant 0 : i32
    %c0_i32_0 = arith.constant 0 : i32
    return %arg0, %c0_i32 : i32, i32
  }
  func.func @transform_2(%arg0: i32) -> (i32, i32, i32) {
    %c0_i32 = arith.constant 0 : i32
    %c0_i32_0 = arith.constant 0 : i32
    %c0_i32_1 = arith.constant 0 : i32
    return %c0_i32, %arg0, %c0_i32_0 : i32, i32, i32
  }
}

</mosaic_0001>

<sc_bundles>
// kernel: kernel.5.cloned.1.call-start
scs
__scs_entry_jumppad:
0x0: {  	(pc) =	sbr.rel $0x88, $3  }
0x1: {  	(tag) =	ssettag $0x0;
	lr =	simm.s32 $0x1  }
0x2: {  	[smem:$0x3F9F] =	sst lr;
	_ =	strace $0xD0000000  }
0x3: {  	_ = 	snop  }
0x4: {  	_ = 	snop  }
0x5: {  	_ = 	snop  }
0x6: {  	_ = 	snop  }
0x7: {  	_ = 	snop  }
__scs_overlays_trampoline_lowered:
0x8: {  	[smem:$0x3FAE] =	sst s0  }
0x9: {  	[smem:$0x3FAF] =	sst s1  }
0xa: {  	[smem:$0x3FB0] =	sst s2  }
0xb: {  	[smem:$0x3FB1] =	sst s3  }
0xc: {  	[smem:$0x3FB2] =	sst s4  }
0xd: {  	[smem:$0x3FB3] =	sst s5  }
0xe: {  	[smem:$0x3FB4] =	sst s6  }
0xf: {  	[smem:$0x3FB5] =	sst s7  }
0x10: {  	[smem:$0x3FB6] =	sst s8  }
0x11: {  	[smem:$0x3FB7] =	sst s9;
	s0 =	simm.s32 @!p0 $0x0  }
0x12: {  	s1 =	sld [smem:$0x3F9D];
	s0 =	simm.s32 @p0 $0x1  }
0x13: {  	[smem:$0x3FB8] =	sst s0;
	s0 =	simm.s32 @!p1 $0x0  }
0x14: {  	s2 =	sld [smem:$0x3F9C];
	s0 =	simm.s32 @p1 $0x1  }
0x15: {  	[smem:$0x3FB9] =	sst s0;
	s0 =	simm.s32 @!p2 $0x0  }
0x16: {  	s3 =	sld [smem:$0x3FDB];
	s0 =	simm.s32 @p2 $0x1  }
0x17: {  	s4 =	simm.s32 $0x1BF5;
	[smem:$0x3FBB] =	sst s0  }
0x18: {  	s0 =	sld [smem:$0x3F9E];
	_ =	swait.ge [sflag:s4], $0x0  }
0x19: {  	s7 =	sld [smem:$0x3F9F]  }
0x1a: {  	s8 =	sadd.s32 $0xFFFFE003, lr  }
0x1b: {  	s9 =	sadd.s32 $0xFFFFFEF7, lr;
	s5 =	simm.s32 $0xFFFFFFFF;
	p2 =	slt.u32 s8, $0xFFFFF086  }
0x1c: {  	p1 =	slt.u32 s9, $0xF7A;
	s5 =	simm.s32 @!p2 $0x0  }
0x1d: {  	s5 =	simm.s32 @p1 $0x1;
	p0 =	seq.s32 s7, s2  }
0x1e: {  	s7 =	smul.u32 @!p0 $0xF7A, s2;
	p2 =	seq.s32 @!p0 s5, $0x0  }
0x1f: {  	s9 =	smul.u32 $0xF7A, s1;
	s8 =	simm.s32 @!p0 $0x1BF5;
	p2 =	por !p2, p0  }
0x20: {  	[sflag:s8] =	ssyncset.s32 @!p0 $0xFFFFF086;
	s6 =	sadd.s32 @!p0 s3, s7;
	s7 =	simm.s32 @!p0 $0x108  }
0x21: {  	s3 =	sadd.s32 s3, s9;
	s6 =	sadd.s32 @!p0 $0x88, s6;
	s7 =	simm.s32 @p2 $0x1082  }
0x22: {  	[simem:s7], [sflag:s8] =	dma.local @!p0 [hbm:s6], $0xF7A  }
0x23: {  	s9 =	sor.u32 $0xD0000000, s2;
	s6 =	simm.s32 $0x108;
	_ =	swait.ge @!p0 [sflag:s8], $0x0  }
0x24: {  	s3 =	sadd.s32 $0x88, s3;
	s6 =	simm.s32 @!p1 $0x1082;
	[sflag:s4] =	ssyncset.s32 $0xFFFFF086  }
0x25: {  	[simem:s6], [sflag:s4] =	dma.local [hbm:s3], $0xF7A  }
0x26: {  	[smem:$0x3F9F] =	sst s1;
	(tag) =	ssettag s2;
	_ =	strace s9  }
0x27: {  	s1 =	sld [smem:$0x3FAF]  }
0x28: {  	s2 =	sld [smem:$0x3FB0]  }
0x29: {  	s4 =	sld [smem:$0x3FB2]  }
0x2a: {  	p0 =	seq.s32 s5, $0x0;
	s5 =	sld [smem:$0x3FB3]  }
0x2b: {  	s6 =	sld [smem:$0x3FB4]  }
0x2c: {  	s7 =	sld [smem:$0x3FB5]  }
0x2d: {  	s3 =	simm.s32 $0x108;
	s8 =	sld [smem:$0x3FB6]  }
0x2e: {  	s3 =	simm.s32 @!p0 $0x1082;
	s9 =	sld [smem:$0x3FB7]  }
0x2f: {  	lr =	sadd.s32 s0, s3;
	s0 =	sld [smem:$0x3FAE]  }
0x30: {  	s3 =	sld [smem:$0x3FB1]  }
0x31: {  	[smem:$0x3FBA] =	sst s10  }
0x32: {  	s10 =	sld [smem:$0x3FB8];
	_ =	sdelay $0x3  }
0x33: {  	p0 =	seq.s32 s10, $0x1;
	s10 =	sld [smem:$0x3FBA];
	_ =	sdelay $0x3  }
0x34: {  	[smem:$0x3FBA] =	sst s10  }
0x35: {  	s10 =	sld [smem:$0x3FB9];
	_ =	sdelay $0x3  }
0x36: {  	p1 =	seq.s32 s10, $0x1;
	s10 =	sld [smem:$0x3FBA];
	_ =	sdelay $0x3  }
0x37: {  	[smem:$0x3FBA] =	sst s10  }
0x38: {  	s10 =	sld [smem:$0x3FBB]  }
0x39: {  	_ = 	snop;
	(pc) =	sbr.ind lr, $3  }
0x3a: {  	_ = 	snop  }
0x3b: {  	_ = 	snop  }
0x3c: {  	p2 =	seq.s32 s10, $0x1;
	s10 =	sld [smem:$0x3FBA]  }
0x3d: {  	_ =	shalt  }
0x3e: {  	_ =	shalt  }
0x3f: {  	_ =	shalt  }
0x40: {  	_ =	shalt  }
0x41: {  	_ =	shalt  }
0x42: {  	_ =	shalt  }
0x43: {  	_ =	shalt  }
0x44: {  	_ =	shalt  }
0x45: {  	_ =	shalt  }
0x46: {  	_ =	shalt  }
0x47: {  	_ =	shalt  }
0x48: {  	_ =	shalt  }
0x49: {  	_ =	shalt  }
0x4a: {  	_ =	shalt  }
0x4b: {  	_ =	shalt  }
0x4c: {  	_ =	shalt  }
0x4d: {  	_ =	shalt  }
0x4e: {  	_ =	shalt  }
0x4f: {  	_ =	shalt  }
0x50: {  	_ =	shalt  }
0x51: {  	_ =	shalt  }
0x52: {  	_ =	shalt  }
0x53: {  	_ =	shalt  }
0x54: {  	_ =	shalt  }
0x55: {  	_ =	shalt  }
0x56: {  	_ =	shalt  }
0x57: {  	_ =	shalt  }
0x58: {  	_ =	shalt  }
0x59: {  	_ =	shalt  }
0x5a: {  	_ =	shalt  }
0x5b: {  	_ =	shalt  }
0x5c: {  	_ =	shalt  }
0x5d: {  	_ =	shalt  }
0x5e: {  	_ =	shalt  }
0x5f: {  	_ =	shalt  }
0x60: {  	_ =	shalt  }
0x61: {  	_ =	shalt  }
0x62: {  	_ =	shalt  }
0x63: {  	_ =	shalt  }
0x64: {  	_ =	shalt  }
0x65: {  	_ =	shalt  }
0x66: {  	_ =	shalt  }
0x67: {  	_ =	shalt  }
0x68: {  	_ =	shalt  }
0x69: {  	_ =	shalt  }
0x6a: {  	_ =	shalt  }
0x6b: {  	_ =	shalt  }
0x6c: {  	_ =	shalt  }
0x6d: {  	_ =	shalt  }
0x6e: {  	_ =	shalt  }
0x6f: {  	_ =	shalt  }
0x70: {  	_ =	shalt  }
0x71: {  	_ =	shalt  }
0x72: {  	_ =	shalt  }
0x73: {  	_ =	shalt  }
0x74: {  	_ =	shalt  }
0x75: {  	_ =	shalt  }
0x76: {  	_ =	shalt  }
0x77: {  	_ =	shalt  }
0x78: {  	_ =	shalt  }
0x79: {  	_ =	shalt  }
0x7a: {  	_ =	shalt  }
0x7b: {  	_ =	shalt  }
0x7c: {  	_ =	shalt  }
0x7d: {  	_ =	shalt  }
0x7e: {  	_ =	shalt  }
0x7f: {  	_ =	shalt  }
0x80: {  	_ =	shalt  }
0x81: {  	_ =	shalt  }
0x82: {  	_ =	shalt  }
0x83: {  	_ =	shalt  }
0x84: {  	_ =	shalt  }
0x85: {  	_ =	shalt  }
0x86: {  	_ =	shalt  }
0x87: {  	_ =	shalt  }
.Lfunc_end0:
.L_simem_size_0:
called_computation_lowered:
.L_overlay_start_0:
0x88: {  	s2 =	sld [smem:$0x3FD9]  }
0x89: {  	s3 =	sld [smem:$0x3FFE];
	_ =	sdelay $0x1  }
0x8a: {  	s1 =	srdreg.scid  }
0x8b: {  	s0 =	sand.u32 $0x1, s1  }
0x8c: {  	s14 =	sshll.u32 s0, $0xA;
	s2 =	sadd.s32 s3, s2  }
0x8d: {  	s2 =	sadd.s32 s2, s14  }
0x8e: {  	[smem:$0x3FC6] =	sst s2  }
0x8f: {  	_ = 	snop  }
0x90: {  	s2 =	sld [smem:$0x3FD0];
	_ =	sdelay $0x2  }
0x91: {  	s15 =	simm.s32 $0xA;
	s4 =	simm.s32 $0x10  }
0x92: {  	[smem:s4], [sflag:s15] =	dma.local [hbm:s2], $0x1  }
0x93: {  	_ =	swait.eq [sflag:s15], $0x1  }
0x94: {  	[sflag:s15] =	ssyncset.done $0x0  }
0x95: {  	[sflag:s15] =	ssyncadd.s32 $0xFFFFFFFF  }
0x96: {  	s16 =	sld [smem:$0x10];
	(tm) =	ssettm $0x1  }
0x97: {  	s17 =	sld [smem:$0x3FFB];
	_ =	sdelay $0x3  }
0x98: {  	_ =	strace s17  }
0x99: {  	s3 =	sld [smem:$0x3FFC];
	_ =	sdelay $0x3  }
0x9a: {  	_ =	strace s3  }
0x9b: {  	s3 =	sld [smem:$0x3FFD];
	_ =	sdelay $0x3  }
0x9c: {  	_ =	strace s3  }
0x9d: {  	_ =	strace $0x8FFFFFFF  }
0x9e: {  	s18 =	sld [smem:$0x3FDB];
	_ =	sdelay $0x1  }
0x9f: {  	s19 =	simm.s32 $_scs_section_size  }
0xa0: {  	s5 =	simm.s32 $_size__tile_overlayer_lowered;
	s6 =	simm.s32 $_tile_overlayer_lowered  }
0xa1: {  	s22 =	simm.s32 $0x1BFF;
	s21 =	sshll.u32 s6, $0x1;
	s3 =	sadd.s32 s19, s18  }
0xa2: {  	s7 =	simm.s32 $0x0;
	s20 =	sshll.u32 s5, $0x1;
	s5 =	sadd.s32 s21, s3  }
0xa3: {  	[timem:s7], [sflag:s22] =	dma.local [hbm:s5], s20  }
0xa4: {  	_ =	swait.ge [sflag:s22], s20  }
0xa5: {  	s4 =	ssub.s32 $0x0, s20;
	[sflag:s22] =	ssyncset.done $0x0  }
0xa6: {  	[sflag:s22] =	ssyncadd.s32 s4;
	_ =	sdelay $0x1  }
0xa7: {  	s23 =	simm.s32 $0x1B8B  }
0xa8: {  	_ =	swait.ge [sflag:s23], $0x1  }
0xa9: {  	[sflag:s23] =	ssyncset.done $0x0  }
0xaa: {  	s25 =	simm.s32 $0x1B8E;
	s24 =	sld [smem:$0x3FFE];
	[sflag:s23] =	ssyncadd.s32 $0xFFFFFFFF  }
0xab: {  	s26 =	simm.s32 $execute0_lowered;
	[smem:$0x3FD2] =	sst s25  }
0xac: {  	s5 =	sshll.u32 s26, $0x1;
	_ =	strace $0x80000046;
	[dreg:$0x1] =	wrdreg $0xFFFFFFFF  }
0xad: {  	s28 =	simm.s32 $_size_execute0_lowered;
	s3 =	sadd.s32 s3, s5;
	[dreg:$0x0] =	wrdreg $0x0  }
0xae: {  	s5 =	sshll.u32 s28, $0x1;
	[dreg:$0x2] =	wrdreg s3  }
0xaf: {  	[dreg:$0x3] =	wrdreg s5  }
0xb0: {  	[dreg:$0x4] =	wrdreg $0xC0  }
0xb1: {  	_ =	task [dreg:s7], $0x5FFFF  }
0xb2: {  	[dreg:$0x1] =	wrdreg $0xFFFFFFFF  }
0xb3: {  	[dreg:$0x0] =	wrdreg $0x60  }
0xb4: {  	[dreg:$0x2] =	wrdreg s16  }
0xb5: {  	[dreg:$0x3] =	wrdreg s24  }
0xb6: {  	[dreg:$0x4] =	wrdreg $0x9  }
0xb7: {  	_ =	task.clear_ibuf [dreg:s7], $0x5FFFF;
	_ =	strace $0x90000046  }
0xb8: {  	s29 =	simm.s32 $0x9;
	_ =	strace $0x80000048  }
0xb9: {  	_ =	swait.ge [sflag:s29], $0x1  }
0xba: {  	[sflag:s29] =	ssyncadd.s32 $0xFFFFFFFF  }
0xbb: {  	_ =	strace $0x90000048  }
0xbc: {  	_ =	sfence  }
0xbd: {  	s30 =	sld [smem:$0x0];
	_ =	sdelay $0x2  }
0xbe: {  	s31 =	sshll.u32 s1, $0xD;
	s1 =	sshrl.u32 s1, $0x2  }
0xbf: {  	s3 =	sand.u32 $0x4000, s31;
	s1 =	sadd.s32 s1, s30  }
0xc0: {  	s0 =	sor.u32 s3, s0;
	s1 =	sshll.u32 s1, $0x11  }
0xc1: {  	s0 =	sor.u32 s1, s0  }
0xc2: {  	s0 =	sadd.s32 $0x8F2B, s0  }
0xc3: {  	[sflag:s0] =	ssyncadd.remote.s32 $0x1  }
0xc4: {  	_ =	sfence.sel $0xFFFF  }
0xc5: {  	[dreg:$0x0] =	wrdreg $0xFFFFFFFF;
	(pc) =	sbr.abs _section_cstart, $3  }
0xc6: {  	[dreg:$0x1] =	wrdreg $0xFFFFFFFF  }
0xc7: {  	_ =	task.clear_ibuf [dreg:s7], $0x2FFFF;
	_ =	strace $0x9FFFFFFF  }
0xc8: {  	(tm) =	ssettm $0x7FFFFFFF  }
0xc9: {  	_ =	shalt  }
tec
execute0_lowered:
.L_overlay_start_1:
0x0: {  	(tag) =	ssettag $0x1  }
0x1: {  	s4 =	rddreg [dreg:$0x0]  }
0x2: {  	s3 =	rddreg [dreg:$0x1]  }
0x3: {  	s0 =	rddreg [dreg:$0x2]  }
0x4: {  	s2 =	simm.s32 $0x0;
	s5 =	srdreg.scid;
	s1 =	stileid.u32  }
0x5: {  	s8 =	simm.s32 $0x1;
	s9 =	simm.s32 $0x8000;
	s10 =	simm.s32 $0x9000  }
0x6: {  	s11 =	simm.s32 $0xA080;
	s12 =	simm.s32 $0xB080;
	s13 =	simm.s32 $0x13100  }
0x7: {  	s14 =	simm.s32 $0x0;
	s5 =	sand.u32 $0x1, s5;
	s6 =	sshll.u32 s1, $0x1  }
0x8: {  	v0 =	vlaneseq.u32;
	v1 =	vimm.s32 $0x1;
	v3 =	vimm.s32 $0xFFFFFFFF;
	[smem:$0x7FF] =	sst s2;
	s7 =	ssub.s32 $0x2, s5;
	s5 =	sor.u32 s5, s6  }
0x9: {  	v4 =	vimm.s32 $0x2;
	v5 =	vimm.s32 $0x3;
	v2 =	vmul.u32 $0xFFFFFFFF, v0;
	s31 =	sshrl.u32 s7, $0x1;
	s3 =	sadd.s32 s3, s5;
	s5 =	sshll.u32 s5, $0xC  }
0xa: {  	v6 =	vimm.s32 $0x4;
	v7 =	vimm.s32 $0x5;
	v8 =	vimm.s32 $0x6;
	_ =	strace $0x80000047;
	s6 =	ssub.s32 s7, s31;
	s4 =	sadd.s32 s4, s5  }
0xb: {  	v9 =	vimm.s32 $0x7;
	v0 =	vimm.s32 $0x0;
	v2 =	vadd.s32 $0xF, v2;
	s5 =	sadd.s32 $0x200, s3;
	s7 =	simm.s32 $0x13080;
	s6 =	smax.u32 s6, $0x1  }
.LBB2_1:
0xc: {  	[tilespmem:s7], [sflag:$0x1] =	stream.linear.gather [hbm4b:s3+s2], $0x10, $0x38;
	[tilespmem:$0x13180] =	vst v63  }
0xd: {  	_ =	swait.ge [sflag:s8], $0x10  }
0xe: {  	[sflag:s8] =	ssyncset.done $0x0  }
0xf: {  	[sflag:s8] =	ssyncadd.s32 $0xFFFFFFF0  }
0x10: {  	v10 =	vld [tilespmem:$0x13080];
	[tilespmem:s2], [sflag:$0x1] =	stream.linear.gather [hbm4b:s4+s2], $0x8000, $0x38  }
0x11: {  	_ =	swait.ge [sflag:s8], $0x8000  }
0x12: {  	[sflag:s8] =	ssyncset.done $0x0  }
0x13: {  	s17 =	simm.s32 $0x8040;
	[sflag:s8] =	ssyncadd.s32 $0xFFFF8000  }
0x14: {  	[tilespmem:s17+$0xFFFFFFC0] =	vst v0  }
0x15: {  	[tilespmem:s17+$0x30] =	vst v0  }
0x16: {  	[tilespmem:s17+$0x20] =	vst v0  }
0x17: {  	[tilespmem:s17+$0x10] =	vst v0  }
0x18: {  	[tilespmem:s17+$0x0] =	vst v0  }
0x19: {  	[tilespmem:s17+$0xFFFFFFF0] =	vst v0  }
0x1a: {  	s15 =	simm.s32 $0xFFFFFFF8;
	s18 =	simm.s32 $0x0;
	[tilespmem:s17+$0xFFFFFFE0] =	vst v0  }
.LBB2_2:
0x1b: {  	s18 =	sadd.s32 $0x8, s18;
	[tilespmem:s17+$0xFFFFFFD0] =	vst v0;
	s17 =	sadd.s32 $0x80, s17;
	s16 =	simm.s32 $0x40  }
0x1c: {  	[tilespmem:s17+$0xFFFFFFC0] =	vst v0;
	p0 =	slt.u32 s18, $0xF8  }
0x1d: {  	[tilespmem:s17+$0x30] =	vst v0  }
.Ltmp0:
0x1e: {  	[tilespmem:s17+$0x20] =	vst v0;
	(pc) =	sbr.rel @p0 .LBB2_2-.Ltmp0, $4  }
0x1f: {  	[tilespmem:s17+$0x10] =	vst v0  }
0x20: {  	[tilespmem:s17+$0x0] =	vst v0  }
0x21: {  	[tilespmem:s17+$0xFFFFFFF0] =	vst v0  }
0x22: {  	[tilespmem:s17+$0xFFFFFFE0] =	vst v0  }
0x23: {  	[tilespmem:s17+$0xFFFFFFD0] =	vst v0  }
.LBB2_4:
0x24: {  	v11 =	vld [tilespmem:s16+$0xFFFFFFC0];
	_ =	sdelay $0x4  }
0x25: {  	vm0 =	vlt.s32 v11, $0x0;
	v12 =	vsub.s32 $0x80000000, v11  }
0x26: {  	v11 =	vsel vm0, v12, v11  }
0x27: {  	v11 =	vshra.s32 v11, $0x14  }
0x28: {  	v11 =	vadd.s32 $0x800, v11;
	_ =	sdelay $0x4  }
0x29: {  	[tilespmem:v11+s9+$0x0] =	vst.idx.add.s32.msk $0xffff, v1  }
0x2a: {  	v11 =	vld [tilespmem:s16+$0xFFFFFFD0];
	_ =	sdelay $0x4  }
0x2b: {  	vm9 =	vlt.s32 v11, $0x0;
	v57 =	vsub.s32 $0x80000000, v11  }
0x2c: {  	v11 =	vsel vm9, v57, v11  }
0x2d: {  	v11 =	vshra.s32 v11, $0x14  }
0x2e: {  	v11 =	vadd.s32 $0x800, v11;
	_ =	sdelay $0x4  }
0x2f: {  	[tilespmem:v11+s9+$0x0] =	vst.idx.add.s32.msk $0xffff, v1  }
0x30: {  	v11 =	vld [tilespmem:s16+$0xFFFFFFE0];
	_ =	sdelay $0x4  }
0x31: {  	vm10 =	vlt.s32 v11, $0x0;
	v58 =	vsub.s32 $0x80000000, v11  }
0x32: {  	v11 =	vsel vm10, v58, v11  }
0x33: {  	v11 =	vshra.s32 v11, $0x14  }
0x34: {  	v11 =	vadd.s32 $0x800, v11;
	_ =	sdelay $0x4  }
0x35: {  	[tilespmem:v11+s9+$0x0] =	vst.idx.add.s32.msk $0xffff, v1  }
0x36: {  	v11 =	vld [tilespmem:s16+$0xFFFFFFF0];
	_ =	sdelay $0x4  }
0x37: {  	vm11 =	vlt.s32 v11, $0x0;
	v59 =	vsub.s32 $0x80000000, v11  }
0x38: {  	v11 =	vsel vm11, v59, v11  }
0x39: {  	v11 =	vshra.s32 v11, $0x14  }
0x3a: {  	v11 =	vadd.s32 $0x800, v11;
	_ =	sdelay $0x4  }
0x3b: {  	[tilespmem:v11+s9+$0x0] =	vst.idx.add.s32.msk $0xffff, v1  }
0x3c: {  	v11 =	vld [tilespmem:s16+$0x0];
	_ =	sdelay $0x4  }
0x3d: {  	vm12 =	vlt.s32 v11, $0x0;
	v60 =	vsub.s32 $0x80000000, v11  }
0x3e: {  	v11 =	vsel vm12, v60, v11  }
0x3f: {  	v11 =	vshra.s32 v11, $0x14  }
0x40: {  	v11 =	vadd.s32 $0x800, v11;
	_ =	sdelay $0x4  }
0x41: {  	[tilespmem:v11+s9+$0x0] =	vst.idx.add.s32.msk $0xffff, v1  }
0x42: {  	v11 =	vld [tilespmem:s16+$0x10];
	_ =	sdelay $0x4  }
0x43: {  	vm13 =	vlt.s32 v11, $0x0;
	v61 =	vsub.s32 $0x80000000, v11  }
0x44: {  	v11 =	vsel vm13, v61, v11  }
0x45: {  	v11 =	vshra.s32 v11, $0x14  }
0x46: {  	v11 =	vadd.s32 $0x800, v11;
	_ =	sdelay $0x4  }
0x47: {  	[tilespmem:v11+s9+$0x0] =	vst.idx.add.s32.msk $0xffff, v1  }
0x48: {  	v11 =	vld [tilespmem:s16+$0x20];
	_ =	sdelay $0x4  }
0x49: {  	vm14 =	vlt.s32 v11, $0x0;
	v62 =	vsub.s32 $0x80000000, v11  }
0x4a: {  	v11 =	vsel vm14, v62, v11  }
0x4b: {  	v11 =	vshra.s32 v11, $0x14  }
0x4c: {  	v11 =	vadd.s32 $0x800, v11;
	_ =	sdelay $0x4  }
0x4d: {  	[tilespmem:v11+s9+$0x0] =	vst.idx.add.s32.msk $0xffff, v1  }
0x4e: {  	v11 =	vld [tilespmem:s16+$0x30];
	_ =	sdelay $0x4  }
0x4f: {  	vm15 =	vlt.s32 v11, $0x0;
	v63 =	vsub.s32 $0x80000000, v11  }
0x50: {  	v11 =	vsel vm15, v63, v11  }
0x51: {  	s15 =	sadd.s32 $0x8, s15;
	v11 =	vshra.s32 v11, $0x14  }
0x52: {  	p0 =	slt.u32 s15, $0x7F8;
	v11 =	vadd.s32 $0x800, v11  }
.Ltmp1:
0x53: {  	_ = 	snop;
	(pc) =	sbr.rel @p0 .LBB2_4-.Ltmp1, $2  }
0x54: {  	_ =	sdelay $0x2  }
0x55: {  	s16 =	sadd.s32 $0x80, s16;
	[tilespmem:v11+s9+$0x0] =	vst.idx.add.s32.msk $0xffff, v1  }
0x56: {  	[tilespmem:$0xA000] =	vst v0;
	s16 =	simm.s32 $0x8FF0  }
0x57: {  	v11 =	vld [tilespmem:s16+$0x0];
	_ =	sdelay $0x4  }
0x58: {  	v11 =	vperm.xlane v11, v2;
	_ =	sdelay $0x1  }
0x59: {  	(xrf0) =	vadd.scan.msk.s32 $0xffff, v11;
	_ =	sdelay $0x5  }
0x5a: {  	s15 =	simm.s32 $0x0;
	v11, _, _ =	vpop (xrf0)  }
0x5b: {  	v11 =	vadd.s32 s15, v11  }
0x5c: {  	v12 =	vxor.u32 $0x80000000, v11  }
0x5d: {  	(xrf0) =	vmax.scan.msk.u32 $0xffff, v12;
	_ =	sdelay $0x5  }
0x5e: {  	v12, _, _ =	vpop (xrf0)  }
0x5f: {  	v11 =	vperm.xlane v11, v2;
	(v2sf) =	vpush v12, $0xF  }
0x60: {  	s15 =	simm.s32 $0x9FF0  }
0x61: {  	[tilespmem:s15+$0x0] =	vst v11  }
0x62: {  	v11 =	vld [tilespmem:s16+$0xFFFFFFF0];
	_ =	sdelay $0x4  }
0x63: {  	v11 =	vperm.xlane v11, v2;
	_ =	sdelay $0x1  }
0x64: {  	(xrf0) =	vadd.scan.msk.s32 $0xffff, v11;
	_ =	sdelay $0x4  }
0x65: {  	s17 =	spop (v2sf)  }
0x66: {  	v11, _, _ =	vpop (xrf0);
	s17 =	sxor.u32 $0x80000000, s17  }
0x67: {  	v11 =	vadd.s32 s17, v11  }
0x68: {  	v61 =	vxor.u32 $0x80000000, v11  }
0x69: {  	(xrf0) =	vmax.scan.msk.u32 $0xffff, v61;
	_ =	sdelay $0x5  }
0x6a: {  	v12, _, _ =	vpop (xrf0)  }
0x6b: {  	v11 =	vperm.xlane v11, v2;
	(v2sf) =	vpush v12, $0xF;
	_ =	sdelay $0x1  }
0x6c: {  	[tilespmem:s15+$0xFFFFFFF0] =	vst v11  }
0x6d: {  	v11 =	vld [tilespmem:s16+$0xFFFFFFE0];
	_ =	sdelay $0x4  }
0x6e: {  	v11 =	vperm.xlane v11, v2;
	_ =	sdelay $0x1  }
0x6f: {  	(xrf0) =	vadd.scan.msk.s32 $0xffff, v11;
	_ =	sdelay $0x4  }
0x70: {  	s30 =	spop (v2sf)  }
0x71: {  	v11, _, _ =	vpop (xrf0);
	s17 =	sxor.u32 $0x80000000, s30  }
0x72: {  	v11 =	vadd.s32 s17, v11  }
0x73: {  	v62 =	vxor.u32 $0x80000000, v11  }
0x74: {  	(xrf0) =	vmax.scan.msk.u32 $0xffff, v62;
	_ =	sdelay $0x5  }
0x75: {  	v12, _, _ =	vpop (xrf0)  }
0x76: {  	v11 =	vperm.xlane v11, v2;
	(v2sf) =	vpush v12, $0xF;
	_ =	sdelay $0x1  }
0x77: {  	[tilespmem:s15+$0xFFFFFFE0] =	vst v11  }
0x78: {  	v11 =	vld [tilespmem:s16+$0xFFFFFFD0];
	_ =	sdelay $0x4  }
0x79: {  	v11 =	vperm.xlane v11, v2;
	_ =	sdelay $0x1  }
0x7a: {  	(xrf0) =	vadd.scan.msk.s32 $0xffff, v11;
	_ =	sdelay $0x4  }
0x7b: {  	s31 =	spop (v2sf)  }
0x7c: {  	v11, _, _ =	vpop (xrf0);
	s16 =	sxor.u32 $0x80000000, s31  }
0x7d: {  	v11 =	vadd.s32 s16, v11  }
0x7e: {  	v63 =	vxor.u32 $0x80000000, v11  }
0x7f: {  	(xrf0) =	vmax.scan.msk.u32 $0xffff, v63;
	_ =	sdelay $0x5  }
0x80: {  	v12, _, _ =	vpop (xrf0)  }
0x81: {  	v11 =	vperm.xlane v11, v2;
	(v2sf) =	vpush v12, $0xF;
	_ =	sdelay $0x1  }
0x82: {  	s16 =	simm.s32 $0x8FB0;
	[tilespmem:s15+$0xFFFFFFD0] =	vst v11  }
0x83: {  	v11 =	vld [tilespmem:s16+$0x0];
	_ =	sdelay $0x4  }
0x84: {  	v11 =	vperm.xlane v11, v2;
	_ =	sdelay $0x1  }
0x85: {  	(xrf0) =	vadd.scan.msk.s32 $0xffff, v11;
	_ =	sdelay $0x4  }
0x86: {  	s17 =	simm.s32 $0x4;
	s18 =	spop (v2sf)  }
.LBB2_6:
0x87: {  	s17 =	sadd.s32 $0x4, s17;
	v11, _, _ =	vpop (xrf0);
	s18 =	sxor.u32 $0x80000000, s18;
	s15 =	sadd.s32 $0xFFFFFFC0, s15  }
0x88: {  	p0 =	slt.u32 s17, $0xFC;
	v11 =	vadd.s32 s18, v11  }
0x89: {  	v12 =	vperm.xlane v11, v2;
	v11 =	vxor.u32 $0x80000000, v11  }
0x8a: {  	(xrf0) =	vmax.scan.msk.u32 $0xffff, v11  }
0x8b: {  	[tilespmem:s15+$0x0] =	vst v12  }
0x8c: {  	v11 =	vld [tilespmem:s16+$0xFFFFFFF0];
	_ =	sdelay $0x3  }
0x8d: {  	v12, _, _ =	vpop (xrf0)  }
0x8e: {  	v11 =	vperm.xlane v11, v2;
	(v2sf) =	vpush v12, $0xF;
	_ =	sdelay $0x9  }
0x8f: {  	(xrf0) =	vadd.scan.msk.s32 $0xffff, v11;
	_ =	sdelay $0x4  }
0x90: {  	s18 =	spop (v2sf)  }
0x91: {  	s18 =	sxor.u32 $0x80000000, s18;
	v11, _, _ =	vpop (xrf0)  }
0x92: {  	v11 =	vadd.s32 s18, v11  }
0x93: {  	v12 =	vperm.xlane v11, v2;
	v11 =	vxor.u32 $0x80000000, v11  }
0x94: {  	(xrf0) =	vmax.scan.msk.u32 $0xffff, v11  }
0x95: {  	[tilespmem:s15+$0xFFFFFFF0] =	vst v12  }
0x96: {  	v11 =	vld [tilespmem:s16+$0xFFFFFFE0];
	_ =	sdelay $0x3  }
0x97: {  	v12, _, _ =	vpop (xrf0)  }
0x98: {  	v11 =	vperm.xlane v11, v2;
	(v2sf) =	vpush v12, $0xF;
	_ =	sdelay $0x9  }
0x99: {  	(xrf0) =	vadd.scan.msk.s32 $0xffff, v11;
	_ =	sdelay $0x4  }
0x9a: {  	s18 =	spop (v2sf)  }
0x9b: {  	s18 =	sxor.u32 $0x80000000, s18;
	v11, _, _ =	vpop (xrf0)  }
0x9c: {  	v11 =	vadd.s32 s18, v11  }
0x9d: {  	v12 =	vperm.xlane v11, v2;
	v11 =	vxor.u32 $0x80000000, v11  }
0x9e: {  	(xrf0) =	vmax.scan.msk.u32 $0xffff, v11  }
0x9f: {  	[tilespmem:s15+$0xFFFFFFE0] =	vst v12  }
0xa0: {  	v11 =	vld [tilespmem:s16+$0xFFFFFFD0];
	_ =	sdelay $0x3  }
0xa1: {  	v12, _, _ =	vpop (xrf0)  }
0xa2: {  	v11 =	vperm.xlane v11, v2;
	(v2sf) =	vpush v12, $0xF;
	_ =	sdelay $0x9  }
0xa3: {  	(xrf0) =	vadd.scan.msk.s32 $0xffff, v11;
	_ =	sdelay $0x4  }
0xa4: {  	s18 =	spop (v2sf)  }
0xa5: {  	s18 =	sxor.u32 $0x80000000, s18;
	v11, _, _ =	vpop (xrf0)  }
0xa6: {  	v11 =	vadd.s32 s18, v11  }
0xa7: {  	v12 =	vperm.xlane v11, v2;
	v11 =	vxor.u32 $0x80000000, v11  }
0xa8: {  	(xrf0) =	vmax.scan.msk.u32 $0xffff, v11  }
0xa9: {  	[tilespmem:s15+$0xFFFFFFD0] =	vst v12;
	_ =	sdelay $0x4  }
0xaa: {  	v11, _, _ =	vpop (xrf0)  }
0xab: {  	(v2sf) =	vpush v11, $0xF;
	_ =	sdelay $0x1  }
0xac: {  	s16 =	sadd.s32 $0xFFFFFFC0, s16  }
0xad: {  	v11 =	vld [tilespmem:s16+$0x0];
	_ =	sdelay $0x4  }
0xae: {  	v11 =	vperm.xlane v11, v2;
	_ =	sdelay $0x1  }
0xaf: {  	(xrf0) =	vadd.scan.msk.s32 $0xffff, v11  }
.Ltmp2:
0xb0: {  	(pc) =	sbr.rel @p0 .LBB2_6-.Ltmp2, $2  }
0xb1: {  	_ =	sdelay $0x2  }
0xb2: {  	s18 =	spop (v2sf)  }
0xb3: {  	v11, _, _ =	vpop (xrf0);
	s17 =	sxor.u32 $0x80000000, s18  }
0xb4: {  	v11 =	vadd.s32 s17, v11  }
0xb5: {  	v12 =	vxor.u32 $0x80000000, v11  }
0xb6: {  	(xrf0) =	vmax.scan.msk.u32 $0xffff, v12;
	_ =	sdelay $0x5  }
0xb7: {  	v12, _, _ =	vpop (xrf0)  }
0xb8: {  	v11 =	vperm.xlane v11, v2;
	(v2sf) =	vpush v12, $0xF  }
0xb9: {  	s15 =	sadd.s32 $0xFFFFFFC0, s15  }
0xba: {  	[tilespmem:s15+$0x0] =	vst v11  }
0xbb: {  	v11 =	vld [tilespmem:s16+$0xFFFFFFF0];
	_ =	sdelay $0x4  }
0xbc: {  	v11 =	vperm.xlane v11, v2;
	_ =	sdelay $0x1  }
0xbd: {  	(xrf0) =	vadd.scan.msk.s32 $0xffff, v11;
	_ =	sdelay $0x4  }
0xbe: {  	s26 =	spop (v2sf)  }
0xbf: {  	v11, _, _ =	vpop (xrf0);
	s17 =	sxor.u32 $0x80000000, s26  }
0xc0: {  	v11 =	vadd.s32 s17, v11  }
0xc1: {  	v12 =	vxor.u32 $0x80000000, v11  }
0xc2: {  	(xrf0) =	vmax.scan.msk.u32 $0xffff, v12;
	_ =	sdelay $0x5  }
0xc3: {  	v12, _, _ =	vpop (xrf0)  }
0xc4: {  	v11 =	vperm.xlane v11, v2;
	(v2sf) =	vpush v12, $0xF;
	_ =	sdelay $0x1  }
0xc5: {  	[tilespmem:s15+$0xFFFFFFF0] =	vst v11  }
0xc6: {  	v11 =	vld [tilespmem:s16+$0xFFFFFFE0];
	_ =	sdelay $0x4  }
0xc7: {  	v11 =	vperm.xlane v11, v2;
	_ =	sdelay $0x1  }
0xc8: {  	(xrf0) =	vadd.scan.msk.s32 $0xffff, v11;
	_ =	sdelay $0x4  }
0xc9: {  	s28 =	spop (v2sf)  }
0xca: {  	v11, _, _ =	vpop (xrf0);
	s17 =	sxor.u32 $0x80000000, s28  }
0xcb: {  	v11 =	vadd.s32 s17, v11  }
0xcc: {  	v12 =	vxor.u32 $0x80000000, v11  }
0xcd: {  	(xrf0) =	vmax.scan.msk.u32 $0xffff, v12;
	_ =	sdelay $0x5  }
0xce: {  	v12, _, _ =	vpop (xrf0)  }
0xcf: {  	v11 =	vperm.xlane v11, v2;
	(v2sf) =	vpush v12, $0xF;
	_ =	sdelay $0x1  }
0xd0: {  	[tilespmem:s15+$0xFFFFFFE0] =	vst v11  }
0xd1: {  	v11 =	vld [tilespmem:s16+$0xFFFFFFD0];
	_ =	sdelay $0x4  }
0xd2: {  	v11 =	vperm.xlane v11, v2;
	_ =	sdelay $0x1  }
0xd3: {  	(xrf0) =	vadd.scan.msk.s32 $0xffff, v11;
	_ =	sdelay $0x4  }
0xd4: {  	s29 =	spop (v2sf)  }
0xd5: {  	v11, _, _ =	vpop (xrf0);
	s16 =	sxor.u32 $0x80000000, s29  }
0xd6: {  	v11 =	vadd.s32 s16, v11  }
0xd7: {  	v12 =	vxor.u32 $0x80000000, v11  }
0xd8: {  	(xrf0) =	vmax.scan.msk.u32 $0xffff, v12;
	_ =	sdelay $0x5  }
0xd9: {  	v12, _, _ =	vpop (xrf0)  }
0xda: {  	(v2sf) =	vpush v12, $0xF;
	_ =	sdelay $0x1  }
0xdb: {  	v11 =	vperm.xlane v11, v2;
	_ =	sdelay $0x1  }
0xdc: {  	s30 =	simm.s32 $0x9020;
	[tilespmem:s15+$0xFFFFFFD0] =	vst v11  }
0xdd: {  	v12 =	vld [tilespmem:s30+$0xFFFFFFE0]  }
0xde: {  	v13 =	vld [tilespmem:s30+$0xFFFFFFF0]  }
0xdf: {  	v15 =	vld [tilespmem:s30+$0x0]  }
0xe0: {  	v11 =	vbroadcast v10, $0x0  }
0xe1: {  	v16 =	vld [tilespmem:s30+$0x10]  }
0xe2: {  	vm0 =	vge.s32 v12, v11  }
0xe3: {  	s15 =	simm.s32 $0x9060;
	vm13 =	vge.s32 v13, v11;
	v17 =	vmpcnt.ones.xlane vm0  }
0xe4: {  	v14 =	vld [tilespmem:s15+$0xFFFFFFE0];
	v13 =	vimm.s32 $0x0;
	vm14 =	vge.s32 v15, v11;
	v18 =	vmpcnt.ones.xlane vm13  }
0xe5: {  	v12 =	vld [tilespmem:s15+$0xFFFFFFF0];
	v15 =	vadd.s32 v13, v17;
	v17 =	vmpcnt.ones.xlane vm14  }
0xe6: {  	vm15 =	vge.s32 v16, v11;
	v13 =	vld [tilespmem:s15+$0x0];
	v18 =	vadd.s32 v18, v15  }
0xe7: {  	s16 =	simm.s32 $0x4;
	v16 =	vmpcnt.ones.xlane vm15;
	v15 =	vld [tilespmem:s15+$0x10];
	v17 =	vadd.s32 v17, v18;
	s31 =	spop (v2sf)  }
.LBB2_8:
0xe8: {  	s16 =	sadd.s32 $0x4, s16  }
0xe9: {  	vm0 =	vge.s32 v14, v11;
	s15 =	sadd.s32 $0x40, s15;
	v16 =	vadd.s32 v16, v17;
	p0 =	slt.u32 s16, $0xFC  }
.Ltmp3:
0xea: {  	v14 =	vld [tilespmem:s15+$0xFFFFFFE0];
	v17 =	vmpcnt.ones.xlane vm0;
	vm0 =	vge.s32 v12, v11;
	(pc) =	sbr.rel @p0 .LBB2_8-.Ltmp3, $4  }
0xeb: {  	v12 =	vld [tilespmem:s15+$0xFFFFFFF0];
	v18 =	vmpcnt.ones.xlane vm0;
	vm0 =	vge.s32 v13, v11  }
0xec: {  	v13 =	vld [tilespmem:s15+$0x0];
	v16 =	vadd.s32 v16, v17;
	v17 =	vmpcnt.ones.xlane vm0;
	vm0 =	vge.s32 v15, v11  }
0xed: {  	v15 =	vld [tilespmem:s15+$0x10];
	v18 =	vadd.s32 v18, v16;
	v16 =	vmpcnt.ones.xlane vm0  }
0xee: {  	v17 =	vadd.s32 v17, v18  }
0xef: {  	vm0 =	vge.s32 v14, v11  }
0xf0: {  	v14 =	vmpcnt.ones.xlane vm0;
	vm9 =	vge.s32 v12, v11  }
0xf1: {  	v12 =	vadd.s32 v16, v17;
	v16 =	vmpcnt.ones.xlane vm9;
	vm10 =	vge.s32 v13, v11  }
0xf2: {  	v12 =	vadd.s32 v12, v14;
	v13 =	vmpcnt.ones.xlane vm10;
	vm11 =	vge.s32 v15, v11  }
0xf3: {  	v11 =	vadd.s32 v16, v12;
	v12 =	vmpcnt.ones.xlane vm11  }
0xf4: {  	v11 =	vadd.s32 v13, v11  }
0xf5: {  	v11 =	vadd.s32 v12, v11  }
0xf6: {  	v11 =	vxor.u32 $0x80000000, v11  }
0xf7: {  	(xrf0) =	vmax.scan.msk.u32 $0xffff, v11;
	_ =	sdelay $0x5  }
0xf8: {  	v11, _, _ =	vpop (xrf0)  }
0xf9: {  	(v2sf) =	vpush v11, $0xF;
	_ =	sdelay $0xe  }
0xfa: {  	s15 =	simm.s32 $0x9020;
	s22 =	spop (v2sf)  }
0xfb: {  	v12 =	vld [tilespmem:s15+$0xFFFFFFE0];
	s16 =	sxor.u32 $0x80000000, s22  }
0xfc: {  	v14 =	vld [tilespmem:s15+$0xFFFFFFF0];
	v13 =	vmov s16  }
0xfd: {  	v15 =	vld [tilespmem:s15+$0x0]  }
0xfe: {  	v11 =	vbroadcast v10, $0x1  }
0xff: {  	v16 =	vld [tilespmem:s15+$0x10]  }
0x100: {  	vm12 =	vge.s32 v12, v11  }
0x101: {  	s15 =	simm.s32 $0x9060;
	vm13 =	vge.s32 v14, v11;
	v23 =	vld.idx.msk [tilespmem:v13+s10+$0x0], $0xffff;
	v13 =	vmpcnt.ones.xlane vm12  }
0x102: {  	v17 =	vimm.s32 $0x0;
	v14 =	vld [tilespmem:s15+$0xFFFFFFE0];
	vm14 =	vge.s32 v15, v11;
	v18 =	vmpcnt.ones.xlane vm13  }
0x103: {  	v12 =	vld [tilespmem:s15+$0xFFFFFFF0];
	v15 =	vadd.s32 v17, v13;
	v17 =	vmpcnt.ones.xlane vm14  }
0x104: {  	vm15 =	vge.s32 v16, v11;
	v13 =	vld [tilespmem:s15+$0x0];
	v18 =	vadd.s32 v18, v15  }
0x105: {  	v16 =	vmpcnt.ones.xlane vm15;
	s16 =	simm.s32 $0x4;
	v15 =	vld [tilespmem:s15+$0x10];
	v17 =	vadd.s32 v17, v18  }
.LBB2_10:
0x106: {  	s16 =	sadd.s32 $0x4, s16  }
0x107: {  	vm0 =	vge.s32 v14, v11;
	s15 =	sadd.s32 $0x40, s15;
	v16 =	vadd.s32 v16, v17;
	p0 =	slt.u32 s16, $0xFC  }
.Ltmp4:
0x108: {  	v14 =	vld [tilespmem:s15+$0xFFFFFFE0];
	v17 =	vmpcnt.ones.xlane vm0;
	vm0 =	vge.s32 v12, v11;
	(pc) =	sbr.rel @p0 .LBB2_10-.Ltmp4, $4  }
0x109: {  	v12 =	vld [tilespmem:s15+$0xFFFFFFF0];
	v18 =	vmpcnt.ones.xlane vm0;
	vm0 =	vge.s32 v13, v11  }
0x10a: {  	v13 =	vld [tilespmem:s15+$0x0];
	v16 =	vadd.s32 v16, v17;
	v17 =	vmpcnt.ones.xlane vm0;
	vm0 =	vge.s32 v15, v11  }
0x10b: {  	v15 =	vld [tilespmem:s15+$0x10];
	v18 =	vadd.s32 v18, v16;
	v16 =	vmpcnt.ones.xlane vm0  }
0x10c: {  	v17 =	vadd.s32 v17, v18  }
0x10d: {  	vm0 =	vge.s32 v14, v11  }
0x10e: {  	v14 =	vmpcnt.ones.xlane vm0;
	vm9 =	vge.s32 v12, v11  }
0x10f: {  	v12 =	vadd.s32 v16, v17;
	v16 =	vmpcnt.ones.xlane vm9;
	vm10 =	vge.s32 v13, v11  }
0x110: {  	v12 =	vadd.s32 v12, v14;
	v13 =	vmpcnt.ones.xlane vm10;
	vm11 =	vge.s32 v15, v11  }
0x111: {  	v11 =	vadd.s32 v16, v12;
	v12 =	vmpcnt.ones.xlane vm11  }
0x112: {  	v11 =	vadd.s32 v13, v11  }
0x113: {  	v11 =	vadd.s32 v12, v11  }
0x114: {  	v11 =	vxor.u32 $0x80000000, v11  }
0x115: {  	(xrf0) =	vmax.scan.msk.u32 $0xffff, v11;
	_ =	sdelay $0x5  }
0x116: {  	v11, _, _ =	vpop (xrf0)  }
0x117: {  	(v2sf) =	vpush v11, $0xF;
	_ =	sdelay $0xe  }
0x118: {  	s15 =	simm.s32 $0x9020;
	s21 =	spop (v2sf)  }
0x119: {  	v12 =	vld [tilespmem:s15+$0xFFFFFFE0];
	s16 =	sxor.u32 $0x80000000, s21  }
0x11a: {  	v14 =	vld [tilespmem:s15+$0xFFFFFFF0];
	v13 =	vmov s16  }
0x11b: {  	v15 =	vld [tilespmem:s15+$0x0]  }
0x11c: {  	v11 =	vbroadcast v10, $0x2  }
0x11d: {  	v16 =	vld [tilespmem:s15+$0x10]  }
0x11e: {  	vm12 =	vge.s32 v12, v11  }
0x11f: {  	s15 =	simm.s32 $0x9060;
	vm13 =	vge.s32 v14, v11;
	v22 =	vld.idx.msk [tilespmem:v13+s10+$0x0], $0xffff;
	v13 =	vmpcnt.ones.xlane vm12  }
0x120: {  	v17 =	vimm.s32 $0x0;
	v14 =	vld [tilespmem:s15+$0xFFFFFFE0];
	vm14 =	vge.s32 v15, v11;
	v18 =	vmpcnt.ones.xlane vm13  }
0x121: {  	v12 =	vld [tilespmem:s15+$0xFFFFFFF0];
	v15 =	vadd.s32 v17, v13;
	v17 =	vmpcnt.ones.xlane vm14  }
0x122: {  	vm15 =	vge.s32 v16, v11;
	v13 =	vld [tilespmem:s15+$0x0];
	v18 =	vadd.s32 v18, v15  }
0x123: {  	v16 =	vmpcnt.ones.xlane vm15;
	s16 =	simm.s32 $0x4;
	v15 =	vld [tilespmem:s15+$0x10];
	v17 =	vadd.s32 v17, v18  }
.LBB2_12:
0x124: {  	s16 =	sadd.s32 $0x4, s16  }
0x125: {  	vm0 =	vge.s32 v14, v11;
	s15 =	sadd.s32 $0x40, s15;
	v16 =	vadd.s32 v16, v17;
	p0 =	slt.u32 s16, $0xFC  }
.Ltmp5:
0x126: {  	v14 =	vld [tilespmem:s15+$0xFFFFFFE0];
	v17 =	vmpcnt.ones.xlane vm0;
	vm0 =	vge.s32 v12, v11;
	(pc) =	sbr.rel @p0 .LBB2_12-.Ltmp5, $4  }
0x127: {  	v12 =	vld [tilespmem:s15+$0xFFFFFFF0];
	v18 =	vmpcnt.ones.xlane vm0;
	vm0 =	vge.s32 v13, v11  }
0x128: {  	v13 =	vld [tilespmem:s15+$0x0];
	v16 =	vadd.s32 v16, v17;
	v17 =	vmpcnt.ones.xlane vm0;
	vm0 =	vge.s32 v15, v11  }
0x129: {  	v15 =	vld [tilespmem:s15+$0x10];
	v18 =	vadd.s32 v18, v16;
	v16 =	vmpcnt.ones.xlane vm0  }
0x12a: {  	v17 =	vadd.s32 v17, v18  }
0x12b: {  	vm0 =	vge.s32 v14, v11  }
0x12c: {  	v14 =	vmpcnt.ones.xlane vm0;
	vm9 =	vge.s32 v12, v11  }
0x12d: {  	v12 =	vadd.s32 v16, v17;
	v16 =	vmpcnt.ones.xlane vm9;
	vm10 =	vge.s32 v13, v11  }
0x12e: {  	v12 =	vadd.s32 v12, v14;
	v13 =	vmpcnt.ones.xlane vm10;
	vm11 =	vge.s32 v15, v11  }
0x12f: {  	v11 =	vadd.s32 v16, v12;
	v12 =	vmpcnt.ones.xlane vm11  }
0x130: {  	v11 =	vadd.s32 v13, v11  }
0x131: {  	v11 =	vadd.s32 v12, v11  }
0x132: {  	v11 =	vxor.u32 $0x80000000, v11  }
0x133: {  	(xrf0) =	vmax.scan.msk.u32 $0xffff, v11;
	_ =	sdelay $0x5  }
0x134: {  	v11, _, _ =	vpop (xrf0)  }
0x135: {  	(v2sf) =	vpush v11, $0xF;
	_ =	sdelay $0xe  }
0x136: {  	s15 =	simm.s32 $0x9020;
	s20 =	spop (v2sf)  }
0x137: {  	v12 =	vld [tilespmem:s15+$0xFFFFFFE0];
	s16 =	sxor.u32 $0x80000000, s20  }
0x138: {  	v14 =	vld [tilespmem:s15+$0xFFFFFFF0];
	v13 =	vmov s16  }
0x139: {  	v15 =	vld [tilespmem:s15+$0x0]  }
0x13a: {  	v11 =	vbroadcast v10, $0x3  }
0x13b: {  	v16 =	vld [tilespmem:s15+$0x10]  }
0x13c: {  	vm12 =	vge.s32 v12, v11  }
0x13d: {  	s15 =	simm.s32 $0x9060;
	vm13 =	vge.s32 v14, v11;
	v20 =	vld.idx.msk [tilespmem:v13+s10+$0x0], $0xffff;
	v13 =	vmpcnt.ones.xlane vm12  }
0x13e: {  	v17 =	vimm.s32 $0x0;
	v14 =	vld [tilespmem:s15+$0xFFFFFFE0];
	vm14 =	vge.s32 v15, v11;
	v18 =	vmpcnt.ones.xlane vm13  }
0x13f: {  	v12 =	vld [tilespmem:s15+$0xFFFFFFF0];
	v15 =	vadd.s32 v17, v13;
	v17 =	vmpcnt.ones.xlane vm14  }
0x140: {  	vm15 =	vge.s32 v16, v11;
	v13 =	vld [tilespmem:s15+$0x0];
	v18 =	vadd.s32 v18, v15  }
0x141: {  	v16 =	vmpcnt.ones.xlane vm15;
	s16 =	simm.s32 $0x4;
	v15 =	vld [tilespmem:s15+$0x10];
	v17 =	vadd.s32 v17, v18  }
.LBB2_14:
0x142: {  	s16 =	sadd.s32 $0x4, s16  }
0x143: {  	vm0 =	vge.s32 v14, v11;
	s15 =	sadd.s32 $0x40, s15;
	v16 =	vadd.s32 v16, v17;
	p0 =	slt.u32 s16, $0xFC  }
.Ltmp6:
0x144: {  	v14 =	vld [tilespmem:s15+$0xFFFFFFE0];
	v17 =	vmpcnt.ones.xlane vm0;
	vm0 =	vge.s32 v12, v11;
	(pc) =	sbr.rel @p0 .LBB2_14-.Ltmp6, $4  }
0x145: {  	v12 =	vld [tilespmem:s15+$0xFFFFFFF0];
	v18 =	vmpcnt.ones.xlane vm0;
	vm0 =	vge.s32 v13, v11  }
0x146: {  	v13 =	vld [tilespmem:s15+$0x0];
	v16 =	vadd.s32 v16, v17;
	v17 =	vmpcnt.ones.xlane vm0;
	vm0 =	vge.s32 v15, v11  }
0x147: {  	v15 =	vld [tilespmem:s15+$0x10];
	v18 =	vadd.s32 v18, v16;
	v16 =	vmpcnt.ones.xlane vm0  }
0x148: {  	v17 =	vadd.s32 v17, v18  }
0x149: {  	vm0 =	vge.s32 v14, v11  }
0x14a: {  	v14 =	vmpcnt.ones.xlane vm0;
	vm9 =	vge.s32 v12, v11  }
0x14b: {  	v12 =	vadd.s32 v16, v17;
	v16 =	vmpcnt.ones.xlane vm9;
	vm10 =	vge.s32 v13, v11  }
0x14c: {  	v12 =	vadd.s32 v12, v14;
	v13 =	vmpcnt.ones.xlane vm10;
	vm11 =	vge.s32 v15, v11  }
0x14d: {  	v11 =	vadd.s32 v16, v12;
	v12 =	vmpcnt.ones.xlane vm11  }
0x14e: {  	v11 =	vadd.s32 v13, v11  }
0x14f: {  	v11 =	vadd.s32 v12, v11  }
0x150: {  	v11 =	vxor.u32 $0x80000000, v11  }
0x151: {  	(xrf0) =	vmax.scan.msk.u32 $0xffff, v11;
	_ =	sdelay $0x5  }
0x152: {  	v11, _, _ =	vpop (xrf0)  }
0x153: {  	(v2sf) =	vpush v11, $0xF;
	_ =	sdelay $0xe  }
0x154: {  	s15 =	simm.s32 $0x9020;
	s19 =	spop (v2sf)  }
0x155: {  	v12 =	vld [tilespmem:s15+$0xFFFFFFE0];
	s16 =	sxor.u32 $0x80000000, s19  }
0x156: {  	v14 =	vld [tilespmem:s15+$0xFFFFFFF0];
	v13 =	vmov s16  }
0x157: {  	v15 =	vld [tilespmem:s15+$0x0]  }
0x158: {  	v11 =	vbroadcast v10, $0x4  }
0x159: {  	v16 =	vld [tilespmem:s15+$0x10]  }
0x15a: {  	vm12 =	vge.s32 v12, v11  }
0x15b: {  	s15 =	simm.s32 $0x9060;
	vm13 =	vge.s32 v14, v11;
	v18 =	vld.idx.msk [tilespmem:v13+s10+$0x0], $0xffff;
	v13 =	vmpcnt.ones.xlane vm12  }
0x15c: {  	v17 =	vimm.s32 $0x0;
	v14 =	vld [tilespmem:s15+$0xFFFFFFE0];
	vm14 =	vge.s32 v15, v11;
	v19 =	vmpcnt.ones.xlane vm13  }
0x15d: {  	v12 =	vld [tilespmem:s15+$0xFFFFFFF0];
	v15 =	vadd.s32 v17, v13;
	v17 =	vmpcnt.ones.xlane vm14  }
0x15e: {  	vm15 =	vge.s32 v16, v11;
	v13 =	vld [tilespmem:s15+$0x0];
	v19 =	vadd.s32 v19, v15  }
0x15f: {  	v16 =	vmpcnt.ones.xlane vm15;
	s16 =	simm.s32 $0x4;
	v15 =	vld [tilespmem:s15+$0x10];
	v17 =	vadd.s32 v17, v19  }
.LBB2_16:
0x160: {  	s16 =	sadd.s32 $0x4, s16  }
0x161: {  	vm0 =	vge.s32 v14, v11;
	s15 =	sadd.s32 $0x40, s15;
	v16 =	vadd.s32 v16, v17;
	p0 =	slt.u32 s16, $0xFC  }
.Ltmp7:
0x162: {  	v14 =	vld [tilespmem:s15+$0xFFFFFFE0];
	v17 =	vmpcnt.ones.xlane vm0;
	vm0 =	vge.s32 v12, v11;
	(pc) =	sbr.rel @p0 .LBB2_16-.Ltmp7, $4  }
0x163: {  	v12 =	vld [tilespmem:s15+$0xFFFFFFF0];
	v19 =	vmpcnt.ones.xlane vm0;
	vm0 =	vge.s32 v13, v11  }
0x164: {  	v13 =	vld [tilespmem:s15+$0x0];
	v16 =	vadd.s32 v16, v17;
	v17 =	vmpcnt.ones.xlane vm0;
	vm0 =	vge.s32 v15, v11  }
0x165: {  	v15 =	vld [tilespmem:s15+$0x10];
	v19 =	vadd.s32 v19, v16;
	v16 =	vmpcnt.ones.xlane vm0  }
0x166: {  	v17 =	vadd.s32 v17, v19  }
0x167: {  	vm0 =	vge.s32 v14, v11  }
0x168: {  	v14 =	vmpcnt.ones.xlane vm0;
	vm9 =	vge.s32 v12, v11  }
0x169: {  	v12 =	vadd.s32 v16, v17;
	v16 =	vmpcnt.ones.xlane vm9;
	vm10 =	vge.s32 v13, v11  }
0x16a: {  	v12 =	vadd.s32 v12, v14;
	v13 =	vmpcnt.ones.xlane vm10;
	vm11 =	vge.s32 v15, v11  }
0x16b: {  	v11 =	vadd.s32 v16, v12;
	v12 =	vmpcnt.ones.xlane vm11  }
0x16c: {  	v11 =	vadd.s32 v13, v11  }
0x16d: {  	v11 =	vadd.s32 v12, v11  }
0x16e: {  	v11 =	vxor.u32 $0x80000000, v11  }
0x16f: {  	(xrf0) =	vmax.scan.msk.u32 $0xffff, v11;
	_ =	sdelay $0x5  }
0x170: {  	v11, _, _ =	vpop (xrf0)  }
0x171: {  	(v2sf) =	vpush v11, $0xF;
	_ =	sdelay $0xe  }
0x172: {  	s15 =	simm.s32 $0x9020;
	s18 =	spop (v2sf)  }
0x173: {  	v12 =	vld [tilespmem:s15+$0xFFFFFFE0];
	s16 =	sxor.u32 $0x80000000, s18  }
0x174: {  	v14 =	vld [tilespmem:s15+$0xFFFFFFF0];
	v13 =	vmov s16  }
0x175: {  	v15 =	vld [tilespmem:s15+$0x0]  }
0x176: {  	v11 =	vbroadcast v10, $0x5  }
0x177: {  	v16 =	vld [tilespmem:s15+$0x10]  }
0x178: {  	vm12 =	vge.s32 v12, v11  }
0x179: {  	s15 =	simm.s32 $0x9060;
	vm13 =	vge.s32 v14, v11;
	v17 =	vld.idx.msk [tilespmem:v13+s10+$0x0], $0xffff;
	v13 =	vmpcnt.ones.xlane vm12  }
0x17a: {  	v19 =	vimm.s32 $0x0;
	v14 =	vld [tilespmem:s15+$0xFFFFFFE0];
	vm14 =	vge.s32 v15, v11;
	v21 =	vmpcnt.ones.xlane vm13  }
0x17b: {  	v12 =	vld [tilespmem:s15+$0xFFFFFFF0];
	v15 =	vadd.s32 v19, v13;
	v19 =	vmpcnt.ones.xlane vm14  }
0x17c: {  	vm15 =	vge.s32 v16, v11;
	v13 =	vld [tilespmem:s15+$0x0];
	v21 =	vadd.s32 v21, v15  }
0x17d: {  	v16 =	vmpcnt.ones.xlane vm15;
	s16 =	simm.s32 $0x4;
	v15 =	vld [tilespmem:s15+$0x10];
	v19 =	vadd.s32 v19, v21  }
.LBB2_18:
0x17e: {  	s16 =	sadd.s32 $0x4, s16  }
0x17f: {  	vm0 =	vge.s32 v14, v11;
	s15 =	sadd.s32 $0x40, s15;
	v16 =	vadd.s32 v16, v19;
	p0 =	slt.u32 s16, $0xFC  }
.Ltmp8:
0x180: {  	v14 =	vld [tilespmem:s15+$0xFFFFFFE0];
	v19 =	vmpcnt.ones.xlane vm0;
	vm0 =	vge.s32 v12, v11;
	(pc) =	sbr.rel @p0 .LBB2_18-.Ltmp8, $4  }
0x181: {  	v12 =	vld [tilespmem:s15+$0xFFFFFFF0];
	v21 =	vmpcnt.ones.xlane vm0;
	vm0 =	vge.s32 v13, v11  }
0x182: {  	v13 =	vld [tilespmem:s15+$0x0];
	v16 =	vadd.s32 v16, v19;
	v19 =	vmpcnt.ones.xlane vm0;
	vm0 =	vge.s32 v15, v11  }
0x183: {  	v15 =	vld [tilespmem:s15+$0x10];
	v21 =	vadd.s32 v21, v16;
	v16 =	vmpcnt.ones.xlane vm0  }
0x184: {  	v19 =	vadd.s32 v19, v21  }
0x185: {  	vm0 =	vge.s32 v14, v11  }
0x186: {  	v14 =	vmpcnt.ones.xlane vm0;
	vm9 =	vge.s32 v12, v11  }
0x187: {  	v12 =	vadd.s32 v16, v19;
	v16 =	vmpcnt.ones.xlane vm9;
	vm10 =	vge.s32 v13, v11  }
0x188: {  	v12 =	vadd.s32 v12, v14;
	v13 =	vmpcnt.ones.xlane vm10;
	vm11 =	vge.s32 v15, v11  }
0x189: {  	v11 =	vadd.s32 v16, v12;
	v12 =	vmpcnt.ones.xlane vm11  }
0x18a: {  	v11 =	vadd.s32 v13, v11  }
0x18b: {  	v11 =	vadd.s32 v12, v11  }
0x18c: {  	v11 =	vxor.u32 $0x80000000, v11  }
0x18d: {  	(xrf0) =	vmax.scan.msk.u32 $0xffff, v11;
	_ =	sdelay $0x5  }
0x18e: {  	v11, _, _ =	vpop (xrf0)  }
0x18f: {  	(v2sf) =	vpush v11, $0xF;
	_ =	sdelay $0xe  }
0x190: {  	s15 =	simm.s32 $0x9020;
	s17 =	spop (v2sf)  }
0x191: {  	v12 =	vld [tilespmem:s15+$0xFFFFFFE0];
	s16 =	sxor.u32 $0x80000000, s17  }
0x192: {  	v14 =	vld [tilespmem:s15+$0xFFFFFFF0];
	v13 =	vmov s16  }
0x193: {  	v16 =	vld [tilespmem:s15+$0x0]  }
0x194: {  	v11 =	vbroadcast v10, $0x6  }
0x195: {  	v19 =	vld [tilespmem:s15+$0x10]  }
0x196: {  	vm12 =	vge.s32 v12, v11  }
0x197: {  	s15 =	simm.s32 $0x9060;
	vm13 =	vge.s32 v14, v11;
	v15 =	vld.idx.msk [tilespmem:v13+s10+$0x0], $0xffff;
	v13 =	vmpcnt.ones.xlane vm12  }
0x198: {  	v21 =	vimm.s32 $0x0;
	v14 =	vld [tilespmem:s15+$0xFFFFFFE0];
	vm14 =	vge.s32 v16, v11;
	v24 =	vmpcnt.ones.xlane vm13  }
0x199: {  	v12 =	vld [tilespmem:s15+$0xFFFFFFF0];
	v16 =	vadd.s32 v21, v13;
	v21 =	vmpcnt.ones.xlane vm14  }
0x19a: {  	vm15 =	vge.s32 v19, v11;
	v13 =	vld [tilespmem:s15+$0x0];
	v24 =	vadd.s32 v24, v16  }
0x19b: {  	v19 =	vmpcnt.ones.xlane vm15;
	s16 =	simm.s32 $0x4;
	v16 =	vld [tilespmem:s15+$0x10];
	v21 =	vadd.s32 v21, v24  }
.LBB2_20:
0x19c: {  	s16 =	sadd.s32 $0x4, s16  }
0x19d: {  	vm0 =	vge.s32 v14, v11;
	s15 =	sadd.s32 $0x40, s15;
	v19 =	vadd.s32 v19, v21;
	p0 =	slt.u32 s16, $0xFC  }
.Ltmp9:
0x19e: {  	v14 =	vld [tilespmem:s15+$0xFFFFFFE0];
	v21 =	vmpcnt.ones.xlane vm0;
	vm0 =	vge.s32 v12, v11;
	(pc) =	sbr.rel @p0 .LBB2_20-.Ltmp9, $4  }
0x19f: {  	v12 =	vld [tilespmem:s15+$0xFFFFFFF0];
	v24 =	vmpcnt.ones.xlane vm0;
	vm0 =	vge.s32 v13, v11  }
0x1a0: {  	v13 =	vld [tilespmem:s15+$0x0];
	v19 =	vadd.s32 v19, v21;
	v21 =	vmpcnt.ones.xlane vm0;
	vm0 =	vge.s32 v16, v11  }
0x1a1: {  	v16 =	vld [tilespmem:s15+$0x10];
	v24 =	vadd.s32 v24, v19;
	v19 =	vmpcnt.ones.xlane vm0  }
0x1a2: {  	v21 =	vadd.s32 v21, v24  }
0x1a3: {  	vm0 =	vge.s32 v14, v11  }
0x1a4: {  	v14 =	vmpcnt.ones.xlane vm0;
	vm9 =	vge.s32 v12, v11  }
0x1a5: {  	v12 =	vadd.s32 v19, v21;
	v19 =	vmpcnt.ones.xlane vm9;
	vm10 =	vge.s32 v13, v11  }
0x1a6: {  	v12 =	vadd.s32 v12, v14;
	v13 =	vmpcnt.ones.xlane vm10;
	vm11 =	vge.s32 v16, v11  }
0x1a7: {  	v11 =	vadd.s32 v19, v12;
	v12 =	vmpcnt.ones.xlane vm11  }
0x1a8: {  	v11 =	vadd.s32 v13, v11  }
0x1a9: {  	v11 =	vadd.s32 v12, v11  }
0x1aa: {  	v11 =	vxor.u32 $0x80000000, v11  }
0x1ab: {  	(xrf0) =	vmax.scan.msk.u32 $0xffff, v11;
	_ =	sdelay $0x5  }
0x1ac: {  	v11, _, _ =	vpop (xrf0)  }
0x1ad: {  	(v2sf) =	vpush v11, $0xF;
	_ =	sdelay $0xa  }
0x1ae: {  	s15 =	simm.s32 $0x9020  }
0x1af: {  	v12 =	vld [tilespmem:s15+$0xFFFFFFE0]  }
0x1b0: {  	v14 =	vld [tilespmem:s15+$0xFFFFFFF0]  }
0x1b1: {  	v19 =	vld [tilespmem:s15+$0x0]  }
0x1b2: {  	v11 =	vbroadcast v10, $0x7;
	s16 =	spop (v2sf)  }
0x1b3: {  	v21 =	vld [tilespmem:s15+$0x10];
	s23 =	sxor.u32 $0x80000000, s16  }
0x1b4: {  	s15 =	simm.s32 $0x9060;
	vm12 =	vge.s32 v12, v11;
	v13 =	vmov s23  }
0x1b5: {  	v16 =	vld [tilespmem:s15+$0xFFFFFFE0];
	vm13 =	vge.s32 v14, v11;
	v24 =	vmpcnt.ones.xlane vm12  }
0x1b6: {  	v14 =	vimm.s32 $0x0;
	vm14 =	vge.s32 v19, v11;
	v12 =	vld [tilespmem:s15+$0xFFFFFFF0];
	v25 =	vmpcnt.ones.xlane vm13  }
0x1b7: {  	v19 =	vadd.s32 v14, v24;
	v24 =	vmpcnt.ones.xlane vm14;
	v14 =	vld [tilespmem:s15+$0x0]  }
0x1b8: {  	vm15 =	vge.s32 v21, v11;
	v25 =	vadd.s32 v25, v19;
	v19 =	vld [tilespmem:s15+$0x10]  }
0x1b9: {  	v21 =	vmpcnt.ones.xlane vm15;
	v24 =	vadd.s32 v24, v25;
	s23 =	simm.s32 $0x4;
	v13 =	vld.idx.msk [tilespmem:v13+s10+$0x0], $0xffff  }
.LBB2_22:
0x1ba: {  	s23 =	sadd.s32 $0x4, s23  }
0x1bb: {  	vm0 =	vge.s32 v16, v11;
	s15 =	sadd.s32 $0x40, s15;
	v21 =	vadd.s32 v21, v24;
	p0 =	slt.u32 s23, $0xFC  }
.Ltmp10:
0x1bc: {  	v16 =	vld [tilespmem:s15+$0xFFFFFFE0];
	v24 =	vmpcnt.ones.xlane vm0;
	vm0 =	vge.s32 v12, v11;
	(pc) =	sbr.rel @p0 .LBB2_22-.Ltmp10, $4  }
0x1bd: {  	v12 =	vld [tilespmem:s15+$0xFFFFFFF0];
	v25 =	vmpcnt.ones.xlane vm0;
	vm0 =	vge.s32 v14, v11  }
0x1be: {  	v14 =	vld [tilespmem:s15+$0x0];
	v21 =	vadd.s32 v21, v24;
	v24 =	vmpcnt.ones.xlane vm0;
	vm0 =	vge.s32 v19, v11  }
0x1bf: {  	v19 =	vld [tilespmem:s15+$0x10];
	v25 =	vadd.s32 v25, v21;
	v21 =	vmpcnt.ones.xlane vm0  }
0x1c0: {  	v24 =	vadd.s32 v24, v25  }
0x1c1: {  	vm0 =	vge.s32 v16, v11  }
0x1c2: {  	v16 =	vmpcnt.ones.xlane vm0;
	vm13 =	vge.s32 v12, v11  }
0x1c3: {  	v12 =	vadd.s32 v21, v24;
	v21 =	vmpcnt.ones.xlane vm13;
	vm14 =	vge.s32 v14, v11  }
0x1c4: {  	v12 =	vadd.s32 v12, v16;
	v14 =	vmpcnt.ones.xlane vm14;
	vm15 =	vge.s32 v19, v11  }
0x1c5: {  	v11 =	vadd.s32 v21, v12;
	v12 =	vmpcnt.ones.xlane vm15  }
0x1c6: {  	v11 =	vadd.s32 v14, v11  }
0x1c7: {  	v11 =	vadd.s32 v12, v11  }
0x1c8: {  	v11 =	vxor.u32 $0x80000000, v11  }
0x1c9: {  	(xrf0) =	vmax.scan.msk.u32 $0xffff, v11;
	_ =	sdelay $0x5  }
0x1ca: {  	v11, _, _ =	vpop (xrf0)  }
0x1cb: {  	(v2sf) =	vpush v11, $0xF;
	_ =	sdelay $0xe  }
0x1cc: {  	s15 =	spop (v2sf)  }
0x1cd: {  	s23 =	sxor.u32 $0x80000000, s15  }
0x1ce: {  	v11 =	vmov s23;
	_ =	sdelay $0x3  }
0x1cf: {  	s23 =	simm.s32 $0xA0C0  }
0x1d0: {  	v11 =	vld.idx.msk [tilespmem:v11+s10+$0x0], $0xffff;
	[tilespmem:s23+$0xFFFFFFC0] =	vst v3  }
0x1d1: {  	[tilespmem:s23+$0x30] =	vst v3  }
0x1d2: {  	[tilespmem:s23+$0x20] =	vst v3  }
0x1d3: {  	[tilespmem:s23+$0x10] =	vst v3  }
0x1d4: {  	[tilespmem:s23+$0x0] =	vst v3  }
0x1d5: {  	[tilespmem:s23+$0xFFFFFFF0] =	vst v3  }
0x1d6: {  	s24 =	simm.s32 $0x0;
	[tilespmem:s23+$0xFFFFFFE0] =	vst v3  }
.LBB2_24:
0x1d7: {  	s24 =	sadd.s32 $0x8, s24;
	[tilespmem:s23+$0xFFFFFFD0] =	vst v3;
	s23 =	sadd.s32 $0x80, s23  }
0x1d8: {  	[tilespmem:s23+$0xFFFFFFC0] =	vst v3;
	p0 =	slt.u32 s24, $0xF8  }
0x1d9: {  	[tilespmem:s23+$0x30] =	vst v3  }
.Ltmp11:
0x1da: {  	[tilespmem:s23+$0x20] =	vst v3;
	(pc) =	sbr.rel @p0 .LBB2_24-.Ltmp11, $4  }
0x1db: {  	[tilespmem:s23+$0x10] =	vst v3  }
0x1dc: {  	[tilespmem:s23+$0x0] =	vst v3  }
0x1dd: {  	[tilespmem:s23+$0xFFFFFFF0] =	vst v3  }
0x1de: {  	[tilespmem:s23+$0xFFFFFFE0] =	vst v3  }
0x1df: {  	s24 =	sadd.s32 $0x7FFFFFFF, s22  }
0x1e0: {  	s25 =	sadd.s32 $0x7FFFFFFF, s21;
	v26 =	vmov s24  }
0x1e1: {  	s31 =	sadd.s32 $0x7FFFFFFF, s20;
	v25 =	vmov s25  }
0x1e2: {  	s26 =	sadd.s32 $0x7FFFFFFF, s19;
	v24 =	vmov s31  }
0x1e3: {  	s28 =	sadd.s32 $0x7FFFFFFF, s18;
	v21 =	vmov s26  }
0x1e4: {  	[tilespmem:s23+$0xFFFFFFD0] =	vst v3;
	s29 =	sadd.s32 $0x7FFFFFFF, s17;
	v19 =	vmov s28  }
0x1e5: {  	s30 =	sadd.s32 $0x7FFFFFFF, s16;
	v16 =	vmov s29;
	[tilespmem:v26+s11+$0x0] =	vst.idx.msk $0x1, v0  }
0x1e6: {  	s31 =	sadd.s32 $0x7FFFFFFF, s15;
	v14 =	vmov s30;
	[tilespmem:v25+s11+$0x0] =	vst.idx.msk $0x1, v1  }
0x1e7: {  	v12 =	vmov s31;
	[tilespmem:v24+s11+$0x0] =	vst.idx.msk $0x1, v4  }
0x1e8: {  	[tilespmem:v21+s11+$0x0] =	vst.idx.msk $0x1, v5  }
0x1e9: {  	[tilespmem:v19+s11+$0x0] =	vst.idx.msk $0x1, v6  }
0x1ea: {  	[tilespmem:v16+s11+$0x0] =	vst.idx.msk $0x1, v7  }
0x1eb: {  	[tilespmem:v14+s11+$0x0] =	vst.idx.msk $0x1, v8  }
0x1ec: {  	s24 =	simm.s32 $0xB0C0;
	[tilespmem:v12+s11+$0x0] =	vst.idx.msk $0x1, v9  }
0x1ed: {  	[tilespmem:s24+$0xFFFFFFC0] =	vst v0  }
0x1ee: {  	[tilespmem:s24+$0x30] =	vst v0  }
0x1ef: {  	[tilespmem:s24+$0x20] =	vst v0  }
0x1f0: {  	[tilespmem:s24+$0x10] =	vst v0  }
0x1f1: {  	[tilespmem:s24+$0x0] =	vst v0  }
0x1f2: {  	[tilespmem:s24+$0xFFFFFFF0] =	vst v0  }
0x1f3: {  	s23 =	simm.s32 $0xFFFFFFF8;
	s25 =	simm.s32 $0x0;
	[tilespmem:s24+$0xFFFFFFE0] =	vst v0  }
.LBB2_26:
0x1f4: {  	s25 =	sadd.s32 $0x8, s25;
	[tilespmem:s24+$0xFFFFFFD0] =	vst v0;
	s24 =	sadd.s32 $0x80, s24  }
0x1f5: {  	[tilespmem:s24+$0xFFFFFFC0] =	vst v0;
	p0 =	slt.u32 s25, $0x7F8  }
0x1f6: {  	[tilespmem:s24+$0x30] =	vst v0  }
.Ltmp12:
0x1f7: {  	[tilespmem:s24+$0x20] =	vst v0;
	(pc) =	sbr.rel @p0 .LBB2_26-.Ltmp12, $4  }
0x1f8: {  	[tilespmem:s24+$0x10] =	vst v0  }
0x1f9: {  	[tilespmem:s24+$0x0] =	vst v0  }
0x1fa: {  	[tilespmem:s24+$0xFFFFFFF0] =	vst v0  }
0x1fb: {  	[tilespmem:s24+$0xFFFFFFE0] =	vst v0  }
0x1fc: {  	[tilespmem:s24+$0xFFFFFFD0] =	vst v0;
	s24 =	simm.s32 $0x40  }
.LBB2_28:
0x1fd: {  	v27 =	vld [tilespmem:s24+$0xFFFFFFC0];
	_ =	sdelay $0x4  }
0x1fe: {  	vm0 =	vlt.s32 v27, $0x0;
	v28 =	vsub.s32 $0x80000000, v27  }
0x1ff: {  	v27 =	vsel vm0, v28, v27  }
0x200: {  	v28 =	vshra.s32 v27, $0x14  }
0x201: {  	v28 =	vadd.s32 $0x800, v28;
	_ =	sdelay $0x4  }
0x202: {  	v28 =	vld.idx.msk [tilespmem:v28+s11+$0x0], $0xffff;
	_ =	sdelay $0x3  }
0x203: {  	v27 =	vshrl.u32 v27, $0x8  }
0x204: {  	v27 =	vand.u32 $0xFFF, v27;
	v29 =	vshll.u32 v28, $0xC  }
0x205: {  	vm13 =	vgt.s32 v28, $0xFFFFFFFF;
	v27 =	vor.u32 v29, v27  }
0x206: {  	v27 =	vnsel vm13, $0x0, v27;
	_ =	sdelay $0x4  }
0x207: {  	[tilespmem:v27+s12+$0x0] =	vst.idx.add.s32.msk vm13, v1  }
0x208: {  	v27 =	vld [tilespmem:s24+$0xFFFFFFD0];
	_ =	sdelay $0x4  }
0x209: {  	vm14 =	vlt.s32 v27, $0x0;
	v50 =	vsub.s32 $0x80000000, v27  }
0x20a: {  	v27 =	vsel vm14, v50, v27  }
0x20b: {  	v28 =	vshra.s32 v27, $0x14  }
0x20c: {  	v28 =	vadd.s32 $0x800, v28;
	_ =	sdelay $0x4  }
0x20d: {  	v28 =	vld.idx.msk [tilespmem:v28+s11+$0x0], $0xffff;
	_ =	sdelay $0x3  }
0x20e: {  	v27 =	vshrl.u32 v27, $0x8  }
0x20f: {  	v27 =	vand.u32 $0xFFF, v27;
	v51 =	vshll.u32 v28, $0xC  }
0x210: {  	vm15 =	vgt.s32 v28, $0xFFFFFFFF;
	v27 =	vor.u32 v51, v27  }
0x211: {  	v27 =	vnsel vm15, $0x0, v27;
	_ =	sdelay $0x4  }
0x212: {  	[tilespmem:v27+s12+$0x0] =	vst.idx.add.s32.msk vm15, v1  }
0x213: {  	v27 =	vld [tilespmem:s24+$0xFFFFFFE0];
	_ =	sdelay $0x4  }
0x214: {  	vm4 =	vlt.s32 v27, $0x0;
	v52 =	vsub.s32 $0x80000000, v27  }
0x215: {  	v27 =	vsel vm4, v52, v27  }
0x216: {  	v28 =	vshra.s32 v27, $0x14  }
0x217: {  	v28 =	vadd.s32 $0x800, v28;
	_ =	sdelay $0x4  }
0x218: {  	v28 =	vld.idx.msk [tilespmem:v28+s11+$0x0], $0xffff;
	_ =	sdelay $0x3  }
0x219: {  	v27 =	vshrl.u32 v27, $0x8  }
0x21a: {  	v27 =	vand.u32 $0xFFF, v27;
	v53 =	vshll.u32 v28, $0xC  }
0x21b: {  	vm5 =	vgt.s32 v28, $0xFFFFFFFF;
	v27 =	vor.u32 v53, v27  }
0x21c: {  	v27 =	vnsel vm5, $0x0, v27;
	_ =	sdelay $0x4  }
0x21d: {  	[tilespmem:v27+s12+$0x0] =	vst.idx.add.s32.msk vm5, v1  }
0x21e: {  	v27 =	vld [tilespmem:s24+$0xFFFFFFF0];
	_ =	sdelay $0x4  }
0x21f: {  	vm6 =	vlt.s32 v27, $0x0;
	v54 =	vsub.s32 $0x80000000, v27  }
0x220: {  	v27 =	vsel vm6, v54, v27  }
0x221: {  	v28 =	vshra.s32 v27, $0x14  }
0x222: {  	v28 =	vadd.s32 $0x800, v28;
	_ =	sdelay $0x4  }
0x223: {  	v28 =	vld.idx.msk [tilespmem:v28+s11+$0x0], $0xffff;
	_ =	sdelay $0x3  }
0x224: {  	v27 =	vshrl.u32 v27, $0x8  }
0x225: {  	v27 =	vand.u32 $0xFFF, v27;
	v55 =	vshll.u32 v28, $0xC  }
0x226: {  	vm7 =	vgt.s32 v28, $0xFFFFFFFF;
	v27 =	vor.u32 v55, v27  }
0x227: {  	v27 =	vnsel vm7, $0x0, v27;
	_ =	sdelay $0x4  }
0x228: {  	[tilespmem:v27+s12+$0x0] =	vst.idx.add.s32.msk vm7, v1  }
0x229: {  	v27 =	vld [tilespmem:s24+$0x0];
	_ =	sdelay $0x4  }
0x22a: {  	vm8 =	vlt.s32 v27, $0x0;
	v56 =	vsub.s32 $0x80000000, v27  }
0x22b: {  	v27 =	vsel vm8, v56, v27  }
0x22c: {  	v28 =	vshra.s32 v27, $0x14  }
0x22d: {  	v28 =	vadd.s32 $0x800, v28;
	_ =	sdelay $0x4  }
0x22e: {  	v28 =	vld.idx.msk [tilespmem:v28+s11+$0x0], $0xffff;
	_ =	sdelay $0x3  }
0x22f: {  	v27 =	vshrl.u32 v27, $0x8  }
0x230: {  	v27 =	vand.u32 $0xFFF, v27;
	v57 =	vshll.u32 v28, $0xC  }
0x231: {  	vm9 =	vgt.s32 v28, $0xFFFFFFFF;
	v27 =	vor.u32 v57, v27  }
0x232: {  	v27 =	vnsel vm9, $0x0, v27;
	_ =	sdelay $0x4  }
0x233: {  	[tilespmem:v27+s12+$0x0] =	vst.idx.add.s32.msk vm9, v1  }
0x234: {  	v27 =	vld [tilespmem:s24+$0x10];
	_ =	sdelay $0x4  }
0x235: {  	vm10 =	vlt.s32 v27, $0x0;
	v58 =	vsub.s32 $0x80000000, v27  }
0x236: {  	v27 =	vsel vm10, v58, v27  }
0x237: {  	v28 =	vshra.s32 v27, $0x14  }
0x238: {  	v28 =	vadd.s32 $0x800, v28;
	_ =	sdelay $0x4  }
0x239: {  	v28 =	vld.idx.msk [tilespmem:v28+s11+$0x0], $0xffff;
	_ =	sdelay $0x3  }
0x23a: {  	v27 =	vshrl.u32 v27, $0x8  }
0x23b: {  	v27 =	vand.u32 $0xFFF, v27;
	v59 =	vshll.u32 v28, $0xC  }
0x23c: {  	vm11 =	vgt.s32 v28, $0xFFFFFFFF;
	v27 =	vor.u32 v59, v27  }
0x23d: {  	v27 =	vnsel vm11, $0x0, v27;
	_ =	sdelay $0x4  }
0x23e: {  	[tilespmem:v27+s12+$0x0] =	vst.idx.add.s32.msk vm11, v1  }
0x23f: {  	v27 =	vld [tilespmem:s24+$0x20];
	_ =	sdelay $0x4  }
0x240: {  	vm12 =	vlt.s32 v27, $0x0;
	v60 =	vsub.s32 $0x80000000, v27  }
0x241: {  	v27 =	vsel vm12, v60, v27  }
0x242: {  	v28 =	vshra.s32 v27, $0x14  }
0x243: {  	v28 =	vadd.s32 $0x800, v28;
	_ =	sdelay $0x4  }
0x244: {  	v28 =	vld.idx.msk [tilespmem:v28+s11+$0x0], $0xffff;
	_ =	sdelay $0x3  }
0x245: {  	v27 =	vshrl.u32 v27, $0x8  }
0x246: {  	v27 =	vand.u32 $0xFFF, v27;
	v61 =	vshll.u32 v28, $0xC  }
0x247: {  	vm13 =	vgt.s32 v28, $0xFFFFFFFF;
	v27 =	vor.u32 v61, v27  }
0x248: {  	v27 =	vnsel vm13, $0x0, v27;
	_ =	sdelay $0x4  }
0x249: {  	[tilespmem:v27+s12+$0x0] =	vst.idx.add.s32.msk vm13, v1  }
0x24a: {  	v27 =	vld [tilespmem:s24+$0x30];
	_ =	sdelay $0x4  }
0x24b: {  	vm14 =	vlt.s32 v27, $0x0;
	v62 =	vsub.s32 $0x80000000, v27  }
0x24c: {  	v27 =	vsel vm14, v62, v27  }
0x24d: {  	v28 =	vshra.s32 v27, $0x14  }
0x24e: {  	v28 =	vadd.s32 $0x800, v28;
	_ =	sdelay $0x4  }
0x24f: {  	v28 =	vld.idx.msk [tilespmem:v28+s11+$0x0], $0xffff;
	_ =	sdelay $0x3  }
0x250: {  	v27 =	vshrl.u32 v27, $0x8  }
0x251: {  	v27 =	vand.u32 $0xFFF, v27;
	v63 =	vshll.u32 v28, $0xC  }
0x252: {  	s23 =	sadd.s32 $0x8, s23;
	vm15 =	vgt.s32 v28, $0xFFFFFFFF;
	v27 =	vor.u32 v63, v27  }
0x253: {  	p0 =	slt.u32 s23, $0x7F8;
	v27 =	vnsel vm15, $0x0, v27  }
.Ltmp13:
0x254: {  	_ = 	snop;
	(pc) =	sbr.rel @p0 .LBB2_28-.Ltmp13, $2  }
0x255: {  	_ =	sdelay $0x2  }
0x256: {  	s24 =	sadd.s32 $0x80, s24;
	[tilespmem:v27+s12+$0x0] =	vst.idx.add.s32.msk vm15, v1  }
0x257: {  	_ =	sdelay $0x3  }
0x258: {  	v26 =	vld.idx.msk [tilespmem:v26+s11+$0x0], $0xffff;
	_ =	sdelay $0x3  }
0x259: {  	v23 =	vxor.u32 $0x80000000, v23  }
0x25a: {  	(xrf0) =	vmax.scan.msk.u32 $0xffff, v23;
	v23 =	vxor.u32 $0x80000000, v26  }
0x25b: {  	(xrf0) =	vmax.scan.msk.u32 $0xffff, v23;
	_ =	sdelay $0x4  }
0x25c: {  	(v2sf) =	vpush v10, $0x0;
	v23, _, _ =	vpop (xrf0)  }
0x25d: {  	(v2sf) =	vpush v23, $0xF;
	v23, _, _ =	vpop (xrf0)  }
0x25e: {  	(v2sf) =	vpush v23, $0xF;
	_ =	sdelay $0xc  }
0x25f: {  	s23 =	spop (v2sf)  }
0x260: {  	s24 =	spop (v2sf)  }
0x261: {  	s25 =	spop (v2sf)  }
0x262: {  	s25 =	sshll.u32 s25, $0xE  }
0x263: {  	s25 =	sshra.s32 s25, $0x2  }
0x264: {  	s25 =	sadd.s32 $0xC070, s25  }
0x265: {  	v23 =	vld [tilespmem:s25+$0x0];
	_ =	sdelay $0x4  }
0x266: {  	v23 =	vperm.xlane v23, v2;
	_ =	sdelay $0x1  }
0x267: {  	(xrf0) =	vadd.scan.msk.s32 $0xffff, v23;
	_ =	sdelay $0x5  }
0x268: {  	s26 =	simm.s32 $0x0;
	v23, _, _ =	vpop (xrf0)  }
0x269: {  	v26 =	vadd.s32 s26, v23  }
0x26a: {  	v23 =	vxor.u32 $0x80000000, v26  }
0x26b: {  	(xrf0) =	vmax.scan.msk.u32 $0xffff, v23;
	_ =	sdelay $0x5  }
0x26c: {  	v23, _, _ =	vpop (xrf0)  }
0x26d: {  	(v2sf) =	vpush v23, $0xF;
	_ =	sdelay $0x2  }
0x26e: {  	v23 =	vld [tilespmem:s25+$0xFFFFFFF0];
	_ =	sdelay $0x4  }
0x26f: {  	v23 =	vperm.xlane v23, v2;
	_ =	sdelay $0x1  }
0x270: {  	(xrf0) =	vadd.scan.msk.s32 $0xffff, v23;
	_ =	sdelay $0x4  }
0x271: {  	s29 =	spop (v2sf)  }
0x272: {  	v23, _, _ =	vpop (xrf0);
	s26 =	sxor.u32 $0x80000000, s29  }
0x273: {  	v27 =	vadd.s32 s26, v23  }
0x274: {  	v23 =	vxor.u32 $0x80000000, v27  }
0x275: {  	(xrf0) =	vmax.scan.msk.u32 $0xffff, v23;
	_ =	sdelay $0x5  }
0x276: {  	v23, _, _ =	vpop (xrf0)  }
0x277: {  	(v2sf) =	vpush v23, $0xF;
	_ =	sdelay $0x2  }
0x278: {  	v23 =	vld [tilespmem:s25+$0xFFFFFFE0];
	_ =	sdelay $0x4  }
0x279: {  	v23 =	vperm.xlane v23, v2;
	_ =	sdelay $0x1  }
0x27a: {  	(xrf0) =	vadd.scan.msk.s32 $0xffff, v23;
	_ =	sdelay $0x4  }
0x27b: {  	s30 =	spop (v2sf)  }
0x27c: {  	v23, _, _ =	vpop (xrf0);
	s26 =	sxor.u32 $0x80000000, s30  }
0x27d: {  	v28 =	vadd.s32 s26, v23  }
0x27e: {  	v23 =	vxor.u32 $0x80000000, v28  }
0x27f: {  	(xrf0) =	vmax.scan.msk.u32 $0xffff, v23;
	_ =	sdelay $0x5  }
0x280: {  	v23, _, _ =	vpop (xrf0)  }
0x281: {  	(v2sf) =	vpush v23, $0xF;
	_ =	sdelay $0x2  }
0x282: {  	v23 =	vld [tilespmem:s25+$0xFFFFFFD0];
	_ =	sdelay $0x4  }
0x283: {  	v23 =	vperm.xlane v23, v2;
	_ =	sdelay $0x1  }
0x284: {  	(xrf0) =	vadd.scan.msk.s32 $0xffff, v23;
	_ =	sdelay $0x4  }
0x285: {  	s31 =	spop (v2sf)  }
0x286: {  	v23, _, _ =	vpop (xrf0);
	s26 =	sxor.u32 $0x80000000, s31  }
0x287: {  	v29 =	vadd.s32 s26, v23  }
0x288: {  	v23 =	vxor.u32 $0x80000000, v29  }
0x289: {  	s24 =	sxor.u32 $0x80000000, s24;
	(xrf0) =	vmax.scan.msk.u32 $0xffff, v23  }
0x28a: {  	s23 =	ssub.s32 s23, s24  }
0x28b: {  	v23 =	vmov s23  }
0x28c: {  	vm0 =	vge.s32 v26, v23  }
0x28d: {  	vm13 =	vge.s32 v27, v23;
	v26 =	vmpcnt.ones.xlane vm0  }
0x28e: {  	v61 =	vimm.s32 $0x0;
	vm14 =	vge.s32 v28, v23;
	v27 =	vmpcnt.ones.xlane vm13  }
0x28f: {  	vm15 =	vge.s32 v29, v23;
	v62 =	vmpcnt.ones.xlane vm14;
	v26 =	vadd.s32 v61, v26;
	v63, _, _ =	vpop (xrf0)  }
0x290: {  	v26 =	vadd.s32 v27, v26;
	v27 =	vmpcnt.ones.xlane vm15;
	(v2sf) =	vpush v63, $0xF  }
0x291: {  	v26 =	vadd.s32 v62, v26  }
0x292: {  	s24 =	sadd.s32 $0xFFFFFFC0, s25;
	s23 =	simm.s32 $0x0;
	v26 =	vadd.s32 v27, v26  }
.LBB2_30:
0x293: {  	v27 =	vld [tilespmem:s24+$0x0];
	s23 =	sadd.s32 $0x4, s23  }
0x294: {  	p0 =	slt.u32 s23, $0xFC;
	_ =	sdelay $0x3  }
0x295: {  	v27 =	vperm.xlane v27, v2;
	_ =	sdelay $0x1  }
0x296: {  	(xrf0) =	vadd.scan.msk.s32 $0xffff, v27;
	_ =	sdelay $0x4  }
0x297: {  	s25 =	spop (v2sf)  }
0x298: {  	v27, _, _ =	vpop (xrf0);
	s25 =	sxor.u32 $0x80000000, s25  }
0x299: {  	v27 =	vadd.s32 s25, v27  }
0x29a: {  	vm0 =	vge.s32 v27, v23;
	v27 =	vxor.u32 $0x80000000, v27  }
0x29b: {  	v28 =	vmpcnt.ones.xlane vm0;
	(xrf0) =	vmax.scan.msk.u32 $0xffff, v27;
	_ =	sdelay $0x1  }
0x29c: {  	v26 =	vadd.s32 v26, v28;
	_ =	sdelay $0x3  }
0x29d: {  	v27, _, _ =	vpop (xrf0)  }
0x29e: {  	(v2sf) =	vpush v27, $0xF;
	_ =	sdelay $0x2  }
0x29f: {  	v27 =	vld [tilespmem:s24+$0xFFFFFFF0];
	_ =	sdelay $0x4  }
0x2a0: {  	v27 =	vperm.xlane v27, v2;
	_ =	sdelay $0x1  }
0x2a1: {  	(xrf0) =	vadd.scan.msk.s32 $0xffff, v27;
	_ =	sdelay $0x4  }
0x2a2: {  	s25 =	spop (v2sf)  }
0x2a3: {  	s25 =	sxor.u32 $0x80000000, s25;
	v27, _, _ =	vpop (xrf0)  }
0x2a4: {  	v27 =	vadd.s32 s25, v27  }
0x2a5: {  	vm0 =	vge.s32 v27, v23;
	v27 =	vxor.u32 $0x80000000, v27  }
0x2a6: {  	v28 =	vmpcnt.ones.xlane vm0;
	(xrf0) =	vmax.scan.msk.u32 $0xffff, v27;
	_ =	sdelay $0x1  }
0x2a7: {  	v26 =	vadd.s32 v28, v26;
	_ =	sdelay $0x3  }
0x2a8: {  	v27, _, _ =	vpop (xrf0)  }
0x2a9: {  	(v2sf) =	vpush v27, $0xF;
	_ =	sdelay $0x2  }
0x2aa: {  	v27 =	vld [tilespmem:s24+$0xFFFFFFE0];
	_ =	sdelay $0x4  }
0x2ab: {  	v27 =	vperm.xlane v27, v2;
	_ =	sdelay $0x1  }
0x2ac: {  	(xrf0) =	vadd.scan.msk.s32 $0xffff, v27;
	_ =	sdelay $0x4  }
0x2ad: {  	s25 =	spop (v2sf)  }
0x2ae: {  	s25 =	sxor.u32 $0x80000000, s25;
	v27, _, _ =	vpop (xrf0)  }
0x2af: {  	v27 =	vadd.s32 s25, v27  }
0x2b0: {  	vm0 =	vge.s32 v27, v23;
	v27 =	vxor.u32 $0x80000000, v27  }
0x2b1: {  	v28 =	vmpcnt.ones.xlane vm0;
	(xrf0) =	vmax.scan.msk.u32 $0xffff, v27;
	_ =	sdelay $0x1  }
0x2b2: {  	v26 =	vadd.s32 v28, v26;
	_ =	sdelay $0x3  }
0x2b3: {  	v27, _, _ =	vpop (xrf0)  }
0x2b4: {  	(v2sf) =	vpush v27, $0xF;
	_ =	sdelay $0x2  }
0x2b5: {  	v27 =	vld [tilespmem:s24+$0xFFFFFFD0];
	_ =	sdelay $0x4  }
0x2b6: {  	v27 =	vperm.xlane v27, v2;
	_ =	sdelay $0x1  }
0x2b7: {  	(xrf0) =	vadd.scan.msk.s32 $0xffff, v27;
	_ =	sdelay $0x4  }
0x2b8: {  	s25 =	spop (v2sf)  }
0x2b9: {  	s25 =	sxor.u32 $0x80000000, s25;
	v27, _, _ =	vpop (xrf0)  }
0x2ba: {  	v27 =	vadd.s32 s25, v27  }
0x2bb: {  	vm0 =	vge.s32 v27, v23;
	v27 =	vxor.u32 $0x80000000, v27  }
0x2bc: {  	v28 =	vmpcnt.ones.xlane vm0;
	(xrf0) =	vmax.scan.msk.u32 $0xffff, v27;
	_ =	sdelay $0x1  }
0x2bd: {  	v26 =	vadd.s32 v28, v26;
	_ =	sdelay $0x2  }
.Ltmp14:
0x2be: {  	(pc) =	sbr.rel @p0 .LBB2_30-.Ltmp14, $3  }
0x2bf: {  	v27, _, _ =	vpop (xrf0)  }
0x2c0: {  	(v2sf) =	vpush v27, $0xF;
	_ =	sdelay $0x1  }
0x2c1: {  	s24 =	sadd.s32 $0xFFFFFFC0, s24  }
0x2c2: {  	v22 =	vxor.u32 $0x80000000, v22  }
0x2c3: {  	(xrf0) =	vmax.scan.msk.u32 $0xffff, v22;
	v22 =	vxor.u32 $0x80000000, v26  }
0x2c4: {  	(xrf0) =	vmax.scan.msk.u32 $0xffff, v22;
	_ =	sdelay $0x4  }
0x2c5: {  	(v2sf) =	vpush v10, $0x1;
	v22, _, _ =	vpop (xrf0)  }
0x2c6: {  	(v2sf) =	vpush v22, $0xF;
	v22, _, _ =	vpop (xrf0)  }
0x2c7: {  	(v2sf) =	vpush v22, $0xF;
	_ =	sdelay $0xb  }
0x2c8: {  	s23 =	spop (v2sf)  }
0x2c9: {  	s23 =	spop (v2sf)  }
0x2ca: {  	s24 =	spop (v2sf)  }
0x2cb: {  	s25 =	spop (v2sf)  }
0x2cc: {  	s22 =	sshll.u32 s22, $0x14;
	s25 =	sshll.u32 s25, $0x8  }
0x2cd: {  	v23 =	vimm.s32 $0x0;
	s22 =	sadd.s32 $0x7FF00000, s22;
	s25 =	sadd.s32 $0xFFFFFF00, s25  }
0x2ce: {  	s22 =	sor.u32 s22, s25  }
0x2cf: {  	p0 =	slt.s32 s22, $0x0;
	s25 =	ssub.s32 $0x80000000, s22  }
0x2d0: {  	s22 =	smov.u32 @p0 s25  }
0x2d1: {  	v22 =	vmov s22  }
0x2d2: {  	[tilespmem:v23+s13+$0x0] =	vst.idx.msk $0x1, v22  }
0x2d3: {  	v22 =	vld.idx.msk [tilespmem:v25+s11+$0x0], $0xffff;
	_ =	sdelay $0x4  }
0x2d4: {  	v22 =	vxor.u32 $0x80000000, v22  }
0x2d5: {  	(xrf0) =	vmax.scan.msk.u32 $0xffff, v22;
	_ =	sdelay $0x5  }
0x2d6: {  	v22, _, _ =	vpop (xrf0)  }
0x2d7: {  	(v2sf) =	vpush v22, $0xF;
	_ =	sdelay $0xe  }
0x2d8: {  	s25 =	spop (v2sf)  }
0x2d9: {  	s22 =	sshll.u32 s25, $0xE  }
0x2da: {  	s22 =	sshra.s32 s22, $0x2  }
0x2db: {  	s25 =	sadd.s32 $0xC070, s22  }
0x2dc: {  	v22 =	vld [tilespmem:s25+$0x0];
	_ =	sdelay $0x4  }
0x2dd: {  	v22 =	vperm.xlane v22, v2;
	_ =	sdelay $0x1  }
0x2de: {  	(xrf0) =	vadd.scan.msk.s32 $0xffff, v22;
	_ =	sdelay $0x5  }
0x2df: {  	s26 =	simm.s32 $0x0;
	v22, _, _ =	vpop (xrf0)  }
0x2e0: {  	v25 =	vadd.s32 s26, v22  }
0x2e1: {  	v22 =	vxor.u32 $0x80000000, v25  }
0x2e2: {  	(xrf0) =	vmax.scan.msk.u32 $0xffff, v22;
	_ =	sdelay $0x5  }
0x2e3: {  	v22, _, _ =	vpop (xrf0)  }
0x2e4: {  	(v2sf) =	vpush v22, $0xF;
	_ =	sdelay $0x2  }
0x2e5: {  	v22 =	vld [tilespmem:s25+$0xFFFFFFF0];
	_ =	sdelay $0x4  }
0x2e6: {  	v22 =	vperm.xlane v22, v2;
	_ =	sdelay $0x1  }
0x2e7: {  	(xrf0) =	vadd.scan.msk.s32 $0xffff, v22;
	_ =	sdelay $0x4  }
0x2e8: {  	s28 =	spop (v2sf)  }
0x2e9: {  	v22, _, _ =	vpop (xrf0);
	s22 =	sxor.u32 $0x80000000, s28  }
0x2ea: {  	v26 =	vadd.s32 s22, v22  }
0x2eb: {  	v22 =	vxor.u32 $0x80000000, v26  }
0x2ec: {  	(xrf0) =	vmax.scan.msk.u32 $0xffff, v22;
	_ =	sdelay $0x5  }
0x2ed: {  	v22, _, _ =	vpop (xrf0)  }
0x2ee: {  	(v2sf) =	vpush v22, $0xF;
	_ =	sdelay $0x2  }
0x2ef: {  	v22 =	vld [tilespmem:s25+$0xFFFFFFE0];
	_ =	sdelay $0x4  }
0x2f0: {  	v22 =	vperm.xlane v22, v2;
	_ =	sdelay $0x1  }
0x2f1: {  	(xrf0) =	vadd.scan.msk.s32 $0xffff, v22;
	_ =	sdelay $0x4  }
0x2f2: {  	s29 =	spop (v2sf)  }
0x2f3: {  	v22, _, _ =	vpop (xrf0);
	s22 =	sxor.u32 $0x80000000, s29  }
0x2f4: {  	v27 =	vadd.s32 s22, v22  }
0x2f5: {  	v22 =	vxor.u32 $0x80000000, v27  }
0x2f6: {  	(xrf0) =	vmax.scan.msk.u32 $0xffff, v22;
	_ =	sdelay $0x5  }
0x2f7: {  	v22, _, _ =	vpop (xrf0)  }
0x2f8: {  	(v2sf) =	vpush v22, $0xF;
	_ =	sdelay $0x2  }
0x2f9: {  	v22 =	vld [tilespmem:s25+$0xFFFFFFD0];
	_ =	sdelay $0x4  }
0x2fa: {  	v22 =	vperm.xlane v22, v2;
	_ =	sdelay $0x1  }
0x2fb: {  	(xrf0) =	vadd.scan.msk.s32 $0xffff, v22;
	_ =	sdelay $0x4  }
0x2fc: {  	s30 =	spop (v2sf)  }
0x2fd: {  	v22, _, _ =	vpop (xrf0);
	s22 =	sxor.u32 $0x80000000, s30  }
0x2fe: {  	s31 =	sxor.u32 $0x80000000, s24;
	v28 =	vadd.s32 s22, v22  }
0x2ff: {  	s22 =	ssub.s32 s23, s31;
	v22 =	vxor.u32 $0x80000000, v28  }
0x300: {  	(xrf0) =	vmax.scan.msk.u32 $0xffff, v22;
	v22 =	vmov s22  }
0x301: {  	vm0 =	vge.s32 v25, v22  }
0x302: {  	v25 =	vmpcnt.ones.xlane vm0  }
0x303: {  	vm14 =	vge.s32 v27, v22  }
0x304: {  	vm13 =	vge.s32 v26, v22;
	v23 =	vadd.s32 v23, v25;
	v25 =	vmpcnt.ones.xlane vm14  }
0x305: {  	v26 =	vmpcnt.ones.xlane vm13;
	_ =	sdelay $0x1  }
0x306: {  	v23 =	vadd.s32 v26, v23  }
0x307: {  	vm15 =	vge.s32 v28, v22;
	v23 =	vadd.s32 v25, v23;
	v25, _, _ =	vpop (xrf0)  }
0x308: {  	v26 =	vmpcnt.ones.xlane vm15;
	(v2sf) =	vpush v25, $0xF;
	_ =	sdelay $0x1  }
0x309: {  	s23 =	sadd.s32 $0xFFFFFFC0, s25;
	s22 =	simm.s32 $0x0;
	v23 =	vadd.s32 v26, v23  }
.LBB2_32:
0x30a: {  	v25 =	vld [tilespmem:s23+$0x0];
	s22 =	sadd.s32 $0x4, s22  }
0x30b: {  	p0 =	slt.u32 s22, $0xFC;
	_ =	sdelay $0x3  }
0x30c: {  	v25 =	vperm.xlane v25, v2;
	_ =	sdelay $0x1  }
0x30d: {  	(xrf0) =	vadd.scan.msk.s32 $0xffff, v25;
	_ =	sdelay $0x4  }
0x30e: {  	s24 =	spop (v2sf)  }
0x30f: {  	v25, _, _ =	vpop (xrf0);
	s24 =	sxor.u32 $0x80000000, s24  }
0x310: {  	v25 =	vadd.s32 s24, v25  }
0x311: {  	vm0 =	vge.s32 v25, v22;
	v25 =	vxor.u32 $0x80000000, v25  }
0x312: {  	v26 =	vmpcnt.ones.xlane vm0;
	(xrf0) =	vmax.scan.msk.u32 $0xffff, v25;
	_ =	sdelay $0x1  }
0x313: {  	v23 =	vadd.s32 v23, v26;
	_ =	sdelay $0x3  }
0x314: {  	v25, _, _ =	vpop (xrf0)  }
0x315: {  	(v2sf) =	vpush v25, $0xF;
	_ =	sdelay $0x2  }
0x316: {  	v25 =	vld [tilespmem:s23+$0xFFFFFFF0];
	_ =	sdelay $0x4  }
0x317: {  	v25 =	vperm.xlane v25, v2;
	_ =	sdelay $0x1  }
0x318: {  	(xrf0) =	vadd.scan.msk.s32 $0xffff, v25;
	_ =	sdelay $0x4  }
0x319: {  	s24 =	spop (v2sf)  }
0x31a: {  	s24 =	sxor.u32 $0x80000000, s24;
	v25, _, _ =	vpop (xrf0)  }
0x31b: {  	v25 =	vadd.s32 s24, v25  }
0x31c: {  	vm0 =	vge.s32 v25, v22;
	v25 =	vxor.u32 $0x80000000, v25  }
0x31d: {  	v26 =	vmpcnt.ones.xlane vm0;
	(xrf0) =	vmax.scan.msk.u32 $0xffff, v25;
	_ =	sdelay $0x1  }
0x31e: {  	v23 =	vadd.s32 v26, v23;
	_ =	sdelay $0x3  }
0x31f: {  	v25, _, _ =	vpop (xrf0)  }
0x320: {  	(v2sf) =	vpush v25, $0xF;
	_ =	sdelay $0x2  }
0x321: {  	v25 =	vld [tilespmem:s23+$0xFFFFFFE0];
	_ =	sdelay $0x4  }
0x322: {  	v25 =	vperm.xlane v25, v2;
	_ =	sdelay $0x1  }
0x323: {  	(xrf0) =	vadd.scan.msk.s32 $0xffff, v25;
	_ =	sdelay $0x4  }
0x324: {  	s24 =	spop (v2sf)  }
0x325: {  	s24 =	sxor.u32 $0x80000000, s24;
	v25, _, _ =	vpop (xrf0)  }
0x326: {  	v25 =	vadd.s32 s24, v25  }
0x327: {  	vm0 =	vge.s32 v25, v22;
	v25 =	vxor.u32 $0x80000000, v25  }
0x328: {  	v26 =	vmpcnt.ones.xlane vm0;
	(xrf0) =	vmax.scan.msk.u32 $0xffff, v25;
	_ =	sdelay $0x1  }
0x329: {  	v23 =	vadd.s32 v26, v23;
	_ =	sdelay $0x3  }
0x32a: {  	v25, _, _ =	vpop (xrf0)  }
0x32b: {  	(v2sf) =	vpush v25, $0xF;
	_ =	sdelay $0x2  }
0x32c: {  	v25 =	vld [tilespmem:s23+$0xFFFFFFD0];
	_ =	sdelay $0x4  }
0x32d: {  	v25 =	vperm.xlane v25, v2;
	_ =	sdelay $0x1  }
0x32e: {  	(xrf0) =	vadd.scan.msk.s32 $0xffff, v25;
	_ =	sdelay $0x4  }
0x32f: {  	s24 =	spop (v2sf)  }
0x330: {  	s24 =	sxor.u32 $0x80000000, s24;
	v25, _, _ =	vpop (xrf0)  }
0x331: {  	v25 =	vadd.s32 s24, v25  }
0x332: {  	vm0 =	vge.s32 v25, v22;
	v25 =	vxor.u32 $0x80000000, v25  }
0x333: {  	v26 =	vmpcnt.ones.xlane vm0;
	(xrf0) =	vmax.scan.msk.u32 $0xffff, v25;
	_ =	sdelay $0x1  }
0x334: {  	v23 =	vadd.s32 v26, v23;
	_ =	sdelay $0x2  }
.Ltmp15:
0x335: {  	(pc) =	sbr.rel @p0 .LBB2_32-.Ltmp15, $3  }
0x336: {  	v25, _, _ =	vpop (xrf0)  }
0x337: {  	(v2sf) =	vpush v25, $0xF;
	_ =	sdelay $0x1  }
0x338: {  	s23 =	sadd.s32 $0xFFFFFFC0, s23  }
0x339: {  	v20 =	vxor.u32 $0x80000000, v20  }
0x33a: {  	(xrf0) =	vmax.scan.msk.u32 $0xffff, v20;
	v20 =	vxor.u32 $0x80000000, v23  }
0x33b: {  	(xrf0) =	vmax.scan.msk.u32 $0xffff, v20;
	_ =	sdelay $0x4  }
0x33c: {  	(v2sf) =	vpush v10, $0x2;
	v20, _, _ =	vpop (xrf0)  }
0x33d: {  	(v2sf) =	vpush v20, $0xF;
	v20, _, _ =	vpop (xrf0)  }
0x33e: {  	(v2sf) =	vpush v20, $0xF;
	_ =	sdelay $0xb  }
0x33f: {  	s22 =	spop (v2sf)  }
0x340: {  	s22 =	spop (v2sf)  }
0x341: {  	s23 =	spop (v2sf)  }
0x342: {  	s24 =	spop (v2sf)  }
0x343: {  	s21 =	sshll.u32 s21, $0x14;
	s24 =	sshll.u32 s24, $0x8  }
0x344: {  	s21 =	sadd.s32 $0x7FF00000, s21;
	s24 =	sadd.s32 $0xFFFFFF00, s24  }
0x345: {  	s21 =	sor.u32 s21, s24  }
0x346: {  	p0 =	slt.s32 s21, $0x0;
	s24 =	ssub.s32 $0x80000000, s21  }
0x347: {  	s21 =	smov.u32 @p0 s24  }
0x348: {  	v20 =	vmov s21  }
0x349: {  	[tilespmem:v1+s13+$0x0] =	vst.idx.msk $0x1, v20  }
0x34a: {  	v20 =	vld.idx.msk [tilespmem:v24+s11+$0x0], $0xffff;
	_ =	sdelay $0x4  }
0x34b: {  	v20 =	vxor.u32 $0x80000000, v20  }
0x34c: {  	(xrf0) =	vmax.scan.msk.u32 $0xffff, v20;
	_ =	sdelay $0x5  }
0x34d: {  	v20, _, _ =	vpop (xrf0)  }
0x34e: {  	(v2sf) =	vpush v20, $0xF;
	_ =	sdelay $0xe  }
0x34f: {  	s24 =	spop (v2sf)  }
0x350: {  	s21 =	sshll.u32 s24, $0xE  }
0x351: {  	s21 =	sshra.s32 s21, $0x2  }
0x352: {  	s25 =	sadd.s32 $0xC070, s21  }
0x353: {  	v20 =	vld [tilespmem:s25+$0x0];
	_ =	sdelay $0x4  }
0x354: {  	v20 =	vperm.xlane v20, v2;
	_ =	sdelay $0x1  }
0x355: {  	(xrf0) =	vadd.scan.msk.s32 $0xffff, v20;
	_ =	sdelay $0x5  }
0x356: {  	s26 =	simm.s32 $0x0;
	v20, _, _ =	vpop (xrf0)  }
0x357: {  	v22 =	vadd.s32 s26, v20  }
0x358: {  	v20 =	vxor.u32 $0x80000000, v22  }
0x359: {  	(xrf0) =	vmax.scan.msk.u32 $0xffff, v20;
	_ =	sdelay $0x5  }
0x35a: {  	v20, _, _ =	vpop (xrf0)  }
0x35b: {  	(v2sf) =	vpush v20, $0xF;
	_ =	sdelay $0x2  }
0x35c: {  	v20 =	vld [tilespmem:s25+$0xFFFFFFF0];
	_ =	sdelay $0x4  }
0x35d: {  	v20 =	vperm.xlane v20, v2;
	_ =	sdelay $0x1  }
0x35e: {  	(xrf0) =	vadd.scan.msk.s32 $0xffff, v20;
	_ =	sdelay $0x4  }
0x35f: {  	s28 =	spop (v2sf)  }
0x360: {  	v20, _, _ =	vpop (xrf0);
	s21 =	sxor.u32 $0x80000000, s28  }
0x361: {  	v23 =	vadd.s32 s21, v20  }
0x362: {  	v20 =	vxor.u32 $0x80000000, v23  }
0x363: {  	(xrf0) =	vmax.scan.msk.u32 $0xffff, v20;
	_ =	sdelay $0x5  }
0x364: {  	v20, _, _ =	vpop (xrf0)  }
0x365: {  	(v2sf) =	vpush v20, $0xF;
	_ =	sdelay $0x2  }
0x366: {  	v20 =	vld [tilespmem:s25+$0xFFFFFFE0];
	_ =	sdelay $0x4  }
0x367: {  	v20 =	vperm.xlane v20, v2;
	_ =	sdelay $0x1  }
0x368: {  	(xrf0) =	vadd.scan.msk.s32 $0xffff, v20;
	_ =	sdelay $0x4  }
0x369: {  	s29 =	spop (v2sf)  }
0x36a: {  	v20, _, _ =	vpop (xrf0);
	s21 =	sxor.u32 $0x80000000, s29  }
0x36b: {  	v60 =	vadd.s32 s21, v20  }
0x36c: {  	v20 =	vxor.u32 $0x80000000, v60  }
0x36d: {  	(xrf0) =	vmax.scan.msk.u32 $0xffff, v20;
	_ =	sdelay $0x5  }
0x36e: {  	v20, _, _ =	vpop (xrf0)  }
0x36f: {  	(v2sf) =	vpush v20, $0xF;
	_ =	sdelay $0x2  }
0x370: {  	v20 =	vld [tilespmem:s25+$0xFFFFFFD0];
	_ =	sdelay $0x4  }
0x371: {  	v20 =	vperm.xlane v20, v2;
	_ =	sdelay $0x1  }
0x372: {  	(xrf0) =	vadd.scan.msk.s32 $0xffff, v20;
	_ =	sdelay $0x4  }
0x373: {  	s30 =	spop (v2sf)  }
0x374: {  	v20, _, _ =	vpop (xrf0);
	s21 =	sxor.u32 $0x80000000, s30  }
0x375: {  	v25 =	vadd.s32 s21, v20  }
0x376: {  	v20 =	vxor.u32 $0x80000000, v25  }
0x377: {  	s31 =	sxor.u32 $0x80000000, s23;
	(xrf0) =	vmax.scan.msk.u32 $0xffff, v20  }
0x378: {  	s21 =	ssub.s32 s22, s31  }
0x379: {  	v20 =	vmov s21  }
0x37a: {  	vm0 =	vge.s32 v22, v20  }
0x37b: {  	vm13 =	vge.s32 v23, v20;
	v22 =	vmpcnt.ones.xlane vm0  }
0x37c: {  	v61 =	vimm.s32 $0x0;
	vm14 =	vge.s32 v60, v20;
	v23 =	vmpcnt.ones.xlane vm13  }
0x37d: {  	vm15 =	vge.s32 v25, v20;
	v62 =	vmpcnt.ones.xlane vm14;
	v22 =	vadd.s32 v61, v22;
	v63, _, _ =	vpop (xrf0)  }
0x37e: {  	v22 =	vadd.s32 v23, v22;
	v23 =	vmpcnt.ones.xlane vm15;
	(v2sf) =	vpush v63, $0xF  }
0x37f: {  	v22 =	vadd.s32 v62, v22  }
0x380: {  	s22 =	sadd.s32 $0xFFFFFFC0, s25;
	s21 =	simm.s32 $0x0;
	v22 =	vadd.s32 v23, v22  }
.LBB2_34:
0x381: {  	v23 =	vld [tilespmem:s22+$0x0];
	s21 =	sadd.s32 $0x4, s21  }
0x382: {  	p0 =	slt.u32 s21, $0xFC;
	_ =	sdelay $0x3  }
0x383: {  	v23 =	vperm.xlane v23, v2;
	_ =	sdelay $0x1  }
0x384: {  	(xrf0) =	vadd.scan.msk.s32 $0xffff, v23;
	_ =	sdelay $0x4  }
0x385: {  	s23 =	spop (v2sf)  }
0x386: {  	v23, _, _ =	vpop (xrf0);
	s23 =	sxor.u32 $0x80000000, s23  }
0x387: {  	v23 =	vadd.s32 s23, v23  }
0x388: {  	vm0 =	vge.s32 v23, v20;
	v23 =	vxor.u32 $0x80000000, v23  }
0x389: {  	v24 =	vmpcnt.ones.xlane vm0;
	(xrf0) =	vmax.scan.msk.u32 $0xffff, v23;
	_ =	sdelay $0x1  }
0x38a: {  	v22 =	vadd.s32 v22, v24;
	_ =	sdelay $0x3  }
0x38b: {  	v23, _, _ =	vpop (xrf0)  }
0x38c: {  	(v2sf) =	vpush v23, $0xF;
	_ =	sdelay $0x2  }
0x38d: {  	v23 =	vld [tilespmem:s22+$0xFFFFFFF0];
	_ =	sdelay $0x4  }
0x38e: {  	v23 =	vperm.xlane v23, v2;
	_ =	sdelay $0x1  }
0x38f: {  	(xrf0) =	vadd.scan.msk.s32 $0xffff, v23;
	_ =	sdelay $0x4  }
0x390: {  	s23 =	spop (v2sf)  }
0x391: {  	s23 =	sxor.u32 $0x80000000, s23;
	v23, _, _ =	vpop (xrf0)  }
0x392: {  	v23 =	vadd.s32 s23, v23  }
0x393: {  	vm0 =	vge.s32 v23, v20;
	v23 =	vxor.u32 $0x80000000, v23  }
0x394: {  	v24 =	vmpcnt.ones.xlane vm0;
	(xrf0) =	vmax.scan.msk.u32 $0xffff, v23;
	_ =	sdelay $0x1  }
0x395: {  	v22 =	vadd.s32 v24, v22;
	_ =	sdelay $0x3  }
0x396: {  	v23, _, _ =	vpop (xrf0)  }
0x397: {  	(v2sf) =	vpush v23, $0xF;
	_ =	sdelay $0x2  }
0x398: {  	v23 =	vld [tilespmem:s22+$0xFFFFFFE0];
	_ =	sdelay $0x4  }
0x399: {  	v23 =	vperm.xlane v23, v2;
	_ =	sdelay $0x1  }
0x39a: {  	(xrf0) =	vadd.scan.msk.s32 $0xffff, v23;
	_ =	sdelay $0x4  }
0x39b: {  	s23 =	spop (v2sf)  }
0x39c: {  	s23 =	sxor.u32 $0x80000000, s23;
	v23, _, _ =	vpop (xrf0)  }
0x39d: {  	v23 =	vadd.s32 s23, v23  }
0x39e: {  	vm0 =	vge.s32 v23, v20;
	v23 =	vxor.u32 $0x80000000, v23  }
0x39f: {  	v24 =	vmpcnt.ones.xlane vm0;
	(xrf0) =	vmax.scan.msk.u32 $0xffff, v23;
	_ =	sdelay $0x1  }
0x3a0: {  	v22 =	vadd.s32 v24, v22;
	_ =	sdelay $0x3  }
0x3a1: {  	v23, _, _ =	vpop (xrf0)  }
0x3a2: {  	(v2sf) =	vpush v23, $0xF;
	_ =	sdelay $0x2  }
0x3a3: {  	v23 =	vld [tilespmem:s22+$0xFFFFFFD0];
	_ =	sdelay $0x4  }
0x3a4: {  	v23 =	vperm.xlane v23, v2;
	_ =	sdelay $0x1  }
0x3a5: {  	(xrf0) =	vadd.scan.msk.s32 $0xffff, v23;
	_ =	sdelay $0x4  }
0x3a6: {  	s23 =	spop (v2sf)  }
0x3a7: {  	s23 =	sxor.u32 $0x80000000, s23;
	v23, _, _ =	vpop (xrf0)  }
0x3a8: {  	v23 =	vadd.s32 s23, v23  }
0x3a9: {  	vm0 =	vge.s32 v23, v20;
	v23 =	vxor.u32 $0x80000000, v23  }
0x3aa: {  	v24 =	vmpcnt.ones.xlane vm0;
	(xrf0) =	vmax.scan.msk.u32 $0xffff, v23;
	_ =	sdelay $0x1  }
0x3ab: {  	v22 =	vadd.s32 v24, v22;
	_ =	sdelay $0x2  }
.Ltmp16:
0x3ac: {  	(pc) =	sbr.rel @p0 .LBB2_34-.Ltmp16, $3  }
0x3ad: {  	v23, _, _ =	vpop (xrf0)  }
0x3ae: {  	(v2sf) =	vpush v23, $0xF;
	_ =	sdelay $0x1  }
0x3af: {  	s22 =	sadd.s32 $0xFFFFFFC0, s22  }
0x3b0: {  	v18 =	vxor.u32 $0x80000000, v18  }
0x3b1: {  	(xrf0) =	vmax.scan.msk.u32 $0xffff, v18;
	v18 =	vxor.u32 $0x80000000, v22  }
0x3b2: {  	(xrf0) =	vmax.scan.msk.u32 $0xffff, v18;
	_ =	sdelay $0x4  }
0x3b3: {  	(v2sf) =	vpush v10, $0x3;
	v18, _, _ =	vpop (xrf0)  }
0x3b4: {  	(v2sf) =	vpush v18, $0xF;
	v18, _, _ =	vpop (xrf0)  }
0x3b5: {  	(v2sf) =	vpush v18, $0xF;
	_ =	sdelay $0xb  }
0x3b6: {  	s21 =	spop (v2sf)  }
0x3b7: {  	s21 =	spop (v2sf)  }
0x3b8: {  	s22 =	spop (v2sf)  }
0x3b9: {  	s23 =	spop (v2sf)  }
0x3ba: {  	s20 =	sshll.u32 s20, $0x14;
	s23 =	sshll.u32 s23, $0x8  }
0x3bb: {  	s20 =	sadd.s32 $0x7FF00000, s20;
	s23 =	sadd.s32 $0xFFFFFF00, s23  }
0x3bc: {  	s20 =	sor.u32 s20, s23  }
0x3bd: {  	p0 =	slt.s32 s20, $0x0;
	s23 =	ssub.s32 $0x80000000, s20  }
0x3be: {  	s20 =	smov.u32 @p0 s23  }
0x3bf: {  	v18 =	vmov s20  }
0x3c0: {  	[tilespmem:v4+s13+$0x0] =	vst.idx.msk $0x1, v18  }
0x3c1: {  	v18 =	vld.idx.msk [tilespmem:v21+s11+$0x0], $0xffff;
	_ =	sdelay $0x4  }
0x3c2: {  	v18 =	vxor.u32 $0x80000000, v18  }
0x3c3: {  	(xrf0) =	vmax.scan.msk.u32 $0xffff, v18;
	_ =	sdelay $0x5  }
0x3c4: {  	v18, _, _ =	vpop (xrf0)  }
0x3c5: {  	(v2sf) =	vpush v18, $0xF;
	_ =	sdelay $0xe  }
0x3c6: {  	s24 =	spop (v2sf)  }
0x3c7: {  	s20 =	sshll.u32 s24, $0xE  }
0x3c8: {  	s20 =	sshra.s32 s20, $0x2  }
0x3c9: {  	s25 =	sadd.s32 $0xC070, s20  }
0x3ca: {  	v18 =	vld [tilespmem:s25+$0x0];
	_ =	sdelay $0x4  }
0x3cb: {  	v18 =	vperm.xlane v18, v2;
	_ =	sdelay $0x1  }
0x3cc: {  	(xrf0) =	vadd.scan.msk.s32 $0xffff, v18;
	_ =	sdelay $0x5  }
0x3cd: {  	s26 =	simm.s32 $0x0;
	v18, _, _ =	vpop (xrf0)  }
0x3ce: {  	v20 =	vadd.s32 s26, v18  }
0x3cf: {  	v18 =	vxor.u32 $0x80000000, v20  }
0x3d0: {  	(xrf0) =	vmax.scan.msk.u32 $0xffff, v18;
	_ =	sdelay $0x5  }
0x3d1: {  	v18, _, _ =	vpop (xrf0)  }
0x3d2: {  	(v2sf) =	vpush v18, $0xF;
	_ =	sdelay $0x2  }
0x3d3: {  	v18 =	vld [tilespmem:s25+$0xFFFFFFF0];
	_ =	sdelay $0x4  }
0x3d4: {  	v18 =	vperm.xlane v18, v2;
	_ =	sdelay $0x1  }
0x3d5: {  	(xrf0) =	vadd.scan.msk.s32 $0xffff, v18;
	_ =	sdelay $0x4  }
0x3d6: {  	s28 =	spop (v2sf)  }
0x3d7: {  	v18, _, _ =	vpop (xrf0);
	s20 =	sxor.u32 $0x80000000, s28  }
0x3d8: {  	v21 =	vadd.s32 s20, v18  }
0x3d9: {  	v18 =	vxor.u32 $0x80000000, v21  }
0x3da: {  	(xrf0) =	vmax.scan.msk.u32 $0xffff, v18;
	_ =	sdelay $0x5  }
0x3db: {  	v18, _, _ =	vpop (xrf0)  }
0x3dc: {  	(v2sf) =	vpush v18, $0xF;
	_ =	sdelay $0x2  }
0x3dd: {  	v18 =	vld [tilespmem:s25+$0xFFFFFFE0];
	_ =	sdelay $0x4  }
0x3de: {  	v18 =	vperm.xlane v18, v2;
	_ =	sdelay $0x1  }
0x3df: {  	(xrf0) =	vadd.scan.msk.s32 $0xffff, v18;
	_ =	sdelay $0x4  }
0x3e0: {  	s29 =	spop (v2sf)  }
0x3e1: {  	v18, _, _ =	vpop (xrf0);
	s20 =	sxor.u32 $0x80000000, s29  }
0x3e2: {  	v22 =	vadd.s32 s20, v18  }
0x3e3: {  	v18 =	vxor.u32 $0x80000000, v22  }
0x3e4: {  	(xrf0) =	vmax.scan.msk.u32 $0xffff, v18;
	_ =	sdelay $0x5  }
0x3e5: {  	v18, _, _ =	vpop (xrf0)  }
0x3e6: {  	(v2sf) =	vpush v18, $0xF;
	_ =	sdelay $0x2  }
0x3e7: {  	v18 =	vld [tilespmem:s25+$0xFFFFFFD0];
	_ =	sdelay $0x4  }
0x3e8: {  	v18 =	vperm.xlane v18, v2;
	_ =	sdelay $0x1  }
0x3e9: {  	(xrf0) =	vadd.scan.msk.s32 $0xffff, v18;
	_ =	sdelay $0x4  }
0x3ea: {  	s30 =	spop (v2sf)  }
0x3eb: {  	v18, _, _ =	vpop (xrf0);
	s20 =	sxor.u32 $0x80000000, s30  }
0x3ec: {  	s31 =	sxor.u32 $0x80000000, s22;
	v23 =	vadd.s32 s20, v18  }
0x3ed: {  	s20 =	ssub.s32 s21, s31;
	v18 =	vxor.u32 $0x80000000, v23  }
0x3ee: {  	(xrf0) =	vmax.scan.msk.u32 $0xffff, v18;
	v18 =	vmov s20  }
0x3ef: {  	vm0 =	vge.s32 v20, v18  }
0x3f0: {  	v20 =	vmpcnt.ones.xlane vm0  }
0x3f1: {  	vm14 =	vge.s32 v22, v18;
	v22 =	vimm.s32 $0x0  }
0x3f2: {  	vm13 =	vge.s32 v21, v18;
	v20 =	vadd.s32 v22, v20;
	v22 =	vmpcnt.ones.xlane vm14  }
0x3f3: {  	v21 =	vmpcnt.ones.xlane vm13;
	_ =	sdelay $0x1  }
0x3f4: {  	v20 =	vadd.s32 v21, v20  }
0x3f5: {  	vm15 =	vge.s32 v23, v18;
	v20 =	vadd.s32 v22, v20;
	v22, _, _ =	vpop (xrf0)  }
0x3f6: {  	v21 =	vmpcnt.ones.xlane vm15;
	(v2sf) =	vpush v22, $0xF;
	_ =	sdelay $0x1  }
0x3f7: {  	s21 =	sadd.s32 $0xFFFFFFC0, s25;
	s20 =	simm.s32 $0x0;
	v20 =	vadd.s32 v21, v20  }
.LBB2_36:
0x3f8: {  	v21 =	vld [tilespmem:s21+$0x0];
	s20 =	sadd.s32 $0x4, s20  }
0x3f9: {  	p0 =	slt.u32 s20, $0xFC;
	_ =	sdelay $0x3  }
0x3fa: {  	v21 =	vperm.xlane v21, v2;
	_ =	sdelay $0x1  }
0x3fb: {  	(xrf0) =	vadd.scan.msk.s32 $0xffff, v21;
	_ =	sdelay $0x4  }
0x3fc: {  	s22 =	spop (v2sf)  }
0x3fd: {  	v21, _, _ =	vpop (xrf0);
	s22 =	sxor.u32 $0x80000000, s22  }
0x3fe: {  	v21 =	vadd.s32 s22, v21  }
0x3ff: {  	vm0 =	vge.s32 v21, v18;
	v21 =	vxor.u32 $0x80000000, v21  }
0x400: {  	v22 =	vmpcnt.ones.xlane vm0;
	(xrf0) =	vmax.scan.msk.u32 $0xffff, v21;
	_ =	sdelay $0x1  }
0x401: {  	v20 =	vadd.s32 v20, v22;
	_ =	sdelay $0x3  }
0x402: {  	v21, _, _ =	vpop (xrf0)  }
0x403: {  	(v2sf) =	vpush v21, $0xF;
	_ =	sdelay $0x2  }
0x404: {  	v21 =	vld [tilespmem:s21+$0xFFFFFFF0];
	_ =	sdelay $0x4  }
0x405: {  	v21 =	vperm.xlane v21, v2;
	_ =	sdelay $0x1  }
0x406: {  	(xrf0) =	vadd.scan.msk.s32 $0xffff, v21;
	_ =	sdelay $0x4  }
0x407: {  	s22 =	spop (v2sf)  }
0x408: {  	s22 =	sxor.u32 $0x80000000, s22;
	v21, _, _ =	vpop (xrf0)  }
0x409: {  	v21 =	vadd.s32 s22, v21  }
0x40a: {  	vm0 =	vge.s32 v21, v18;
	v21 =	vxor.u32 $0x80000000, v21  }
0x40b: {  	v22 =	vmpcnt.ones.xlane vm0;
	(xrf0) =	vmax.scan.msk.u32 $0xffff, v21;
	_ =	sdelay $0x1  }
0x40c: {  	v20 =	vadd.s32 v22, v20;
	_ =	sdelay $0x3  }
0x40d: {  	v21, _, _ =	vpop (xrf0)  }
0x40e: {  	(v2sf) =	vpush v21, $0xF;
	_ =	sdelay $0x2  }
0x40f: {  	v21 =	vld [tilespmem:s21+$0xFFFFFFE0];
	_ =	sdelay $0x4  }
0x410: {  	v21 =	vperm.xlane v21, v2;
	_ =	sdelay $0x1  }
0x411: {  	(xrf0) =	vadd.scan.msk.s32 $0xffff, v21;
	_ =	sdelay $0x4  }
0x412: {  	s22 =	spop (v2sf)  }
0x413: {  	s22 =	sxor.u32 $0x80000000, s22;
	v21, _, _ =	vpop (xrf0)  }
0x414: {  	v21 =	vadd.s32 s22, v21  }
0x415: {  	vm0 =	vge.s32 v21, v18;
	v21 =	vxor.u32 $0x80000000, v21  }
0x416: {  	v22 =	vmpcnt.ones.xlane vm0;
	(xrf0) =	vmax.scan.msk.u32 $0xffff, v21;
	_ =	sdelay $0x1  }
0x417: {  	v20 =	vadd.s32 v22, v20;
	_ =	sdelay $0x3  }
0x418: {  	v21, _, _ =	vpop (xrf0)  }
0x419: {  	(v2sf) =	vpush v21, $0xF;
	_ =	sdelay $0x2  }
0x41a: {  	v21 =	vld [tilespmem:s21+$0xFFFFFFD0];
	_ =	sdelay $0x4  }
0x41b: {  	v21 =	vperm.xlane v21, v2;
	_ =	sdelay $0x1  }
0x41c: {  	(xrf0) =	vadd.scan.msk.s32 $0xffff, v21;
	_ =	sdelay $0x4  }
0x41d: {  	s22 =	spop (v2sf)  }
0x41e: {  	s22 =	sxor.u32 $0x80000000, s22;
	v21, _, _ =	vpop (xrf0)  }
0x41f: {  	v21 =	vadd.s32 s22, v21  }
0x420: {  	vm0 =	vge.s32 v21, v18;
	v21 =	vxor.u32 $0x80000000, v21  }
0x421: {  	v22 =	vmpcnt.ones.xlane vm0;
	(xrf0) =	vmax.scan.msk.u32 $0xffff, v21;
	_ =	sdelay $0x1  }
0x422: {  	v20 =	vadd.s32 v22, v20;
	_ =	sdelay $0x2  }
.Ltmp17:
0x423: {  	(pc) =	sbr.rel @p0 .LBB2_36-.Ltmp17, $3  }
0x424: {  	v21, _, _ =	vpop (xrf0)  }
0x425: {  	(v2sf) =	vpush v21, $0xF;
	_ =	sdelay $0x1  }
0x426: {  	s21 =	sadd.s32 $0xFFFFFFC0, s21  }
0x427: {  	v17 =	vxor.u32 $0x80000000, v17  }
0x428: {  	(xrf0) =	vmax.scan.msk.u32 $0xffff, v17;
	v17 =	vxor.u32 $0x80000000, v20  }
0x429: {  	(xrf0) =	vmax.scan.msk.u32 $0xffff, v17;
	_ =	sdelay $0x4  }
0x42a: {  	(v2sf) =	vpush v10, $0x4;
	v17, _, _ =	vpop (xrf0)  }
0x42b: {  	(v2sf) =	vpush v17, $0xF;
	v17, _, _ =	vpop (xrf0)  }
0x42c: {  	(v2sf) =	vpush v17, $0xF;
	_ =	sdelay $0xb  }
0x42d: {  	s20 =	spop (v2sf)  }
0x42e: {  	s20 =	spop (v2sf)  }
0x42f: {  	s21 =	spop (v2sf)  }
0x430: {  	s22 =	spop (v2sf)  }
0x431: {  	s19 =	sshll.u32 s19, $0x14;
	s22 =	sshll.u32 s22, $0x8  }
0x432: {  	s19 =	sadd.s32 $0x7FF00000, s19;
	s22 =	sadd.s32 $0xFFFFFF00, s22  }
0x433: {  	s19 =	sor.u32 s19, s22  }
0x434: {  	p0 =	slt.s32 s19, $0x0;
	s22 =	ssub.s32 $0x80000000, s19  }
0x435: {  	s19 =	smov.u32 @p0 s22  }
0x436: {  	v17 =	vmov s19  }
0x437: {  	[tilespmem:v5+s13+$0x0] =	vst.idx.msk $0x1, v17  }
0x438: {  	v17 =	vld.idx.msk [tilespmem:v19+s11+$0x0], $0xffff;
	_ =	sdelay $0x4  }
0x439: {  	v17 =	vxor.u32 $0x80000000, v17  }
0x43a: {  	(xrf0) =	vmax.scan.msk.u32 $0xffff, v17;
	_ =	sdelay $0x5  }
0x43b: {  	v17, _, _ =	vpop (xrf0)  }
0x43c: {  	(v2sf) =	vpush v17, $0xF;
	_ =	sdelay $0xe  }
0x43d: {  	s24 =	spop (v2sf)  }
0x43e: {  	s19 =	sshll.u32 s24, $0xE  }
0x43f: {  	s19 =	sshra.s32 s19, $0x2  }
0x440: {  	s25 =	sadd.s32 $0xC070, s19  }
0x441: {  	v17 =	vld [tilespmem:s25+$0x0];
	_ =	sdelay $0x4  }
0x442: {  	v17 =	vperm.xlane v17, v2;
	_ =	sdelay $0x1  }
0x443: {  	(xrf0) =	vadd.scan.msk.s32 $0xffff, v17;
	_ =	sdelay $0x5  }
0x444: {  	s26 =	simm.s32 $0x0;
	v17, _, _ =	vpop (xrf0)  }
0x445: {  	v18 =	vadd.s32 s26, v17  }
0x446: {  	v17 =	vxor.u32 $0x80000000, v18  }
0x447: {  	(xrf0) =	vmax.scan.msk.u32 $0xffff, v17;
	_ =	sdelay $0x5  }
0x448: {  	v17, _, _ =	vpop (xrf0)  }
0x449: {  	(v2sf) =	vpush v17, $0xF;
	_ =	sdelay $0x2  }
0x44a: {  	v17 =	vld [tilespmem:s25+$0xFFFFFFF0];
	_ =	sdelay $0x4  }
0x44b: {  	v17 =	vperm.xlane v17, v2;
	_ =	sdelay $0x1  }
0x44c: {  	(xrf0) =	vadd.scan.msk.s32 $0xffff, v17;
	_ =	sdelay $0x4  }
0x44d: {  	s28 =	spop (v2sf)  }
0x44e: {  	v17, _, _ =	vpop (xrf0);
	s19 =	sxor.u32 $0x80000000, s28  }
0x44f: {  	v19 =	vadd.s32 s19, v17  }
0x450: {  	v17 =	vxor.u32 $0x80000000, v19  }
0x451: {  	(xrf0) =	vmax.scan.msk.u32 $0xffff, v17;
	_ =	sdelay $0x5  }
0x452: {  	v17, _, _ =	vpop (xrf0)  }
0x453: {  	(v2sf) =	vpush v17, $0xF;
	_ =	sdelay $0x2  }
0x454: {  	v17 =	vld [tilespmem:s25+$0xFFFFFFE0];
	_ =	sdelay $0x4  }
0x455: {  	v17 =	vperm.xlane v17, v2;
	_ =	sdelay $0x1  }
0x456: {  	(xrf0) =	vadd.scan.msk.s32 $0xffff, v17;
	_ =	sdelay $0x4  }
0x457: {  	s29 =	spop (v2sf)  }
0x458: {  	v17, _, _ =	vpop (xrf0);
	s19 =	sxor.u32 $0x80000000, s29  }
0x459: {  	v20 =	vadd.s32 s19, v17  }
0x45a: {  	v17 =	vxor.u32 $0x80000000, v20  }
0x45b: {  	(xrf0) =	vmax.scan.msk.u32 $0xffff, v17;
	_ =	sdelay $0x5  }
0x45c: {  	v17, _, _ =	vpop (xrf0)  }
0x45d: {  	(v2sf) =	vpush v17, $0xF;
	_ =	sdelay $0x2  }
0x45e: {  	v17 =	vld [tilespmem:s25+$0xFFFFFFD0];
	_ =	sdelay $0x4  }
0x45f: {  	v17 =	vperm.xlane v17, v2;
	_ =	sdelay $0x1  }
0x460: {  	(xrf0) =	vadd.scan.msk.s32 $0xffff, v17;
	_ =	sdelay $0x4  }
0x461: {  	s30 =	spop (v2sf)  }
0x462: {  	v17, _, _ =	vpop (xrf0);
	s19 =	sxor.u32 $0x80000000, s30  }
0x463: {  	s31 =	sxor.u32 $0x80000000, s21;
	v21 =	vadd.s32 s19, v17  }
0x464: {  	s19 =	ssub.s32 s20, s31;
	v17 =	vxor.u32 $0x80000000, v21  }
0x465: {  	(xrf0) =	vmax.scan.msk.u32 $0xffff, v17;
	v17 =	vmov s19  }
0x466: {  	vm0 =	vge.s32 v18, v17  }
0x467: {  	v18 =	vmpcnt.ones.xlane vm0  }
0x468: {  	vm14 =	vge.s32 v20, v17;
	v20 =	vimm.s32 $0x0  }
0x469: {  	vm13 =	vge.s32 v19, v17;
	v18 =	vadd.s32 v20, v18;
	v20 =	vmpcnt.ones.xlane vm14  }
0x46a: {  	v19 =	vmpcnt.ones.xlane vm13;
	_ =	sdelay $0x1  }
0x46b: {  	v18 =	vadd.s32 v19, v18  }
0x46c: {  	vm15 =	vge.s32 v21, v17;
	v18 =	vadd.s32 v20, v18;
	v20, _, _ =	vpop (xrf0)  }
0x46d: {  	v19 =	vmpcnt.ones.xlane vm15;
	(v2sf) =	vpush v20, $0xF;
	_ =	sdelay $0x1  }
0x46e: {  	s20 =	sadd.s32 $0xFFFFFFC0, s25;
	s19 =	simm.s32 $0x0;
	v18 =	vadd.s32 v19, v18  }
.LBB2_38:
0x46f: {  	v19 =	vld [tilespmem:s20+$0x0];
	s19 =	sadd.s32 $0x4, s19  }
0x470: {  	p0 =	slt.u32 s19, $0xFC;
	_ =	sdelay $0x3  }
0x471: {  	v19 =	vperm.xlane v19, v2;
	_ =	sdelay $0x1  }
0x472: {  	(xrf0) =	vadd.scan.msk.s32 $0xffff, v19;
	_ =	sdelay $0x4  }
0x473: {  	s21 =	spop (v2sf)  }
0x474: {  	v19, _, _ =	vpop (xrf0);
	s21 =	sxor.u32 $0x80000000, s21  }
0x475: {  	v19 =	vadd.s32 s21, v19  }
0x476: {  	vm0 =	vge.s32 v19, v17;
	v19 =	vxor.u32 $0x80000000, v19  }
0x477: {  	v20 =	vmpcnt.ones.xlane vm0;
	(xrf0) =	vmax.scan.msk.u32 $0xffff, v19;
	_ =	sdelay $0x1  }
0x478: {  	v18 =	vadd.s32 v18, v20;
	_ =	sdelay $0x3  }
0x479: {  	v19, _, _ =	vpop (xrf0)  }
0x47a: {  	(v2sf) =	vpush v19, $0xF;
	_ =	sdelay $0x2  }
0x47b: {  	v19 =	vld [tilespmem:s20+$0xFFFFFFF0];
	_ =	sdelay $0x4  }
0x47c: {  	v19 =	vperm.xlane v19, v2;
	_ =	sdelay $0x1  }
0x47d: {  	(xrf0) =	vadd.scan.msk.s32 $0xffff, v19;
	_ =	sdelay $0x4  }
0x47e: {  	s21 =	spop (v2sf)  }
0x47f: {  	s21 =	sxor.u32 $0x80000000, s21;
	v19, _, _ =	vpop (xrf0)  }
0x480: {  	v19 =	vadd.s32 s21, v19  }
0x481: {  	vm0 =	vge.s32 v19, v17;
	v19 =	vxor.u32 $0x80000000, v19  }
0x482: {  	v20 =	vmpcnt.ones.xlane vm0;
	(xrf0) =	vmax.scan.msk.u32 $0xffff, v19;
	_ =	sdelay $0x1  }
0x483: {  	v18 =	vadd.s32 v20, v18;
	_ =	sdelay $0x3  }
0x484: {  	v19, _, _ =	vpop (xrf0)  }
0x485: {  	(v2sf) =	vpush v19, $0xF;
	_ =	sdelay $0x2  }
0x486: {  	v19 =	vld [tilespmem:s20+$0xFFFFFFE0];
	_ =	sdelay $0x4  }
0x487: {  	v19 =	vperm.xlane v19, v2;
	_ =	sdelay $0x1  }
0x488: {  	(xrf0) =	vadd.scan.msk.s32 $0xffff, v19;
	_ =	sdelay $0x4  }
0x489: {  	s21 =	spop (v2sf)  }
0x48a: {  	s21 =	sxor.u32 $0x80000000, s21;
	v19, _, _ =	vpop (xrf0)  }
0x48b: {  	v19 =	vadd.s32 s21, v19  }
0x48c: {  	vm0 =	vge.s32 v19, v17;
	v19 =	vxor.u32 $0x80000000, v19  }
0x48d: {  	v20 =	vmpcnt.ones.xlane vm0;
	(xrf0) =	vmax.scan.msk.u32 $0xffff, v19;
	_ =	sdelay $0x1  }
0x48e: {  	v18 =	vadd.s32 v20, v18;
	_ =	sdelay $0x3  }
0x48f: {  	v19, _, _ =	vpop (xrf0)  }
0x490: {  	(v2sf) =	vpush v19, $0xF;
	_ =	sdelay $0x2  }
0x491: {  	v19 =	vld [tilespmem:s20+$0xFFFFFFD0];
	_ =	sdelay $0x4  }
0x492: {  	v19 =	vperm.xlane v19, v2;
	_ =	sdelay $0x1  }
0x493: {  	(xrf0) =	vadd.scan.msk.s32 $0xffff, v19;
	_ =	sdelay $0x4  }
0x494: {  	s21 =	spop (v2sf)  }
0x495: {  	s21 =	sxor.u32 $0x80000000, s21;
	v19, _, _ =	vpop (xrf0)  }
0x496: {  	v19 =	vadd.s32 s21, v19  }
0x497: {  	vm0 =	vge.s32 v19, v17;
	v19 =	vxor.u32 $0x80000000, v19  }
0x498: {  	v20 =	vmpcnt.ones.xlane vm0;
	(xrf0) =	vmax.scan.msk.u32 $0xffff, v19;
	_ =	sdelay $0x1  }
0x499: {  	v18 =	vadd.s32 v20, v18;
	_ =	sdelay $0x2  }
.Ltmp18:
0x49a: {  	(pc) =	sbr.rel @p0 .LBB2_38-.Ltmp18, $3  }
0x49b: {  	v19, _, _ =	vpop (xrf0)  }
0x49c: {  	(v2sf) =	vpush v19, $0xF;
	_ =	sdelay $0x1  }
0x49d: {  	s20 =	sadd.s32 $0xFFFFFFC0, s20  }
0x49e: {  	v15 =	vxor.u32 $0x80000000, v15  }
0x49f: {  	(xrf0) =	vmax.scan.msk.u32 $0xffff, v15;
	v15 =	vxor.u32 $0x80000000, v18  }
0x4a0: {  	(xrf0) =	vmax.scan.msk.u32 $0xffff, v15;
	_ =	sdelay $0x4  }
0x4a1: {  	(v2sf) =	vpush v10, $0x5;
	v15, _, _ =	vpop (xrf0)  }
0x4a2: {  	(v2sf) =	vpush v15, $0xF;
	v15, _, _ =	vpop (xrf0)  }
0x4a3: {  	(v2sf) =	vpush v15, $0xF;
	_ =	sdelay $0xb  }
0x4a4: {  	s19 =	spop (v2sf)  }
0x4a5: {  	s19 =	spop (v2sf)  }
0x4a6: {  	s20 =	spop (v2sf)  }
0x4a7: {  	s21 =	spop (v2sf)  }
0x4a8: {  	s18 =	sshll.u32 s18, $0x14;
	s21 =	sshll.u32 s21, $0x8  }
0x4a9: {  	s18 =	sadd.s32 $0x7FF00000, s18;
	s21 =	sadd.s32 $0xFFFFFF00, s21  }
0x4aa: {  	s18 =	sor.u32 s18, s21  }
0x4ab: {  	p0 =	slt.s32 s18, $0x0;
	s21 =	ssub.s32 $0x80000000, s18  }
0x4ac: {  	s18 =	smov.u32 @p0 s21  }
0x4ad: {  	v15 =	vmov s18  }
0x4ae: {  	[tilespmem:v6+s13+$0x0] =	vst.idx.msk $0x1, v15  }
0x4af: {  	v15 =	vld.idx.msk [tilespmem:v16+s11+$0x0], $0xffff;
	_ =	sdelay $0x4  }
0x4b0: {  	v15 =	vxor.u32 $0x80000000, v15  }
0x4b1: {  	(xrf0) =	vmax.scan.msk.u32 $0xffff, v15;
	_ =	sdelay $0x5  }
0x4b2: {  	v15, _, _ =	vpop (xrf0)  }
0x4b3: {  	(v2sf) =	vpush v15, $0xF;
	_ =	sdelay $0xe  }
0x4b4: {  	s24 =	spop (v2sf)  }
0x4b5: {  	s18 =	sshll.u32 s24, $0xE  }
0x4b6: {  	s18 =	sshra.s32 s18, $0x2  }
0x4b7: {  	s25 =	sadd.s32 $0xC070, s18  }
0x4b8: {  	v15 =	vld [tilespmem:s25+$0x0];
	_ =	sdelay $0x4  }
0x4b9: {  	v15 =	vperm.xlane v15, v2;
	_ =	sdelay $0x1  }
0x4ba: {  	(xrf0) =	vadd.scan.msk.s32 $0xffff, v15;
	_ =	sdelay $0x5  }
0x4bb: {  	s26 =	simm.s32 $0x0;
	v15, _, _ =	vpop (xrf0)  }
0x4bc: {  	v16 =	vadd.s32 s26, v15  }
0x4bd: {  	v15 =	vxor.u32 $0x80000000, v16  }
0x4be: {  	(xrf0) =	vmax.scan.msk.u32 $0xffff, v15;
	_ =	sdelay $0x5  }
0x4bf: {  	v15, _, _ =	vpop (xrf0)  }
0x4c0: {  	(v2sf) =	vpush v15, $0xF;
	_ =	sdelay $0x2  }
0x4c1: {  	v15 =	vld [tilespmem:s25+$0xFFFFFFF0];
	_ =	sdelay $0x4  }
0x4c2: {  	v15 =	vperm.xlane v15, v2;
	_ =	sdelay $0x1  }
0x4c3: {  	(xrf0) =	vadd.scan.msk.s32 $0xffff, v15;
	_ =	sdelay $0x4  }
0x4c4: {  	s28 =	spop (v2sf)  }
0x4c5: {  	v15, _, _ =	vpop (xrf0);
	s18 =	sxor.u32 $0x80000000, s28  }
0x4c6: {  	v17 =	vadd.s32 s18, v15  }
0x4c7: {  	v15 =	vxor.u32 $0x80000000, v17  }
0x4c8: {  	(xrf0) =	vmax.scan.msk.u32 $0xffff, v15;
	_ =	sdelay $0x5  }
0x4c9: {  	v15, _, _ =	vpop (xrf0)  }
0x4ca: {  	(v2sf) =	vpush v15, $0xF;
	_ =	sdelay $0x2  }
0x4cb: {  	v15 =	vld [tilespmem:s25+$0xFFFFFFE0];
	_ =	sdelay $0x4  }
0x4cc: {  	v15 =	vperm.xlane v15, v2;
	_ =	sdelay $0x1  }
0x4cd: {  	(xrf0) =	vadd.scan.msk.s32 $0xffff, v15;
	_ =	sdelay $0x4  }
0x4ce: {  	s29 =	spop (v2sf)  }
0x4cf: {  	v15, _, _ =	vpop (xrf0);
	s18 =	sxor.u32 $0x80000000, s29  }
0x4d0: {  	v18 =	vadd.s32 s18, v15  }
0x4d1: {  	v15 =	vxor.u32 $0x80000000, v18  }
0x4d2: {  	(xrf0) =	vmax.scan.msk.u32 $0xffff, v15;
	_ =	sdelay $0x5  }
0x4d3: {  	v15, _, _ =	vpop (xrf0)  }
0x4d4: {  	(v2sf) =	vpush v15, $0xF;
	_ =	sdelay $0x2  }
0x4d5: {  	v15 =	vld [tilespmem:s25+$0xFFFFFFD0];
	_ =	sdelay $0x4  }
0x4d6: {  	v15 =	vperm.xlane v15, v2;
	_ =	sdelay $0x1  }
0x4d7: {  	(xrf0) =	vadd.scan.msk.s32 $0xffff, v15;
	_ =	sdelay $0x4  }
0x4d8: {  	s30 =	spop (v2sf)  }
0x4d9: {  	v15, _, _ =	vpop (xrf0);
	s18 =	sxor.u32 $0x80000000, s30  }
0x4da: {  	s31 =	sxor.u32 $0x80000000, s20;
	v19 =	vadd.s32 s18, v15  }
0x4db: {  	s18 =	ssub.s32 s19, s31;
	v15 =	vxor.u32 $0x80000000, v19  }
0x4dc: {  	(xrf0) =	vmax.scan.msk.u32 $0xffff, v15;
	v15 =	vmov s18  }
0x4dd: {  	vm0 =	vge.s32 v16, v15  }
0x4de: {  	v16 =	vmpcnt.ones.xlane vm0  }
0x4df: {  	vm14 =	vge.s32 v18, v15;
	v18 =	vimm.s32 $0x0  }
0x4e0: {  	vm13 =	vge.s32 v17, v15;
	v16 =	vadd.s32 v18, v16;
	v18 =	vmpcnt.ones.xlane vm14  }
0x4e1: {  	v17 =	vmpcnt.ones.xlane vm13;
	_ =	sdelay $0x1  }
0x4e2: {  	v16 =	vadd.s32 v17, v16  }
0x4e3: {  	vm15 =	vge.s32 v19, v15;
	v16 =	vadd.s32 v18, v16;
	v18, _, _ =	vpop (xrf0)  }
0x4e4: {  	v17 =	vmpcnt.ones.xlane vm15;
	(v2sf) =	vpush v18, $0xF;
	_ =	sdelay $0x1  }
0x4e5: {  	s19 =	sadd.s32 $0xFFFFFFC0, s25;
	s18 =	simm.s32 $0x0;
	v16 =	vadd.s32 v17, v16  }
.LBB2_40:
0x4e6: {  	v17 =	vld [tilespmem:s19+$0x0];
	s18 =	sadd.s32 $0x4, s18  }
0x4e7: {  	p0 =	slt.u32 s18, $0xFC;
	_ =	sdelay $0x3  }
0x4e8: {  	v17 =	vperm.xlane v17, v2;
	_ =	sdelay $0x1  }
0x4e9: {  	(xrf0) =	vadd.scan.msk.s32 $0xffff, v17;
	_ =	sdelay $0x4  }
0x4ea: {  	s20 =	spop (v2sf)  }
0x4eb: {  	v17, _, _ =	vpop (xrf0);
	s20 =	sxor.u32 $0x80000000, s20  }
0x4ec: {  	v17 =	vadd.s32 s20, v17  }
0x4ed: {  	vm0 =	vge.s32 v17, v15;
	v17 =	vxor.u32 $0x80000000, v17  }
0x4ee: {  	v18 =	vmpcnt.ones.xlane vm0;
	(xrf0) =	vmax.scan.msk.u32 $0xffff, v17;
	_ =	sdelay $0x1  }
0x4ef: {  	v16 =	vadd.s32 v16, v18;
	_ =	sdelay $0x3  }
0x4f0: {  	v17, _, _ =	vpop (xrf0)  }
0x4f1: {  	(v2sf) =	vpush v17, $0xF;
	_ =	sdelay $0x2  }
0x4f2: {  	v17 =	vld [tilespmem:s19+$0xFFFFFFF0];
	_ =	sdelay $0x4  }
0x4f3: {  	v17 =	vperm.xlane v17, v2;
	_ =	sdelay $0x1  }
0x4f4: {  	(xrf0) =	vadd.scan.msk.s32 $0xffff, v17;
	_ =	sdelay $0x4  }
0x4f5: {  	s20 =	spop (v2sf)  }
0x4f6: {  	s20 =	sxor.u32 $0x80000000, s20;
	v17, _, _ =	vpop (xrf0)  }
0x4f7: {  	v17 =	vadd.s32 s20, v17  }
0x4f8: {  	vm0 =	vge.s32 v17, v15;
	v17 =	vxor.u32 $0x80000000, v17  }
0x4f9: {  	v18 =	vmpcnt.ones.xlane vm0;
	(xrf0) =	vmax.scan.msk.u32 $0xffff, v17;
	_ =	sdelay $0x1  }
0x4fa: {  	v16 =	vadd.s32 v18, v16;
	_ =	sdelay $0x3  }
0x4fb: {  	v17, _, _ =	vpop (xrf0)  }
0x4fc: {  	(v2sf) =	vpush v17, $0xF;
	_ =	sdelay $0x2  }
0x4fd: {  	v17 =	vld [tilespmem:s19+$0xFFFFFFE0];
	_ =	sdelay $0x4  }
0x4fe: {  	v17 =	vperm.xlane v17, v2;
	_ =	sdelay $0x1  }
0x4ff: {  	(xrf0) =	vadd.scan.msk.s32 $0xffff, v17;
	_ =	sdelay $0x4  }
0x500: {  	s20 =	spop (v2sf)  }
0x501: {  	s20 =	sxor.u32 $0x80000000, s20;
	v17, _, _ =	vpop (xrf0)  }
0x502: {  	v17 =	vadd.s32 s20, v17  }
0x503: {  	vm0 =	vge.s32 v17, v15;
	v17 =	vxor.u32 $0x80000000, v17  }
0x504: {  	v18 =	vmpcnt.ones.xlane vm0;
	(xrf0) =	vmax.scan.msk.u32 $0xffff, v17;
	_ =	sdelay $0x1  }
0x505: {  	v16 =	vadd.s32 v18, v16;
	_ =	sdelay $0x3  }
0x506: {  	v17, _, _ =	vpop (xrf0)  }
0x507: {  	(v2sf) =	vpush v17, $0xF;
	_ =	sdelay $0x2  }
0x508: {  	v17 =	vld [tilespmem:s19+$0xFFFFFFD0];
	_ =	sdelay $0x4  }
0x509: {  	v17 =	vperm.xlane v17, v2;
	_ =	sdelay $0x1  }
0x50a: {  	(xrf0) =	vadd.scan.msk.s32 $0xffff, v17;
	_ =	sdelay $0x4  }
0x50b: {  	s20 =	spop (v2sf)  }
0x50c: {  	s20 =	sxor.u32 $0x80000000, s20;
	v17, _, _ =	vpop (xrf0)  }
0x50d: {  	v17 =	vadd.s32 s20, v17  }
0x50e: {  	vm0 =	vge.s32 v17, v15;
	v17 =	vxor.u32 $0x80000000, v17  }
0x50f: {  	v18 =	vmpcnt.ones.xlane vm0;
	(xrf0) =	vmax.scan.msk.u32 $0xffff, v17;
	_ =	sdelay $0x1  }
0x510: {  	v16 =	vadd.s32 v18, v16;
	_ =	sdelay $0x2  }
.Ltmp19:
0x511: {  	(pc) =	sbr.rel @p0 .LBB2_40-.Ltmp19, $3  }
0x512: {  	v17, _, _ =	vpop (xrf0)  }
0x513: {  	(v2sf) =	vpush v17, $0xF;
	_ =	sdelay $0x1  }
0x514: {  	s19 =	sadd.s32 $0xFFFFFFC0, s19  }
0x515: {  	v13 =	vxor.u32 $0x80000000, v13  }
0x516: {  	(xrf0) =	vmax.scan.msk.u32 $0xffff, v13;
	v13 =	vxor.u32 $0x80000000, v16  }
0x517: {  	(xrf0) =	vmax.scan.msk.u32 $0xffff, v13;
	_ =	sdelay $0x4  }
0x518: {  	(v2sf) =	vpush v10, $0x6;
	v13, _, _ =	vpop (xrf0)  }
0x519: {  	(v2sf) =	vpush v13, $0xF;
	v13, _, _ =	vpop (xrf0)  }
0x51a: {  	(v2sf) =	vpush v13, $0xF;
	_ =	sdelay $0xb  }
0x51b: {  	s18 =	spop (v2sf)  }
0x51c: {  	s18 =	spop (v2sf)  }
0x51d: {  	s19 =	spop (v2sf)  }
0x51e: {  	s20 =	spop (v2sf)  }
0x51f: {  	s17 =	sshll.u32 s17, $0x14;
	s20 =	sshll.u32 s20, $0x8  }
0x520: {  	s17 =	sadd.s32 $0x7FF00000, s17;
	s20 =	sadd.s32 $0xFFFFFF00, s20  }
0x521: {  	s17 =	sor.u32 s17, s20  }
0x522: {  	p0 =	slt.s32 s17, $0x0;
	s20 =	ssub.s32 $0x80000000, s17  }
0x523: {  	s17 =	smov.u32 @p0 s20  }
0x524: {  	v13 =	vmov s17  }
0x525: {  	[tilespmem:v7+s13+$0x0] =	vst.idx.msk $0x1, v13  }
0x526: {  	v13 =	vld.idx.msk [tilespmem:v14+s11+$0x0], $0xffff;
	_ =	sdelay $0x4  }
0x527: {  	v13 =	vxor.u32 $0x80000000, v13  }
0x528: {  	(xrf0) =	vmax.scan.msk.u32 $0xffff, v13;
	_ =	sdelay $0x5  }
0x529: {  	v13, _, _ =	vpop (xrf0)  }
0x52a: {  	(v2sf) =	vpush v13, $0xF;
	_ =	sdelay $0xe  }
0x52b: {  	s24 =	spop (v2sf)  }
0x52c: {  	s17 =	sshll.u32 s24, $0xE  }
0x52d: {  	s17 =	sshra.s32 s17, $0x2  }
0x52e: {  	s25 =	sadd.s32 $0xC070, s17  }
0x52f: {  	v13 =	vld [tilespmem:s25+$0x0];
	_ =	sdelay $0x4  }
0x530: {  	v13 =	vperm.xlane v13, v2;
	_ =	sdelay $0x1  }
0x531: {  	(xrf0) =	vadd.scan.msk.s32 $0xffff, v13;
	_ =	sdelay $0x5  }
0x532: {  	s26 =	simm.s32 $0x0;
	v13, _, _ =	vpop (xrf0)  }
0x533: {  	v14 =	vadd.s32 s26, v13  }
0x534: {  	v13 =	vxor.u32 $0x80000000, v14  }
0x535: {  	(xrf0) =	vmax.scan.msk.u32 $0xffff, v13;
	_ =	sdelay $0x5  }
0x536: {  	v13, _, _ =	vpop (xrf0)  }
0x537: {  	(v2sf) =	vpush v13, $0xF;
	_ =	sdelay $0x2  }
0x538: {  	v13 =	vld [tilespmem:s25+$0xFFFFFFF0];
	_ =	sdelay $0x4  }
0x539: {  	v13 =	vperm.xlane v13, v2;
	_ =	sdelay $0x1  }
0x53a: {  	(xrf0) =	vadd.scan.msk.s32 $0xffff, v13;
	_ =	sdelay $0x4  }
0x53b: {  	s28 =	spop (v2sf)  }
0x53c: {  	v13, _, _ =	vpop (xrf0);
	s17 =	sxor.u32 $0x80000000, s28  }
0x53d: {  	v15 =	vadd.s32 s17, v13  }
0x53e: {  	v13 =	vxor.u32 $0x80000000, v15  }
0x53f: {  	(xrf0) =	vmax.scan.msk.u32 $0xffff, v13;
	_ =	sdelay $0x5  }
0x540: {  	v13, _, _ =	vpop (xrf0)  }
0x541: {  	(v2sf) =	vpush v13, $0xF;
	_ =	sdelay $0x2  }
0x542: {  	v13 =	vld [tilespmem:s25+$0xFFFFFFE0];
	_ =	sdelay $0x4  }
0x543: {  	v13 =	vperm.xlane v13, v2;
	_ =	sdelay $0x1  }
0x544: {  	(xrf0) =	vadd.scan.msk.s32 $0xffff, v13;
	_ =	sdelay $0x4  }
0x545: {  	s29 =	spop (v2sf)  }
0x546: {  	v13, _, _ =	vpop (xrf0);
	s17 =	sxor.u32 $0x80000000, s29  }
0x547: {  	v60 =	vadd.s32 s17, v13  }
0x548: {  	v13 =	vxor.u32 $0x80000000, v60  }
0x549: {  	(xrf0) =	vmax.scan.msk.u32 $0xffff, v13;
	_ =	sdelay $0x5  }
0x54a: {  	v13, _, _ =	vpop (xrf0)  }
0x54b: {  	(v2sf) =	vpush v13, $0xF;
	_ =	sdelay $0x2  }
0x54c: {  	v13 =	vld [tilespmem:s25+$0xFFFFFFD0];
	_ =	sdelay $0x4  }
0x54d: {  	v13 =	vperm.xlane v13, v2;
	_ =	sdelay $0x1  }
0x54e: {  	(xrf0) =	vadd.scan.msk.s32 $0xffff, v13;
	_ =	sdelay $0x4  }
0x54f: {  	s30 =	spop (v2sf)  }
0x550: {  	v13, _, _ =	vpop (xrf0);
	s17 =	sxor.u32 $0x80000000, s30  }
0x551: {  	v17 =	vadd.s32 s17, v13  }
0x552: {  	v13 =	vxor.u32 $0x80000000, v17  }
0x553: {  	s31 =	sxor.u32 $0x80000000, s19;
	(xrf0) =	vmax.scan.msk.u32 $0xffff, v13  }
0x554: {  	s17 =	ssub.s32 s18, s31  }
0x555: {  	v13 =	vmov s17  }
0x556: {  	vm0 =	vge.s32 v14, v13  }
0x557: {  	vm13 =	vge.s32 v15, v13;
	v14 =	vmpcnt.ones.xlane vm0  }
0x558: {  	v61 =	vimm.s32 $0x0;
	vm14 =	vge.s32 v60, v13;
	v15 =	vmpcnt.ones.xlane vm13  }
0x559: {  	vm15 =	vge.s32 v17, v13;
	v62 =	vmpcnt.ones.xlane vm14;
	v14 =	vadd.s32 v61, v14;
	v63, _, _ =	vpop (xrf0)  }
0x55a: {  	v14 =	vadd.s32 v15, v14;
	v15 =	vmpcnt.ones.xlane vm15;
	(v2sf) =	vpush v63, $0xF  }
0x55b: {  	v14 =	vadd.s32 v62, v14  }
0x55c: {  	s18 =	sadd.s32 $0xFFFFFFC0, s25;
	s17 =	simm.s32 $0x0;
	v14 =	vadd.s32 v15, v14  }
.LBB2_42:
0x55d: {  	v15 =	vld [tilespmem:s18+$0x0];
	s17 =	sadd.s32 $0x4, s17  }
0x55e: {  	p0 =	slt.u32 s17, $0xFC;
	_ =	sdelay $0x3  }
0x55f: {  	v15 =	vperm.xlane v15, v2;
	_ =	sdelay $0x1  }
0x560: {  	(xrf0) =	vadd.scan.msk.s32 $0xffff, v15;
	_ =	sdelay $0x4  }
0x561: {  	s19 =	spop (v2sf)  }
0x562: {  	v15, _, _ =	vpop (xrf0);
	s19 =	sxor.u32 $0x80000000, s19  }
0x563: {  	v15 =	vadd.s32 s19, v15  }
0x564: {  	vm0 =	vge.s32 v15, v13;
	v15 =	vxor.u32 $0x80000000, v15  }
0x565: {  	v16 =	vmpcnt.ones.xlane vm0;
	(xrf0) =	vmax.scan.msk.u32 $0xffff, v15;
	_ =	sdelay $0x1  }
0x566: {  	v14 =	vadd.s32 v14, v16;
	_ =	sdelay $0x3  }
0x567: {  	v15, _, _ =	vpop (xrf0)  }
0x568: {  	(v2sf) =	vpush v15, $0xF;
	_ =	sdelay $0x2  }
0x569: {  	v15 =	vld [tilespmem:s18+$0xFFFFFFF0];
	_ =	sdelay $0x4  }
0x56a: {  	v15 =	vperm.xlane v15, v2;
	_ =	sdelay $0x1  }
0x56b: {  	(xrf0) =	vadd.scan.msk.s32 $0xffff, v15;
	_ =	sdelay $0x4  }
0x56c: {  	s19 =	spop (v2sf)  }
0x56d: {  	s19 =	sxor.u32 $0x80000000, s19;
	v15, _, _ =	vpop (xrf0)  }
0x56e: {  	v15 =	vadd.s32 s19, v15  }
0x56f: {  	vm0 =	vge.s32 v15, v13;
	v15 =	vxor.u32 $0x80000000, v15  }
0x570: {  	v16 =	vmpcnt.ones.xlane vm0;
	(xrf0) =	vmax.scan.msk.u32 $0xffff, v15;
	_ =	sdelay $0x1  }
0x571: {  	v14 =	vadd.s32 v16, v14;
	_ =	sdelay $0x3  }
0x572: {  	v15, _, _ =	vpop (xrf0)  }
0x573: {  	(v2sf) =	vpush v15, $0xF;
	_ =	sdelay $0x2  }
0x574: {  	v15 =	vld [tilespmem:s18+$0xFFFFFFE0];
	_ =	sdelay $0x4  }
0x575: {  	v15 =	vperm.xlane v15, v2;
	_ =	sdelay $0x1  }
0x576: {  	(xrf0) =	vadd.scan.msk.s32 $0xffff, v15;
	_ =	sdelay $0x4  }
0x577: {  	s19 =	spop (v2sf)  }
0x578: {  	s19 =	sxor.u32 $0x80000000, s19;
	v15, _, _ =	vpop (xrf0)  }
0x579: {  	v15 =	vadd.s32 s19, v15  }
0x57a: {  	vm0 =	vge.s32 v15, v13;
	v15 =	vxor.u32 $0x80000000, v15  }
0x57b: {  	v16 =	vmpcnt.ones.xlane vm0;
	(xrf0) =	vmax.scan.msk.u32 $0xffff, v15;
	_ =	sdelay $0x1  }
0x57c: {  	v14 =	vadd.s32 v16, v14;
	_ =	sdelay $0x3  }
0x57d: {  	v15, _, _ =	vpop (xrf0)  }
0x57e: {  	(v2sf) =	vpush v15, $0xF;
	_ =	sdelay $0x2  }
0x57f: {  	v15 =	vld [tilespmem:s18+$0xFFFFFFD0];
	_ =	sdelay $0x4  }
0x580: {  	v15 =	vperm.xlane v15, v2;
	_ =	sdelay $0x1  }
0x581: {  	(xrf0) =	vadd.scan.msk.s32 $0xffff, v15;
	_ =	sdelay $0x4  }
0x582: {  	s19 =	spop (v2sf)  }
0x583: {  	s19 =	sxor.u32 $0x80000000, s19;
	v15, _, _ =	vpop (xrf0)  }
0x584: {  	v15 =	vadd.s32 s19, v15  }
0x585: {  	vm0 =	vge.s32 v15, v13;
	v15 =	vxor.u32 $0x80000000, v15  }
0x586: {  	v16 =	vmpcnt.ones.xlane vm0;
	(xrf0) =	vmax.scan.msk.u32 $0xffff, v15;
	_ =	sdelay $0x1  }
0x587: {  	v14 =	vadd.s32 v16, v14;
	_ =	sdelay $0x2  }
.Ltmp20:
0x588: {  	(pc) =	sbr.rel @p0 .LBB2_42-.Ltmp20, $3  }
0x589: {  	v15, _, _ =	vpop (xrf0)  }
0x58a: {  	(v2sf) =	vpush v15, $0xF;
	_ =	sdelay $0x1  }
0x58b: {  	s18 =	sadd.s32 $0xFFFFFFC0, s18  }
0x58c: {  	v11 =	vxor.u32 $0x80000000, v11  }
0x58d: {  	(xrf0) =	vmax.scan.msk.u32 $0xffff, v11;
	v11 =	vxor.u32 $0x80000000, v14  }
0x58e: {  	(xrf0) =	vmax.scan.msk.u32 $0xffff, v11;
	_ =	sdelay $0x4  }
0x58f: {  	(v2sf) =	vpush v10, $0x7;
	v11, _, _ =	vpop (xrf0)  }
0x590: {  	(v2sf) =	vpush v11, $0xF;
	v10, _, _ =	vpop (xrf0)  }
0x591: {  	(v2sf) =	vpush v10, $0xF;
	_ =	sdelay $0xb  }
0x592: {  	s17 =	spop (v2sf)  }
0x593: {  	s17 =	spop (v2sf)  }
0x594: {  	s18 =	spop (v2sf)  }
0x595: {  	s19 =	spop (v2sf)  }
0x596: {  	s16 =	sshll.u32 s16, $0x14;
	s19 =	sshll.u32 s19, $0x8  }
0x597: {  	s16 =	sadd.s32 $0x7FF00000, s16;
	s19 =	sadd.s32 $0xFFFFFF00, s19  }
0x598: {  	s16 =	sor.u32 s16, s19  }
0x599: {  	p0 =	slt.s32 s16, $0x0;
	s19 =	ssub.s32 $0x80000000, s16  }
0x59a: {  	s16 =	smov.u32 @p0 s19  }
0x59b: {  	v10 =	vmov s16  }
0x59c: {  	[tilespmem:v8+s13+$0x0] =	vst.idx.msk $0x1, v10  }
0x59d: {  	v10 =	vld.idx.msk [tilespmem:v12+s11+$0x0], $0xffff;
	_ =	sdelay $0x4  }
0x59e: {  	v10 =	vxor.u32 $0x80000000, v10  }
0x59f: {  	(xrf0) =	vmax.scan.msk.u32 $0xffff, v10;
	_ =	sdelay $0x5  }
0x5a0: {  	v10, _, _ =	vpop (xrf0)  }
0x5a1: {  	(v2sf) =	vpush v10, $0xF;
	_ =	sdelay $0xe  }
0x5a2: {  	s24 =	spop (v2sf)  }
0x5a3: {  	s16 =	sshll.u32 s24, $0xE  }
0x5a4: {  	s16 =	sshra.s32 s16, $0x2  }
0x5a5: {  	s25 =	sadd.s32 $0xC070, s16  }
0x5a6: {  	v10 =	vld [tilespmem:s25+$0x0];
	_ =	sdelay $0x4  }
0x5a7: {  	v10 =	vperm.xlane v10, v2;
	_ =	sdelay $0x1  }
0x5a8: {  	(xrf0) =	vadd.scan.msk.s32 $0xffff, v10;
	_ =	sdelay $0x5  }
0x5a9: {  	s26 =	simm.s32 $0x0;
	v10, _, _ =	vpop (xrf0)  }
0x5aa: {  	v11 =	vadd.s32 s26, v10  }
0x5ab: {  	v10 =	vxor.u32 $0x80000000, v11  }
0x5ac: {  	(xrf0) =	vmax.scan.msk.u32 $0xffff, v10;
	_ =	sdelay $0x5  }
0x5ad: {  	v10, _, _ =	vpop (xrf0)  }
0x5ae: {  	(v2sf) =	vpush v10, $0xF;
	_ =	sdelay $0x2  }
0x5af: {  	v10 =	vld [tilespmem:s25+$0xFFFFFFF0];
	_ =	sdelay $0x4  }
0x5b0: {  	v10 =	vperm.xlane v10, v2;
	_ =	sdelay $0x1  }
0x5b1: {  	(xrf0) =	vadd.scan.msk.s32 $0xffff, v10;
	_ =	sdelay $0x4  }
0x5b2: {  	s28 =	spop (v2sf)  }
0x5b3: {  	v10, _, _ =	vpop (xrf0);
	s16 =	sxor.u32 $0x80000000, s28  }
0x5b4: {  	v58 =	vadd.s32 s16, v10  }
0x5b5: {  	v10 =	vxor.u32 $0x80000000, v58  }
0x5b6: {  	(xrf0) =	vmax.scan.msk.u32 $0xffff, v10;
	_ =	sdelay $0x5  }
0x5b7: {  	v10, _, _ =	vpop (xrf0)  }
0x5b8: {  	(v2sf) =	vpush v10, $0xF;
	_ =	sdelay $0x2  }
0x5b9: {  	v10 =	vld [tilespmem:s25+$0xFFFFFFE0];
	_ =	sdelay $0x4  }
0x5ba: {  	v10 =	vperm.xlane v10, v2;
	_ =	sdelay $0x1  }
0x5bb: {  	(xrf0) =	vadd.scan.msk.s32 $0xffff, v10;
	_ =	sdelay $0x4  }
0x5bc: {  	s29 =	spop (v2sf)  }
0x5bd: {  	v10, _, _ =	vpop (xrf0);
	s16 =	sxor.u32 $0x80000000, s29  }
0x5be: {  	v13 =	vadd.s32 s16, v10  }
0x5bf: {  	v10 =	vxor.u32 $0x80000000, v13  }
0x5c0: {  	(xrf0) =	vmax.scan.msk.u32 $0xffff, v10;
	_ =	sdelay $0x5  }
0x5c1: {  	v10, _, _ =	vpop (xrf0)  }
0x5c2: {  	(v2sf) =	vpush v10, $0xF;
	_ =	sdelay $0x2  }
0x5c3: {  	v10 =	vld [tilespmem:s25+$0xFFFFFFD0];
	_ =	sdelay $0x4  }
0x5c4: {  	v10 =	vperm.xlane v10, v2;
	_ =	sdelay $0x1  }
0x5c5: {  	(xrf0) =	vadd.scan.msk.s32 $0xffff, v10;
	_ =	sdelay $0x4  }
0x5c6: {  	s30 =	spop (v2sf)  }
0x5c7: {  	v10, _, _ =	vpop (xrf0);
	s16 =	sxor.u32 $0x80000000, s30  }
0x5c8: {  	v59 =	vadd.s32 s16, v10  }
0x5c9: {  	v10 =	vxor.u32 $0x80000000, v59  }
0x5ca: {  	s31 =	sxor.u32 $0x80000000, s18;
	(xrf0) =	vmax.scan.msk.u32 $0xffff, v10  }
0x5cb: {  	s16 =	ssub.s32 s17, s31  }
0x5cc: {  	v10 =	vmov s16  }
0x5cd: {  	vm0 =	vge.s32 v11, v10  }
0x5ce: {  	vm13 =	vge.s32 v58, v10;
	v11 =	vmpcnt.ones.xlane vm0  }
0x5cf: {  	v60 =	vimm.s32 $0x0;
	vm14 =	vge.s32 v13, v10;
	v12 =	vmpcnt.ones.xlane vm13  }
0x5d0: {  	vm15 =	vge.s32 v59, v10;
	v61 =	vmpcnt.ones.xlane vm14;
	v11 =	vadd.s32 v60, v11;
	v63, _, _ =	vpop (xrf0)  }
0x5d1: {  	v62 =	vmpcnt.ones.xlane vm15;
	v11 =	vadd.s32 v12, v11;
	(v2sf) =	vpush v63, $0xF  }
0x5d2: {  	v11 =	vadd.s32 v61, v11  }
0x5d3: {  	s17 =	sadd.s32 $0xFFFFFFC0, s25;
	s16 =	simm.s32 $0x0;
	v11 =	vadd.s32 v62, v11  }
.LBB2_44:
0x5d4: {  	v12 =	vld [tilespmem:s17+$0x0];
	s16 =	sadd.s32 $0x4, s16  }
0x5d5: {  	p0 =	slt.u32 s16, $0xFC;
	_ =	sdelay $0x3  }
0x5d6: {  	v12 =	vperm.xlane v12, v2;
	_ =	sdelay $0x1  }
0x5d7: {  	(xrf0) =	vadd.scan.msk.s32 $0xffff, v12;
	_ =	sdelay $0x4  }
0x5d8: {  	s18 =	spop (v2sf)  }
0x5d9: {  	v12, _, _ =	vpop (xrf0);
	s18 =	sxor.u32 $0x80000000, s18  }
0x5da: {  	v12 =	vadd.s32 s18, v12  }
0x5db: {  	vm0 =	vge.s32 v12, v10;
	v12 =	vxor.u32 $0x80000000, v12  }
0x5dc: {  	v13 =	vmpcnt.ones.xlane vm0;
	(xrf0) =	vmax.scan.msk.u32 $0xffff, v12;
	_ =	sdelay $0x1  }
0x5dd: {  	v11 =	vadd.s32 v11, v13;
	_ =	sdelay $0x3  }
0x5de: {  	v12, _, _ =	vpop (xrf0)  }
0x5df: {  	(v2sf) =	vpush v12, $0xF;
	_ =	sdelay $0x2  }
0x5e0: {  	v12 =	vld [tilespmem:s17+$0xFFFFFFF0];
	_ =	sdelay $0x4  }
0x5e1: {  	v12 =	vperm.xlane v12, v2;
	_ =	sdelay $0x1  }
0x5e2: {  	(xrf0) =	vadd.scan.msk.s32 $0xffff, v12;
	_ =	sdelay $0x4  }
0x5e3: {  	s18 =	spop (v2sf)  }
0x5e4: {  	s18 =	sxor.u32 $0x80000000, s18;
	v12, _, _ =	vpop (xrf0)  }
0x5e5: {  	v12 =	vadd.s32 s18, v12  }
0x5e6: {  	vm0 =	vge.s32 v12, v10;
	v12 =	vxor.u32 $0x80000000, v12  }
0x5e7: {  	v13 =	vmpcnt.ones.xlane vm0;
	(xrf0) =	vmax.scan.msk.u32 $0xffff, v12;
	_ =	sdelay $0x1  }
0x5e8: {  	v11 =	vadd.s32 v13, v11;
	_ =	sdelay $0x3  }
0x5e9: {  	v12, _, _ =	vpop (xrf0)  }
0x5ea: {  	(v2sf) =	vpush v12, $0xF;
	_ =	sdelay $0x2  }
0x5eb: {  	v12 =	vld [tilespmem:s17+$0xFFFFFFE0];
	_ =	sdelay $0x4  }
0x5ec: {  	v12 =	vperm.xlane v12, v2;
	_ =	sdelay $0x1  }
0x5ed: {  	(xrf0) =	vadd.scan.msk.s32 $0xffff, v12;
	_ =	sdelay $0x4  }
0x5ee: {  	s18 =	spop (v2sf)  }
0x5ef: {  	s18 =	sxor.u32 $0x80000000, s18;
	v12, _, _ =	vpop (xrf0)  }
0x5f0: {  	v12 =	vadd.s32 s18, v12  }
0x5f1: {  	vm0 =	vge.s32 v12, v10;
	v12 =	vxor.u32 $0x80000000, v12  }
0x5f2: {  	v13 =	vmpcnt.ones.xlane vm0;
	(xrf0) =	vmax.scan.msk.u32 $0xffff, v12;
	_ =	sdelay $0x1  }
0x5f3: {  	v11 =	vadd.s32 v13, v11;
	_ =	sdelay $0x3  }
0x5f4: {  	v12, _, _ =	vpop (xrf0)  }
0x5f5: {  	(v2sf) =	vpush v12, $0xF;
	_ =	sdelay $0x2  }
0x5f6: {  	v12 =	vld [tilespmem:s17+$0xFFFFFFD0];
	_ =	sdelay $0x4  }
0x5f7: {  	v12 =	vperm.xlane v12, v2;
	_ =	sdelay $0x1  }
0x5f8: {  	(xrf0) =	vadd.scan.msk.s32 $0xffff, v12;
	_ =	sdelay $0x4  }
0x5f9: {  	s18 =	spop (v2sf)  }
0x5fa: {  	s18 =	sxor.u32 $0x80000000, s18;
	v12, _, _ =	vpop (xrf0)  }
0x5fb: {  	v12 =	vadd.s32 s18, v12  }
0x5fc: {  	vm0 =	vge.s32 v12, v10;
	v12 =	vxor.u32 $0x80000000, v12  }
0x5fd: {  	v13 =	vmpcnt.ones.xlane vm0;
	(xrf0) =	vmax.scan.msk.u32 $0xffff, v12;
	_ =	sdelay $0x1  }
0x5fe: {  	v11 =	vadd.s32 v13, v11;
	_ =	sdelay $0x2  }
.Ltmp21:
0x5ff: {  	(pc) =	sbr.rel @p0 .LBB2_44-.Ltmp21, $3  }
0x600: {  	v12, _, _ =	vpop (xrf0)  }
0x601: {  	(v2sf) =	vpush v12, $0xF;
	_ =	sdelay $0x1  }
0x602: {  	s17 =	sadd.s32 $0xFFFFFFC0, s17  }
0x603: {  	v10 =	vxor.u32 $0x80000000, v11  }
0x604: {  	(xrf0) =	vmax.scan.msk.u32 $0xffff, v10;
	_ =	sdelay $0x5  }
0x605: {  	v10, _, _ =	vpop (xrf0)  }
0x606: {  	(v2sf) =	vpush v10, $0xF;
	_ =	sdelay $0xd  }
0x607: {  	s16 =	spop (v2sf)  }
0x608: {  	s16 =	spop (v2sf)  }
0x609: {  	s15 =	sshll.u32 s15, $0x14;
	s16 =	sshll.u32 s16, $0x8  }
0x60a: {  	s15 =	sadd.s32 $0x7FF00000, s15;
	s16 =	sadd.s32 $0xFFFFFF00, s16  }
0x60b: {  	s15 =	sor.u32 s15, s16  }
0x60c: {  	p0 =	slt.s32 s15, $0x0;
	s16 =	ssub.s32 $0x80000000, s15  }
0x60d: {  	s14 =	sadd.s32 $0x1, s14;
	s15 =	smov.u32 @p0 s16  }
0x60e: {  	p0 =	sne.s32 s14, s6;
	v10 =	vmov s15  }
.Ltmp22:
0x60f: {  	[tilespmem:v9+s13+$0x0] =	vst.idx.msk $0x1, v10;
	(pc) =	sbr.rel @p0 .LBB2_1-.Ltmp22, $4  }
0x610: {  	[hbm4b:s5+s2] =	stream.linear.scatter [tilespmem:s13], [sflag:$0x1], $0x8, $0x38;
	[tilespmem:$0x13180] =	vst v63  }
0x611: {  	_ =	swait.ge [sflag:s8], $0x8  }
0x612: {  	[sflag:s8] =	ssyncset.done $0x0  }
0x613: {  	[sflag:s8] =	ssyncadd.s32 $0xFFFFFFF8  }
0x614: {  	_ =	sfence.sel $0x180000  }
0x615: {  	[bflag:$0x0] =	sbarrier.arrive $0xFFFF  }
0x616: {  	p0 =	sne.s32 s1, $0x0;
	_ =	strace $0x90000047  }
0x617: {  	s0 =	sadd.s32 @!p0 $0x100000, s0;
	[bflag:$0x2] =	sbarrier.arrive $0xFFFF  }
0x618: {  	[sflag:s0] =	ssyncadd.tile.s32 @!p0 $0x1;
	_ =	shalt  }
.Lfunc_end2:
_tile_overlayer_lowered:
.L_overlay_start_2:
0x619: {  	(tag) =	ssettag $0x2  }
0x61a: {  	s0 =	rddreg [dreg:$0x0];
	s2 =	stileid.u32  }
0x61b: {  	s1 =	rddreg [dreg:$0x1];
	p0 =	sne.s32 s2, $0x0  }
0x61c: {  	s3 =	rddreg [dreg:$0x2];
	[bflag:$0x3] =	sbarrier.arrive $0xFFFF;
	s2 =	simm.s32 @!p0 $0x1C01  }
0x61d: {  	[timem:s3], [sflag:s2] =	dma.local @!p0 [hbm:s0], s1  }
0x61e: {  	s0 =	simm.s32 @!p0 $0x1  }
0x61f: {  	_ =	swait.ge @!p0 [sflag:s0], s1  }
0x620: {  	s1 =	ssub.s32 @!p0 $0x0, s1;
	[sflag:s0] =	ssyncset.done @!p0 $0x0  }
0x621: {  	[sflag:s0] =	ssyncadd.s32 @!p0 s1  }
0x622: {  	[bflag:$0x3] =	sbarrier.arrive $0xFFFF  }
0x623: {  	_ =	shalt  }

</sc_bundles>
